<compile_context>
chip_gen: v7x
topology: tpu7x:2x2x1
jax: 0.10.2.dev20260603
libtpu: 0.0.44.dev20260713+nightly
codegen_flags: <defaults>
</compile_context>

<pallas_src>
import functools

import jax
import jax.numpy as jnp
from jax import lax
from jax.experimental import pallas as pl
from jax.experimental.pallas import tpu as pltpu
from jax.experimental.pallas import tpu_sc as plsc

SUB = 128
NSUB = 2
CHUNK = SUB * NSUB


def _make_kernel(n_rows, vocab, n_new, dim):
    info = plsc.get_sparse_core_info()
    nc, ns = info.num_cores, info.num_subcores
    nw = nc * ns
    assert n_rows % (nw * CHUNK) == 0
    per_w = n_rows // nw
    n_chunks = per_w // CHUNK
    assert n_chunks % 2 == 1 and n_chunks >= 3
    n_pairs = (n_chunks - 1) // 2
    assert dim % 16 == 0
    assert n_new <= CHUNK

    mesh = plsc.VectorSubcoreMesh(core_axis_name="c", subcore_axis_name="s")

    @functools.partial(
        pl.kernel,
        mesh=mesh,
        out_type=jax.ShapeDtypeStruct((n_rows, dim), jnp.float32),
        scratch_types=[
            pltpu.VMEM((CHUNK,), jnp.int32),
            pltpu.VMEM((CHUNK,), jnp.int32),
            pltpu.VMEM((NSUB, SUB), jnp.int32),
            pltpu.VMEM((NSUB, SUB), jnp.int32),
            pltpu.VMEM((CHUNK, dim), jnp.float32),
            pltpu.VMEM((CHUNK, dim), jnp.float32),
            pltpu.VMEM_SHARED((n_new, dim), jnp.float32),
            pltpu.SemaphoreType.DMA,
            pltpu.SemaphoreType.DMA,
        ],
    )
    def k(ids_hbm, orig_hbm, new_hbm, out_hbm,
          idx0, idx1, safe0, safe1, buf0, buf1, new_sh, sem0, sem1):
        sid = lax.axis_index("s")
        wid = sid * nc + lax.axis_index("c")
        w_base = wid * per_w

        @pl.when(sid == 0)
        def _():
            pltpu.sync_copy(new_hbm, buf0.at[pl.ds(0, n_new)])
            pltpu.sync_copy(buf0.at[pl.ds(0, n_new)], new_sh)

        plsc.subcore_barrier()

        def stage(t, idx, safe):
            pltpu.sync_copy(ids_hbm.at[pl.ds(w_base + t * CHUNK, CHUNK)], idx)
            acc = None
            for g in range(CHUNK // 16):
                v = idx[pl.ds(g * 16, 16)]
                acc = v if acc is None else jnp.maximum(acc, v)
                safe[g * 16 // SUB, pl.ds((g * 16) % SUB, 16)] = jnp.where(
                    v >= vocab, 0, v
                )
            return acc

        def fire(safe, buf, sem):
            for j in range(NSUB):
                pltpu.async_copy(
                    orig_hbm.at[safe.at[j]], buf.at[pl.ds(j * SUB, SUB)], sem
                )

        def wait_gather(buf, sem):
            for j in range(NSUB):
                pltpu.make_async_copy(
                    orig_hbm.at[pl.ds(0, SUB)],
                    buf.at[pl.ds(j * SUB, SUB)],
                    sem,
                ).wait()

        def patch(idx, acc, buf):
            for lane in range(16):

                @pl.when(acc[lane] >= vocab)
                def _(lane=lane):
                    def scan_groups(g, cc):
                        s = idx[pl.ds(g * 16, 16)][lane]

                        @pl.when(s >= vocab)
                        def _():
                            pltpu.sync_copy(
                                new_sh.at[pl.ds(s - vocab, 1)],
                                buf.at[pl.ds(g * 16 + lane, 1)],
                            )

                        return cc

                    lax.fori_loop(0, CHUNK // 16, scan_groups, 0)

        def out_copy(t, buf):
            pltpu.sync_copy(buf, out_hbm.at[pl.ds(w_base + t * CHUNK, CHUNK)])

        acc_first = stage(0, idx0, safe0)
        fire(safe0, buf0, sem0)

        def pair_body(p, acc_cur):
            t0 = 2 * p
            acc_mid = stage(t0 + 1, idx1, safe1)
            fire(safe1, buf1, sem1)
            wait_gather(buf0, sem0)
            patch(idx0, acc_cur, buf0)
            out_copy(t0, buf0)
            acc_nxt = stage(t0 + 2, idx0, safe0)
            fire(safe0, buf0, sem0)
            wait_gather(buf1, sem1)
            patch(idx1, acc_mid, buf1)
            out_copy(t0 + 1, buf1)
            return acc_nxt

        acc_last = lax.fori_loop(0, n_pairs, pair_body, acc_first)
        wait_gather(buf0, sem0)
        patch(idx0, acc_last, buf0)
        out_copy(n_chunks - 1, buf0)

    return k


def kernel(input_ids, orig_table, new_table):
    b, l = input_ids.shape
    vocab, dim = orig_table.shape
    n_new = new_table.shape[0]
    ids = input_ids.reshape(-1).astype(jnp.int32)
    k = _make_kernel(b * l, vocab, n_new, dim)
    out = k(ids, orig_table, new_table)
    return out.reshape(b, l, dim)

# --- scband reference (transcript-rebuilt; emitter-appended) ---
"""Pipeline reference for scband-input-embedding-90263032693005 (READ-ONLY COPY).

The authoritative reference and input builder live on the scoring server;
editing this copy changes nothing except your own understanding.
"""

import jax, jax.numpy as jnp
import numpy as np

VOCAB = 100000
N_NEW = 100
DIM = 128
B, L = 1024, 200


def setup_inputs(seed: int = 0) -> dict:
    key = jax.random.key(seed)
    k1, k2 = jax.random.split(key)
    input_ids = jax.random.randint(k1, (B, L), 0, VOCAB + N_NEW, dtype=jnp.int64)
    orig_table = jax.random.normal(k2, (VOCAB, DIM), dtype=jnp.float32) * 0.02
    # module initializes new embedding rows to mean of original table
    new_table = jnp.tile(orig_table.mean(axis=0, keepdims=True), (N_NEW, 1))
    return {"input_ids": input_ids, "orig_table": orig_table, "new_table": new_table}


def reference(input_ids, orig_table, new_table):
    # Faithful translation: ids < VOCAB hit the original table, ids >= VOCAB
    # hit the new (prompt) table at offset id - VOCAB. The torch code builds
    # the mixed output via boolean-mask scatter; jnp.where selection is the
    # same math without data-dependent shapes.
    is_new = input_ids >= VOCAB
    safe_orig_idx = jnp.where(is_new, 0, input_ids)
    safe_new_idx = jnp.where(is_new, input_ids - VOCAB, 0)
    orig_e = jnp.take(orig_table, safe_orig_idx, axis=0)
    new_e = jnp.take(new_table, safe_new_idx, axis=0)
    return jnp.where(is_new[..., None], new_e, orig_e)

if __name__ == "__main__":
    import jax
    _d = setup_inputs()
    print(jax.jit(kernel)(*tuple(_d.values())))

</pallas_src>

<mosaic_0001>
#map = affine_map<(d0, d1) -> (0)>
#map1 = affine_map<(d0, d1) -> (0, 0)>
module attributes {stable_mosaic.version = 14 : i64} {
  func.func @k(%arg0: i32, %arg1: i32, %arg2: memref<204800xi32, #tpu.memory_space<hbm>>, %arg3: memref<100000x128xf32, #tpu.memory_space<hbm>>, %arg4: memref<100x128xf32, #tpu.memory_space<hbm>>, %arg5: memref<204800x128xf32, #tpu.memory_space<hbm>>, %arg6: memref<256xi32, #tpu.memory_space<vmem>>, %arg7: memref<256xi32, #tpu.memory_space<vmem>>, %arg8: memref<2x128xi32, #tpu.memory_space<vmem>>, %arg9: memref<2x128xi32, #tpu.memory_space<vmem>>, %arg10: memref<256x128xf32, #tpu.memory_space<vmem>>, %arg11: memref<256x128xf32, #tpu.memory_space<vmem>>, %arg12: memref<100x128xf32, #tpu.memory_space<vmem_shared>>, %arg13: memref<!tpu.dma_semaphore, #tpu.memory_space<semaphore_mem>>, %arg14: memref<!tpu.dma_semaphore, #tpu.memory_space<semaphore_mem>>) attributes {dimension_semantics = [#tpu.dimension_semantics<core_parallel>, #tpu.dimension_semantics<subcore_parallel>], iteration_bounds = array<i64: 2, 16>, scalar_prefetch = 0 : i64, scratch_operands = 9 : i64, tpu.core_type = #tpu.core_type<sc_vector_subcore>, window_params = [{transform_indices = #map}, {transform_indices = #map1}, {transform_indices = #map1}, {transform_indices = #map1}]} {
    %mul3A = arith.constant 2 : i32
    %mul3A_0 = arith.muli %arg1, %mul3A : i32
    %add3A = arith.addi %mul3A_0, %arg0 : i32
    %mul3A_1 = arith.constant 6400 : i32
    %mul3A_2 = arith.muli %add3A, %mul3A_1 : i32
    %eq3A = arith.constant 0 : i32
    %eq3A_3 = arith.cmpi eq, %arg1, %eq3A : i32
    %convert_element_type3A = arith.extui %eq3A_3 : i1 to i32
    %cond3A = arith.constant 0 : i32
    %cond3A_4 = arith.cmpi ne, %convert_element_type3A, %cond3A : i32
    scf.if %cond3A_4 {
      "tpu.region"() ({
        %run_scoped3A = tpu.sem_alloc : memref<!tpu.dma_semaphore, #tpu.memory_space<semaphore_mem>>
        %dma_start3A_414 = arith.constant 0 : i32
        %dma_start3A_415 = arith.constant 0 : i32
        %dma_start3A_416 = tpu.memref_slice %arg10[%dma_start3A_414, %dma_start3A_415] : memref<256x128xf32, #tpu.memory_space<vmem>> -> memref<100x128xf32, #tpu.memory_space<vmem>>
        %dma_start3A_417 = arith.constant 0 : i32
        %dma_start3A_418 = arith.constant 0 : i32
        %dma_start3A_419 = tpu.memref_slice %arg10[%dma_start3A_417, %dma_start3A_418] : memref<256x128xf32, #tpu.memory_space<vmem>> -> memref<100x128xf32, #tpu.memory_space<vmem>>
        tpu.enqueue_dma source(%arg4 : memref<100x128xf32, #tpu.memory_space<hbm>>) target(%dma_start3A_419 : memref<100x128xf32, #tpu.memory_space<vmem>>) target_semaphore(%run_scoped3A : memref<!tpu.dma_semaphore, #tpu.memory_space<semaphore_mem>>)
        %dma_wait3A_420 = arith.constant 0 : i32
        %dma_wait3A_421 = arith.constant 0 : i32
        %dma_wait3A_422 = tpu.memref_slice %arg10[%dma_wait3A_420, %dma_wait3A_421] : memref<256x128xf32, #tpu.memory_space<vmem>> -> memref<100x128xf32, #tpu.memory_space<vmem>>
        %dma_wait3A_423 = arith.constant 0 : i32
        %dma_wait3A_424 = arith.constant 0 : i32
        %dma_wait3A_425 = tpu.memref_slice %arg10[%dma_wait3A_423, %dma_wait3A_424] : memref<256x128xf32, #tpu.memory_space<vmem>> -> memref<100x128xf32, #tpu.memory_space<vmem>>
        tpu.wait_dma2 semaphore(%run_scoped3A : memref<!tpu.dma_semaphore, #tpu.memory_space<semaphore_mem>>) src(%arg4 : memref<100x128xf32, #tpu.memory_space<hbm>>) dst(%dma_wait3A_425 : memref<100x128xf32, #tpu.memory_space<vmem>>)
        tpu.yield
      }) : () -> ()
      "tpu.region"() ({
        %run_scoped3A = tpu.sem_alloc : memref<!tpu.dma_semaphore, #tpu.memory_space<semaphore_mem>>
        %dma_start3A_414 = arith.constant 0 : i32
        %dma_start3A_415 = arith.constant 0 : i32
        %dma_start3A_416 = tpu.memref_slice %arg10[%dma_start3A_414, %dma_start3A_415] : memref<256x128xf32, #tpu.memory_space<vmem>> -> memref<100x128xf32, #tpu.memory_space<vmem>>
        %dma_start3A_417 = arith.constant 0 : i32
        %dma_start3A_418 = arith.constant 0 : i32
        %dma_start3A_419 = tpu.memref_slice %arg10[%dma_start3A_417, %dma_start3A_418] : memref<256x128xf32, #tpu.memory_space<vmem>> -> memref<100x128xf32, #tpu.memory_space<vmem>>
        tpu.enqueue_dma source(%dma_start3A_419 : memref<100x128xf32, #tpu.memory_space<vmem>>) target(%arg12 : memref<100x128xf32, #tpu.memory_space<vmem_shared>>) target_semaphore(%run_scoped3A : memref<!tpu.dma_semaphore, #tpu.memory_space<semaphore_mem>>)
        %dma_wait3A_420 = arith.constant 0 : i32
        %dma_wait3A_421 = arith.constant 0 : i32
        %dma_wait3A_422 = tpu.memref_slice %arg10[%dma_wait3A_420, %dma_wait3A_421] : memref<256x128xf32, #tpu.memory_space<vmem>> -> memref<100x128xf32, #tpu.memory_space<vmem>>
        %dma_wait3A_423 = arith.constant 0 : i32
        %dma_wait3A_424 = arith.constant 0 : i32
        %dma_wait3A_425 = tpu.memref_slice %arg10[%dma_wait3A_423, %dma_wait3A_424] : memref<256x128xf32, #tpu.memory_space<vmem>> -> memref<100x128xf32, #tpu.memory_space<vmem>>
        tpu.wait_dma2 semaphore(%run_scoped3A : memref<!tpu.dma_semaphore, #tpu.memory_space<semaphore_mem>>) src(%dma_wait3A_425 : memref<100x128xf32, #tpu.memory_space<vmem>>) dst(%arg12 : memref<100x128xf32, #tpu.memory_space<vmem_shared>>)
        tpu.yield
      }) : () -> ()
    } else {
    }
    %barrier3A = arith.constant 0 : index
    tpu.barrier barrier_id(%barrier3A)
    %add3A_5 = arith.constant 0 : i32
    %add3A_6 = arith.addi %mul3A_2, %add3A_5 : i32
    "tpu.region"() ({
      %run_scoped3A = tpu.sem_alloc : memref<!tpu.dma_semaphore, #tpu.memory_space<semaphore_mem>>
      %dma_start3A_414 = tpu.memref_slice %arg2[%add3A_6] : memref<204800xi32, #tpu.memory_space<hbm>> -> memref<256xi32, #tpu.memory_space<hbm>>
      %dma_start3A_415 = tpu.memref_slice %arg2[%add3A_6] : memref<204800xi32, #tpu.memory_space<hbm>> -> memref<256xi32, #tpu.memory_space<hbm>>
      tpu.enqueue_dma source(%dma_start3A_415 : memref<256xi32, #tpu.memory_space<hbm>>) target(%arg6 : memref<256xi32, #tpu.memory_space<vmem>>) target_semaphore(%run_scoped3A : memref<!tpu.dma_semaphore, #tpu.memory_space<semaphore_mem>>)
      %dma_wait3A_416 = tpu.memref_slice %arg2[%add3A_6] : memref<204800xi32, #tpu.memory_space<hbm>> -> memref<256xi32, #tpu.memory_space<hbm>>
      %dma_wait3A_417 = tpu.memref_slice %arg2[%add3A_6] : memref<204800xi32, #tpu.memory_space<hbm>> -> memref<256xi32, #tpu.memory_space<hbm>>
      tpu.wait_dma2 semaphore(%run_scoped3A : memref<!tpu.dma_semaphore, #tpu.memory_space<semaphore_mem>>) src(%dma_wait3A_417 : memref<256xi32, #tpu.memory_space<hbm>>) dst(%arg6 : memref<256xi32, #tpu.memory_space<vmem>>)
      tpu.yield
    }) : () -> ()
    %get3A = arith.constant 0 : index
    %get3A_7 = tpu.vector_load %arg6[%get3A] {strides = array<i32>} : memref<256xi32, #tpu.memory_space<vmem>>, vector<16xi32>,
    %get3A_8 = vector.shape_cast %get3A_7 : vector<16xi32> to vector<16xi32>
    %ge3A = arith.constant 100000 : i32
    %ge3A_9 = vector.broadcast %ge3A : i32 to vector<16xi32>
    %ge3A_10 = arith.cmpi sge, %get3A_8, %ge3A_9 : vector<16xi32>
    %jit3A = arith.constant 0 : i32
    %broadcast_in_dim3A = vector.broadcast %jit3A : i32 to vector<16xi32>
    %select_n3A = arith.select %ge3A_10, %broadcast_in_dim3A, %get3A_8 : vector<16xi1>, vector<16xi32>
    %swap3A = arith.constant 0 : i32
    %swap3A_11 = arith.index_cast %swap3A : i32 to index
    %swap3A_12 = arith.constant 0 : index
    %swap3A_13 = tpu.vector_load %arg8[%swap3A_11, %swap3A_12] {strides = array<i32>} : memref<2x128xi32, #tpu.memory_space<vmem>>, vector<1x16xi32>,
    %swap3A_14 = vector.shape_cast %swap3A_13 : vector<1x16xi32> to vector<16xi32>
    %swap3A_15 = vector.shape_cast %select_n3A : vector<16xi32> to vector<1x16xi32>
    tpu.vector_store %arg8[%swap3A_11, %swap3A_12], %swap3A_15 {strides = array<i32>} : memref<2x128xi32, #tpu.memory_space<vmem>>, vector<1x16xi32>,
    %get3A_16 = arith.constant 16 : index
    %get3A_17 = tpu.vector_load %arg6[%get3A_16] {strides = array<i32>} : memref<256xi32, #tpu.memory_space<vmem>>, vector<16xi32>,
    %get3A_18 = vector.shape_cast %get3A_17 : vector<16xi32> to vector<16xi32>
    %max3A = arith.maxsi %get3A_8, %get3A_18 : vector<16xi32>
    %ge3A_19 = arith.constant 100000 : i32
    %ge3A_20 = vector.broadcast %ge3A_19 : i32 to vector<16xi32>
    %ge3A_21 = arith.cmpi sge, %get3A_18, %ge3A_20 : vector<16xi32>
    %jit3A_22 = arith.constant 0 : i32
    %broadcast_in_dim3A_23 = vector.broadcast %jit3A_22 : i32 to vector<16xi32>
    %select_n3A_24 = arith.select %ge3A_21, %broadcast_in_dim3A_23, %get3A_18 : vector<16xi1>, vector<16xi32>
    %swap3A_25 = arith.constant 0 : i32
    %swap3A_26 = arith.index_cast %swap3A_25 : i32 to index
    %swap3A_27 = arith.constant 16 : index
    %swap3A_28 = tpu.vector_load %arg8[%swap3A_26, %swap3A_27] {strides = array<i32>} : memref<2x128xi32, #tpu.memory_space<vmem>>, vector<1x16xi32>,
    %swap3A_29 = vector.shape_cast %swap3A_28 : vector<1x16xi32> to vector<16xi32>
    %swap3A_30 = vector.shape_cast %select_n3A_24 : vector<16xi32> to vector<1x16xi32>
    tpu.vector_store %arg8[%swap3A_26, %swap3A_27], %swap3A_30 {strides = array<i32>} : memref<2x128xi32, #tpu.memory_space<vmem>>, vector<1x16xi32>,
    %get3A_31 = arith.constant 32 : index
    %get3A_32 = tpu.vector_load %arg6[%get3A_31] {strides = array<i32>} : memref<256xi32, #tpu.memory_space<vmem>>, vector<16xi32>,
    %get3A_33 = vector.shape_cast %get3A_32 : vector<16xi32> to vector<16xi32>
    %max3A_34 = arith.maxsi %max3A, %get3A_33 : vector<16xi32>
    %ge3A_35 = arith.constant 100000 : i32
    %ge3A_36 = vector.broadcast %ge3A_35 : i32 to vector<16xi32>
    %ge3A_37 = arith.cmpi sge, %get3A_33, %ge3A_36 : vector<16xi32>
    %jit3A_38 = arith.constant 0 : i32
    %broadcast_in_dim3A_39 = vector.broadcast %jit3A_38 : i32 to vector<16xi32>
    %select_n3A_40 = arith.select %ge3A_37, %broadcast_in_dim3A_39, %get3A_33 : vector<16xi1>, vector<16xi32>
    %swap3A_41 = arith.constant 0 : i32
    %swap3A_42 = arith.index_cast %swap3A_41 : i32 to index
    %swap3A_43 = arith.constant 32 : index
    %swap3A_44 = tpu.vector_load %arg8[%swap3A_42, %swap3A_43] {strides = array<i32>} : memref<2x128xi32, #tpu.memory_space<vmem>>, vector<1x16xi32>,
    %swap3A_45 = vector.shape_cast %swap3A_44 : vector<1x16xi32> to vector<16xi32>
    %swap3A_46 = vector.shape_cast %select_n3A_40 : vector<16xi32> to vector<1x16xi32>
    tpu.vector_store %arg8[%swap3A_42, %swap3A_43], %swap3A_46 {strides = array<i32>} : memref<2x128xi32, #tpu.memory_space<vmem>>, vector<1x16xi32>,
    %get3A_47 = arith.constant 48 : index
    %get3A_48 = tpu.vector_load %arg6[%get3A_47] {strides = array<i32>} : memref<256xi32, #tpu.memory_space<vmem>>, vector<16xi32>,
    %get3A_49 = vector.shape_cast %get3A_48 : vector<16xi32> to vector<16xi32>
    %max3A_50 = arith.maxsi %max3A_34, %get3A_49 : vector<16xi32>
    %ge3A_51 = arith.constant 100000 : i32
    %ge3A_52 = vector.broadcast %ge3A_51 : i32 to vector<16xi32>
    %ge3A_53 = arith.cmpi sge, %get3A_49, %ge3A_52 : vector<16xi32>
    %jit3A_54 = arith.constant 0 : i32
    %broadcast_in_dim3A_55 = vector.broadcast %jit3A_54 : i32 to vector<16xi32>
    %select_n3A_56 = arith.select %ge3A_53, %broadcast_in_dim3A_55, %get3A_49 : vector<16xi1>, vector<16xi32>
    %swap3A_57 = arith.constant 0 : i32
    %swap3A_58 = arith.index_cast %swap3A_57 : i32 to index
    %swap3A_59 = arith.constant 48 : index
    %swap3A_60 = tpu.vector_load %arg8[%swap3A_58, %swap3A_59] {strides = array<i32>} : memref<2x128xi32, #tpu.memory_space<vmem>>, vector<1x16xi32>,
    %swap3A_61 = vector.shape_cast %swap3A_60 : vector<1x16xi32> to vector<16xi32>
    %swap3A_62 = vector.shape_cast %select_n3A_56 : vector<16xi32> to vector<1x16xi32>
    tpu.vector_store %arg8[%swap3A_58, %swap3A_59], %swap3A_62 {strides = array<i32>} : memref<2x128xi32, #tpu.memory_space<vmem>>, vector<1x16xi32>,
    %get3A_63 = arith.constant 64 : index
    %get3A_64 = tpu.vector_load %arg6[%get3A_63] {strides = array<i32>} : memref<256xi32, #tpu.memory_space<vmem>>, vector<16xi32>,
    %get3A_65 = vector.shape_cast %get3A_64 : vector<16xi32> to vector<16xi32>
    %max3A_66 = arith.maxsi %max3A_50, %get3A_65 : vector<16xi32>
    %ge3A_67 = arith.constant 100000 : i32
    %ge3A_68 = vector.broadcast %ge3A_67 : i32 to vector<16xi32>
    %ge3A_69 = arith.cmpi sge, %get3A_65, %ge3A_68 : vector<16xi32>
    %jit3A_70 = arith.constant 0 : i32
    %broadcast_in_dim3A_71 = vector.broadcast %jit3A_70 : i32 to vector<16xi32>
    %select_n3A_72 = arith.select %ge3A_69, %broadcast_in_dim3A_71, %get3A_65 : vector<16xi1>, vector<16xi32>
    %swap3A_73 = arith.constant 0 : i32
    %swap3A_74 = arith.index_cast %swap3A_73 : i32 to index
    %swap3A_75 = arith.constant 64 : index
    %swap3A_76 = tpu.vector_load %arg8[%swap3A_74, %swap3A_75] {strides = array<i32>} : memref<2x128xi32, #tpu.memory_space<vmem>>, vector<1x16xi32>,
    %swap3A_77 = vector.shape_cast %swap3A_76 : vector<1x16xi32> to vector<16xi32>
    %swap3A_78 = vector.shape_cast %select_n3A_72 : vector<16xi32> to vector<1x16xi32>
    tpu.vector_store %arg8[%swap3A_74, %swap3A_75], %swap3A_78 {strides = array<i32>} : memref<2x128xi32, #tpu.memory_space<vmem>>, vector<1x16xi32>,
    %get3A_79 = arith.constant 80 : index
    %get3A_80 = tpu.vector_load %arg6[%get3A_79] {strides = array<i32>} : memref<256xi32, #tpu.memory_space<vmem>>, vector<16xi32>,
    %get3A_81 = vector.shape_cast %get3A_80 : vector<16xi32> to vector<16xi32>
    %max3A_82 = arith.maxsi %max3A_66, %get3A_81 : vector<16xi32>
    %ge3A_83 = arith.constant 100000 : i32
    %ge3A_84 = vector.broadcast %ge3A_83 : i32 to vector<16xi32>
    %ge3A_85 = arith.cmpi sge, %get3A_81, %ge3A_84 : vector<16xi32>
    %jit3A_86 = arith.constant 0 : i32
    %broadcast_in_dim3A_87 = vector.broadcast %jit3A_86 : i32 to vector<16xi32>
    %select_n3A_88 = arith.select %ge3A_85, %broadcast_in_dim3A_87, %get3A_81 : vector<16xi1>, vector<16xi32>
    %swap3A_89 = arith.constant 0 : i32
    %swap3A_90 = arith.index_cast %swap3A_89 : i32 to index
    %swap3A_91 = arith.constant 80 : index
    %swap3A_92 = tpu.vector_load %arg8[%swap3A_90, %swap3A_91] {strides = array<i32>} : memref<2x128xi32, #tpu.memory_space<vmem>>, vector<1x16xi32>,
    %swap3A_93 = vector.shape_cast %swap3A_92 : vector<1x16xi32> to vector<16xi32>
    %swap3A_94 = vector.shape_cast %select_n3A_88 : vector<16xi32> to vector<1x16xi32>
    tpu.vector_store %arg8[%swap3A_90, %swap3A_91], %swap3A_94 {strides = array<i32>} : memref<2x128xi32, #tpu.memory_space<vmem>>, vector<1x16xi32>,
    %get3A_95 = arith.constant 96 : index
    %get3A_96 = tpu.vector_load %arg6[%get3A_95] {strides = array<i32>} : memref<256xi32, #tpu.memory_space<vmem>>, vector<16xi32>,
    %get3A_97 = vector.shape_cast %get3A_96 : vector<16xi32> to vector<16xi32>
    %max3A_98 = arith.maxsi %max3A_82, %get3A_97 : vector<16xi32>
    %ge3A_99 = arith.constant 100000 : i32
    %ge3A_100 = vector.broadcast %ge3A_99 : i32 to vector<16xi32>
    %ge3A_101 = arith.cmpi sge, %get3A_97, %ge3A_100 : vector<16xi32>
    %jit3A_102 = arith.constant 0 : i32
    %broadcast_in_dim3A_103 = vector.broadcast %jit3A_102 : i32 to vector<16xi32>
    %select_n3A_104 = arith.select %ge3A_101, %broadcast_in_dim3A_103, %get3A_97 : vector<16xi1>, vector<16xi32>
    %swap3A_105 = arith.constant 0 : i32
    %swap3A_106 = arith.index_cast %swap3A_105 : i32 to index
    %swap3A_107 = arith.constant 96 : index
    %swap3A_108 = tpu.vector_load %arg8[%swap3A_106, %swap3A_107] {strides = array<i32>} : memref<2x128xi32, #tpu.memory_space<vmem>>, vector<1x16xi32>,
    %swap3A_109 = vector.shape_cast %swap3A_108 : vector<1x16xi32> to vector<16xi32>
    %swap3A_110 = vector.shape_cast %select_n3A_104 : vector<16xi32> to vector<1x16xi32>
    tpu.vector_store %arg8[%swap3A_106, %swap3A_107], %swap3A_110 {strides = array<i32>} : memref<2x128xi32, #tpu.memory_space<vmem>>, vector<1x16xi32>,
    %get3A_111 = arith.constant 112 : index
    %get3A_112 = tpu.vector_load %arg6[%get3A_111] {strides = array<i32>} : memref<256xi32, #tpu.memory_space<vmem>>, vector<16xi32>,
    %get3A_113 = vector.shape_cast %get3A_112 : vector<16xi32> to vector<16xi32>
    %max3A_114 = arith.maxsi %max3A_98, %get3A_113 : vector<16xi32>
    %ge3A_115 = arith.constant 100000 : i32
    %ge3A_116 = vector.broadcast %ge3A_115 : i32 to vector<16xi32>
    %ge3A_117 = arith.cmpi sge, %get3A_113, %ge3A_116 : vector<16xi32>
    %jit3A_118 = arith.constant 0 : i32
    %broadcast_in_dim3A_119 = vector.broadcast %jit3A_118 : i32 to vector<16xi32>
    %select_n3A_120 = arith.select %ge3A_117, %broadcast_in_dim3A_119, %get3A_113 : vector<16xi1>, vector<16xi32>
    %swap3A_121 = arith.constant 0 : i32
    %swap3A_122 = arith.index_cast %swap3A_121 : i32 to index
    %swap3A_123 = arith.constant 112 : index
    %swap3A_124 = tpu.vector_load %arg8[%swap3A_122, %swap3A_123] {strides = array<i32>} : memref<2x128xi32, #tpu.memory_space<vmem>>, vector<1x16xi32>,
    %swap3A_125 = vector.shape_cast %swap3A_124 : vector<1x16xi32> to vector<16xi32>
    %swap3A_126 = vector.shape_cast %select_n3A_120 : vector<16xi32> to vector<1x16xi32>
    tpu.vector_store %arg8[%swap3A_122, %swap3A_123], %swap3A_126 {strides = array<i32>} : memref<2x128xi32, #tpu.memory_space<vmem>>, vector<1x16xi32>,
    %get3A_127 = arith.constant 128 : index
    %get3A_128 = tpu.vector_load %arg6[%get3A_127] {strides = array<i32>} : memref<256xi32, #tpu.memory_space<vmem>>, vector<16xi32>,
    %get3A_129 = vector.shape_cast %get3A_128 : vector<16xi32> to vector<16xi32>
    %max3A_130 = arith.maxsi %max3A_114, %get3A_129 : vector<16xi32>
    %ge3A_131 = arith.constant 100000 : i32
    %ge3A_132 = vector.broadcast %ge3A_131 : i32 to vector<16xi32>
    %ge3A_133 = arith.cmpi sge, %get3A_129, %ge3A_132 : vector<16xi32>
    %jit3A_134 = arith.constant 0 : i32
    %broadcast_in_dim3A_135 = vector.broadcast %jit3A_134 : i32 to vector<16xi32>
    %select_n3A_136 = arith.select %ge3A_133, %broadcast_in_dim3A_135, %get3A_129 : vector<16xi1>, vector<16xi32>
    %swap3A_137 = arith.constant 1 : i32
    %swap3A_138 = arith.index_cast %swap3A_137 : i32 to index
    %swap3A_139 = arith.constant 0 : index
    %swap3A_140 = tpu.vector_load %arg8[%swap3A_138, %swap3A_139] {strides = array<i32>} : memref<2x128xi32, #tpu.memory_space<vmem>>, vector<1x16xi32>,
    %swap3A_141 = vector.shape_cast %swap3A_140 : vector<1x16xi32> to vector<16xi32>
    %swap3A_142 = vector.shape_cast %select_n3A_136 : vector<16xi32> to vector<1x16xi32>
    tpu.vector_store %arg8[%swap3A_138, %swap3A_139], %swap3A_142 {strides = array<i32>} : memref<2x128xi32, #tpu.memory_space<vmem>>, vector<1x16xi32>,
    %get3A_143 = arith.constant 144 : index
    %get3A_144 = tpu.vector_load %arg6[%get3A_143] {strides = array<i32>} : memref<256xi32, #tpu.memory_space<vmem>>, vector<16xi32>,
    %get3A_145 = vector.shape_cast %get3A_144 : vector<16xi32> to vector<16xi32>
    %max3A_146 = arith.maxsi %max3A_130, %get3A_145 : vector<16xi32>
    %ge3A_147 = arith.constant 100000 : i32
    %ge3A_148 = vector.broadcast %ge3A_147 : i32 to vector<16xi32>
    %ge3A_149 = arith.cmpi sge, %get3A_145, %ge3A_148 : vector<16xi32>
    %jit3A_150 = arith.constant 0 : i32
    %broadcast_in_dim3A_151 = vector.broadcast %jit3A_150 : i32 to vector<16xi32>
    %select_n3A_152 = arith.select %ge3A_149, %broadcast_in_dim3A_151, %get3A_145 : vector<16xi1>, vector<16xi32>
    %swap3A_153 = arith.constant 1 : i32
    %swap3A_154 = arith.index_cast %swap3A_153 : i32 to index
    %swap3A_155 = arith.constant 16 : index
    %swap3A_156 = tpu.vector_load %arg8[%swap3A_154, %swap3A_155] {strides = array<i32>} : memref<2x128xi32, #tpu.memory_space<vmem>>, vector<1x16xi32>,
    %swap3A_157 = vector.shape_cast %swap3A_156 : vector<1x16xi32> to vector<16xi32>
    %swap3A_158 = vector.shape_cast %select_n3A_152 : vector<16xi32> to vector<1x16xi32>
    tpu.vector_store %arg8[%swap3A_154, %swap3A_155], %swap3A_158 {strides = array<i32>} : memref<2x128xi32, #tpu.memory_space<vmem>>, vector<1x16xi32>,
    %get3A_159 = arith.constant 160 : index
    %get3A_160 = tpu.vector_load %arg6[%get3A_159] {strides = array<i32>} : memref<256xi32, #tpu.memory_space<vmem>>, vector<16xi32>,
    %get3A_161 = vector.shape_cast %get3A_160 : vector<16xi32> to vector<16xi32>
    %max3A_162 = arith.maxsi %max3A_146, %get3A_161 : vector<16xi32>
    %ge3A_163 = arith.constant 100000 : i32
    %ge3A_164 = vector.broadcast %ge3A_163 : i32 to vector<16xi32>
    %ge3A_165 = arith.cmpi sge, %get3A_161, %ge3A_164 : vector<16xi32>
    %jit3A_166 = arith.constant 0 : i32
    %broadcast_in_dim3A_167 = vector.broadcast %jit3A_166 : i32 to vector<16xi32>
    %select_n3A_168 = arith.select %ge3A_165, %broadcast_in_dim3A_167, %get3A_161 : vector<16xi1>, vector<16xi32>
    %swap3A_169 = arith.constant 1 : i32
    %swap3A_170 = arith.index_cast %swap3A_169 : i32 to index
    %swap3A_171 = arith.constant 32 : index
    %swap3A_172 = tpu.vector_load %arg8[%swap3A_170, %swap3A_171] {strides = array<i32>} : memref<2x128xi32, #tpu.memory_space<vmem>>, vector<1x16xi32>,
    %swap3A_173 = vector.shape_cast %swap3A_172 : vector<1x16xi32> to vector<16xi32>
    %swap3A_174 = vector.shape_cast %select_n3A_168 : vector<16xi32> to vector<1x16xi32>
    tpu.vector_store %arg8[%swap3A_170, %swap3A_171], %swap3A_174 {strides = array<i32>} : memref<2x128xi32, #tpu.memory_space<vmem>>, vector<1x16xi32>,
    %get3A_175 = arith.constant 176 : index
    %get3A_176 = tpu.vector_load %arg6[%get3A_175] {strides = array<i32>} : memref<256xi32, #tpu.memory_space<vmem>>, vector<16xi32>,
    %get3A_177 = vector.shape_cast %get3A_176 : vector<16xi32> to vector<16xi32>
    %max3A_178 = arith.maxsi %max3A_162, %get3A_177 : vector<16xi32>
    %ge3A_179 = arith.constant 100000 : i32
    %ge3A_180 = vector.broadcast %ge3A_179 : i32 to vector<16xi32>
    %ge3A_181 = arith.cmpi sge, %get3A_177, %ge3A_180 : vector<16xi32>
    %jit3A_182 = arith.constant 0 : i32
    %broadcast_in_dim3A_183 = vector.broadcast %jit3A_182 : i32 to vector<16xi32>
    %select_n3A_184 = arith.select %ge3A_181, %broadcast_in_dim3A_183, %get3A_177 : vector<16xi1>, vector<16xi32>
    %swap3A_185 = arith.constant 1 : i32
    %swap3A_186 = arith.index_cast %swap3A_185 : i32 to index
    %swap3A_187 = arith.constant 48 : index
    %swap3A_188 = tpu.vector_load %arg8[%swap3A_186, %swap3A_187] {strides = array<i32>} : memref<2x128xi32, #tpu.memory_space<vmem>>, vector<1x16xi32>,
    %swap3A_189 = vector.shape_cast %swap3A_188 : vector<1x16xi32> to vector<16xi32>
    %swap3A_190 = vector.shape_cast %select_n3A_184 : vector<16xi32> to vector<1x16xi32>
    tpu.vector_store %arg8[%swap3A_186, %swap3A_187], %swap3A_190 {strides = array<i32>} : memref<2x128xi32, #tpu.memory_space<vmem>>, vector<1x16xi32>,
    %get3A_191 = arith.constant 192 : index
    %get3A_192 = tpu.vector_load %arg6[%get3A_191] {strides = array<i32>} : memref<256xi32, #tpu.memory_space<vmem>>, vector<16xi32>,
    %get3A_193 = vector.shape_cast %get3A_192 : vector<16xi32> to vector<16xi32>
    %max3A_194 = arith.maxsi %max3A_178, %get3A_193 : vector<16xi32>
    %ge3A_195 = arith.constant 100000 : i32
    %ge3A_196 = vector.broadcast %ge3A_195 : i32 to vector<16xi32>
    %ge3A_197 = arith.cmpi sge, %get3A_193, %ge3A_196 : vector<16xi32>
    %jit3A_198 = arith.constant 0 : i32
    %broadcast_in_dim3A_199 = vector.broadcast %jit3A_198 : i32 to vector<16xi32>
    %select_n3A_200 = arith.select %ge3A_197, %broadcast_in_dim3A_199, %get3A_193 : vector<16xi1>, vector<16xi32>
    %swap3A_201 = arith.constant 1 : i32
    %swap3A_202 = arith.index_cast %swap3A_201 : i32 to index
    %swap3A_203 = arith.constant 64 : index
    %swap3A_204 = tpu.vector_load %arg8[%swap3A_202, %swap3A_203] {strides = array<i32>} : memref<2x128xi32, #tpu.memory_space<vmem>>, vector<1x16xi32>,
    %swap3A_205 = vector.shape_cast %swap3A_204 : vector<1x16xi32> to vector<16xi32>
    %swap3A_206 = vector.shape_cast %select_n3A_200 : vector<16xi32> to vector<1x16xi32>
    tpu.vector_store %arg8[%swap3A_202, %swap3A_203], %swap3A_206 {strides = array<i32>} : memref<2x128xi32, #tpu.memory_space<vmem>>, vector<1x16xi32>,
    %get3A_207 = arith.constant 208 : index
    %get3A_208 = tpu.vector_load %arg6[%get3A_207] {strides = array<i32>} : memref<256xi32, #tpu.memory_space<vmem>>, vector<16xi32>,
    %get3A_209 = vector.shape_cast %get3A_208 : vector<16xi32> to vector<16xi32>
    %max3A_210 = arith.maxsi %max3A_194, %get3A_209 : vector<16xi32>
    %ge3A_211 = arith.constant 100000 : i32
    %ge3A_212 = vector.broadcast %ge3A_211 : i32 to vector<16xi32>
    %ge3A_213 = arith.cmpi sge, %get3A_209, %ge3A_212 : vector<16xi32>
    %jit3A_214 = arith.constant 0 : i32
    %broadcast_in_dim3A_215 = vector.broadcast %jit3A_214 : i32 to vector<16xi32>
    %select_n3A_216 = arith.select %ge3A_213, %broadcast_in_dim3A_215, %get3A_209 : vector<16xi1>, vector<16xi32>
    %swap3A_217 = arith.constant 1 : i32
    %swap3A_218 = arith.index_cast %swap3A_217 : i32 to index
    %swap3A_219 = arith.constant 80 : index
    %swap3A_220 = tpu.vector_load %arg8[%swap3A_218, %swap3A_219] {strides = array<i32>} : memref<2x128xi32, #tpu.memory_space<vmem>>, vector<1x16xi32>,
    %swap3A_221 = vector.shape_cast %swap3A_220 : vector<1x16xi32> to vector<16xi32>
    %swap3A_222 = vector.shape_cast %select_n3A_216 : vector<16xi32> to vector<1x16xi32>
    tpu.vector_store %arg8[%swap3A_218, %swap3A_219], %swap3A_222 {strides = array<i32>} : memref<2x128xi32, #tpu.memory_space<vmem>>, vector<1x16xi32>,
    %get3A_223 = arith.constant 224 : index
    %get3A_224 = tpu.vector_load %arg6[%get3A_223] {strides = array<i32>} : memref<256xi32, #tpu.memory_space<vmem>>, vector<16xi32>,
    %get3A_225 = vector.shape_cast %get3A_224 : vector<16xi32> to vector<16xi32>
    %max3A_226 = arith.maxsi %max3A_210, %get3A_225 : vector<16xi32>
    %ge3A_227 = arith.constant 100000 : i32
    %ge3A_228 = vector.broadcast %ge3A_227 : i32 to vector<16xi32>
    %ge3A_229 = arith.cmpi sge, %get3A_225, %ge3A_228 : vector<16xi32>
    %jit3A_230 = arith.constant 0 : i32
    %broadcast_in_dim3A_231 = vector.broadcast %jit3A_230 : i32 to vector<16xi32>
    %select_n3A_232 = arith.select %ge3A_229, %broadcast_in_dim3A_231, %get3A_225 : vector<16xi1>, vector<16xi32>
    %swap3A_233 = arith.constant 1 : i32
    %swap3A_234 = arith.index_cast %swap3A_233 : i32 to index
    %swap3A_235 = arith.constant 96 : index
    %swap3A_236 = tpu.vector_load %arg8[%swap3A_234, %swap3A_235] {strides = array<i32>} : memref<2x128xi32, #tpu.memory_space<vmem>>, vector<1x16xi32>,
    %swap3A_237 = vector.shape_cast %swap3A_236 : vector<1x16xi32> to vector<16xi32>
    %swap3A_238 = vector.shape_cast %select_n3A_232 : vector<16xi32> to vector<1x16xi32>
    tpu.vector_store %arg8[%swap3A_234, %swap3A_235], %swap3A_238 {strides = array<i32>} : memref<2x128xi32, #tpu.memory_space<vmem>>, vector<1x16xi32>,
    %get3A_239 = arith.constant 240 : index
    %get3A_240 = tpu.vector_load %arg6[%get3A_239] {strides = array<i32>} : memref<256xi32, #tpu.memory_space<vmem>>, vector<16xi32>,
    %get3A_241 = vector.shape_cast %get3A_240 : vector<16xi32> to vector<16xi32>
    %max3A_242 = arith.maxsi %max3A_226, %get3A_241 : vector<16xi32>
    %ge3A_243 = arith.constant 100000 : i32
    %ge3A_244 = vector.broadcast %ge3A_243 : i32 to vector<16xi32>
    %ge3A_245 = arith.cmpi sge, %get3A_241, %ge3A_244 : vector<16xi32>
    %jit3A_246 = arith.constant 0 : i32
    %broadcast_in_dim3A_247 = vector.broadcast %jit3A_246 : i32 to vector<16xi32>
    %select_n3A_248 = arith.select %ge3A_245, %broadcast_in_dim3A_247, %get3A_241 : vector<16xi1>, vector<16xi32>
    %swap3A_249 = arith.constant 1 : i32
    %swap3A_250 = arith.index_cast %swap3A_249 : i32 to index
    %swap3A_251 = arith.constant 112 : index
    %swap3A_252 = tpu.vector_load %arg8[%swap3A_250, %swap3A_251] {strides = array<i32>} : memref<2x128xi32, #tpu.memory_space<vmem>>, vector<1x16xi32>,
    %swap3A_253 = vector.shape_cast %swap3A_252 : vector<1x16xi32> to vector<16xi32>
    %swap3A_254 = vector.shape_cast %select_n3A_248 : vector<16xi32> to vector<1x16xi32>
    tpu.vector_store %arg8[%swap3A_250, %swap3A_251], %swap3A_254 {strides = array<i32>} : memref<2x128xi32, #tpu.memory_space<vmem>>, vector<1x16xi32>,
    %dma_start3A = arith.constant 0 : i32
    %dma_start3A_255 = arith.constant 0 : i32
    %dma_start3A_256 = arith.constant 0 : i32
    %dma_start3A_257 = tpu.memref_slice %arg10[%dma_start3A_255, %dma_start3A_256] : memref<256x128xf32, #tpu.memory_space<vmem>> -> memref<128x128xf32, #tpu.memory_space<vmem>>
    %dma_start3A_258 = arith.constant 0 : i32
    %dma_start3A_259 = tpu.memref_slice %arg8[%dma_start3A, %dma_start3A_258] : memref<2x128xi32, #tpu.memory_space<vmem>> -> memref<1x128xi32, #tpu.memory_space<vmem>>
    %dma_start3A_260 = tpu.memref_squeeze %dma_start3A_259 : memref<1x128xi32, #tpu.memory_space<vmem>> -> memref<128xi32, #tpu.memory_space<vmem>>
    %dma_start3A_261 = arith.constant 0 : i32
    %dma_start3A_262 = arith.constant 0 : i32
    %dma_start3A_263 = tpu.memref_slice %arg3[%dma_start3A_261, %dma_start3A_262] : memref<100000x128xf32, #tpu.memory_space<hbm>> -> memref<100000x128xf32, #tpu.memory_space<hbm>>
    tpu.enqueue_indirect_dma source(%dma_start3A_263 : memref<100000x128xf32, #tpu.memory_space<hbm>>) target(%dma_start3A_257 : memref<128x128xf32, #tpu.memory_space<vmem>>) offsets(%dma_start3A_260 : memref<128xi32, #tpu.memory_space<vmem>>) semaphore(%arg13 : memref<!tpu.dma_semaphore, #tpu.memory_space<semaphore_mem>>)
    %dma_start3A_264 = arith.constant 1 : i32
    %dma_start3A_265 = arith.constant 128 : i32
    %dma_start3A_266 = arith.constant 0 : i32
    %dma_start3A_267 = tpu.memref_slice %arg10[%dma_start3A_265, %dma_start3A_266] : memref<256x128xf32, #tpu.memory_space<vmem>> -> memref<128x128xf32, #tpu.memory_space<vmem>>
    %dma_start3A_268 = arith.constant 0 : i32
    %dma_start3A_269 = tpu.memref_slice %arg8[%dma_start3A_264, %dma_start3A_268] : memref<2x128xi32, #tpu.memory_space<vmem>> -> memref<1x128xi32, #tpu.memory_space<vmem>>
    %dma_start3A_270 = tpu.memref_squeeze %dma_start3A_269 : memref<1x128xi32, #tpu.memory_space<vmem>> -> memref<128xi32, #tpu.memory_space<vmem>>
    %dma_start3A_271 = arith.constant 0 : i32
    %dma_start3A_272 = arith.constant 0 : i32
    %dma_start3A_273 = tpu.memref_slice %arg3[%dma_start3A_271, %dma_start3A_272] : memref<100000x128xf32, #tpu.memory_space<hbm>> -> memref<100000x128xf32, #tpu.memory_space<hbm>>
    tpu.enqueue_indirect_dma source(%dma_start3A_273 : memref<100000x128xf32, #tpu.memory_space<hbm>>) target(%dma_start3A_267 : memref<128x128xf32, #tpu.memory_space<vmem>>) offsets(%dma_start3A_270 : memref<128xi32, #tpu.memory_space<vmem>>) semaphore(%arg13 : memref<!tpu.dma_semaphore, #tpu.memory_space<semaphore_mem>>)
    %scan3A = arith.constant 0 : i32
    %scan3A_274 = arith.constant 12 : i32
    %scan3A_275 = arith.addi %scan3A, %scan3A_274 : i32
    %scan3A_276 = arith.constant 1 : i32
    %scan3A_277 = scf.for %scan3A_414 = %scan3A to %scan3A_275 step %scan3A_276 iter_args(%scan3A_415 = %max3A_242) -> (vector<16xi32>)  : i32 {
      %mul3A_416 = arith.constant 2 : i32
      %mul3A_417 = arith.muli %mul3A_416, %scan3A_414 : i32
      %add3A_418 = arith.constant 1 : i32
      %add3A_419 = arith.addi %mul3A_417, %add3A_418 : i32
      %mul3A_420 = arith.constant 256 : i32
      %mul3A_421 = arith.muli %add3A_419, %mul3A_420 : i32
      %add3A_422 = arith.addi %mul3A_2, %mul3A_421 : i32
      "tpu.region"() ({
        %run_scoped3A = tpu.sem_alloc : memref<!tpu.dma_semaphore, #tpu.memory_space<semaphore_mem>>
        %dma_start3A_1258 = tpu.memref_slice %arg2[%add3A_422] : memref<204800xi32, #tpu.memory_space<hbm>> -> memref<256xi32, #tpu.memory_space<hbm>>
        %dma_start3A_1259 = tpu.memref_slice %arg2[%add3A_422] : memref<204800xi32, #tpu.memory_space<hbm>> -> memref<256xi32, #tpu.memory_space<hbm>>
        tpu.enqueue_dma source(%dma_start3A_1259 : memref<256xi32, #tpu.memory_space<hbm>>) target(%arg7 : memref<256xi32, #tpu.memory_space<vmem>>) target_semaphore(%run_scoped3A : memref<!tpu.dma_semaphore, #tpu.memory_space<semaphore_mem>>)
        %dma_wait3A_1260 = tpu.memref_slice %arg2[%add3A_422] : memref<204800xi32, #tpu.memory_space<hbm>> -> memref<256xi32, #tpu.memory_space<hbm>>
        %dma_wait3A_1261 = tpu.memref_slice %arg2[%add3A_422] : memref<204800xi32, #tpu.memory_space<hbm>> -> memref<256xi32, #tpu.memory_space<hbm>>
        tpu.wait_dma2 semaphore(%run_scoped3A : memref<!tpu.dma_semaphore, #tpu.memory_space<semaphore_mem>>) src(%dma_wait3A_1261 : memref<256xi32, #tpu.memory_space<hbm>>) dst(%arg7 : memref<256xi32, #tpu.memory_space<vmem>>)
        tpu.yield
      }) : () -> ()
      %get3A_423 = arith.constant 0 : index
      %get3A_424 = tpu.vector_load %arg7[%get3A_423] {strides = array<i32>} : memref<256xi32, #tpu.memory_space<vmem>>, vector<16xi32>,
      %get3A_425 = vector.shape_cast %get3A_424 : vector<16xi32> to vector<16xi32>
      %ge3A_426 = arith.constant 100000 : i32
      %ge3A_427 = vector.broadcast %ge3A_426 : i32 to vector<16xi32>
      %ge3A_428 = arith.cmpi sge, %get3A_425, %ge3A_427 : vector<16xi32>
      %jit3A_429 = arith.constant 0 : i32
      %broadcast_in_dim3A_430 = vector.broadcast %jit3A_429 : i32 to vector<16xi32>
      %select_n3A_431 = arith.select %ge3A_428, %broadcast_in_dim3A_430, %get3A_425 : vector<16xi1>, vector<16xi32>
      %swap3A_432 = arith.constant 0 : i32
      %swap3A_433 = arith.index_cast %swap3A_432 : i32 to index
      %swap3A_434 = arith.constant 0 : index
      %swap3A_435 = tpu.vector_load %arg9[%swap3A_433, %swap3A_434] {strides = array<i32>} : memref<2x128xi32, #tpu.memory_space<vmem>>, vector<1x16xi32>,
      %swap3A_436 = vector.shape_cast %swap3A_435 : vector<1x16xi32> to vector<16xi32>
      %swap3A_437 = vector.shape_cast %select_n3A_431 : vector<16xi32> to vector<1x16xi32>
      tpu.vector_store %arg9[%swap3A_433, %swap3A_434], %swap3A_437 {strides = array<i32>} : memref<2x128xi32, #tpu.memory_space<vmem>>, vector<1x16xi32>,
      %get3A_438 = arith.constant 16 : index
      %get3A_439 = tpu.vector_load %arg7[%get3A_438] {strides = array<i32>} : memref<256xi32, #tpu.memory_space<vmem>>, vector<16xi32>,
      %get3A_440 = vector.shape_cast %get3A_439 : vector<16xi32> to vector<16xi32>
      %max3A_441 = arith.maxsi %get3A_425, %get3A_440 : vector<16xi32>
      %ge3A_442 = arith.constant 100000 : i32
      %ge3A_443 = vector.broadcast %ge3A_442 : i32 to vector<16xi32>
      %ge3A_444 = arith.cmpi sge, %get3A_440, %ge3A_443 : vector<16xi32>
      %jit3A_445 = arith.constant 0 : i32
      %broadcast_in_dim3A_446 = vector.broadcast %jit3A_445 : i32 to vector<16xi32>
      %select_n3A_447 = arith.select %ge3A_444, %broadcast_in_dim3A_446, %get3A_440 : vector<16xi1>, vector<16xi32>
      %swap3A_448 = arith.constant 0 : i32
      %swap3A_449 = arith.index_cast %swap3A_448 : i32 to index
      %swap3A_450 = arith.constant 16 : index
      %swap3A_451 = tpu.vector_load %arg9[%swap3A_449, %swap3A_450] {strides = array<i32>} : memref<2x128xi32, #tpu.memory_space<vmem>>, vector<1x16xi32>,
      %swap3A_452 = vector.shape_cast %swap3A_451 : vector<1x16xi32> to vector<16xi32>
      %swap3A_453 = vector.shape_cast %select_n3A_447 : vector<16xi32> to vector<1x16xi32>
      tpu.vector_store %arg9[%swap3A_449, %swap3A_450], %swap3A_453 {strides = array<i32>} : memref<2x128xi32, #tpu.memory_space<vmem>>, vector<1x16xi32>,
      %get3A_454 = arith.constant 32 : index
      %get3A_455 = tpu.vector_load %arg7[%get3A_454] {strides = array<i32>} : memref<256xi32, #tpu.memory_space<vmem>>, vector<16xi32>,
      %get3A_456 = vector.shape_cast %get3A_455 : vector<16xi32> to vector<16xi32>
      %max3A_457 = arith.maxsi %max3A_441, %get3A_456 : vector<16xi32>
      %ge3A_458 = arith.constant 100000 : i32
      %ge3A_459 = vector.broadcast %ge3A_458 : i32 to vector<16xi32>
      %ge3A_460 = arith.cmpi sge, %get3A_456, %ge3A_459 : vector<16xi32>
      %jit3A_461 = arith.constant 0 : i32
      %broadcast_in_dim3A_462 = vector.broadcast %jit3A_461 : i32 to vector<16xi32>
      %select_n3A_463 = arith.select %ge3A_460, %broadcast_in_dim3A_462, %get3A_456 : vector<16xi1>, vector<16xi32>
      %swap3A_464 = arith.constant 0 : i32
      %swap3A_465 = arith.index_cast %swap3A_464 : i32 to index
      %swap3A_466 = arith.constant 32 : index
      %swap3A_467 = tpu.vector_load %arg9[%swap3A_465, %swap3A_466] {strides = array<i32>} : memref<2x128xi32, #tpu.memory_space<vmem>>, vector<1x16xi32>,
      %swap3A_468 = vector.shape_cast %swap3A_467 : vector<1x16xi32> to vector<16xi32>
      %swap3A_469 = vector.shape_cast %select_n3A_463 : vector<16xi32> to vector<1x16xi32>
      tpu.vector_store %arg9[%swap3A_465, %swap3A_466], %swap3A_469 {strides = array<i32>} : memref<2x128xi32, #tpu.memory_space<vmem>>, vector<1x16xi32>,
      %get3A_470 = arith.constant 48 : index
      %get3A_471 = tpu.vector_load %arg7[%get3A_470] {strides = array<i32>} : memref<256xi32, #tpu.memory_space<vmem>>, vector<16xi32>,
      %get3A_472 = vector.shape_cast %get3A_471 : vector<16xi32> to vector<16xi32>
      %max3A_473 = arith.maxsi %max3A_457, %get3A_472 : vector<16xi32>
      %ge3A_474 = arith.constant 100000 : i32
      %ge3A_475 = vector.broadcast %ge3A_474 : i32 to vector<16xi32>
      %ge3A_476 = arith.cmpi sge, %get3A_472, %ge3A_475 : vector<16xi32>
      %jit3A_477 = arith.constant 0 : i32
      %broadcast_in_dim3A_478 = vector.broadcast %jit3A_477 : i32 to vector<16xi32>
      %select_n3A_479 = arith.select %ge3A_476, %broadcast_in_dim3A_478, %get3A_472 : vector<16xi1>, vector<16xi32>
      %swap3A_480 = arith.constant 0 : i32
      %swap3A_481 = arith.index_cast %swap3A_480 : i32 to index
      %swap3A_482 = arith.constant 48 : index
      %swap3A_483 = tpu.vector_load %arg9[%swap3A_481, %swap3A_482] {strides = array<i32>} : memref<2x128xi32, #tpu.memory_space<vmem>>, vector<1x16xi32>,
      %swap3A_484 = vector.shape_cast %swap3A_483 : vector<1x16xi32> to vector<16xi32>
      %swap3A_485 = vector.shape_cast %select_n3A_479 : vector<16xi32> to vector<1x16xi32>
      tpu.vector_store %arg9[%swap3A_481, %swap3A_482], %swap3A_485 {strides = array<i32>} : memref<2x128xi32, #tpu.memory_space<vmem>>, vector<1x16xi32>,
      %get3A_486 = arith.constant 64 : index
      %get3A_487 = tpu.vector_load %arg7[%get3A_486] {strides = array<i32>} : memref<256xi32, #tpu.memory_space<vmem>>, vector<16xi32>,
      %get3A_488 = vector.shape_cast %get3A_487 : vector<16xi32> to vector<16xi32>
      %max3A_489 = arith.maxsi %max3A_473, %get3A_488 : vector<16xi32>
      %ge3A_490 = arith.constant 100000 : i32
      %ge3A_491 = vector.broadcast %ge3A_490 : i32 to vector<16xi32>
      %ge3A_492 = arith.cmpi sge, %get3A_488, %ge3A_491 : vector<16xi32>
      %jit3A_493 = arith.constant 0 : i32
      %broadcast_in_dim3A_494 = vector.broadcast %jit3A_493 : i32 to vector<16xi32>
      %select_n3A_495 = arith.select %ge3A_492, %broadcast_in_dim3A_494, %get3A_488 : vector<16xi1>, vector<16xi32>
      %swap3A_496 = arith.constant 0 : i32
      %swap3A_497 = arith.index_cast %swap3A_496 : i32 to index
      %swap3A_498 = arith.constant 64 : index
      %swap3A_499 = tpu.vector_load %arg9[%swap3A_497, %swap3A_498] {strides = array<i32>} : memref<2x128xi32, #tpu.memory_space<vmem>>, vector<1x16xi32>,
      %swap3A_500 = vector.shape_cast %swap3A_499 : vector<1x16xi32> to vector<16xi32>
      %swap3A_501 = vector.shape_cast %select_n3A_495 : vector<16xi32> to vector<1x16xi32>
      tpu.vector_store %arg9[%swap3A_497, %swap3A_498], %swap3A_501 {strides = array<i32>} : memref<2x128xi32, #tpu.memory_space<vmem>>, vector<1x16xi32>,
      %get3A_502 = arith.constant 80 : index
      %get3A_503 = tpu.vector_load %arg7[%get3A_502] {strides = array<i32>} : memref<256xi32, #tpu.memory_space<vmem>>, vector<16xi32>,
      %get3A_504 = vector.shape_cast %get3A_503 : vector<16xi32> to vector<16xi32>
      %max3A_505 = arith.maxsi %max3A_489, %get3A_504 : vector<16xi32>
      %ge3A_506 = arith.constant 100000 : i32
      %ge3A_507 = vector.broadcast %ge3A_506 : i32 to vector<16xi32>
      %ge3A_508 = arith.cmpi sge, %get3A_504, %ge3A_507 : vector<16xi32>
      %jit3A_509 = arith.constant 0 : i32
      %broadcast_in_dim3A_510 = vector.broadcast %jit3A_509 : i32 to vector<16xi32>
      %select_n3A_511 = arith.select %ge3A_508, %broadcast_in_dim3A_510, %get3A_504 : vector<16xi1>, vector<16xi32>
      %swap3A_512 = arith.constant 0 : i32
      %swap3A_513 = arith.index_cast %swap3A_512 : i32 to index
      %swap3A_514 = arith.constant 80 : index
      %swap3A_515 = tpu.vector_load %arg9[%swap3A_513, %swap3A_514] {strides = array<i32>} : memref<2x128xi32, #tpu.memory_space<vmem>>, vector<1x16xi32>,
      %swap3A_516 = vector.shape_cast %swap3A_515 : vector<1x16xi32> to vector<16xi32>
      %swap3A_517 = vector.shape_cast %select_n3A_511 : vector<16xi32> to vector<1x16xi32>
      tpu.vector_store %arg9[%swap3A_513, %swap3A_514], %swap3A_517 {strides = array<i32>} : memref<2x128xi32, #tpu.memory_space<vmem>>, vector<1x16xi32>,
      %get3A_518 = arith.constant 96 : index
      %get3A_519 = tpu.vector_load %arg7[%get3A_518] {strides = array<i32>} : memref<256xi32, #tpu.memory_space<vmem>>, vector<16xi32>,
      %get3A_520 = vector.shape_cast %get3A_519 : vector<16xi32> to vector<16xi32>
      %max3A_521 = arith.maxsi %max3A_505, %get3A_520 : vector<16xi32>
      %ge3A_522 = arith.constant 100000 : i32
      %ge3A_523 = vector.broadcast %ge3A_522 : i32 to vector<16xi32>
      %ge3A_524 = arith.cmpi sge, %get3A_520, %ge3A_523 : vector<16xi32>
      %jit3A_525 = arith.constant 0 : i32
      %broadcast_in_dim3A_526 = vector.broadcast %jit3A_525 : i32 to vector<16xi32>
      %select_n3A_527 = arith.select %ge3A_524, %broadcast_in_dim3A_526, %get3A_520 : vector<16xi1>, vector<16xi32>
      %swap3A_528 = arith.constant 0 : i32
      %swap3A_529 = arith.index_cast %swap3A_528 : i32 to index
      %swap3A_530 = arith.constant 96 : index
      %swap3A_531 = tpu.vector_load %arg9[%swap3A_529, %swap3A_530] {strides = array<i32>} : memref<2x128xi32, #tpu.memory_space<vmem>>, vector<1x16xi32>,
      %swap3A_532 = vector.shape_cast %swap3A_531 : vector<1x16xi32> to vector<16xi32>
      %swap3A_533 = vector.shape_cast %select_n3A_527 : vector<16xi32> to vector<1x16xi32>
      tpu.vector_store %arg9[%swap3A_529, %swap3A_530], %swap3A_533 {strides = array<i32>} : memref<2x128xi32, #tpu.memory_space<vmem>>, vector<1x16xi32>,
      %get3A_534 = arith.constant 112 : index
      %get3A_535 = tpu.vector_load %arg7[%get3A_534] {strides = array<i32>} : memref<256xi32, #tpu.memory_space<vmem>>, vector<16xi32>,
      %get3A_536 = vector.shape_cast %get3A_535 : vector<16xi32> to vector<16xi32>
      %max3A_537 = arith.maxsi %max3A_521, %get3A_536 : vector<16xi32>
      %ge3A_538 = arith.constant 100000 : i32
      %ge3A_539 = vector.broadcast %ge3A_538 : i32 to vector<16xi32>
      %ge3A_540 = arith.cmpi sge, %get3A_536, %ge3A_539 : vector<16xi32>
      %jit3A_541 = arith.constant 0 : i32
      %broadcast_in_dim3A_542 = vector.broadcast %jit3A_541 : i32 to vector<16xi32>
      %select_n3A_543 = arith.select %ge3A_540, %broadcast_in_dim3A_542, %get3A_536 : vector<16xi1>, vector<16xi32>
      %swap3A_544 = arith.constant 0 : i32
      %swap3A_545 = arith.index_cast %swap3A_544 : i32 to index
      %swap3A_546 = arith.constant 112 : index
      %swap3A_547 = tpu.vector_load %arg9[%swap3A_545, %swap3A_546] {strides = array<i32>} : memref<2x128xi32, #tpu.memory_space<vmem>>, vector<1x16xi32>,
      %swap3A_548 = vector.shape_cast %swap3A_547 : vector<1x16xi32> to vector<16xi32>
      %swap3A_549 = vector.shape_cast %select_n3A_543 : vector<16xi32> to vector<1x16xi32>
      tpu.vector_store %arg9[%swap3A_545, %swap3A_546], %swap3A_549 {strides = array<i32>} : memref<2x128xi32, #tpu.memory_space<vmem>>, vector<1x16xi32>,
      %get3A_550 = arith.constant 128 : index
      %get3A_551 = tpu.vector_load %arg7[%get3A_550] {strides = array<i32>} : memref<256xi32, #tpu.memory_space<vmem>>, vector<16xi32>,
      %get3A_552 = vector.shape_cast %get3A_551 : vector<16xi32> to vector<16xi32>
      %max3A_553 = arith.maxsi %max3A_537, %get3A_552 : vector<16xi32>
      %ge3A_554 = arith.constant 100000 : i32
      %ge3A_555 = vector.broadcast %ge3A_554 : i32 to vector<16xi32>
      %ge3A_556 = arith.cmpi sge, %get3A_552, %ge3A_555 : vector<16xi32>
      %jit3A_557 = arith.constant 0 : i32
      %broadcast_in_dim3A_558 = vector.broadcast %jit3A_557 : i32 to vector<16xi32>
      %select_n3A_559 = arith.select %ge3A_556, %broadcast_in_dim3A_558, %get3A_552 : vector<16xi1>, vector<16xi32>
      %swap3A_560 = arith.constant 1 : i32
      %swap3A_561 = arith.index_cast %swap3A_560 : i32 to index
      %swap3A_562 = arith.constant 0 : index
      %swap3A_563 = tpu.vector_load %arg9[%swap3A_561, %swap3A_562] {strides = array<i32>} : memref<2x128xi32, #tpu.memory_space<vmem>>, vector<1x16xi32>,
      %swap3A_564 = vector.shape_cast %swap3A_563 : vector<1x16xi32> to vector<16xi32>
      %swap3A_565 = vector.shape_cast %select_n3A_559 : vector<16xi32> to vector<1x16xi32>
      tpu.vector_store %arg9[%swap3A_561, %swap3A_562], %swap3A_565 {strides = array<i32>} : memref<2x128xi32, #tpu.memory_space<vmem>>, vector<1x16xi32>,
      %get3A_566 = arith.constant 144 : index
      %get3A_567 = tpu.vector_load %arg7[%get3A_566] {strides = array<i32>} : memref<256xi32, #tpu.memory_space<vmem>>, vector<16xi32>,
      %get3A_568 = vector.shape_cast %get3A_567 : vector<16xi32> to vector<16xi32>
      %max3A_569 = arith.maxsi %max3A_553, %get3A_568 : vector<16xi32>
      %ge3A_570 = arith.constant 100000 : i32
      %ge3A_571 = vector.broadcast %ge3A_570 : i32 to vector<16xi32>
      %ge3A_572 = arith.cmpi sge, %get3A_568, %ge3A_571 : vector<16xi32>
      %jit3A_573 = arith.constant 0 : i32
      %broadcast_in_dim3A_574 = vector.broadcast %jit3A_573 : i32 to vector<16xi32>
      %select_n3A_575 = arith.select %ge3A_572, %broadcast_in_dim3A_574, %get3A_568 : vector<16xi1>, vector<16xi32>
      %swap3A_576 = arith.constant 1 : i32
      %swap3A_577 = arith.index_cast %swap3A_576 : i32 to index
      %swap3A_578 = arith.constant 16 : index
      %swap3A_579 = tpu.vector_load %arg9[%swap3A_577, %swap3A_578] {strides = array<i32>} : memref<2x128xi32, #tpu.memory_space<vmem>>, vector<1x16xi32>,
      %swap3A_580 = vector.shape_cast %swap3A_579 : vector<1x16xi32> to vector<16xi32>
      %swap3A_581 = vector.shape_cast %select_n3A_575 : vector<16xi32> to vector<1x16xi32>
      tpu.vector_store %arg9[%swap3A_577, %swap3A_578], %swap3A_581 {strides = array<i32>} : memref<2x128xi32, #tpu.memory_space<vmem>>, vector<1x16xi32>,
      %get3A_582 = arith.constant 160 : index
      %get3A_583 = tpu.vector_load %arg7[%get3A_582] {strides = array<i32>} : memref<256xi32, #tpu.memory_space<vmem>>, vector<16xi32>,
      %get3A_584 = vector.shape_cast %get3A_583 : vector<16xi32> to vector<16xi32>
      %max3A_585 = arith.maxsi %max3A_569, %get3A_584 : vector<16xi32>
      %ge3A_586 = arith.constant 100000 : i32
      %ge3A_587 = vector.broadcast %ge3A_586 : i32 to vector<16xi32>
      %ge3A_588 = arith.cmpi sge, %get3A_584, %ge3A_587 : vector<16xi32>
      %jit3A_589 = arith.constant 0 : i32
      %broadcast_in_dim3A_590 = vector.broadcast %jit3A_589 : i32 to vector<16xi32>
      %select_n3A_591 = arith.select %ge3A_588, %broadcast_in_dim3A_590, %get3A_584 : vector<16xi1>, vector<16xi32>
      %swap3A_592 = arith.constant 1 : i32
      %swap3A_593 = arith.index_cast %swap3A_592 : i32 to index
      %swap3A_594 = arith.constant 32 : index
      %swap3A_595 = tpu.vector_load %arg9[%swap3A_593, %swap3A_594] {strides = array<i32>} : memref<2x128xi32, #tpu.memory_space<vmem>>, vector<1x16xi32>,
      %swap3A_596 = vector.shape_cast %swap3A_595 : vector<1x16xi32> to vector<16xi32>
      %swap3A_597 = vector.shape_cast %select_n3A_591 : vector<16xi32> to vector<1x16xi32>
      tpu.vector_store %arg9[%swap3A_593, %swap3A_594], %swap3A_597 {strides = array<i32>} : memref<2x128xi32, #tpu.memory_space<vmem>>, vector<1x16xi32>,
      %get3A_598 = arith.constant 176 : index
      %get3A_599 = tpu.vector_load %arg7[%get3A_598] {strides = array<i32>} : memref<256xi32, #tpu.memory_space<vmem>>, vector<16xi32>,
      %get3A_600 = vector.shape_cast %get3A_599 : vector<16xi32> to vector<16xi32>
      %max3A_601 = arith.maxsi %max3A_585, %get3A_600 : vector<16xi32>
      %ge3A_602 = arith.constant 100000 : i32
      %ge3A_603 = vector.broadcast %ge3A_602 : i32 to vector<16xi32>
      %ge3A_604 = arith.cmpi sge, %get3A_600, %ge3A_603 : vector<16xi32>
      %jit3A_605 = arith.constant 0 : i32
      %broadcast_in_dim3A_606 = vector.broadcast %jit3A_605 : i32 to vector<16xi32>
      %select_n3A_607 = arith.select %ge3A_604, %broadcast_in_dim3A_606, %get3A_600 : vector<16xi1>, vector<16xi32>
      %swap3A_608 = arith.constant 1 : i32
      %swap3A_609 = arith.index_cast %swap3A_608 : i32 to index
      %swap3A_610 = arith.constant 48 : index
      %swap3A_611 = tpu.vector_load %arg9[%swap3A_609, %swap3A_610] {strides = array<i32>} : memref<2x128xi32, #tpu.memory_space<vmem>>, vector<1x16xi32>,
      %swap3A_612 = vector.shape_cast %swap3A_611 : vector<1x16xi32> to vector<16xi32>
      %swap3A_613 = vector.shape_cast %select_n3A_607 : vector<16xi32> to vector<1x16xi32>
      tpu.vector_store %arg9[%swap3A_609, %swap3A_610], %swap3A_613 {strides = array<i32>} : memref<2x128xi32, #tpu.memory_space<vmem>>, vector<1x16xi32>,
      %get3A_614 = arith.constant 192 : index
      %get3A_615 = tpu.vector_load %arg7[%get3A_614] {strides = array<i32>} : memref<256xi32, #tpu.memory_space<vmem>>, vector<16xi32>,
      %get3A_616 = vector.shape_cast %get3A_615 : vector<16xi32> to vector<16xi32>
      %max3A_617 = arith.maxsi %max3A_601, %get3A_616 : vector<16xi32>
      %ge3A_618 = arith.constant 100000 : i32
      %ge3A_619 = vector.broadcast %ge3A_618 : i32 to vector<16xi32>
      %ge3A_620 = arith.cmpi sge, %get3A_616, %ge3A_619 : vector<16xi32>
      %jit3A_621 = arith.constant 0 : i32
      %broadcast_in_dim3A_622 = vector.broadcast %jit3A_621 : i32 to vector<16xi32>
      %select_n3A_623 = arith.select %ge3A_620, %broadcast_in_dim3A_622, %get3A_616 : vector<16xi1>, vector<16xi32>
      %swap3A_624 = arith.constant 1 : i32
      %swap3A_625 = arith.index_cast %swap3A_624 : i32 to index
      %swap3A_626 = arith.constant 64 : index
      %swap3A_627 = tpu.vector_load %arg9[%swap3A_625, %swap3A_626] {strides = array<i32>} : memref<2x128xi32, #tpu.memory_space<vmem>>, vector<1x16xi32>,
      %swap3A_628 = vector.shape_cast %swap3A_627 : vector<1x16xi32> to vector<16xi32>
      %swap3A_629 = vector.shape_cast %select_n3A_623 : vector<16xi32> to vector<1x16xi32>
      tpu.vector_store %arg9[%swap3A_625, %swap3A_626], %swap3A_629 {strides = array<i32>} : memref<2x128xi32, #tpu.memory_space<vmem>>, vector<1x16xi32>,
      %get3A_630 = arith.constant 208 : index
      %get3A_631 = tpu.vector_load %arg7[%get3A_630] {strides = array<i32>} : memref<256xi32, #tpu.memory_space<vmem>>, vector<16xi32>,
      %get3A_632 = vector.shape_cast %get3A_631 : vector<16xi32> to vector<16xi32>
      %max3A_633 = arith.maxsi %max3A_617, %get3A_632 : vector<16xi32>
      %ge3A_634 = arith.constant 100000 : i32
      %ge3A_635 = vector.broadcast %ge3A_634 : i32 to vector<16xi32>
      %ge3A_636 = arith.cmpi sge, %get3A_632, %ge3A_635 : vector<16xi32>
      %jit3A_637 = arith.constant 0 : i32
      %broadcast_in_dim3A_638 = vector.broadcast %jit3A_637 : i32 to vector<16xi32>
      %select_n3A_639 = arith.select %ge3A_636, %broadcast_in_dim3A_638, %get3A_632 : vector<16xi1>, vector<16xi32>
      %swap3A_640 = arith.constant 1 : i32
      %swap3A_641 = arith.index_cast %swap3A_640 : i32 to index
      %swap3A_642 = arith.constant 80 : index
      %swap3A_643 = tpu.vector_load %arg9[%swap3A_641, %swap3A_642] {strides = array<i32>} : memref<2x128xi32, #tpu.memory_space<vmem>>, vector<1x16xi32>,
      %swap3A_644 = vector.shape_cast %swap3A_643 : vector<1x16xi32> to vector<16xi32>
      %swap3A_645 = vector.shape_cast %select_n3A_639 : vector<16xi32> to vector<1x16xi32>
      tpu.vector_store %arg9[%swap3A_641, %swap3A_642], %swap3A_645 {strides = array<i32>} : memref<2x128xi32, #tpu.memory_space<vmem>>, vector<1x16xi32>,
      %get3A_646 = arith.constant 224 : index
      %get3A_647 = tpu.vector_load %arg7[%get3A_646] {strides = array<i32>} : memref<256xi32, #tpu.memory_space<vmem>>, vector<16xi32>,
      %get3A_648 = vector.shape_cast %get3A_647 : vector<16xi32> to vector<16xi32>
      %max3A_649 = arith.maxsi %max3A_633, %get3A_648 : vector<16xi32>
      %ge3A_650 = arith.constant 100000 : i32
      %ge3A_651 = vector.broadcast %ge3A_650 : i32 to vector<16xi32>
      %ge3A_652 = arith.cmpi sge, %get3A_648, %ge3A_651 : vector<16xi32>
      %jit3A_653 = arith.constant 0 : i32
      %broadcast_in_dim3A_654 = vector.broadcast %jit3A_653 : i32 to vector<16xi32>
      %select_n3A_655 = arith.select %ge3A_652, %broadcast_in_dim3A_654, %get3A_648 : vector<16xi1>, vector<16xi32>
      %swap3A_656 = arith.constant 1 : i32
      %swap3A_657 = arith.index_cast %swap3A_656 : i32 to index
      %swap3A_658 = arith.constant 96 : index
      %swap3A_659 = tpu.vector_load %arg9[%swap3A_657, %swap3A_658] {strides = array<i32>} : memref<2x128xi32, #tpu.memory_space<vmem>>, vector<1x16xi32>,
      %swap3A_660 = vector.shape_cast %swap3A_659 : vector<1x16xi32> to vector<16xi32>
      %swap3A_661 = vector.shape_cast %select_n3A_655 : vector<16xi32> to vector<1x16xi32>
      tpu.vector_store %arg9[%swap3A_657, %swap3A_658], %swap3A_661 {strides = array<i32>} : memref<2x128xi32, #tpu.memory_space<vmem>>, vector<1x16xi32>,
      %get3A_662 = arith.constant 240 : index
      %get3A_663 = tpu.vector_load %arg7[%get3A_662] {strides = array<i32>} : memref<256xi32, #tpu.memory_space<vmem>>, vector<16xi32>,
      %get3A_664 = vector.shape_cast %get3A_663 : vector<16xi32> to vector<16xi32>
      %max3A_665 = arith.maxsi %max3A_649, %get3A_664 : vector<16xi32>
      %ge3A_666 = arith.constant 100000 : i32
      %ge3A_667 = vector.broadcast %ge3A_666 : i32 to vector<16xi32>
      %ge3A_668 = arith.cmpi sge, %get3A_664, %ge3A_667 : vector<16xi32>
      %jit3A_669 = arith.constant 0 : i32
      %broadcast_in_dim3A_670 = vector.broadcast %jit3A_669 : i32 to vector<16xi32>
      %select_n3A_671 = arith.select %ge3A_668, %broadcast_in_dim3A_670, %get3A_664 : vector<16xi1>, vector<16xi32>
      %swap3A_672 = arith.constant 1 : i32
      %swap3A_673 = arith.index_cast %swap3A_672 : i32 to index
      %swap3A_674 = arith.constant 112 : index
      %swap3A_675 = tpu.vector_load %arg9[%swap3A_673, %swap3A_674] {strides = array<i32>} : memref<2x128xi32, #tpu.memory_space<vmem>>, vector<1x16xi32>,
      %swap3A_676 = vector.shape_cast %swap3A_675 : vector<1x16xi32> to vector<16xi32>
      %swap3A_677 = vector.shape_cast %select_n3A_671 : vector<16xi32> to vector<1x16xi32>
      tpu.vector_store %arg9[%swap3A_673, %swap3A_674], %swap3A_677 {strides = array<i32>} : memref<2x128xi32, #tpu.memory_space<vmem>>, vector<1x16xi32>,
      %dma_start3A_678 = arith.constant 0 : i32
      %dma_start3A_679 = arith.constant 0 : i32
      %dma_start3A_680 = arith.constant 0 : i32
      %dma_start3A_681 = tpu.memref_slice %arg11[%dma_start3A_679, %dma_start3A_680] : memref<256x128xf32, #tpu.memory_space<vmem>> -> memref<128x128xf32, #tpu.memory_space<vmem>>
      %dma_start3A_682 = arith.constant 0 : i32
      %dma_start3A_683 = tpu.memref_slice %arg9[%dma_start3A_678, %dma_start3A_682] : memref<2x128xi32, #tpu.memory_space<vmem>> -> memref<1x128xi32, #tpu.memory_space<vmem>>
      %dma_start3A_684 = tpu.memref_squeeze %dma_start3A_683 : memref<1x128xi32, #tpu.memory_space<vmem>> -> memref<128xi32, #tpu.memory_space<vmem>>
      %dma_start3A_685 = arith.constant 0 : i32
      %dma_start3A_686 = arith.constant 0 : i32
      %dma_start3A_687 = tpu.memref_slice %arg3[%dma_start3A_685, %dma_start3A_686] : memref<100000x128xf32, #tpu.memory_space<hbm>> -> memref<100000x128xf32, #tpu.memory_space<hbm>>
      tpu.enqueue_indirect_dma source(%dma_start3A_687 : memref<100000x128xf32, #tpu.memory_space<hbm>>) target(%dma_start3A_681 : memref<128x128xf32, #tpu.memory_space<vmem>>) offsets(%dma_start3A_684 : memref<128xi32, #tpu.memory_space<vmem>>) semaphore(%arg14 : memref<!tpu.dma_semaphore, #tpu.memory_space<semaphore_mem>>)
      %dma_start3A_688 = arith.constant 1 : i32
      %dma_start3A_689 = arith.constant 128 : i32
      %dma_start3A_690 = arith.constant 0 : i32
      %dma_start3A_691 = tpu.memref_slice %arg11[%dma_start3A_689, %dma_start3A_690] : memref<256x128xf32, #tpu.memory_space<vmem>> -> memref<128x128xf32, #tpu.memory_space<vmem>>
      %dma_start3A_692 = arith.constant 0 : i32
      %dma_start3A_693 = tpu.memref_slice %arg9[%dma_start3A_688, %dma_start3A_692] : memref<2x128xi32, #tpu.memory_space<vmem>> -> memref<1x128xi32, #tpu.memory_space<vmem>>
      %dma_start3A_694 = tpu.memref_squeeze %dma_start3A_693 : memref<1x128xi32, #tpu.memory_space<vmem>> -> memref<128xi32, #tpu.memory_space<vmem>>
      %dma_start3A_695 = arith.constant 0 : i32
      %dma_start3A_696 = arith.constant 0 : i32
      %dma_start3A_697 = tpu.memref_slice %arg3[%dma_start3A_695, %dma_start3A_696] : memref<100000x128xf32, #tpu.memory_space<hbm>> -> memref<100000x128xf32, #tpu.memory_space<hbm>>
      tpu.enqueue_indirect_dma source(%dma_start3A_697 : memref<100000x128xf32, #tpu.memory_space<hbm>>) target(%dma_start3A_691 : memref<128x128xf32, #tpu.memory_space<vmem>>) offsets(%dma_start3A_694 : memref<128xi32, #tpu.memory_space<vmem>>) semaphore(%arg14 : memref<!tpu.dma_semaphore, #tpu.memory_space<semaphore_mem>>)
      %dma_wait3A_698 = arith.constant 0 : i32
      %dma_wait3A_699 = arith.constant 0 : i32
      %dma_wait3A_700 = tpu.memref_slice %arg10[%dma_wait3A_698, %dma_wait3A_699] : memref<256x128xf32, #tpu.memory_space<vmem>> -> memref<128x128xf32, #tpu.memory_space<vmem>>
      %dma_wait3A_701 = arith.constant 0 : i32
      %dma_wait3A_702 = arith.constant 0 : i32
      %dma_wait3A_703 = tpu.memref_slice %arg3[%dma_wait3A_701, %dma_wait3A_702] : memref<100000x128xf32, #tpu.memory_space<hbm>> -> memref<128x128xf32, #tpu.memory_space<hbm>>
      %dma_wait3A_704 = arith.constant 0 : i32
      %dma_wait3A_705 = arith.constant 0 : i32
      %dma_wait3A_706 = tpu.memref_slice %arg10[%dma_wait3A_704, %dma_wait3A_705] : memref<256x128xf32, #tpu.memory_space<vmem>> -> memref<128x128xf32, #tpu.memory_space<vmem>>
      %dma_wait3A_707 = arith.constant 0 : i32
      %dma_wait3A_708 = arith.constant 0 : i32
      %dma_wait3A_709 = tpu.memref_slice %arg3[%dma_wait3A_707, %dma_wait3A_708] : memref<100000x128xf32, #tpu.memory_space<hbm>> -> memref<128x128xf32, #tpu.memory_space<hbm>>
      tpu.wait_dma2 semaphore(%arg13 : memref<!tpu.dma_semaphore, #tpu.memory_space<semaphore_mem>>) src(%dma_wait3A_709 : memref<128x128xf32, #tpu.memory_space<hbm>>) dst(%dma_wait3A_706 : memref<128x128xf32, #tpu.memory_space<vmem>>)
      %dma_wait3A_710 = arith.constant 128 : i32
      %dma_wait3A_711 = arith.constant 0 : i32
      %dma_wait3A_712 = tpu.memref_slice %arg10[%dma_wait3A_710, %dma_wait3A_711] : memref<256x128xf32, #tpu.memory_space<vmem>> -> memref<128x128xf32, #tpu.memory_space<vmem>>
      %dma_wait3A_713 = arith.constant 0 : i32
      %dma_wait3A_714 = arith.constant 0 : i32
      %dma_wait3A_715 = tpu.memref_slice %arg3[%dma_wait3A_713, %dma_wait3A_714] : memref<100000x128xf32, #tpu.memory_space<hbm>> -> memref<128x128xf32, #tpu.memory_space<hbm>>
      %dma_wait3A_716 = arith.constant 128 : i32
      %dma_wait3A_717 = arith.constant 0 : i32
      %dma_wait3A_718 = tpu.memref_slice %arg10[%dma_wait3A_716, %dma_wait3A_717] : memref<256x128xf32, #tpu.memory_space<vmem>> -> memref<128x128xf32, #tpu.memory_space<vmem>>
      %dma_wait3A_719 = arith.constant 0 : i32
      %dma_wait3A_720 = arith.constant 0 : i32
      %dma_wait3A_721 = tpu.memref_slice %arg3[%dma_wait3A_719, %dma_wait3A_720] : memref<100000x128xf32, #tpu.memory_space<hbm>> -> memref<128x128xf32, #tpu.memory_space<hbm>>
      tpu.wait_dma2 semaphore(%arg13 : memref<!tpu.dma_semaphore, #tpu.memory_space<semaphore_mem>>) src(%dma_wait3A_721 : memref<128x128xf32, #tpu.memory_space<hbm>>) dst(%dma_wait3A_718 : memref<128x128xf32, #tpu.memory_space<vmem>>)
      %slice3A_722 = vector.extract_strided_slice %scan3A_415 {offsets = [0], sizes = [1], strides = [1]} : vector<16xi32> to vector<1xi32>
      %squeeze3A_723 = vector.extract %slice3A_722[0] : i32 from vector<1xi32>
      %ge3A_724 = arith.constant 100000 : i32
      %ge3A_725 = arith.cmpi sge, %squeeze3A_723, %ge3A_724 : i32
      %convert_element_type3A_726 = arith.extui %ge3A_725 : i1 to i32
      %cond3A_727 = arith.constant 0 : i32
      %cond3A_728 = arith.cmpi ne, %convert_element_type3A_726, %cond3A_727 : i32
      scf.if %cond3A_728 {
        %scan3A_1258 = arith.constant 0 : i32
        %scan3A_1259 = arith.constant 0 : i32
        %scan3A_1260 = arith.constant 16 : i32
        %scan3A_1261 = arith.addi %scan3A_1259, %scan3A_1260 : i32
        %scan3A_1262 = arith.constant 1 : i32
        scf.for %scan3A_1264 = %scan3A_1259 to %scan3A_1261 step %scan3A_1262  : i32 {
          %mul3A_1265 = arith.constant 16 : i32
          %mul3A_1266 = arith.muli %scan3A_1264, %mul3A_1265 : i32
          %get3A_1267 = arith.index_cast %mul3A_1266 : i32 to index
          %get3A_1268 = tpu.vector_load %arg6[%get3A_1267] {strides = array<i32>} : memref<256xi32, #tpu.memory_space<vmem>>, vector<16xi32>,
          %get3A_1269 = vector.shape_cast %get3A_1268 : vector<16xi32> to vector<16xi32>
          %slice3A_1270 = vector.extract_strided_slice %get3A_1269 {offsets = [0], sizes = [1], strides = [1]} : vector<16xi32> to vector<1xi32>
          %squeeze3A_1271 = vector.extract %slice3A_1270[0] : i32 from vector<1xi32>
          %ge3A_1272 = arith.constant 100000 : i32
          %ge3A_1273 = arith.cmpi sge, %squeeze3A_1271, %ge3A_1272 : i32
          %convert_element_type3A_1274 = arith.extui %ge3A_1273 : i1 to i32
          %cond3A_1275 = arith.constant 0 : i32
          %cond3A_1276 = arith.cmpi ne, %convert_element_type3A_1274, %cond3A_1275 : i32
          scf.if %cond3A_1276 {
            %sub3A = arith.constant 100000 : i32
            %sub3A_1277 = arith.subi %squeeze3A_1271, %sub3A : i32
            %mul3A_1278 = arith.constant 16 : i32
            %mul3A_1279 = arith.muli %scan3A_1264, %mul3A_1278 : i32
            %add3A_1280 = arith.constant 0 : i32
            %add3A_1281 = arith.addi %mul3A_1279, %add3A_1280 : i32
            "tpu.region"() ({
              %run_scoped3A = tpu.sem_alloc : memref<!tpu.dma_semaphore, #tpu.memory_space<semaphore_mem>>
              %dma_start3A_1282 = arith.constant 0 : i32
              %dma_start3A_1283 = tpu.memref_slice %arg10[%add3A_1281, %dma_start3A_1282] : memref<256x128xf32, #tpu.memory_space<vmem>> -> memref<1x128xf32, #tpu.memory_space<vmem>>
              %dma_start3A_1284 = arith.constant 0 : i32
              %dma_start3A_1285 = tpu.memref_slice %arg12[%sub3A_1277, %dma_start3A_1284] : memref<100x128xf32, #tpu.memory_space<vmem_shared>> -> memref<1x128xf32, #tpu.memory_space<vmem_shared>>
              %dma_start3A_1286 = arith.constant 0 : i32
              %dma_start3A_1287 = tpu.memref_slice %arg10[%add3A_1281, %dma_start3A_1286] : memref<256x128xf32, #tpu.memory_space<vmem>> -> memref<1x128xf32, #tpu.memory_space<vmem>>
              %dma_start3A_1288 = arith.constant 0 : i32
              %dma_start3A_1289 = tpu.memref_slice %arg12[%sub3A_1277, %dma_start3A_1288] : memref<100x128xf32, #tpu.memory_space<vmem_shared>> -> memref<1x128xf32, #tpu.memory_space<vmem_shared>>
              tpu.enqueue_dma source(%dma_start3A_1289 : memref<1x128xf32, #tpu.memory_space<vmem_shared>>) target(%dma_start3A_1287 : memref<1x128xf32, #tpu.memory_space<vmem>>) target_semaphore(%run_scoped3A : memref<!tpu.dma_semaphore, #tpu.memory_space<semaphore_mem>>)
              %dma_wait3A_1290 = arith.constant 0 : i32
              %dma_wait3A_1291 = tpu.memref_slice %arg10[%add3A_1281, %dma_wait3A_1290] : memref<256x128xf32, #tpu.memory_space<vmem>> -> memref<1x128xf32, #tpu.memory_space<vmem>>
              %dma_wait3A_1292 = arith.constant 0 : i32
              %dma_wait3A_1293 = tpu.memref_slice %arg12[%sub3A_1277, %dma_wait3A_1292] : memref<100x128xf32, #tpu.memory_space<vmem_shared>> -> memref<1x128xf32, #tpu.memory_space<vmem_shared>>
              %dma_wait3A_1294 = arith.constant 0 : i32
              %dma_wait3A_1295 = tpu.memref_slice %arg10[%add3A_1281, %dma_wait3A_1294] : memref<256x128xf32, #tpu.memory_space<vmem>> -> memref<1x128xf32, #tpu.memory_space<vmem>>
              %dma_wait3A_1296 = arith.constant 0 : i32
              %dma_wait3A_1297 = tpu.memref_slice %arg12[%sub3A_1277, %dma_wait3A_1296] : memref<100x128xf32, #tpu.memory_space<vmem_shared>> -> memref<1x128xf32, #tpu.memory_space<vmem_shared>>
              tpu.wait_dma2 semaphore(%run_scoped3A : memref<!tpu.dma_semaphore, #tpu.memory_space<semaphore_mem>>) src(%dma_wait3A_1297 : memref<1x128xf32, #tpu.memory_space<vmem_shared>>) dst(%dma_wait3A_1295 : memref<1x128xf32, #tpu.memory_space<vmem>>)
              tpu.yield
            }) : () -> ()
          } else {
          }
        }
        %scan3A_1263 = arith.constant 16 : i32
      } else {
      }
      %slice3A_729 = vector.extract_strided_slice %scan3A_415 {offsets = [1], sizes = [1], strides = [1]} : vector<16xi32> to vector<1xi32>
      %squeeze3A_730 = vector.extract %slice3A_729[0] : i32 from vector<1xi32>
      %ge3A_731 = arith.constant 100000 : i32
      %ge3A_732 = arith.cmpi sge, %squeeze3A_730, %ge3A_731 : i32
      %convert_element_type3A_733 = arith.extui %ge3A_732 : i1 to i32
      %cond3A_734 = arith.constant 0 : i32
      %cond3A_735 = arith.cmpi ne, %convert_element_type3A_733, %cond3A_734 : i32
      scf.if %cond3A_735 {
        %scan3A_1258 = arith.constant 0 : i32
        %scan3A_1259 = arith.constant 0 : i32
        %scan3A_1260 = arith.constant 16 : i32
        %scan3A_1261 = arith.addi %scan3A_1259, %scan3A_1260 : i32
        %scan3A_1262 = arith.constant 1 : i32
        scf.for %scan3A_1264 = %scan3A_1259 to %scan3A_1261 step %scan3A_1262  : i32 {
          %mul3A_1265 = arith.constant 16 : i32
          %mul3A_1266 = arith.muli %scan3A_1264, %mul3A_1265 : i32
          %get3A_1267 = arith.index_cast %mul3A_1266 : i32 to index
          %get3A_1268 = tpu.vector_load %arg6[%get3A_1267] {strides = array<i32>} : memref<256xi32, #tpu.memory_space<vmem>>, vector<16xi32>,
          %get3A_1269 = vector.shape_cast %get3A_1268 : vector<16xi32> to vector<16xi32>
          %slice3A_1270 = vector.extract_strided_slice %get3A_1269 {offsets = [1], sizes = [1], strides = [1]} : vector<16xi32> to vector<1xi32>
          %squeeze3A_1271 = vector.extract %slice3A_1270[0] : i32 from vector<1xi32>
          %ge3A_1272 = arith.constant 100000 : i32
          %ge3A_1273 = arith.cmpi sge, %squeeze3A_1271, %ge3A_1272 : i32
          %convert_element_type3A_1274 = arith.extui %ge3A_1273 : i1 to i32
          %cond3A_1275 = arith.constant 0 : i32
          %cond3A_1276 = arith.cmpi ne, %convert_element_type3A_1274, %cond3A_1275 : i32
          scf.if %cond3A_1276 {
            %sub3A = arith.constant 100000 : i32
            %sub3A_1277 = arith.subi %squeeze3A_1271, %sub3A : i32
            %mul3A_1278 = arith.constant 16 : i32
            %mul3A_1279 = arith.muli %scan3A_1264, %mul3A_1278 : i32
            %add3A_1280 = arith.constant 1 : i32
            %add3A_1281 = arith.addi %mul3A_1279, %add3A_1280 : i32
            "tpu.region"() ({
              %run_scoped3A = tpu.sem_alloc : memref<!tpu.dma_semaphore, #tpu.memory_space<semaphore_mem>>
              %dma_start3A_1282 = arith.constant 0 : i32
              %dma_start3A_1283 = tpu.memref_slice %arg10[%add3A_1281, %dma_start3A_1282] : memref<256x128xf32, #tpu.memory_space<vmem>> -> memref<1x128xf32, #tpu.memory_space<vmem>>
              %dma_start3A_1284 = arith.constant 0 : i32
              %dma_start3A_1285 = tpu.memref_slice %arg12[%sub3A_1277, %dma_start3A_1284] : memref<100x128xf32, #tpu.memory_space<vmem_shared>> -> memref<1x128xf32, #tpu.memory_space<vmem_shared>>
              %dma_start3A_1286 = arith.constant 0 : i32
              %dma_start3A_1287 = tpu.memref_slice %arg10[%add3A_1281, %dma_start3A_1286] : memref<256x128xf32, #tpu.memory_space<vmem>> -> memref<1x128xf32, #tpu.memory_space<vmem>>
              %dma_start3A_1288 = arith.constant 0 : i32
              %dma_start3A_1289 = tpu.memref_slice %arg12[%sub3A_1277, %dma_start3A_1288] : memref<100x128xf32, #tpu.memory_space<vmem_shared>> -> memref<1x128xf32, #tpu.memory_space<vmem_shared>>
              tpu.enqueue_dma source(%dma_start3A_1289 : memref<1x128xf32, #tpu.memory_space<vmem_shared>>) target(%dma_start3A_1287 : memref<1x128xf32, #tpu.memory_space<vmem>>) target_semaphore(%run_scoped3A : memref<!tpu.dma_semaphore, #tpu.memory_space<semaphore_mem>>)
              %dma_wait3A_1290 = arith.constant 0 : i32
              %dma_wait3A_1291 = tpu.memref_slice %arg10[%add3A_1281, %dma_wait3A_1290] : memref<256x128xf32, #tpu.memory_space<vmem>> -> memref<1x128xf32, #tpu.memory_space<vmem>>
              %dma_wait3A_1292 = arith.constant 0 : i32
              %dma_wait3A_1293 = tpu.memref_slice %arg12[%sub3A_1277, %dma_wait3A_1292] : memref<100x128xf32, #tpu.memory_space<vmem_shared>> -> memref<1x128xf32, #tpu.memory_space<vmem_shared>>
              %dma_wait3A_1294 = arith.constant 0 : i32
              %dma_wait3A_1295 = tpu.memref_slice %arg10[%add3A_1281, %dma_wait3A_1294] : memref<256x128xf32, #tpu.memory_space<vmem>> -> memref<1x128xf32, #tpu.memory_space<vmem>>
              %dma_wait3A_1296 = arith.constant 0 : i32
              %dma_wait3A_1297 = tpu.memref_slice %arg12[%sub3A_1277, %dma_wait3A_1296] : memref<100x128xf32, #tpu.memory_space<vmem_shared>> -> memref<1x128xf32, #tpu.memory_space<vmem_shared>>
              tpu.wait_dma2 semaphore(%run_scoped3A : memref<!tpu.dma_semaphore, #tpu.memory_space<semaphore_mem>>) src(%dma_wait3A_1297 : memref<1x128xf32, #tpu.memory_space<vmem_shared>>) dst(%dma_wait3A_1295 : memref<1x128xf32, #tpu.memory_space<vmem>>)
              tpu.yield
            }) : () -> ()
          } else {
          }
        }
        %scan3A_1263 = arith.constant 16 : i32
      } else {
      }
      %slice3A_736 = vector.extract_strided_slice %scan3A_415 {offsets = [2], sizes = [1], strides = [1]} : vector<16xi32> to vector<1xi32>
      %squeeze3A_737 = vector.extract %slice3A_736[0] : i32 from vector<1xi32>
      %ge3A_738 = arith.constant 100000 : i32
      %ge3A_739 = arith.cmpi sge, %squeeze3A_737, %ge3A_738 : i32
      %convert_element_type3A_740 = arith.extui %ge3A_739 : i1 to i32
      %cond3A_741 = arith.constant 0 : i32
      %cond3A_742 = arith.cmpi ne, %convert_element_type3A_740, %cond3A_741 : i32
      scf.if %cond3A_742 {
        %scan3A_1258 = arith.constant 0 : i32
        %scan3A_1259 = arith.constant 0 : i32
        %scan3A_1260 = arith.constant 16 : i32
        %scan3A_1261 = arith.addi %scan3A_1259, %scan3A_1260 : i32
        %scan3A_1262 = arith.constant 1 : i32
        scf.for %scan3A_1264 = %scan3A_1259 to %scan3A_1261 step %scan3A_1262  : i32 {
          %mul3A_1265 = arith.constant 16 : i32
          %mul3A_1266 = arith.muli %scan3A_1264, %mul3A_1265 : i32
          %get3A_1267 = arith.index_cast %mul3A_1266 : i32 to index
          %get3A_1268 = tpu.vector_load %arg6[%get3A_1267] {strides = array<i32>} : memref<256xi32, #tpu.memory_space<vmem>>, vector<16xi32>,
          %get3A_1269 = vector.shape_cast %get3A_1268 : vector<16xi32> to vector<16xi32>
          %slice3A_1270 = vector.extract_strided_slice %get3A_1269 {offsets = [2], sizes = [1], strides = [1]} : vector<16xi32> to vector<1xi32>
          %squeeze3A_1271 = vector.extract %slice3A_1270[0] : i32 from vector<1xi32>
          %ge3A_1272 = arith.constant 100000 : i32
          %ge3A_1273 = arith.cmpi sge, %squeeze3A_1271, %ge3A_1272 : i32
          %convert_element_type3A_1274 = arith.extui %ge3A_1273 : i1 to i32
          %cond3A_1275 = arith.constant 0 : i32
          %cond3A_1276 = arith.cmpi ne, %convert_element_type3A_1274, %cond3A_1275 : i32
          scf.if %cond3A_1276 {
            %sub3A = arith.constant 100000 : i32
            %sub3A_1277 = arith.subi %squeeze3A_1271, %sub3A : i32
            %mul3A_1278 = arith.constant 16 : i32
            %mul3A_1279 = arith.muli %scan3A_1264, %mul3A_1278 : i32
            %add3A_1280 = arith.constant 2 : i32
            %add3A_1281 = arith.addi %mul3A_1279, %add3A_1280 : i32
            "tpu.region"() ({
              %run_scoped3A = tpu.sem_alloc : memref<!tpu.dma_semaphore, #tpu.memory_space<semaphore_mem>>
              %dma_start3A_1282 = arith.constant 0 : i32
              %dma_start3A_1283 = tpu.memref_slice %arg10[%add3A_1281, %dma_start3A_1282] : memref<256x128xf32, #tpu.memory_space<vmem>> -> memref<1x128xf32, #tpu.memory_space<vmem>>
              %dma_start3A_1284 = arith.constant 0 : i32
              %dma_start3A_1285 = tpu.memref_slice %arg12[%sub3A_1277, %dma_start3A_1284] : memref<100x128xf32, #tpu.memory_space<vmem_shared>> -> memref<1x128xf32, #tpu.memory_space<vmem_shared>>
              %dma_start3A_1286 = arith.constant 0 : i32
              %dma_start3A_1287 = tpu.memref_slice %arg10[%add3A_1281, %dma_start3A_1286] : memref<256x128xf32, #tpu.memory_space<vmem>> -> memref<1x128xf32, #tpu.memory_space<vmem>>
              %dma_start3A_1288 = arith.constant 0 : i32
              %dma_start3A_1289 = tpu.memref_slice %arg12[%sub3A_1277, %dma_start3A_1288] : memref<100x128xf32, #tpu.memory_space<vmem_shared>> -> memref<1x128xf32, #tpu.memory_space<vmem_shared>>
              tpu.enqueue_dma source(%dma_start3A_1289 : memref<1x128xf32, #tpu.memory_space<vmem_shared>>) target(%dma_start3A_1287 : memref<1x128xf32, #tpu.memory_space<vmem>>) target_semaphore(%run_scoped3A : memref<!tpu.dma_semaphore, #tpu.memory_space<semaphore_mem>>)
              %dma_wait3A_1290 = arith.constant 0 : i32
              %dma_wait3A_1291 = tpu.memref_slice %arg10[%add3A_1281, %dma_wait3A_1290] : memref<256x128xf32, #tpu.memory_space<vmem>> -> memref<1x128xf32, #tpu.memory_space<vmem>>
              %dma_wait3A_1292 = arith.constant 0 : i32
              %dma_wait3A_1293 = tpu.memref_slice %arg12[%sub3A_1277, %dma_wait3A_1292] : memref<100x128xf32, #tpu.memory_space<vmem_shared>> -> memref<1x128xf32, #tpu.memory_space<vmem_shared>>
              %dma_wait3A_1294 = arith.constant 0 : i32
              %dma_wait3A_1295 = tpu.memref_slice %arg10[%add3A_1281, %dma_wait3A_1294] : memref<256x128xf32, #tpu.memory_space<vmem>> -> memref<1x128xf32, #tpu.memory_space<vmem>>
              %dma_wait3A_1296 = arith.constant 0 : i32
              %dma_wait3A_1297 = tpu.memref_slice %arg12[%sub3A_1277, %dma_wait3A_1296] : memref<100x128xf32, #tpu.memory_space<vmem_shared>> -> memref<1x128xf32, #tpu.memory_space<vmem_shared>>
              tpu.wait_dma2 semaphore(%run_scoped3A : memref<!tpu.dma_semaphore, #tpu.memory_space<semaphore_mem>>) src(%dma_wait3A_1297 : memref<1x128xf32, #tpu.memory_space<vmem_shared>>) dst(%dma_wait3A_1295 : memref<1x128xf32, #tpu.memory_space<vmem>>)
              tpu.yield
            }) : () -> ()
          } else {
          }
        }
        %scan3A_1263 = arith.constant 16 : i32
      } else {
      }
      %slice3A_743 = vector.extract_strided_slice %scan3A_415 {offsets = [3], sizes = [1], strides = [1]} : vector<16xi32> to vector<1xi32>
      %squeeze3A_744 = vector.extract %slice3A_743[0] : i32 from vector<1xi32>
      %ge3A_745 = arith.constant 100000 : i32
      %ge3A_746 = arith.cmpi sge, %squeeze3A_744, %ge3A_745 : i32
      %convert_element_type3A_747 = arith.extui %ge3A_746 : i1 to i32
      %cond3A_748 = arith.constant 0 : i32
      %cond3A_749 = arith.cmpi ne, %convert_element_type3A_747, %cond3A_748 : i32
      scf.if %cond3A_749 {
        %scan3A_1258 = arith.constant 0 : i32
        %scan3A_1259 = arith.constant 0 : i32
        %scan3A_1260 = arith.constant 16 : i32
        %scan3A_1261 = arith.addi %scan3A_1259, %scan3A_1260 : i32
        %scan3A_1262 = arith.constant 1 : i32
        scf.for %scan3A_1264 = %scan3A_1259 to %scan3A_1261 step %scan3A_1262  : i32 {
          %mul3A_1265 = arith.constant 16 : i32
          %mul3A_1266 = arith.muli %scan3A_1264, %mul3A_1265 : i32
          %get3A_1267 = arith.index_cast %mul3A_1266 : i32 to index
          %get3A_1268 = tpu.vector_load %arg6[%get3A_1267] {strides = array<i32>} : memref<256xi32, #tpu.memory_space<vmem>>, vector<16xi32>,
          %get3A_1269 = vector.shape_cast %get3A_1268 : vector<16xi32> to vector<16xi32>
          %slice3A_1270 = vector.extract_strided_slice %get3A_1269 {offsets = [3], sizes = [1], strides = [1]} : vector<16xi32> to vector<1xi32>
          %squeeze3A_1271 = vector.extract %slice3A_1270[0] : i32 from vector<1xi32>
          %ge3A_1272 = arith.constant 100000 : i32
          %ge3A_1273 = arith.cmpi sge, %squeeze3A_1271, %ge3A_1272 : i32
          %convert_element_type3A_1274 = arith.extui %ge3A_1273 : i1 to i32
          %cond3A_1275 = arith.constant 0 : i32
          %cond3A_1276 = arith.cmpi ne, %convert_element_type3A_1274, %cond3A_1275 : i32
          scf.if %cond3A_1276 {
            %sub3A = arith.constant 100000 : i32
            %sub3A_1277 = arith.subi %squeeze3A_1271, %sub3A : i32
            %mul3A_1278 = arith.constant 16 : i32
            %mul3A_1279 = arith.muli %scan3A_1264, %mul3A_1278 : i32
            %add3A_1280 = arith.constant 3 : i32
            %add3A_1281 = arith.addi %mul3A_1279, %add3A_1280 : i32
            "tpu.region"() ({
              %run_scoped3A = tpu.sem_alloc : memref<!tpu.dma_semaphore, #tpu.memory_space<semaphore_mem>>
              %dma_start3A_1282 = arith.constant 0 : i32
              %dma_start3A_1283 = tpu.memref_slice %arg10[%add3A_1281, %dma_start3A_1282] : memref<256x128xf32, #tpu.memory_space<vmem>> -> memref<1x128xf32, #tpu.memory_space<vmem>>
              %dma_start3A_1284 = arith.constant 0 : i32
              %dma_start3A_1285 = tpu.memref_slice %arg12[%sub3A_1277, %dma_start3A_1284] : memref<100x128xf32, #tpu.memory_space<vmem_shared>> -> memref<1x128xf32, #tpu.memory_space<vmem_shared>>
              %dma_start3A_1286 = arith.constant 0 : i32
              %dma_start3A_1287 = tpu.memref_slice %arg10[%add3A_1281, %dma_start3A_1286] : memref<256x128xf32, #tpu.memory_space<vmem>> -> memref<1x128xf32, #tpu.memory_space<vmem>>
              %dma_start3A_1288 = arith.constant 0 : i32
              %dma_start3A_1289 = tpu.memref_slice %arg12[%sub3A_1277, %dma_start3A_1288] : memref<100x128xf32, #tpu.memory_space<vmem_shared>> -> memref<1x128xf32, #tpu.memory_space<vmem_shared>>
              tpu.enqueue_dma source(%dma_start3A_1289 : memref<1x128xf32, #tpu.memory_space<vmem_shared>>) target(%dma_start3A_1287 : memref<1x128xf32, #tpu.memory_space<vmem>>) target_semaphore(%run_scoped3A : memref<!tpu.dma_semaphore, #tpu.memory_space<semaphore_mem>>)
              %dma_wait3A_1290 = arith.constant 0 : i32
              %dma_wait3A_1291 = tpu.memref_slice %arg10[%add3A_1281, %dma_wait3A_1290] : memref<256x128xf32, #tpu.memory_space<vmem>> -> memref<1x128xf32, #tpu.memory_space<vmem>>
              %dma_wait3A_1292 = arith.constant 0 : i32
              %dma_wait3A_1293 = tpu.memref_slice %arg12[%sub3A_1277, %dma_wait3A_1292] : memref<100x128xf32, #tpu.memory_space<vmem_shared>> -> memref<1x128xf32, #tpu.memory_space<vmem_shared>>
              %dma_wait3A_1294 = arith.constant 0 : i32
              %dma_wait3A_1295 = tpu.memref_slice %arg10[%add3A_1281, %dma_wait3A_1294] : memref<256x128xf32, #tpu.memory_space<vmem>> -> memref<1x128xf32, #tpu.memory_space<vmem>>
              %dma_wait3A_1296 = arith.constant 0 : i32
              %dma_wait3A_1297 = tpu.memref_slice %arg12[%sub3A_1277, %dma_wait3A_1296] : memref<100x128xf32, #tpu.memory_space<vmem_shared>> -> memref<1x128xf32, #tpu.memory_space<vmem_shared>>
              tpu.wait_dma2 semaphore(%run_scoped3A : memref<!tpu.dma_semaphore, #tpu.memory_space<semaphore_mem>>) src(%dma_wait3A_1297 : memref<1x128xf32, #tpu.memory_space<vmem_shared>>) dst(%dma_wait3A_1295 : memref<1x128xf32, #tpu.memory_space<vmem>>)
              tpu.yield
            }) : () -> ()
          } else {
          }
        }
        %scan3A_1263 = arith.constant 16 : i32
      } else {
      }
      %slice3A_750 = vector.extract_strided_slice %scan3A_415 {offsets = [4], sizes = [1], strides = [1]} : vector<16xi32> to vector<1xi32>
      %squeeze3A_751 = vector.extract %slice3A_750[0] : i32 from vector<1xi32>
      %ge3A_752 = arith.constant 100000 : i32
      %ge3A_753 = arith.cmpi sge, %squeeze3A_751, %ge3A_752 : i32
      %convert_element_type3A_754 = arith.extui %ge3A_753 : i1 to i32
      %cond3A_755 = arith.constant 0 : i32
      %cond3A_756 = arith.cmpi ne, %convert_element_type3A_754, %cond3A_755 : i32
      scf.if %cond3A_756 {
        %scan3A_1258 = arith.constant 0 : i32
        %scan3A_1259 = arith.constant 0 : i32
        %scan3A_1260 = arith.constant 16 : i32
        %scan3A_1261 = arith.addi %scan3A_1259, %scan3A_1260 : i32
        %scan3A_1262 = arith.constant 1 : i32
        scf.for %scan3A_1264 = %scan3A_1259 to %scan3A_1261 step %scan3A_1262  : i32 {
          %mul3A_1265 = arith.constant 16 : i32
          %mul3A_1266 = arith.muli %scan3A_1264, %mul3A_1265 : i32
          %get3A_1267 = arith.index_cast %mul3A_1266 : i32 to index
          %get3A_1268 = tpu.vector_load %arg6[%get3A_1267] {strides = array<i32>} : memref<256xi32, #tpu.memory_space<vmem>>, vector<16xi32>,
          %get3A_1269 = vector.shape_cast %get3A_1268 : vector<16xi32> to vector<16xi32>
          %slice3A_1270 = vector.extract_strided_slice %get3A_1269 {offsets = [4], sizes = [1], strides = [1]} : vector<16xi32> to vector<1xi32>
          %squeeze3A_1271 = vector.extract %slice3A_1270[0] : i32 from vector<1xi32>
          %ge3A_1272 = arith.constant 100000 : i32
          %ge3A_1273 = arith.cmpi sge, %squeeze3A_1271, %ge3A_1272 : i32
          %convert_element_type3A_1274 = arith.extui %ge3A_1273 : i1 to i32
          %cond3A_1275 = arith.constant 0 : i32
          %cond3A_1276 = arith.cmpi ne, %convert_element_type3A_1274, %cond3A_1275 : i32
          scf.if %cond3A_1276 {
            %sub3A = arith.constant 100000 : i32
            %sub3A_1277 = arith.subi %squeeze3A_1271, %sub3A : i32
            %mul3A_1278 = arith.constant 16 : i32
            %mul3A_1279 = arith.muli %scan3A_1264, %mul3A_1278 : i32
            %add3A_1280 = arith.constant 4 : i32
            %add3A_1281 = arith.addi %mul3A_1279, %add3A_1280 : i32
            "tpu.region"() ({
              %run_scoped3A = tpu.sem_alloc : memref<!tpu.dma_semaphore, #tpu.memory_space<semaphore_mem>>
              %dma_start3A_1282 = arith.constant 0 : i32
              %dma_start3A_1283 = tpu.memref_slice %arg10[%add3A_1281, %dma_start3A_1282] : memref<256x128xf32, #tpu.memory_space<vmem>> -> memref<1x128xf32, #tpu.memory_space<vmem>>
              %dma_start3A_1284 = arith.constant 0 : i32
              %dma_start3A_1285 = tpu.memref_slice %arg12[%sub3A_1277, %dma_start3A_1284] : memref<100x128xf32, #tpu.memory_space<vmem_shared>> -> memref<1x128xf32, #tpu.memory_space<vmem_shared>>
              %dma_start3A_1286 = arith.constant 0 : i32
              %dma_start3A_1287 = tpu.memref_slice %arg10[%add3A_1281, %dma_start3A_1286] : memref<256x128xf32, #tpu.memory_space<vmem>> -> memref<1x128xf32, #tpu.memory_space<vmem>>
              %dma_start3A_1288 = arith.constant 0 : i32
              %dma_start3A_1289 = tpu.memref_slice %arg12[%sub3A_1277, %dma_start3A_1288] : memref<100x128xf32, #tpu.memory_space<vmem_shared>> -> memref<1x128xf32, #tpu.memory_space<vmem_shared>>
              tpu.enqueue_dma source(%dma_start3A_1289 : memref<1x128xf32, #tpu.memory_space<vmem_shared>>) target(%dma_start3A_1287 : memref<1x128xf32, #tpu.memory_space<vmem>>) target_semaphore(%run_scoped3A : memref<!tpu.dma_semaphore, #tpu.memory_space<semaphore_mem>>)
              %dma_wait3A_1290 = arith.constant 0 : i32
              %dma_wait3A_1291 = tpu.memref_slice %arg10[%add3A_1281, %dma_wait3A_1290] : memref<256x128xf32, #tpu.memory_space<vmem>> -> memref<1x128xf32, #tpu.memory_space<vmem>>
              %dma_wait3A_1292 = arith.constant 0 : i32
              %dma_wait3A_1293 = tpu.memref_slice %arg12[%sub3A_1277, %dma_wait3A_1292] : memref<100x128xf32, #tpu.memory_space<vmem_shared>> -> memref<1x128xf32, #tpu.memory_space<vmem_shared>>
              %dma_wait3A_1294 = arith.constant 0 : i32
              %dma_wait3A_1295 = tpu.memref_slice %arg10[%add3A_1281, %dma_wait3A_1294] : memref<256x128xf32, #tpu.memory_space<vmem>> -> memref<1x128xf32, #tpu.memory_space<vmem>>
              %dma_wait3A_1296 = arith.constant 0 : i32
              %dma_wait3A_1297 = tpu.memref_slice %arg12[%sub3A_1277, %dma_wait3A_1296] : memref<100x128xf32, #tpu.memory_space<vmem_shared>> -> memref<1x128xf32, #tpu.memory_space<vmem_shared>>
              tpu.wait_dma2 semaphore(%run_scoped3A : memref<!tpu.dma_semaphore, #tpu.memory_space<semaphore_mem>>) src(%dma_wait3A_1297 : memref<1x128xf32, #tpu.memory_space<vmem_shared>>) dst(%dma_wait3A_1295 : memref<1x128xf32, #tpu.memory_space<vmem>>)
              tpu.yield
            }) : () -> ()
          } else {
          }
        }
        %scan3A_1263 = arith.constant 16 : i32
      } else {
      }
      %slice3A_757 = vector.extract_strided_slice %scan3A_415 {offsets = [5], sizes = [1], strides = [1]} : vector<16xi32> to vector<1xi32>
      %squeeze3A_758 = vector.extract %slice3A_757[0] : i32 from vector<1xi32>
      %ge3A_759 = arith.constant 100000 : i32
      %ge3A_760 = arith.cmpi sge, %squeeze3A_758, %ge3A_759 : i32
      %convert_element_type3A_761 = arith.extui %ge3A_760 : i1 to i32
      %cond3A_762 = arith.constant 0 : i32
      %cond3A_763 = arith.cmpi ne, %convert_element_type3A_761, %cond3A_762 : i32
      scf.if %cond3A_763 {
        %scan3A_1258 = arith.constant 0 : i32
        %scan3A_1259 = arith.constant 0 : i32
        %scan3A_1260 = arith.constant 16 : i32
        %scan3A_1261 = arith.addi %scan3A_1259, %scan3A_1260 : i32
        %scan3A_1262 = arith.constant 1 : i32
        scf.for %scan3A_1264 = %scan3A_1259 to %scan3A_1261 step %scan3A_1262  : i32 {
          %mul3A_1265 = arith.constant 16 : i32
          %mul3A_1266 = arith.muli %scan3A_1264, %mul3A_1265 : i32
          %get3A_1267 = arith.index_cast %mul3A_1266 : i32 to index
          %get3A_1268 = tpu.vector_load %arg6[%get3A_1267] {strides = array<i32>} : memref<256xi32, #tpu.memory_space<vmem>>, vector<16xi32>,
          %get3A_1269 = vector.shape_cast %get3A_1268 : vector<16xi32> to vector<16xi32>
          %slice3A_1270 = vector.extract_strided_slice %get3A_1269 {offsets = [5], sizes = [1], strides = [1]} : vector<16xi32> to vector<1xi32>
          %squeeze3A_1271 = vector.extract %slice3A_1270[0] : i32 from vector<1xi32>
          %ge3A_1272 = arith.constant 100000 : i32
          %ge3A_1273 = arith.cmpi sge, %squeeze3A_1271, %ge3A_1272 : i32
          %convert_element_type3A_1274 = arith.extui %ge3A_1273 : i1 to i32
          %cond3A_1275 = arith.constant 0 : i32
          %cond3A_1276 = arith.cmpi ne, %convert_element_type3A_1274, %cond3A_1275 : i32
          scf.if %cond3A_1276 {
            %sub3A = arith.constant 100000 : i32
            %sub3A_1277 = arith.subi %squeeze3A_1271, %sub3A : i32
            %mul3A_1278 = arith.constant 16 : i32
            %mul3A_1279 = arith.muli %scan3A_1264, %mul3A_1278 : i32
            %add3A_1280 = arith.constant 5 : i32
            %add3A_1281 = arith.addi %mul3A_1279, %add3A_1280 : i32
            "tpu.region"() ({
              %run_scoped3A = tpu.sem_alloc : memref<!tpu.dma_semaphore, #tpu.memory_space<semaphore_mem>>
              %dma_start3A_1282 = arith.constant 0 : i32
              %dma_start3A_1283 = tpu.memref_slice %arg10[%add3A_1281, %dma_start3A_1282] : memref<256x128xf32, #tpu.memory_space<vmem>> -> memref<1x128xf32, #tpu.memory_space<vmem>>
              %dma_start3A_1284 = arith.constant 0 : i32
              %dma_start3A_1285 = tpu.memref_slice %arg12[%sub3A_1277, %dma_start3A_1284] : memref<100x128xf32, #tpu.memory_space<vmem_shared>> -> memref<1x128xf32, #tpu.memory_space<vmem_shared>>
              %dma_start3A_1286 = arith.constant 0 : i32
              %dma_start3A_1287 = tpu.memref_slice %arg10[%add3A_1281, %dma_start3A_1286] : memref<256x128xf32, #tpu.memory_space<vmem>> -> memref<1x128xf32, #tpu.memory_space<vmem>>
              %dma_start3A_1288 = arith.constant 0 : i32
              %dma_start3A_1289 = tpu.memref_slice %arg12[%sub3A_1277, %dma_start3A_1288] : memref<100x128xf32, #tpu.memory_space<vmem_shared>> -> memref<1x128xf32, #tpu.memory_space<vmem_shared>>
              tpu.enqueue_dma source(%dma_start3A_1289 : memref<1x128xf32, #tpu.memory_space<vmem_shared>>) target(%dma_start3A_1287 : memref<1x128xf32, #tpu.memory_space<vmem>>) target_semaphore(%run_scoped3A : memref<!tpu.dma_semaphore, #tpu.memory_space<semaphore_mem>>)
              %dma_wait3A_1290 = arith.constant 0 : i32
              %dma_wait3A_1291 = tpu.memref_slice %arg10[%add3A_1281, %dma_wait3A_1290] : memref<256x128xf32, #tpu.memory_space<vmem>> -> memref<1x128xf32, #tpu.memory_space<vmem>>
              %dma_wait3A_1292 = arith.constant 0 : i32
              %dma_wait3A_1293 = tpu.memref_slice %arg12[%sub3A_1277, %dma_wait3A_1292] : memref<100x128xf32, #tpu.memory_space<vmem_shared>> -> memref<1x128xf32, #tpu.memory_space<vmem_shared>>
              %dma_wait3A_1294 = arith.constant 0 : i32
              %dma_wait3A_1295 = tpu.memref_slice %arg10[%add3A_1281, %dma_wait3A_1294] : memref<256x128xf32, #tpu.memory_space<vmem>> -> memref<1x128xf32, #tpu.memory_space<vmem>>
              %dma_wait3A_1296 = arith.constant 0 : i32
              %dma_wait3A_1297 = tpu.memref_slice %arg12[%sub3A_1277, %dma_wait3A_1296] : memref<100x128xf32, #tpu.memory_space<vmem_shared>> -> memref<1x128xf32, #tpu.memory_space<vmem_shared>>
              tpu.wait_dma2 semaphore(%run_scoped3A : memref<!tpu.dma_semaphore, #tpu.memory_space<semaphore_mem>>) src(%dma_wait3A_1297 : memref<1x128xf32, #tpu.memory_space<vmem_shared>>) dst(%dma_wait3A_1295 : memref<1x128xf32, #tpu.memory_space<vmem>>)
              tpu.yield
            }) : () -> ()
          } else {
          }
        }
        %scan3A_1263 = arith.constant 16 : i32
      } else {
      }
      %slice3A_764 = vector.extract_strided_slice %scan3A_415 {offsets = [6], sizes = [1], strides = [1]} : vector<16xi32> to vector<1xi32>
      %squeeze3A_765 = vector.extract %slice3A_764[0] : i32 from vector<1xi32>
      %ge3A_766 = arith.constant 100000 : i32
      %ge3A_767 = arith.cmpi sge, %squeeze3A_765, %ge3A_766 : i32
      %convert_element_type3A_768 = arith.extui %ge3A_767 : i1 to i32
      %cond3A_769 = arith.constant 0 : i32
      %cond3A_770 = arith.cmpi ne, %convert_element_type3A_768, %cond3A_769 : i32
      scf.if %cond3A_770 {
        %scan3A_1258 = arith.constant 0 : i32
        %scan3A_1259 = arith.constant 0 : i32
        %scan3A_1260 = arith.constant 16 : i32
        %scan3A_1261 = arith.addi %scan3A_1259, %scan3A_1260 : i32
        %scan3A_1262 = arith.constant 1 : i32
        scf.for %scan3A_1264 = %scan3A_1259 to %scan3A_1261 step %scan3A_1262  : i32 {
          %mul3A_1265 = arith.constant 16 : i32
          %mul3A_1266 = arith.muli %scan3A_1264, %mul3A_1265 : i32
          %get3A_1267 = arith.index_cast %mul3A_1266 : i32 to index
          %get3A_1268 = tpu.vector_load %arg6[%get3A_1267] {strides = array<i32>} : memref<256xi32, #tpu.memory_space<vmem>>, vector<16xi32>,
          %get3A_1269 = vector.shape_cast %get3A_1268 : vector<16xi32> to vector<16xi32>
          %slice3A_1270 = vector.extract_strided_slice %get3A_1269 {offsets = [6], sizes = [1], strides = [1]} : vector<16xi32> to vector<1xi32>
          %squeeze3A_1271 = vector.extract %slice3A_1270[0] : i32 from vector<1xi32>
          %ge3A_1272 = arith.constant 100000 : i32
          %ge3A_1273 = arith.cmpi sge, %squeeze3A_1271, %ge3A_1272 : i32
          %convert_element_type3A_1274 = arith.extui %ge3A_1273 : i1 to i32
          %cond3A_1275 = arith.constant 0 : i32
          %cond3A_1276 = arith.cmpi ne, %convert_element_type3A_1274, %cond3A_1275 : i32
          scf.if %cond3A_1276 {
            %sub3A = arith.constant 100000 : i32
            %sub3A_1277 = arith.subi %squeeze3A_1271, %sub3A : i32
            %mul3A_1278 = arith.constant 16 : i32
            %mul3A_1279 = arith.muli %scan3A_1264, %mul3A_1278 : i32
            %add3A_1280 = arith.constant 6 : i32
            %add3A_1281 = arith.addi %mul3A_1279, %add3A_1280 : i32
            "tpu.region"() ({
              %run_scoped3A = tpu.sem_alloc : memref<!tpu.dma_semaphore, #tpu.memory_space<semaphore_mem>>
              %dma_start3A_1282 = arith.constant 0 : i32
              %dma_start3A_1283 = tpu.memref_slice %arg10[%add3A_1281, %dma_start3A_1282] : memref<256x128xf32, #tpu.memory_space<vmem>> -> memref<1x128xf32, #tpu.memory_space<vmem>>
              %dma_start3A_1284 = arith.constant 0 : i32
              %dma_start3A_1285 = tpu.memref_slice %arg12[%sub3A_1277, %dma_start3A_1284] : memref<100x128xf32, #tpu.memory_space<vmem_shared>> -> memref<1x128xf32, #tpu.memory_space<vmem_shared>>
              %dma_start3A_1286 = arith.constant 0 : i32
              %dma_start3A_1287 = tpu.memref_slice %arg10[%add3A_1281, %dma_start3A_1286] : memref<256x128xf32, #tpu.memory_space<vmem>> -> memref<1x128xf32, #tpu.memory_space<vmem>>
              %dma_start3A_1288 = arith.constant 0 : i32
              %dma_start3A_1289 = tpu.memref_slice %arg12[%sub3A_1277, %dma_start3A_1288] : memref<100x128xf32, #tpu.memory_space<vmem_shared>> -> memref<1x128xf32, #tpu.memory_space<vmem_shared>>
              tpu.enqueue_dma source(%dma_start3A_1289 : memref<1x128xf32, #tpu.memory_space<vmem_shared>>) target(%dma_start3A_1287 : memref<1x128xf32, #tpu.memory_space<vmem>>) target_semaphore(%run_scoped3A : memref<!tpu.dma_semaphore, #tpu.memory_space<semaphore_mem>>)
              %dma_wait3A_1290 = arith.constant 0 : i32
              %dma_wait3A_1291 = tpu.memref_slice %arg10[%add3A_1281, %dma_wait3A_1290] : memref<256x128xf32, #tpu.memory_space<vmem>> -> memref<1x128xf32, #tpu.memory_space<vmem>>
              %dma_wait3A_1292 = arith.constant 0 : i32
              %dma_wait3A_1293 = tpu.memref_slice %arg12[%sub3A_1277, %dma_wait3A_1292] : memref<100x128xf32, #tpu.memory_space<vmem_shared>> -> memref<1x128xf32, #tpu.memory_space<vmem_shared>>
              %dma_wait3A_1294 = arith.constant 0 : i32
              %dma_wait3A_1295 = tpu.memref_slice %arg10[%add3A_1281, %dma_wait3A_1294] : memref<256x128xf32, #tpu.memory_space<vmem>> -> memref<1x128xf32, #tpu.memory_space<vmem>>
              %dma_wait3A_1296 = arith.constant 0 : i32
              %dma_wait3A_1297 = tpu.memref_slice %arg12[%sub3A_1277, %dma_wait3A_1296] : memref<100x128xf32, #tpu.memory_space<vmem_shared>> -> memref<1x128xf32, #tpu.memory_space<vmem_shared>>
              tpu.wait_dma2 semaphore(%run_scoped3A : memref<!tpu.dma_semaphore, #tpu.memory_space<semaphore_mem>>) src(%dma_wait3A_1297 : memref<1x128xf32, #tpu.memory_space<vmem_shared>>) dst(%dma_wait3A_1295 : memref<1x128xf32, #tpu.memory_space<vmem>>)
              tpu.yield
            }) : () -> ()
          } else {
          }
        }
        %scan3A_1263 = arith.constant 16 : i32
      } else {
      }
      %slice3A_771 = vector.extract_strided_slice %scan3A_415 {offsets = [7], sizes = [1], strides = [1]} : vector<16xi32> to vector<1xi32>
      %squeeze3A_772 = vector.extract %slice3A_771[0] : i32 from vector<1xi32>
      %ge3A_773 = arith.constant 100000 : i32
      %ge3A_774 = arith.cmpi sge, %squeeze3A_772, %ge3A_773 : i32
      %convert_element_type3A_775 = arith.extui %ge3A_774 : i1 to i32
      %cond3A_776 = arith.constant 0 : i32
      %cond3A_777 = arith.cmpi ne, %convert_element_type3A_775, %cond3A_776 : i32
      scf.if %cond3A_777 {
        %scan3A_1258 = arith.constant 0 : i32
        %scan3A_1259 = arith.constant 0 : i32
        %scan3A_1260 = arith.constant 16 : i32
        %scan3A_1261 = arith.addi %scan3A_1259, %scan3A_1260 : i32
        %scan3A_1262 = arith.constant 1 : i32
        scf.for %scan3A_1264 = %scan3A_1259 to %scan3A_1261 step %scan3A_1262  : i32 {
          %mul3A_1265 = arith.constant 16 : i32
          %mul3A_1266 = arith.muli %scan3A_1264, %mul3A_1265 : i32
          %get3A_1267 = arith.index_cast %mul3A_1266 : i32 to index
          %get3A_1268 = tpu.vector_load %arg6[%get3A_1267] {strides = array<i32>} : memref<256xi32, #tpu.memory_space<vmem>>, vector<16xi32>,
          %get3A_1269 = vector.shape_cast %get3A_1268 : vector<16xi32> to vector<16xi32>
          %slice3A_1270 = vector.extract_strided_slice %get3A_1269 {offsets = [7], sizes = [1], strides = [1]} : vector<16xi32> to vector<1xi32>
          %squeeze3A_1271 = vector.extract %slice3A_1270[0] : i32 from vector<1xi32>
          %ge3A_1272 = arith.constant 100000 : i32
          %ge3A_1273 = arith.cmpi sge, %squeeze3A_1271, %ge3A_1272 : i32
          %convert_element_type3A_1274 = arith.extui %ge3A_1273 : i1 to i32
          %cond3A_1275 = arith.constant 0 : i32
          %cond3A_1276 = arith.cmpi ne, %convert_element_type3A_1274, %cond3A_1275 : i32
          scf.if %cond3A_1276 {
            %sub3A = arith.constant 100000 : i32
            %sub3A_1277 = arith.subi %squeeze3A_1271, %sub3A : i32
            %mul3A_1278 = arith.constant 16 : i32
            %mul3A_1279 = arith.muli %scan3A_1264, %mul3A_1278 : i32
            %add3A_1280 = arith.constant 7 : i32
            %add3A_1281 = arith.addi %mul3A_1279, %add3A_1280 : i32
            "tpu.region"() ({
              %run_scoped3A = tpu.sem_alloc : memref<!tpu.dma_semaphore, #tpu.memory_space<semaphore_mem>>
              %dma_start3A_1282 = arith.constant 0 : i32
              %dma_start3A_1283 = tpu.memref_slice %arg10[%add3A_1281, %dma_start3A_1282] : memref<256x128xf32, #tpu.memory_space<vmem>> -> memref<1x128xf32, #tpu.memory_space<vmem>>
              %dma_start3A_1284 = arith.constant 0 : i32
              %dma_start3A_1285 = tpu.memref_slice %arg12[%sub3A_1277, %dma_start3A_1284] : memref<100x128xf32, #tpu.memory_space<vmem_shared>> -> memref<1x128xf32, #tpu.memory_space<vmem_shared>>
              %dma_start3A_1286 = arith.constant 0 : i32
              %dma_start3A_1287 = tpu.memref_slice %arg10[%add3A_1281, %dma_start3A_1286] : memref<256x128xf32, #tpu.memory_space<vmem>> -> memref<1x128xf32, #tpu.memory_space<vmem>>
              %dma_start3A_1288 = arith.constant 0 : i32
              %dma_start3A_1289 = tpu.memref_slice %arg12[%sub3A_1277, %dma_start3A_1288] : memref<100x128xf32, #tpu.memory_space<vmem_shared>> -> memref<1x128xf32, #tpu.memory_space<vmem_shared>>
              tpu.enqueue_dma source(%dma_start3A_1289 : memref<1x128xf32, #tpu.memory_space<vmem_shared>>) target(%dma_start3A_1287 : memref<1x128xf32, #tpu.memory_space<vmem>>) target_semaphore(%run_scoped3A : memref<!tpu.dma_semaphore, #tpu.memory_space<semaphore_mem>>)
              %dma_wait3A_1290 = arith.constant 0 : i32
              %dma_wait3A_1291 = tpu.memref_slice %arg10[%add3A_1281, %dma_wait3A_1290] : memref<256x128xf32, #tpu.memory_space<vmem>> -> memref<1x128xf32, #tpu.memory_space<vmem>>
              %dma_wait3A_1292 = arith.constant 0 : i32
              %dma_wait3A_1293 = tpu.memref_slice %arg12[%sub3A_1277, %dma_wait3A_1292] : memref<100x128xf32, #tpu.memory_space<vmem_shared>> -> memref<1x128xf32, #tpu.memory_space<vmem_shared>>
              %dma_wait3A_1294 = arith.constant 0 : i32
              %dma_wait3A_1295 = tpu.memref_slice %arg10[%add3A_1281, %dma_wait3A_1294] : memref<256x128xf32, #tpu.memory_space<vmem>> -> memref<1x128xf32, #tpu.memory_space<vmem>>
              %dma_wait3A_1296 = arith.constant 0 : i32
              %dma_wait3A_1297 = tpu.memref_slice %arg12[%sub3A_1277, %dma_wait3A_1296] : memref<100x128xf32, #tpu.memory_space<vmem_shared>> -> memref<1x128xf32, #tpu.memory_space<vmem_shared>>
              tpu.wait_dma2 semaphore(%run_scoped3A : memref<!tpu.dma_semaphore, #tpu.memory_space<semaphore_mem>>) src(%dma_wait3A_1297 : memref<1x128xf32, #tpu.memory_space<vmem_shared>>) dst(%dma_wait3A_1295 : memref<1x128xf32, #tpu.memory_space<vmem>>)
              tpu.yield
            }) : () -> ()
          } else {
          }
        }
        %scan3A_1263 = arith.constant 16 : i32
      } else {
      }
      %slice3A_778 = vector.extract_strided_slice %scan3A_415 {offsets = [8], sizes = [1], strides = [1]} : vector<16xi32> to vector<1xi32>
      %squeeze3A_779 = vector.extract %slice3A_778[0] : i32 from vector<1xi32>
      %ge3A_780 = arith.constant 100000 : i32
      %ge3A_781 = arith.cmpi sge, %squeeze3A_779, %ge3A_780 : i32
      %convert_element_type3A_782 = arith.extui %ge3A_781 : i1 to i32
      %cond3A_783 = arith.constant 0 : i32
      %cond3A_784 = arith.cmpi ne, %convert_element_type3A_782, %cond3A_783 : i32
      scf.if %cond3A_784 {
        %scan3A_1258 = arith.constant 0 : i32
        %scan3A_1259 = arith.constant 0 : i32
        %scan3A_1260 = arith.constant 16 : i32
        %scan3A_1261 = arith.addi %scan3A_1259, %scan3A_1260 : i32
        %scan3A_1262 = arith.constant 1 : i32
        scf.for %scan3A_1264 = %scan3A_1259 to %scan3A_1261 step %scan3A_1262  : i32 {
          %mul3A_1265 = arith.constant 16 : i32
          %mul3A_1266 = arith.muli %scan3A_1264, %mul3A_1265 : i32
          %get3A_1267 = arith.index_cast %mul3A_1266 : i32 to index
          %get3A_1268 = tpu.vector_load %arg6[%get3A_1267] {strides = array<i32>} : memref<256xi32, #tpu.memory_space<vmem>>, vector<16xi32>,
          %get3A_1269 = vector.shape_cast %get3A_1268 : vector<16xi32> to vector<16xi32>
          %slice3A_1270 = vector.extract_strided_slice %get3A_1269 {offsets = [8], sizes = [1], strides = [1]} : vector<16xi32> to vector<1xi32>
          %squeeze3A_1271 = vector.extract %slice3A_1270[0] : i32 from vector<1xi32>
          %ge3A_1272 = arith.constant 100000 : i32
          %ge3A_1273 = arith.cmpi sge, %squeeze3A_1271, %ge3A_1272 : i32
          %convert_element_type3A_1274 = arith.extui %ge3A_1273 : i1 to i32
          %cond3A_1275 = arith.constant 0 : i32
          %cond3A_1276 = arith.cmpi ne, %convert_element_type3A_1274, %cond3A_1275 : i32
          scf.if %cond3A_1276 {
            %sub3A = arith.constant 100000 : i32
            %sub3A_1277 = arith.subi %squeeze3A_1271, %sub3A : i32
            %mul3A_1278 = arith.constant 16 : i32
            %mul3A_1279 = arith.muli %scan3A_1264, %mul3A_1278 : i32
            %add3A_1280 = arith.constant 8 : i32
            %add3A_1281 = arith.addi %mul3A_1279, %add3A_1280 : i32
            "tpu.region"() ({
              %run_scoped3A = tpu.sem_alloc : memref<!tpu.dma_semaphore, #tpu.memory_space<semaphore_mem>>
              %dma_start3A_1282 = arith.constant 0 : i32
              %dma_start3A_1283 = tpu.memref_slice %arg10[%add3A_1281, %dma_start3A_1282] : memref<256x128xf32, #tpu.memory_space<vmem>> -> memref<1x128xf32, #tpu.memory_space<vmem>>
              %dma_start3A_1284 = arith.constant 0 : i32
              %dma_start3A_1285 = tpu.memref_slice %arg12[%sub3A_1277, %dma_start3A_1284] : memref<100x128xf32, #tpu.memory_space<vmem_shared>> -> memref<1x128xf32, #tpu.memory_space<vmem_shared>>
              %dma_start3A_1286 = arith.constant 0 : i32
              %dma_start3A_1287 = tpu.memref_slice %arg10[%add3A_1281, %dma_start3A_1286] : memref<256x128xf32, #tpu.memory_space<vmem>> -> memref<1x128xf32, #tpu.memory_space<vmem>>
              %dma_start3A_1288 = arith.constant 0 : i32
              %dma_start3A_1289 = tpu.memref_slice %arg12[%sub3A_1277, %dma_start3A_1288] : memref<100x128xf32, #tpu.memory_space<vmem_shared>> -> memref<1x128xf32, #tpu.memory_space<vmem_shared>>
              tpu.enqueue_dma source(%dma_start3A_1289 : memref<1x128xf32, #tpu.memory_space<vmem_shared>>) target(%dma_start3A_1287 : memref<1x128xf32, #tpu.memory_space<vmem>>) target_semaphore(%run_scoped3A : memref<!tpu.dma_semaphore, #tpu.memory_space<semaphore_mem>>)
              %dma_wait3A_1290 = arith.constant 0 : i32
              %dma_wait3A_1291 = tpu.memref_slice %arg10[%add3A_1281, %dma_wait3A_1290] : memref<256x128xf32, #tpu.memory_space<vmem>> -> memref<1x128xf32, #tpu.memory_space<vmem>>
              %dma_wait3A_1292 = arith.constant 0 : i32
              %dma_wait3A_1293 = tpu.memref_slice %arg12[%sub3A_1277, %dma_wait3A_1292] : memref<100x128xf32, #tpu.memory_space<vmem_shared>> -> memref<1x128xf32, #tpu.memory_space<vmem_shared>>
              %dma_wait3A_1294 = arith.constant 0 : i32
              %dma_wait3A_1295 = tpu.memref_slice %arg10[%add3A_1281, %dma_wait3A_1294] : memref<256x128xf32, #tpu.memory_space<vmem>> -> memref<1x128xf32, #tpu.memory_space<vmem>>
              %dma_wait3A_1296 = arith.constant 0 : i32
              %dma_wait3A_1297 = tpu.memref_slice %arg12[%sub3A_1277, %dma_wait3A_1296] : memref<100x128xf32, #tpu.memory_space<vmem_shared>> -> memref<1x128xf32, #tpu.memory_space<vmem_shared>>
              tpu.wait_dma2 semaphore(%run_scoped3A : memref<!tpu.dma_semaphore, #tpu.memory_space<semaphore_mem>>) src(%dma_wait3A_1297 : memref<1x128xf32, #tpu.memory_space<vmem_shared>>) dst(%dma_wait3A_1295 : memref<1x128xf32, #tpu.memory_space<vmem>>)
              tpu.yield
            }) : () -> ()
          } else {
          }
        }
        %scan3A_1263 = arith.constant 16 : i32
      } else {
      }
      %slice3A_785 = vector.extract_strided_slice %scan3A_415 {offsets = [9], sizes = [1], strides = [1]} : vector<16xi32> to vector<1xi32>
      %squeeze3A_786 = vector.extract %slice3A_785[0] : i32 from vector<1xi32>
      %ge3A_787 = arith.constant 100000 : i32
      %ge3A_788 = arith.cmpi sge, %squeeze3A_786, %ge3A_787 : i32
      %convert_element_type3A_789 = arith.extui %ge3A_788 : i1 to i32
      %cond3A_790 = arith.constant 0 : i32
      %cond3A_791 = arith.cmpi ne, %convert_element_type3A_789, %cond3A_790 : i32
      scf.if %cond3A_791 {
        %scan3A_1258 = arith.constant 0 : i32
        %scan3A_1259 = arith.constant 0 : i32
        %scan3A_1260 = arith.constant 16 : i32
        %scan3A_1261 = arith.addi %scan3A_1259, %scan3A_1260 : i32
        %scan3A_1262 = arith.constant 1 : i32
        scf.for %scan3A_1264 = %scan3A_1259 to %scan3A_1261 step %scan3A_1262  : i32 {
          %mul3A_1265 = arith.constant 16 : i32
          %mul3A_1266 = arith.muli %scan3A_1264, %mul3A_1265 : i32
          %get3A_1267 = arith.index_cast %mul3A_1266 : i32 to index
          %get3A_1268 = tpu.vector_load %arg6[%get3A_1267] {strides = array<i32>} : memref<256xi32, #tpu.memory_space<vmem>>, vector<16xi32>,
          %get3A_1269 = vector.shape_cast %get3A_1268 : vector<16xi32> to vector<16xi32>
          %slice3A_1270 = vector.extract_strided_slice %get3A_1269 {offsets = [9], sizes = [1], strides = [1]} : vector<16xi32> to vector<1xi32>
          %squeeze3A_1271 = vector.extract %slice3A_1270[0] : i32 from vector<1xi32>
          %ge3A_1272 = arith.constant 100000 : i32
          %ge3A_1273 = arith.cmpi sge, %squeeze3A_1271, %ge3A_1272 : i32
          %convert_element_type3A_1274 = arith.extui %ge3A_1273 : i1 to i32
          %cond3A_1275 = arith.constant 0 : i32
          %cond3A_1276 = arith.cmpi ne, %convert_element_type3A_1274, %cond3A_1275 : i32
          scf.if %cond3A_1276 {
            %sub3A = arith.constant 100000 : i32
            %sub3A_1277 = arith.subi %squeeze3A_1271, %sub3A : i32
            %mul3A_1278 = arith.constant 16 : i32
            %mul3A_1279 = arith.muli %scan3A_1264, %mul3A_1278 : i32
            %add3A_1280 = arith.constant 9 : i32
            %add3A_1281 = arith.addi %mul3A_1279, %add3A_1280 : i32
            "tpu.region"() ({
              %run_scoped3A = tpu.sem_alloc : memref<!tpu.dma_semaphore, #tpu.memory_space<semaphore_mem>>
              %dma_start3A_1282 = arith.constant 0 : i32
              %dma_start3A_1283 = tpu.memref_slice %arg10[%add3A_1281, %dma_start3A_1282] : memref<256x128xf32, #tpu.memory_space<vmem>> -> memref<1x128xf32, #tpu.memory_space<vmem>>
              %dma_start3A_1284 = arith.constant 0 : i32
              %dma_start3A_1285 = tpu.memref_slice %arg12[%sub3A_1277, %dma_start3A_1284] : memref<100x128xf32, #tpu.memory_space<vmem_shared>> -> memref<1x128xf32, #tpu.memory_space<vmem_shared>>
              %dma_start3A_1286 = arith.constant 0 : i32
              %dma_start3A_1287 = tpu.memref_slice %arg10[%add3A_1281, %dma_start3A_1286] : memref<256x128xf32, #tpu.memory_space<vmem>> -> memref<1x128xf32, #tpu.memory_space<vmem>>
              %dma_start3A_1288 = arith.constant 0 : i32
              %dma_start3A_1289 = tpu.memref_slice %arg12[%sub3A_1277, %dma_start3A_1288] : memref<100x128xf32, #tpu.memory_space<vmem_shared>> -> memref<1x128xf32, #tpu.memory_space<vmem_shared>>
              tpu.enqueue_dma source(%dma_start3A_1289 : memref<1x128xf32, #tpu.memory_space<vmem_shared>>) target(%dma_start3A_1287 : memref<1x128xf32, #tpu.memory_space<vmem>>) target_semaphore(%run_scoped3A : memref<!tpu.dma_semaphore, #tpu.memory_space<semaphore_mem>>)
              %dma_wait3A_1290 = arith.constant 0 : i32
              %dma_wait3A_1291 = tpu.memref_slice %arg10[%add3A_1281, %dma_wait3A_1290] : memref<256x128xf32, #tpu.memory_space<vmem>> -> memref<1x128xf32, #tpu.memory_space<vmem>>
              %dma_wait3A_1292 = arith.constant 0 : i32
              %dma_wait3A_1293 = tpu.memref_slice %arg12[%sub3A_1277, %dma_wait3A_1292] : memref<100x128xf32, #tpu.memory_space<vmem_shared>> -> memref<1x128xf32, #tpu.memory_space<vmem_shared>>
              %dma_wait3A_1294 = arith.constant 0 : i32
              %dma_wait3A_1295 = tpu.memref_slice %arg10[%add3A_1281, %dma_wait3A_1294] : memref<256x128xf32, #tpu.memory_space<vmem>> -> memref<1x128xf32, #tpu.memory_space<vmem>>
              %dma_wait3A_1296 = arith.constant 0 : i32
              %dma_wait3A_1297 = tpu.memref_slice %arg12[%sub3A_1277, %dma_wait3A_1296] : memref<100x128xf32, #tpu.memory_space<vmem_shared>> -> memref<1x128xf32, #tpu.memory_space<vmem_shared>>
              tpu.wait_dma2 semaphore(%run_scoped3A : memref<!tpu.dma_semaphore, #tpu.memory_space<semaphore_mem>>) src(%dma_wait3A_1297 : memref<1x128xf32, #tpu.memory_space<vmem_shared>>) dst(%dma_wait3A_1295 : memref<1x128xf32, #tpu.memory_space<vmem>>)
              tpu.yield
            }) : () -> ()
          } else {
          }
        }
        %scan3A_1263 = arith.constant 16 : i32
      } else {
      }
      %slice3A_792 = vector.extract_strided_slice %scan3A_415 {offsets = [10], sizes = [1], strides = [1]} : vector<16xi32> to vector<1xi32>
      %squeeze3A_793 = vector.extract %slice3A_792[0] : i32 from vector<1xi32>
      %ge3A_794 = arith.constant 100000 : i32
      %ge3A_795 = arith.cmpi sge, %squeeze3A_793, %ge3A_794 : i32
      %convert_element_type3A_796 = arith.extui %ge3A_795 : i1 to i32
      %cond3A_797 = arith.constant 0 : i32
      %cond3A_798 = arith.cmpi ne, %convert_element_type3A_796, %cond3A_797 : i32
      scf.if %cond3A_798 {
        %scan3A_1258 = arith.constant 0 : i32
        %scan3A_1259 = arith.constant 0 : i32
        %scan3A_1260 = arith.constant 16 : i32
        %scan3A_1261 = arith.addi %scan3A_1259, %scan3A_1260 : i32
        %scan3A_1262 = arith.constant 1 : i32
        scf.for %scan3A_1264 = %scan3A_1259 to %scan3A_1261 step %scan3A_1262  : i32 {
          %mul3A_1265 = arith.constant 16 : i32
          %mul3A_1266 = arith.muli %scan3A_1264, %mul3A_1265 : i32
          %get3A_1267 = arith.index_cast %mul3A_1266 : i32 to index
          %get3A_1268 = tpu.vector_load %arg6[%get3A_1267] {strides = array<i32>} : memref<256xi32, #tpu.memory_space<vmem>>, vector<16xi32>,
          %get3A_1269 = vector.shape_cast %get3A_1268 : vector<16xi32> to vector<16xi32>
          %slice3A_1270 = vector.extract_strided_slice %get3A_1269 {offsets = [10], sizes = [1], strides = [1]} : vector<16xi32> to vector<1xi32>
          %squeeze3A_1271 = vector.extract %slice3A_1270[0] : i32 from vector<1xi32>
          %ge3A_1272 = arith.constant 100000 : i32
          %ge3A_1273 = arith.cmpi sge, %squeeze3A_1271, %ge3A_1272 : i32
          %convert_element_type3A_1274 = arith.extui %ge3A_1273 : i1 to i32
          %cond3A_1275 = arith.constant 0 : i32
          %cond3A_1276 = arith.cmpi ne, %convert_element_type3A_1274, %cond3A_1275 : i32
          scf.if %cond3A_1276 {
            %sub3A = arith.constant 100000 : i32
            %sub3A_1277 = arith.subi %squeeze3A_1271, %sub3A : i32
            %mul3A_1278 = arith.constant 16 : i32
            %mul3A_1279 = arith.muli %scan3A_1264, %mul3A_1278 : i32
            %add3A_1280 = arith.constant 10 : i32
            %add3A_1281 = arith.addi %mul3A_1279, %add3A_1280 : i32
            "tpu.region"() ({
              %run_scoped3A = tpu.sem_alloc : memref<!tpu.dma_semaphore, #tpu.memory_space<semaphore_mem>>
              %dma_start3A_1282 = arith.constant 0 : i32
              %dma_start3A_1283 = tpu.memref_slice %arg10[%add3A_1281, %dma_start3A_1282] : memref<256x128xf32, #tpu.memory_space<vmem>> -> memref<1x128xf32, #tpu.memory_space<vmem>>
              %dma_start3A_1284 = arith.constant 0 : i32
              %dma_start3A_1285 = tpu.memref_slice %arg12[%sub3A_1277, %dma_start3A_1284] : memref<100x128xf32, #tpu.memory_space<vmem_shared>> -> memref<1x128xf32, #tpu.memory_space<vmem_shared>>
              %dma_start3A_1286 = arith.constant 0 : i32
              %dma_start3A_1287 = tpu.memref_slice %arg10[%add3A_1281, %dma_start3A_1286] : memref<256x128xf32, #tpu.memory_space<vmem>> -> memref<1x128xf32, #tpu.memory_space<vmem>>
              %dma_start3A_1288 = arith.constant 0 : i32
              %dma_start3A_1289 = tpu.memref_slice %arg12[%sub3A_1277, %dma_start3A_1288] : memref<100x128xf32, #tpu.memory_space<vmem_shared>> -> memref<1x128xf32, #tpu.memory_space<vmem_shared>>
              tpu.enqueue_dma source(%dma_start3A_1289 : memref<1x128xf32, #tpu.memory_space<vmem_shared>>) target(%dma_start3A_1287 : memref<1x128xf32, #tpu.memory_space<vmem>>) target_semaphore(%run_scoped3A : memref<!tpu.dma_semaphore, #tpu.memory_space<semaphore_mem>>)
              %dma_wait3A_1290 = arith.constant 0 : i32
              %dma_wait3A_1291 = tpu.memref_slice %arg10[%add3A_1281, %dma_wait3A_1290] : memref<256x128xf32, #tpu.memory_space<vmem>> -> memref<1x128xf32, #tpu.memory_space<vmem>>
              %dma_wait3A_1292 = arith.constant 0 : i32
              %dma_wait3A_1293 = tpu.memref_slice %arg12[%sub3A_1277, %dma_wait3A_1292] : memref<100x128xf32, #tpu.memory_space<vmem_shared>> -> memref<1x128xf32, #tpu.memory_space<vmem_shared>>
              %dma_wait3A_1294 = arith.constant 0 : i32
              %dma_wait3A_1295 = tpu.memref_slice %arg10[%add3A_1281, %dma_wait3A_1294] : memref<256x128xf32, #tpu.memory_space<vmem>> -> memref<1x128xf32, #tpu.memory_space<vmem>>
              %dma_wait3A_1296 = arith.constant 0 : i32
              %dma_wait3A_1297 = tpu.memref_slice %arg12[%sub3A_1277, %dma_wait3A_1296] : memref<100x128xf32, #tpu.memory_space<vmem_shared>> -> memref<1x128xf32, #tpu.memory_space<vmem_shared>>
              tpu.wait_dma2 semaphore(%run_scoped3A : memref<!tpu.dma_semaphore, #tpu.memory_space<semaphore_mem>>) src(%dma_wait3A_1297 : memref<1x128xf32, #tpu.memory_space<vmem_shared>>) dst(%dma_wait3A_1295 : memref<1x128xf32, #tpu.memory_space<vmem>>)
              tpu.yield
            }) : () -> ()
          } else {
          }
        }
        %scan3A_1263 = arith.constant 16 : i32
      } else {
      }
      %slice3A_799 = vector.extract_strided_slice %scan3A_415 {offsets = [11], sizes = [1], strides = [1]} : vector<16xi32> to vector<1xi32>
      %squeeze3A_800 = vector.extract %slice3A_799[0] : i32 from vector<1xi32>
      %ge3A_801 = arith.constant 100000 : i32
      %ge3A_802 = arith.cmpi sge, %squeeze3A_800, %ge3A_801 : i32
      %convert_element_type3A_803 = arith.extui %ge3A_802 : i1 to i32
      %cond3A_804 = arith.constant 0 : i32
      %cond3A_805 = arith.cmpi ne, %convert_element_type3A_803, %cond3A_804 : i32
      scf.if %cond3A_805 {
        %scan3A_1258 = arith.constant 0 : i32
        %scan3A_1259 = arith.constant 0 : i32
        %scan3A_1260 = arith.constant 16 : i32
        %scan3A_1261 = arith.addi %scan3A_1259, %scan3A_1260 : i32
        %scan3A_1262 = arith.constant 1 : i32
        scf.for %scan3A_1264 = %scan3A_1259 to %scan3A_1261 step %scan3A_1262  : i32 {
          %mul3A_1265 = arith.constant 16 : i32
          %mul3A_1266 = arith.muli %scan3A_1264, %mul3A_1265 : i32
          %get3A_1267 = arith.index_cast %mul3A_1266 : i32 to index
          %get3A_1268 = tpu.vector_load %arg6[%get3A_1267] {strides = array<i32>} : memref<256xi32, #tpu.memory_space<vmem>>, vector<16xi32>,
          %get3A_1269 = vector.shape_cast %get3A_1268 : vector<16xi32> to vector<16xi32>
          %slice3A_1270 = vector.extract_strided_slice %get3A_1269 {offsets = [11], sizes = [1], strides = [1]} : vector<16xi32> to vector<1xi32>
          %squeeze3A_1271 = vector.extract %slice3A_1270[0] : i32 from vector<1xi32>
          %ge3A_1272 = arith.constant 100000 : i32
          %ge3A_1273 = arith.cmpi sge, %squeeze3A_1271, %ge3A_1272 : i32
          %convert_element_type3A_1274 = arith.extui %ge3A_1273 : i1 to i32
          %cond3A_1275 = arith.constant 0 : i32
          %cond3A_1276 = arith.cmpi ne, %convert_element_type3A_1274, %cond3A_1275 : i32
          scf.if %cond3A_1276 {
            %sub3A = arith.constant 100000 : i32
            %sub3A_1277 = arith.subi %squeeze3A_1271, %sub3A : i32
            %mul3A_1278 = arith.constant 16 : i32
            %mul3A_1279 = arith.muli %scan3A_1264, %mul3A_1278 : i32
            %add3A_1280 = arith.constant 11 : i32
            %add3A_1281 = arith.addi %mul3A_1279, %add3A_1280 : i32
            "tpu.region"() ({
              %run_scoped3A = tpu.sem_alloc : memref<!tpu.dma_semaphore, #tpu.memory_space<semaphore_mem>>
              %dma_start3A_1282 = arith.constant 0 : i32
              %dma_start3A_1283 = tpu.memref_slice %arg10[%add3A_1281, %dma_start3A_1282] : memref<256x128xf32, #tpu.memory_space<vmem>> -> memref<1x128xf32, #tpu.memory_space<vmem>>
              %dma_start3A_1284 = arith.constant 0 : i32
              %dma_start3A_1285 = tpu.memref_slice %arg12[%sub3A_1277, %dma_start3A_1284] : memref<100x128xf32, #tpu.memory_space<vmem_shared>> -> memref<1x128xf32, #tpu.memory_space<vmem_shared>>
              %dma_start3A_1286 = arith.constant 0 : i32
              %dma_start3A_1287 = tpu.memref_slice %arg10[%add3A_1281, %dma_start3A_1286] : memref<256x128xf32, #tpu.memory_space<vmem>> -> memref<1x128xf32, #tpu.memory_space<vmem>>
              %dma_start3A_1288 = arith.constant 0 : i32
              %dma_start3A_1289 = tpu.memref_slice %arg12[%sub3A_1277, %dma_start3A_1288] : memref<100x128xf32, #tpu.memory_space<vmem_shared>> -> memref<1x128xf32, #tpu.memory_space<vmem_shared>>
              tpu.enqueue_dma source(%dma_start3A_1289 : memref<1x128xf32, #tpu.memory_space<vmem_shared>>) target(%dma_start3A_1287 : memref<1x128xf32, #tpu.memory_space<vmem>>) target_semaphore(%run_scoped3A : memref<!tpu.dma_semaphore, #tpu.memory_space<semaphore_mem>>)
              %dma_wait3A_1290 = arith.constant 0 : i32
              %dma_wait3A_1291 = tpu.memref_slice %arg10[%add3A_1281, %dma_wait3A_1290] : memref<256x128xf32, #tpu.memory_space<vmem>> -> memref<1x128xf32, #tpu.memory_space<vmem>>
              %dma_wait3A_1292 = arith.constant 0 : i32
              %dma_wait3A_1293 = tpu.memref_slice %arg12[%sub3A_1277, %dma_wait3A_1292] : memref<100x128xf32, #tpu.memory_space<vmem_shared>> -> memref<1x128xf32, #tpu.memory_space<vmem_shared>>
              %dma_wait3A_1294 = arith.constant 0 : i32
              %dma_wait3A_1295 = tpu.memref_slice %arg10[%add3A_1281, %dma_wait3A_1294] : memref<256x128xf32, #tpu.memory_space<vmem>> -> memref<1x128xf32, #tpu.memory_space<vmem>>
              %dma_wait3A_1296 = arith.constant 0 : i32
              %dma_wait3A_1297 = tpu.memref_slice %arg12[%sub3A_1277, %dma_wait3A_1296] : memref<100x128xf32, #tpu.memory_space<vmem_shared>> -> memref<1x128xf32, #tpu.memory_space<vmem_shared>>
              tpu.wait_dma2 semaphore(%run_scoped3A : memref<!tpu.dma_semaphore, #tpu.memory_space<semaphore_mem>>) src(%dma_wait3A_1297 : memref<1x128xf32, #tpu.memory_space<vmem_shared>>) dst(%dma_wait3A_1295 : memref<1x128xf32, #tpu.memory_space<vmem>>)
              tpu.yield
            }) : () -> ()
          } else {
          }
        }
        %scan3A_1263 = arith.constant 16 : i32
      } else {
      }
      %slice3A_806 = vector.extract_strided_slice %scan3A_415 {offsets = [12], sizes = [1], strides = [1]} : vector<16xi32> to vector<1xi32>
      %squeeze3A_807 = vector.extract %slice3A_806[0] : i32 from vector<1xi32>
      %ge3A_808 = arith.constant 100000 : i32
      %ge3A_809 = arith.cmpi sge, %squeeze3A_807, %ge3A_808 : i32
      %convert_element_type3A_810 = arith.extui %ge3A_809 : i1 to i32
      %cond3A_811 = arith.constant 0 : i32
      %cond3A_812 = arith.cmpi ne, %convert_element_type3A_810, %cond3A_811 : i32
      scf.if %cond3A_812 {
        %scan3A_1258 = arith.constant 0 : i32
        %scan3A_1259 = arith.constant 0 : i32
        %scan3A_1260 = arith.constant 16 : i32
        %scan3A_1261 = arith.addi %scan3A_1259, %scan3A_1260 : i32
        %scan3A_1262 = arith.constant 1 : i32
        scf.for %scan3A_1264 = %scan3A_1259 to %scan3A_1261 step %scan3A_1262  : i32 {
          %mul3A_1265 = arith.constant 16 : i32
          %mul3A_1266 = arith.muli %scan3A_1264, %mul3A_1265 : i32
          %get3A_1267 = arith.index_cast %mul3A_1266 : i32 to index
          %get3A_1268 = tpu.vector_load %arg6[%get3A_1267] {strides = array<i32>} : memref<256xi32, #tpu.memory_space<vmem>>, vector<16xi32>,
          %get3A_1269 = vector.shape_cast %get3A_1268 : vector<16xi32> to vector<16xi32>
          %slice3A_1270 = vector.extract_strided_slice %get3A_1269 {offsets = [12], sizes = [1], strides = [1]} : vector<16xi32> to vector<1xi32>
          %squeeze3A_1271 = vector.extract %slice3A_1270[0] : i32 from vector<1xi32>
          %ge3A_1272 = arith.constant 100000 : i32
          %ge3A_1273 = arith.cmpi sge, %squeeze3A_1271, %ge3A_1272 : i32
          %convert_element_type3A_1274 = arith.extui %ge3A_1273 : i1 to i32
          %cond3A_1275 = arith.constant 0 : i32
          %cond3A_1276 = arith.cmpi ne, %convert_element_type3A_1274, %cond3A_1275 : i32
          scf.if %cond3A_1276 {
            %sub3A = arith.constant 100000 : i32
            %sub3A_1277 = arith.subi %squeeze3A_1271, %sub3A : i32
            %mul3A_1278 = arith.constant 16 : i32
            %mul3A_1279 = arith.muli %scan3A_1264, %mul3A_1278 : i32
            %add3A_1280 = arith.constant 12 : i32
            %add3A_1281 = arith.addi %mul3A_1279, %add3A_1280 : i32
            "tpu.region"() ({
              %run_scoped3A = tpu.sem_alloc : memref<!tpu.dma_semaphore, #tpu.memory_space<semaphore_mem>>
              %dma_start3A_1282 = arith.constant 0 : i32
              %dma_start3A_1283 = tpu.memref_slice %arg10[%add3A_1281, %dma_start3A_1282] : memref<256x128xf32, #tpu.memory_space<vmem>> -> memref<1x128xf32, #tpu.memory_space<vmem>>
              %dma_start3A_1284 = arith.constant 0 : i32
              %dma_start3A_1285 = tpu.memref_slice %arg12[%sub3A_1277, %dma_start3A_1284] : memref<100x128xf32, #tpu.memory_space<vmem_shared>> -> memref<1x128xf32, #tpu.memory_space<vmem_shared>>
              %dma_start3A_1286 = arith.constant 0 : i32
              %dma_start3A_1287 = tpu.memref_slice %arg10[%add3A_1281, %dma_start3A_1286] : memref<256x128xf32, #tpu.memory_space<vmem>> -> memref<1x128xf32, #tpu.memory_space<vmem>>
              %dma_start3A_1288 = arith.constant 0 : i32
              %dma_start3A_1289 = tpu.memref_slice %arg12[%sub3A_1277, %dma_start3A_1288] : memref<100x128xf32, #tpu.memory_space<vmem_shared>> -> memref<1x128xf32, #tpu.memory_space<vmem_shared>>
              tpu.enqueue_dma source(%dma_start3A_1289 : memref<1x128xf32, #tpu.memory_space<vmem_shared>>) target(%dma_start3A_1287 : memref<1x128xf32, #tpu.memory_space<vmem>>) target_semaphore(%run_scoped3A : memref<!tpu.dma_semaphore, #tpu.memory_space<semaphore_mem>>)
              %dma_wait3A_1290 = arith.constant 0 : i32
              %dma_wait3A_1291 = tpu.memref_slice %arg10[%add3A_1281, %dma_wait3A_1290] : memref<256x128xf32, #tpu.memory_space<vmem>> -> memref<1x128xf32, #tpu.memory_space<vmem>>
              %dma_wait3A_1292 = arith.constant 0 : i32
              %dma_wait3A_1293 = tpu.memref_slice %arg12[%sub3A_1277, %dma_wait3A_1292] : memref<100x128xf32, #tpu.memory_space<vmem_shared>> -> memref<1x128xf32, #tpu.memory_space<vmem_shared>>
              %dma_wait3A_1294 = arith.constant 0 : i32
              %dma_wait3A_1295 = tpu.memref_slice %arg10[%add3A_1281, %dma_wait3A_1294] : memref<256x128xf32, #tpu.memory_space<vmem>> -> memref<1x128xf32, #tpu.memory_space<vmem>>
              %dma_wait3A_1296 = arith.constant 0 : i32
              %dma_wait3A_1297 = tpu.memref_slice %arg12[%sub3A_1277, %dma_wait3A_1296] : memref<100x128xf32, #tpu.memory_space<vmem_shared>> -> memref<1x128xf32, #tpu.memory_space<vmem_shared>>
              tpu.wait_dma2 semaphore(%run_scoped3A : memref<!tpu.dma_semaphore, #tpu.memory_space<semaphore_mem>>) src(%dma_wait3A_1297 : memref<1x128xf32, #tpu.memory_space<vmem_shared>>) dst(%dma_wait3A_1295 : memref<1x128xf32, #tpu.memory_space<vmem>>)
              tpu.yield
            }) : () -> ()
          } else {
          }
        }
        %scan3A_1263 = arith.constant 16 : i32
      } else {
      }
      %slice3A_813 = vector.extract_strided_slice %scan3A_415 {offsets = [13], sizes = [1], strides = [1]} : vector<16xi32> to vector<1xi32>
      %squeeze3A_814 = vector.extract %slice3A_813[0] : i32 from vector<1xi32>
      %ge3A_815 = arith.constant 100000 : i32
      %ge3A_816 = arith.cmpi sge, %squeeze3A_814, %ge3A_815 : i32
      %convert_element_type3A_817 = arith.extui %ge3A_816 : i1 to i32
      %cond3A_818 = arith.constant 0 : i32
      %cond3A_819 = arith.cmpi ne, %convert_element_type3A_817, %cond3A_818 : i32
      scf.if %cond3A_819 {
        %scan3A_1258 = arith.constant 0 : i32
        %scan3A_1259 = arith.constant 0 : i32
        %scan3A_1260 = arith.constant 16 : i32
        %scan3A_1261 = arith.addi %scan3A_1259, %scan3A_1260 : i32
        %scan3A_1262 = arith.constant 1 : i32
        scf.for %scan3A_1264 = %scan3A_1259 to %scan3A_1261 step %scan3A_1262  : i32 {
          %mul3A_1265 = arith.constant 16 : i32
          %mul3A_1266 = arith.muli %scan3A_1264, %mul3A_1265 : i32
          %get3A_1267 = arith.index_cast %mul3A_1266 : i32 to index
          %get3A_1268 = tpu.vector_load %arg6[%get3A_1267] {strides = array<i32>} : memref<256xi32, #tpu.memory_space<vmem>>, vector<16xi32>,
          %get3A_1269 = vector.shape_cast %get3A_1268 : vector<16xi32> to vector<16xi32>
          %slice3A_1270 = vector.extract_strided_slice %get3A_1269 {offsets = [13], sizes = [1], strides = [1]} : vector<16xi32> to vector<1xi32>
          %squeeze3A_1271 = vector.extract %slice3A_1270[0] : i32 from vector<1xi32>
          %ge3A_1272 = arith.constant 100000 : i32
          %ge3A_1273 = arith.cmpi sge, %squeeze3A_1271, %ge3A_1272 : i32
          %convert_element_type3A_1274 = arith.extui %ge3A_1273 : i1 to i32
          %cond3A_1275 = arith.constant 0 : i32
          %cond3A_1276 = arith.cmpi ne, %convert_element_type3A_1274, %cond3A_1275 : i32
          scf.if %cond3A_1276 {
            %sub3A = arith.constant 100000 : i32
            %sub3A_1277 = arith.subi %squeeze3A_1271, %sub3A : i32
            %mul3A_1278 = arith.constant 16 : i32
            %mul3A_1279 = arith.muli %scan3A_1264, %mul3A_1278 : i32
            %add3A_1280 = arith.constant 13 : i32
            %add3A_1281 = arith.addi %mul3A_1279, %add3A_1280 : i32
            "tpu.region"() ({
              %run_scoped3A = tpu.sem_alloc : memref<!tpu.dma_semaphore, #tpu.memory_space<semaphore_mem>>
              %dma_start3A_1282 = arith.constant 0 : i32
              %dma_start3A_1283 = tpu.memref_slice %arg10[%add3A_1281, %dma_start3A_1282] : memref<256x128xf32, #tpu.memory_space<vmem>> -> memref<1x128xf32, #tpu.memory_space<vmem>>
              %dma_start3A_1284 = arith.constant 0 : i32
              %dma_start3A_1285 = tpu.memref_slice %arg12[%sub3A_1277, %dma_start3A_1284] : memref<100x128xf32, #tpu.memory_space<vmem_shared>> -> memref<1x128xf32, #tpu.memory_space<vmem_shared>>
              %dma_start3A_1286 = arith.constant 0 : i32
              %dma_start3A_1287 = tpu.memref_slice %arg10[%add3A_1281, %dma_start3A_1286] : memref<256x128xf32, #tpu.memory_space<vmem>> -> memref<1x128xf32, #tpu.memory_space<vmem>>
              %dma_start3A_1288 = arith.constant 0 : i32
              %dma_start3A_1289 = tpu.memref_slice %arg12[%sub3A_1277, %dma_start3A_1288] : memref<100x128xf32, #tpu.memory_space<vmem_shared>> -> memref<1x128xf32, #tpu.memory_space<vmem_shared>>
              tpu.enqueue_dma source(%dma_start3A_1289 : memref<1x128xf32, #tpu.memory_space<vmem_shared>>) target(%dma_start3A_1287 : memref<1x128xf32, #tpu.memory_space<vmem>>) target_semaphore(%run_scoped3A : memref<!tpu.dma_semaphore, #tpu.memory_space<semaphore_mem>>)
              %dma_wait3A_1290 = arith.constant 0 : i32
              %dma_wait3A_1291 = tpu.memref_slice %arg10[%add3A_1281, %dma_wait3A_1290] : memref<256x128xf32, #tpu.memory_space<vmem>> -> memref<1x128xf32, #tpu.memory_space<vmem>>
              %dma_wait3A_1292 = arith.constant 0 : i32
              %dma_wait3A_1293 = tpu.memref_slice %arg12[%sub3A_1277, %dma_wait3A_1292] : memref<100x128xf32, #tpu.memory_space<vmem_shared>> -> memref<1x128xf32, #tpu.memory_space<vmem_shared>>
              %dma_wait3A_1294 = arith.constant 0 : i32
              %dma_wait3A_1295 = tpu.memref_slice %arg10[%add3A_1281, %dma_wait3A_1294] : memref<256x128xf32, #tpu.memory_space<vmem>> -> memref<1x128xf32, #tpu.memory_space<vmem>>
              %dma_wait3A_1296 = arith.constant 0 : i32
              %dma_wait3A_1297 = tpu.memref_slice %arg12[%sub3A_1277, %dma_wait3A_1296] : memref<100x128xf32, #tpu.memory_space<vmem_shared>> -> memref<1x128xf32, #tpu.memory_space<vmem_shared>>
              tpu.wait_dma2 semaphore(%run_scoped3A : memref<!tpu.dma_semaphore, #tpu.memory_space<semaphore_mem>>) src(%dma_wait3A_1297 : memref<1x128xf32, #tpu.memory_space<vmem_shared>>) dst(%dma_wait3A_1295 : memref<1x128xf32, #tpu.memory_space<vmem>>)
              tpu.yield
            }) : () -> ()
          } else {
          }
        }
        %scan3A_1263 = arith.constant 16 : i32
      } else {
      }
      %slice3A_820 = vector.extract_strided_slice %scan3A_415 {offsets = [14], sizes = [1], strides = [1]} : vector<16xi32> to vector<1xi32>
      %squeeze3A_821 = vector.extract %slice3A_820[0] : i32 from vector<1xi32>
      %ge3A_822 = arith.constant 100000 : i32
      %ge3A_823 = arith.cmpi sge, %squeeze3A_821, %ge3A_822 : i32
      %convert_element_type3A_824 = arith.extui %ge3A_823 : i1 to i32
      %cond3A_825 = arith.constant 0 : i32
      %cond3A_826 = arith.cmpi ne, %convert_element_type3A_824, %cond3A_825 : i32
      scf.if %cond3A_826 {
        %scan3A_1258 = arith.constant 0 : i32
        %scan3A_1259 = arith.constant 0 : i32
        %scan3A_1260 = arith.constant 16 : i32
        %scan3A_1261 = arith.addi %scan3A_1259, %scan3A_1260 : i32
        %scan3A_1262 = arith.constant 1 : i32
        scf.for %scan3A_1264 = %scan3A_1259 to %scan3A_1261 step %scan3A_1262  : i32 {
          %mul3A_1265 = arith.constant 16 : i32
          %mul3A_1266 = arith.muli %scan3A_1264, %mul3A_1265 : i32
          %get3A_1267 = arith.index_cast %mul3A_1266 : i32 to index
          %get3A_1268 = tpu.vector_load %arg6[%get3A_1267] {strides = array<i32>} : memref<256xi32, #tpu.memory_space<vmem>>, vector<16xi32>,
          %get3A_1269 = vector.shape_cast %get3A_1268 : vector<16xi32> to vector<16xi32>
          %slice3A_1270 = vector.extract_strided_slice %get3A_1269 {offsets = [14], sizes = [1], strides = [1]} : vector<16xi32> to vector<1xi32>
          %squeeze3A_1271 = vector.extract %slice3A_1270[0] : i32 from vector<1xi32>
          %ge3A_1272 = arith.constant 100000 : i32
          %ge3A_1273 = arith.cmpi sge, %squeeze3A_1271, %ge3A_1272 : i32
          %convert_element_type3A_1274 = arith.extui %ge3A_1273 : i1 to i32
          %cond3A_1275 = arith.constant 0 : i32
          %cond3A_1276 = arith.cmpi ne, %convert_element_type3A_1274, %cond3A_1275 : i32
          scf.if %cond3A_1276 {
            %sub3A = arith.constant 100000 : i32
            %sub3A_1277 = arith.subi %squeeze3A_1271, %sub3A : i32
            %mul3A_1278 = arith.constant 16 : i32
            %mul3A_1279 = arith.muli %scan3A_1264, %mul3A_1278 : i32
            %add3A_1280 = arith.constant 14 : i32
            %add3A_1281 = arith.addi %mul3A_1279, %add3A_1280 : i32
            "tpu.region"() ({
              %run_scoped3A = tpu.sem_alloc : memref<!tpu.dma_semaphore, #tpu.memory_space<semaphore_mem>>
              %dma_start3A_1282 = arith.constant 0 : i32
              %dma_start3A_1283 = tpu.memref_slice %arg10[%add3A_1281, %dma_start3A_1282] : memref<256x128xf32, #tpu.memory_space<vmem>> -> memref<1x128xf32, #tpu.memory_space<vmem>>
              %dma_start3A_1284 = arith.constant 0 : i32
              %dma_start3A_1285 = tpu.memref_slice %arg12[%sub3A_1277, %dma_start3A_1284] : memref<100x128xf32, #tpu.memory_space<vmem_shared>> -> memref<1x128xf32, #tpu.memory_space<vmem_shared>>
              %dma_start3A_1286 = arith.constant 0 : i32
              %dma_start3A_1287 = tpu.memref_slice %arg10[%add3A_1281, %dma_start3A_1286] : memref<256x128xf32, #tpu.memory_space<vmem>> -> memref<1x128xf32, #tpu.memory_space<vmem>>
              %dma_start3A_1288 = arith.constant 0 : i32
              %dma_start3A_1289 = tpu.memref_slice %arg12[%sub3A_1277, %dma_start3A_1288] : memref<100x128xf32, #tpu.memory_space<vmem_shared>> -> memref<1x128xf32, #tpu.memory_space<vmem_shared>>
              tpu.enqueue_dma source(%dma_start3A_1289 : memref<1x128xf32, #tpu.memory_space<vmem_shared>>) target(%dma_start3A_1287 : memref<1x128xf32, #tpu.memory_space<vmem>>) target_semaphore(%run_scoped3A : memref<!tpu.dma_semaphore, #tpu.memory_space<semaphore_mem>>)
              %dma_wait3A_1290 = arith.constant 0 : i32
              %dma_wait3A_1291 = tpu.memref_slice %arg10[%add3A_1281, %dma_wait3A_1290] : memref<256x128xf32, #tpu.memory_space<vmem>> -> memref<1x128xf32, #tpu.memory_space<vmem>>
              %dma_wait3A_1292 = arith.constant 0 : i32
              %dma_wait3A_1293 = tpu.memref_slice %arg12[%sub3A_1277, %dma_wait3A_1292] : memref<100x128xf32, #tpu.memory_space<vmem_shared>> -> memref<1x128xf32, #tpu.memory_space<vmem_shared>>
              %dma_wait3A_1294 = arith.constant 0 : i32
              %dma_wait3A_1295 = tpu.memref_slice %arg10[%add3A_1281, %dma_wait3A_1294] : memref<256x128xf32, #tpu.memory_space<vmem>> -> memref<1x128xf32, #tpu.memory_space<vmem>>
              %dma_wait3A_1296 = arith.constant 0 : i32
              %dma_wait3A_1297 = tpu.memref_slice %arg12[%sub3A_1277, %dma_wait3A_1296] : memref<100x128xf32, #tpu.memory_space<vmem_shared>> -> memref<1x128xf32, #tpu.memory_space<vmem_shared>>
              tpu.wait_dma2 semaphore(%run_scoped3A : memref<!tpu.dma_semaphore, #tpu.memory_space<semaphore_mem>>) src(%dma_wait3A_1297 : memref<1x128xf32, #tpu.memory_space<vmem_shared>>) dst(%dma_wait3A_1295 : memref<1x128xf32, #tpu.memory_space<vmem>>)
              tpu.yield
            }) : () -> ()
          } else {
          }
        }
        %scan3A_1263 = arith.constant 16 : i32
      } else {
      }
      %slice3A_827 = vector.extract_strided_slice %scan3A_415 {offsets = [15], sizes = [1], strides = [1]} : vector<16xi32> to vector<1xi32>
      %squeeze3A_828 = vector.extract %slice3A_827[0] : i32 from vector<1xi32>
      %ge3A_829 = arith.constant 100000 : i32
      %ge3A_830 = arith.cmpi sge, %squeeze3A_828, %ge3A_829 : i32
      %convert_element_type3A_831 = arith.extui %ge3A_830 : i1 to i32
      %cond3A_832 = arith.constant 0 : i32
      %cond3A_833 = arith.cmpi ne, %convert_element_type3A_831, %cond3A_832 : i32
      scf.if %cond3A_833 {
        %scan3A_1258 = arith.constant 0 : i32
        %scan3A_1259 = arith.constant 0 : i32
        %scan3A_1260 = arith.constant 16 : i32
        %scan3A_1261 = arith.addi %scan3A_1259, %scan3A_1260 : i32
        %scan3A_1262 = arith.constant 1 : i32
        scf.for %scan3A_1264 = %scan3A_1259 to %scan3A_1261 step %scan3A_1262  : i32 {
          %mul3A_1265 = arith.constant 16 : i32
          %mul3A_1266 = arith.muli %scan3A_1264, %mul3A_1265 : i32
          %get3A_1267 = arith.index_cast %mul3A_1266 : i32 to index
          %get3A_1268 = tpu.vector_load %arg6[%get3A_1267] {strides = array<i32>} : memref<256xi32, #tpu.memory_space<vmem>>, vector<16xi32>,
          %get3A_1269 = vector.shape_cast %get3A_1268 : vector<16xi32> to vector<16xi32>
          %slice3A_1270 = vector.extract_strided_slice %get3A_1269 {offsets = [15], sizes = [1], strides = [1]} : vector<16xi32> to vector<1xi32>
          %squeeze3A_1271 = vector.extract %slice3A_1270[0] : i32 from vector<1xi32>
          %ge3A_1272 = arith.constant 100000 : i32
          %ge3A_1273 = arith.cmpi sge, %squeeze3A_1271, %ge3A_1272 : i32
          %convert_element_type3A_1274 = arith.extui %ge3A_1273 : i1 to i32
          %cond3A_1275 = arith.constant 0 : i32
          %cond3A_1276 = arith.cmpi ne, %convert_element_type3A_1274, %cond3A_1275 : i32
          scf.if %cond3A_1276 {
            %sub3A = arith.constant 100000 : i32
            %sub3A_1277 = arith.subi %squeeze3A_1271, %sub3A : i32
            %mul3A_1278 = arith.constant 16 : i32
            %mul3A_1279 = arith.muli %scan3A_1264, %mul3A_1278 : i32
            %add3A_1280 = arith.constant 15 : i32
            %add3A_1281 = arith.addi %mul3A_1279, %add3A_1280 : i32
            "tpu.region"() ({
              %run_scoped3A = tpu.sem_alloc : memref<!tpu.dma_semaphore, #tpu.memory_space<semaphore_mem>>
              %dma_start3A_1282 = arith.constant 0 : i32
              %dma_start3A_1283 = tpu.memref_slice %arg10[%add3A_1281, %dma_start3A_1282] : memref<256x128xf32, #tpu.memory_space<vmem>> -> memref<1x128xf32, #tpu.memory_space<vmem>>
              %dma_start3A_1284 = arith.constant 0 : i32
              %dma_start3A_1285 = tpu.memref_slice %arg12[%sub3A_1277, %dma_start3A_1284] : memref<100x128xf32, #tpu.memory_space<vmem_shared>> -> memref<1x128xf32, #tpu.memory_space<vmem_shared>>
              %dma_start3A_1286 = arith.constant 0 : i32
              %dma_start3A_1287 = tpu.memref_slice %arg10[%add3A_1281, %dma_start3A_1286] : memref<256x128xf32, #tpu.memory_space<vmem>> -> memref<1x128xf32, #tpu.memory_space<vmem>>
              %dma_start3A_1288 = arith.constant 0 : i32
              %dma_start3A_1289 = tpu.memref_slice %arg12[%sub3A_1277, %dma_start3A_1288] : memref<100x128xf32, #tpu.memory_space<vmem_shared>> -> memref<1x128xf32, #tpu.memory_space<vmem_shared>>
              tpu.enqueue_dma source(%dma_start3A_1289 : memref<1x128xf32, #tpu.memory_space<vmem_shared>>) target(%dma_start3A_1287 : memref<1x128xf32, #tpu.memory_space<vmem>>) target_semaphore(%run_scoped3A : memref<!tpu.dma_semaphore, #tpu.memory_space<semaphore_mem>>)
              %dma_wait3A_1290 = arith.constant 0 : i32
              %dma_wait3A_1291 = tpu.memref_slice %arg10[%add3A_1281, %dma_wait3A_1290] : memref<256x128xf32, #tpu.memory_space<vmem>> -> memref<1x128xf32, #tpu.memory_space<vmem>>
              %dma_wait3A_1292 = arith.constant 0 : i32
              %dma_wait3A_1293 = tpu.memref_slice %arg12[%sub3A_1277, %dma_wait3A_1292] : memref<100x128xf32, #tpu.memory_space<vmem_shared>> -> memref<1x128xf32, #tpu.memory_space<vmem_shared>>
              %dma_wait3A_1294 = arith.constant 0 : i32
              %dma_wait3A_1295 = tpu.memref_slice %arg10[%add3A_1281, %dma_wait3A_1294] : memref<256x128xf32, #tpu.memory_space<vmem>> -> memref<1x128xf32, #tpu.memory_space<vmem>>
              %dma_wait3A_1296 = arith.constant 0 : i32
              %dma_wait3A_1297 = tpu.memref_slice %arg12[%sub3A_1277, %dma_wait3A_1296] : memref<100x128xf32, #tpu.memory_space<vmem_shared>> -> memref<1x128xf32, #tpu.memory_space<vmem_shared>>
              tpu.wait_dma2 semaphore(%run_scoped3A : memref<!tpu.dma_semaphore, #tpu.memory_space<semaphore_mem>>) src(%dma_wait3A_1297 : memref<1x128xf32, #tpu.memory_space<vmem_shared>>) dst(%dma_wait3A_1295 : memref<1x128xf32, #tpu.memory_space<vmem>>)
              tpu.yield
            }) : () -> ()
          } else {
          }
        }
        %scan3A_1263 = arith.constant 16 : i32
      } else {
      }
      %mul3A_834 = arith.constant 256 : i32
      %mul3A_835 = arith.muli %mul3A_417, %mul3A_834 : i32
      %add3A_836 = arith.addi %mul3A_2, %mul3A_835 : i32
      "tpu.region"() ({
        %run_scoped3A = tpu.sem_alloc : memref<!tpu.dma_semaphore, #tpu.memory_space<semaphore_mem>>
        %dma_start3A_1258 = arith.constant 0 : i32
        %dma_start3A_1259 = tpu.memref_slice %arg5[%add3A_836, %dma_start3A_1258] : memref<204800x128xf32, #tpu.memory_space<hbm>> -> memref<256x128xf32, #tpu.memory_space<hbm>>
        %dma_start3A_1260 = arith.constant 0 : i32
        %dma_start3A_1261 = tpu.memref_slice %arg5[%add3A_836, %dma_start3A_1260] : memref<204800x128xf32, #tpu.memory_space<hbm>> -> memref<256x128xf32, #tpu.memory_space<hbm>>
        tpu.enqueue_dma source(%arg10 : memref<256x128xf32, #tpu.memory_space<vmem>>) target(%dma_start3A_1261 : memref<256x128xf32, #tpu.memory_space<hbm>>) target_semaphore(%run_scoped3A : memref<!tpu.dma_semaphore, #tpu.memory_space<semaphore_mem>>)
        %dma_wait3A_1262 = arith.constant 0 : i32
        %dma_wait3A_1263 = tpu.memref_slice %arg5[%add3A_836, %dma_wait3A_1262] : memref<204800x128xf32, #tpu.memory_space<hbm>> -> memref<256x128xf32, #tpu.memory_space<hbm>>
        %dma_wait3A_1264 = arith.constant 0 : i32
        %dma_wait3A_1265 = tpu.memref_slice %arg5[%add3A_836, %dma_wait3A_1264] : memref<204800x128xf32, #tpu.memory_space<hbm>> -> memref<256x128xf32, #tpu.memory_space<hbm>>
        tpu.wait_dma2 semaphore(%run_scoped3A : memref<!tpu.dma_semaphore, #tpu.memory_space<semaphore_mem>>) src(%arg10 : memref<256x128xf32, #tpu.memory_space<vmem>>) dst(%dma_wait3A_1265 : memref<256x128xf32, #tpu.memory_space<hbm>>)
        tpu.yield
      }) : () -> ()
      %add3A_837 = arith.constant 2 : i32
      %add3A_838 = arith.addi %mul3A_417, %add3A_837 : i32
      %mul3A_839 = arith.constant 256 : i32
      %mul3A_840 = arith.muli %add3A_838, %mul3A_839 : i32
      %add3A_841 = arith.addi %mul3A_2, %mul3A_840 : i32
      "tpu.region"() ({
        %run_scoped3A = tpu.sem_alloc : memref<!tpu.dma_semaphore, #tpu.memory_space<semaphore_mem>>
        %dma_start3A_1258 = tpu.memref_slice %arg2[%add3A_841] : memref<204800xi32, #tpu.memory_space<hbm>> -> memref<256xi32, #tpu.memory_space<hbm>>
        %dma_start3A_1259 = tpu.memref_slice %arg2[%add3A_841] : memref<204800xi32, #tpu.memory_space<hbm>> -> memref<256xi32, #tpu.memory_space<hbm>>
        tpu.enqueue_dma source(%dma_start3A_1259 : memref<256xi32, #tpu.memory_space<hbm>>) target(%arg6 : memref<256xi32, #tpu.memory_space<vmem>>) target_semaphore(%run_scoped3A : memref<!tpu.dma_semaphore, #tpu.memory_space<semaphore_mem>>)
        %dma_wait3A_1260 = tpu.memref_slice %arg2[%add3A_841] : memref<204800xi32, #tpu.memory_space<hbm>> -> memref<256xi32, #tpu.memory_space<hbm>>
        %dma_wait3A_1261 = tpu.memref_slice %arg2[%add3A_841] : memref<204800xi32, #tpu.memory_space<hbm>> -> memref<256xi32, #tpu.memory_space<hbm>>
        tpu.wait_dma2 semaphore(%run_scoped3A : memref<!tpu.dma_semaphore, #tpu.memory_space<semaphore_mem>>) src(%dma_wait3A_1261 : memref<256xi32, #tpu.memory_space<hbm>>) dst(%arg6 : memref<256xi32, #tpu.memory_space<vmem>>)
        tpu.yield
      }) : () -> ()
      %get3A_842 = arith.constant 0 : index
      %get3A_843 = tpu.vector_load %arg6[%get3A_842] {strides = array<i32>} : memref<256xi32, #tpu.memory_space<vmem>>, vector<16xi32>,
      %get3A_844 = vector.shape_cast %get3A_843 : vector<16xi32> to vector<16xi32>
      %ge3A_845 = arith.constant 100000 : i32
      %ge3A_846 = vector.broadcast %ge3A_845 : i32 to vector<16xi32>
      %ge3A_847 = arith.cmpi sge, %get3A_844, %ge3A_846 : vector<16xi32>
      %jit3A_848 = arith.constant 0 : i32
      %broadcast_in_dim3A_849 = vector.broadcast %jit3A_848 : i32 to vector<16xi32>
      %select_n3A_850 = arith.select %ge3A_847, %broadcast_in_dim3A_849, %get3A_844 : vector<16xi1>, vector<16xi32>
      %swap3A_851 = arith.constant 0 : i32
      %swap3A_852 = arith.index_cast %swap3A_851 : i32 to index
      %swap3A_853 = arith.constant 0 : index
      %swap3A_854 = tpu.vector_load %arg8[%swap3A_852, %swap3A_853] {strides = array<i32>} : memref<2x128xi32, #tpu.memory_space<vmem>>, vector<1x16xi32>,
      %swap3A_855 = vector.shape_cast %swap3A_854 : vector<1x16xi32> to vector<16xi32>
      %swap3A_856 = vector.shape_cast %select_n3A_850 : vector<16xi32> to vector<1x16xi32>
      tpu.vector_store %arg8[%swap3A_852, %swap3A_853], %swap3A_856 {strides = array<i32>} : memref<2x128xi32, #tpu.memory_space<vmem>>, vector<1x16xi32>,
      %get3A_857 = arith.constant 16 : index
      %get3A_858 = tpu.vector_load %arg6[%get3A_857] {strides = array<i32>} : memref<256xi32, #tpu.memory_space<vmem>>, vector<16xi32>,
      %get3A_859 = vector.shape_cast %get3A_858 : vector<16xi32> to vector<16xi32>
      %max3A_860 = arith.maxsi %get3A_844, %get3A_859 : vector<16xi32>
      %ge3A_861 = arith.constant 100000 : i32
      %ge3A_862 = vector.broadcast %ge3A_861 : i32 to vector<16xi32>
      %ge3A_863 = arith.cmpi sge, %get3A_859, %ge3A_862 : vector<16xi32>
      %jit3A_864 = arith.constant 0 : i32
      %broadcast_in_dim3A_865 = vector.broadcast %jit3A_864 : i32 to vector<16xi32>
      %select_n3A_866 = arith.select %ge3A_863, %broadcast_in_dim3A_865, %get3A_859 : vector<16xi1>, vector<16xi32>
      %swap3A_867 = arith.constant 0 : i32
      %swap3A_868 = arith.index_cast %swap3A_867 : i32 to index
      %swap3A_869 = arith.constant 16 : index
      %swap3A_870 = tpu.vector_load %arg8[%swap3A_868, %swap3A_869] {strides = array<i32>} : memref<2x128xi32, #tpu.memory_space<vmem>>, vector<1x16xi32>,
      %swap3A_871 = vector.shape_cast %swap3A_870 : vector<1x16xi32> to vector<16xi32>
      %swap3A_872 = vector.shape_cast %select_n3A_866 : vector<16xi32> to vector<1x16xi32>
      tpu.vector_store %arg8[%swap3A_868, %swap3A_869], %swap3A_872 {strides = array<i32>} : memref<2x128xi32, #tpu.memory_space<vmem>>, vector<1x16xi32>,
      %get3A_873 = arith.constant 32 : index
      %get3A_874 = tpu.vector_load %arg6[%get3A_873] {strides = array<i32>} : memref<256xi32, #tpu.memory_space<vmem>>, vector<16xi32>,
      %get3A_875 = vector.shape_cast %get3A_874 : vector<16xi32> to vector<16xi32>
      %max3A_876 = arith.maxsi %max3A_860, %get3A_875 : vector<16xi32>
      %ge3A_877 = arith.constant 100000 : i32
      %ge3A_878 = vector.broadcast %ge3A_877 : i32 to vector<16xi32>
      %ge3A_879 = arith.cmpi sge, %get3A_875, %ge3A_878 : vector<16xi32>
      %jit3A_880 = arith.constant 0 : i32
      %broadcast_in_dim3A_881 = vector.broadcast %jit3A_880 : i32 to vector<16xi32>
      %select_n3A_882 = arith.select %ge3A_879, %broadcast_in_dim3A_881, %get3A_875 : vector<16xi1>, vector<16xi32>
      %swap3A_883 = arith.constant 0 : i32
      %swap3A_884 = arith.index_cast %swap3A_883 : i32 to index
      %swap3A_885 = arith.constant 32 : index
      %swap3A_886 = tpu.vector_load %arg8[%swap3A_884, %swap3A_885] {strides = array<i32>} : memref<2x128xi32, #tpu.memory_space<vmem>>, vector<1x16xi32>,
      %swap3A_887 = vector.shape_cast %swap3A_886 : vector<1x16xi32> to vector<16xi32>
      %swap3A_888 = vector.shape_cast %select_n3A_882 : vector<16xi32> to vector<1x16xi32>
      tpu.vector_store %arg8[%swap3A_884, %swap3A_885], %swap3A_888 {strides = array<i32>} : memref<2x128xi32, #tpu.memory_space<vmem>>, vector<1x16xi32>,
      %get3A_889 = arith.constant 48 : index
      %get3A_890 = tpu.vector_load %arg6[%get3A_889] {strides = array<i32>} : memref<256xi32, #tpu.memory_space<vmem>>, vector<16xi32>,
      %get3A_891 = vector.shape_cast %get3A_890 : vector<16xi32> to vector<16xi32>
      %max3A_892 = arith.maxsi %max3A_876, %get3A_891 : vector<16xi32>
      %ge3A_893 = arith.constant 100000 : i32
      %ge3A_894 = vector.broadcast %ge3A_893 : i32 to vector<16xi32>
      %ge3A_895 = arith.cmpi sge, %get3A_891, %ge3A_894 : vector<16xi32>
      %jit3A_896 = arith.constant 0 : i32
      %broadcast_in_dim3A_897 = vector.broadcast %jit3A_896 : i32 to vector<16xi32>
      %select_n3A_898 = arith.select %ge3A_895, %broadcast_in_dim3A_897, %get3A_891 : vector<16xi1>, vector<16xi32>
      %swap3A_899 = arith.constant 0 : i32
      %swap3A_900 = arith.index_cast %swap3A_899 : i32 to index
      %swap3A_901 = arith.constant 48 : index
      %swap3A_902 = tpu.vector_load %arg8[%swap3A_900, %swap3A_901] {strides = array<i32>} : memref<2x128xi32, #tpu.memory_space<vmem>>, vector<1x16xi32>,
      %swap3A_903 = vector.shape_cast %swap3A_902 : vector<1x16xi32> to vector<16xi32>
      %swap3A_904 = vector.shape_cast %select_n3A_898 : vector<16xi32> to vector<1x16xi32>
      tpu.vector_store %arg8[%swap3A_900, %swap3A_901], %swap3A_904 {strides = array<i32>} : memref<2x128xi32, #tpu.memory_space<vmem>>, vector<1x16xi32>,
      %get3A_905 = arith.constant 64 : index
      %get3A_906 = tpu.vector_load %arg6[%get3A_905] {strides = array<i32>} : memref<256xi32, #tpu.memory_space<vmem>>, vector<16xi32>,
      %get3A_907 = vector.shape_cast %get3A_906 : vector<16xi32> to vector<16xi32>
      %max3A_908 = arith.maxsi %max3A_892, %get3A_907 : vector<16xi32>
      %ge3A_909 = arith.constant 100000 : i32
      %ge3A_910 = vector.broadcast %ge3A_909 : i32 to vector<16xi32>
      %ge3A_911 = arith.cmpi sge, %get3A_907, %ge3A_910 : vector<16xi32>
      %jit3A_912 = arith.constant 0 : i32
      %broadcast_in_dim3A_913 = vector.broadcast %jit3A_912 : i32 to vector<16xi32>
      %select_n3A_914 = arith.select %ge3A_911, %broadcast_in_dim3A_913, %get3A_907 : vector<16xi1>, vector<16xi32>
      %swap3A_915 = arith.constant 0 : i32
      %swap3A_916 = arith.index_cast %swap3A_915 : i32 to index
      %swap3A_917 = arith.constant 64 : index
      %swap3A_918 = tpu.vector_load %arg8[%swap3A_916, %swap3A_917] {strides = array<i32>} : memref<2x128xi32, #tpu.memory_space<vmem>>, vector<1x16xi32>,
      %swap3A_919 = vector.shape_cast %swap3A_918 : vector<1x16xi32> to vector<16xi32>
      %swap3A_920 = vector.shape_cast %select_n3A_914 : vector<16xi32> to vector<1x16xi32>
      tpu.vector_store %arg8[%swap3A_916, %swap3A_917], %swap3A_920 {strides = array<i32>} : memref<2x128xi32, #tpu.memory_space<vmem>>, vector<1x16xi32>,
      %get3A_921 = arith.constant 80 : index
      %get3A_922 = tpu.vector_load %arg6[%get3A_921] {strides = array<i32>} : memref<256xi32, #tpu.memory_space<vmem>>, vector<16xi32>,
      %get3A_923 = vector.shape_cast %get3A_922 : vector<16xi32> to vector<16xi32>
      %max3A_924 = arith.maxsi %max3A_908, %get3A_923 : vector<16xi32>
      %ge3A_925 = arith.constant 100000 : i32
      %ge3A_926 = vector.broadcast %ge3A_925 : i32 to vector<16xi32>
      %ge3A_927 = arith.cmpi sge, %get3A_923, %ge3A_926 : vector<16xi32>
      %jit3A_928 = arith.constant 0 : i32
      %broadcast_in_dim3A_929 = vector.broadcast %jit3A_928 : i32 to vector<16xi32>
      %select_n3A_930 = arith.select %ge3A_927, %broadcast_in_dim3A_929, %get3A_923 : vector<16xi1>, vector<16xi32>
      %swap3A_931 = arith.constant 0 : i32
      %swap3A_932 = arith.index_cast %swap3A_931 : i32 to index
      %swap3A_933 = arith.constant 80 : index
      %swap3A_934 = tpu.vector_load %arg8[%swap3A_932, %swap3A_933] {strides = array<i32>} : memref<2x128xi32, #tpu.memory_space<vmem>>, vector<1x16xi32>,
      %swap3A_935 = vector.shape_cast %swap3A_934 : vector<1x16xi32> to vector<16xi32>
      %swap3A_936 = vector.shape_cast %select_n3A_930 : vector<16xi32> to vector<1x16xi32>
      tpu.vector_store %arg8[%swap3A_932, %swap3A_933], %swap3A_936 {strides = array<i32>} : memref<2x128xi32, #tpu.memory_space<vmem>>, vector<1x16xi32>,
      %get3A_937 = arith.constant 96 : index
      %get3A_938 = tpu.vector_load %arg6[%get3A_937] {strides = array<i32>} : memref<256xi32, #tpu.memory_space<vmem>>, vector<16xi32>,
      %get3A_939 = vector.shape_cast %get3A_938 : vector<16xi32> to vector<16xi32>
      %max3A_940 = arith.maxsi %max3A_924, %get3A_939 : vector<16xi32>
      %ge3A_941 = arith.constant 100000 : i32
      %ge3A_942 = vector.broadcast %ge3A_941 : i32 to vector<16xi32>
      %ge3A_943 = arith.cmpi sge, %get3A_939, %ge3A_942 : vector<16xi32>
      %jit3A_944 = arith.constant 0 : i32
      %broadcast_in_dim3A_945 = vector.broadcast %jit3A_944 : i32 to vector<16xi32>
      %select_n3A_946 = arith.select %ge3A_943, %broadcast_in_dim3A_945, %get3A_939 : vector<16xi1>, vector<16xi32>
      %swap3A_947 = arith.constant 0 : i32
      %swap3A_948 = arith.index_cast %swap3A_947 : i32 to index
      %swap3A_949 = arith.constant 96 : index
      %swap3A_950 = tpu.vector_load %arg8[%swap3A_948, %swap3A_949] {strides = array<i32>} : memref<2x128xi32, #tpu.memory_space<vmem>>, vector<1x16xi32>,
      %swap3A_951 = vector.shape_cast %swap3A_950 : vector<1x16xi32> to vector<16xi32>
      %swap3A_952 = vector.shape_cast %select_n3A_946 : vector<16xi32> to vector<1x16xi32>
      tpu.vector_store %arg8[%swap3A_948, %swap3A_949], %swap3A_952 {strides = array<i32>} : memref<2x128xi32, #tpu.memory_space<vmem>>, vector<1x16xi32>,
      %get3A_953 = arith.constant 112 : index
      %get3A_954 = tpu.vector_load %arg6[%get3A_953] {strides = array<i32>} : memref<256xi32, #tpu.memory_space<vmem>>, vector<16xi32>,
      %get3A_955 = vector.shape_cast %get3A_954 : vector<16xi32> to vector<16xi32>
      %max3A_956 = arith.maxsi %max3A_940, %get3A_955 : vector<16xi32>
      %ge3A_957 = arith.constant 100000 : i32
      %ge3A_958 = vector.broadcast %ge3A_957 : i32 to vector<16xi32>
      %ge3A_959 = arith.cmpi sge, %get3A_955, %ge3A_958 : vector<16xi32>
      %jit3A_960 = arith.constant 0 : i32
      %broadcast_in_dim3A_961 = vector.broadcast %jit3A_960 : i32 to vector<16xi32>
      %select_n3A_962 = arith.select %ge3A_959, %broadcast_in_dim3A_961, %get3A_955 : vector<16xi1>, vector<16xi32>
      %swap3A_963 = arith.constant 0 : i32
      %swap3A_964 = arith.index_cast %swap3A_963 : i32 to index
      %swap3A_965 = arith.constant 112 : index
      %swap3A_966 = tpu.vector_load %arg8[%swap3A_964, %swap3A_965] {strides = array<i32>} : memref<2x128xi32, #tpu.memory_space<vmem>>, vector<1x16xi32>,
      %swap3A_967 = vector.shape_cast %swap3A_966 : vector<1x16xi32> to vector<16xi32>
      %swap3A_968 = vector.shape_cast %select_n3A_962 : vector<16xi32> to vector<1x16xi32>
      tpu.vector_store %arg8[%swap3A_964, %swap3A_965], %swap3A_968 {strides = array<i32>} : memref<2x128xi32, #tpu.memory_space<vmem>>, vector<1x16xi32>,
      %get3A_969 = arith.constant 128 : index
      %get3A_970 = tpu.vector_load %arg6[%get3A_969] {strides = array<i32>} : memref<256xi32, #tpu.memory_space<vmem>>, vector<16xi32>,
      %get3A_971 = vector.shape_cast %get3A_970 : vector<16xi32> to vector<16xi32>
      %max3A_972 = arith.maxsi %max3A_956, %get3A_971 : vector<16xi32>
      %ge3A_973 = arith.constant 100000 : i32
      %ge3A_974 = vector.broadcast %ge3A_973 : i32 to vector<16xi32>
      %ge3A_975 = arith.cmpi sge, %get3A_971, %ge3A_974 : vector<16xi32>
      %jit3A_976 = arith.constant 0 : i32
      %broadcast_in_dim3A_977 = vector.broadcast %jit3A_976 : i32 to vector<16xi32>
      %select_n3A_978 = arith.select %ge3A_975, %broadcast_in_dim3A_977, %get3A_971 : vector<16xi1>, vector<16xi32>
      %swap3A_979 = arith.constant 1 : i32
      %swap3A_980 = arith.index_cast %swap3A_979 : i32 to index
      %swap3A_981 = arith.constant 0 : index
      %swap3A_982 = tpu.vector_load %arg8[%swap3A_980, %swap3A_981] {strides = array<i32>} : memref<2x128xi32, #tpu.memory_space<vmem>>, vector<1x16xi32>,
      %swap3A_983 = vector.shape_cast %swap3A_982 : vector<1x16xi32> to vector<16xi32>
      %swap3A_984 = vector.shape_cast %select_n3A_978 : vector<16xi32> to vector<1x16xi32>
      tpu.vector_store %arg8[%swap3A_980, %swap3A_981], %swap3A_984 {strides = array<i32>} : memref<2x128xi32, #tpu.memory_space<vmem>>, vector<1x16xi32>,
      %get3A_985 = arith.constant 144 : index
      %get3A_986 = tpu.vector_load %arg6[%get3A_985] {strides = array<i32>} : memref<256xi32, #tpu.memory_space<vmem>>, vector<16xi32>,
      %get3A_987 = vector.shape_cast %get3A_986 : vector<16xi32> to vector<16xi32>
      %max3A_988 = arith.maxsi %max3A_972, %get3A_987 : vector<16xi32>
      %ge3A_989 = arith.constant 100000 : i32
      %ge3A_990 = vector.broadcast %ge3A_989 : i32 to vector<16xi32>
      %ge3A_991 = arith.cmpi sge, %get3A_987, %ge3A_990 : vector<16xi32>
      %jit3A_992 = arith.constant 0 : i32
      %broadcast_in_dim3A_993 = vector.broadcast %jit3A_992 : i32 to vector<16xi32>
      %select_n3A_994 = arith.select %ge3A_991, %broadcast_in_dim3A_993, %get3A_987 : vector<16xi1>, vector<16xi32>
      %swap3A_995 = arith.constant 1 : i32
      %swap3A_996 = arith.index_cast %swap3A_995 : i32 to index
      %swap3A_997 = arith.constant 16 : index
      %swap3A_998 = tpu.vector_load %arg8[%swap3A_996, %swap3A_997] {strides = array<i32>} : memref<2x128xi32, #tpu.memory_space<vmem>>, vector<1x16xi32>,
      %swap3A_999 = vector.shape_cast %swap3A_998 : vector<1x16xi32> to vector<16xi32>
      %swap3A_1000 = vector.shape_cast %select_n3A_994 : vector<16xi32> to vector<1x16xi32>
      tpu.vector_store %arg8[%swap3A_996, %swap3A_997], %swap3A_1000 {strides = array<i32>} : memref<2x128xi32, #tpu.memory_space<vmem>>, vector<1x16xi32>,
      %get3A_1001 = arith.constant 160 : index
      %get3A_1002 = tpu.vector_load %arg6[%get3A_1001] {strides = array<i32>} : memref<256xi32, #tpu.memory_space<vmem>>, vector<16xi32>,
      %get3A_1003 = vector.shape_cast %get3A_1002 : vector<16xi32> to vector<16xi32>
      %max3A_1004 = arith.maxsi %max3A_988, %get3A_1003 : vector<16xi32>
      %ge3A_1005 = arith.constant 100000 : i32
      %ge3A_1006 = vector.broadcast %ge3A_1005 : i32 to vector<16xi32>
      %ge3A_1007 = arith.cmpi sge, %get3A_1003, %ge3A_1006 : vector<16xi32>
      %jit3A_1008 = arith.constant 0 : i32
      %broadcast_in_dim3A_1009 = vector.broadcast %jit3A_1008 : i32 to vector<16xi32>
      %select_n3A_1010 = arith.select %ge3A_1007, %broadcast_in_dim3A_1009, %get3A_1003 : vector<16xi1>, vector<16xi32>
      %swap3A_1011 = arith.constant 1 : i32
      %swap3A_1012 = arith.index_cast %swap3A_1011 : i32 to index
      %swap3A_1013 = arith.constant 32 : index
      %swap3A_1014 = tpu.vector_load %arg8[%swap3A_1012, %swap3A_1013] {strides = array<i32>} : memref<2x128xi32, #tpu.memory_space<vmem>>, vector<1x16xi32>,
      %swap3A_1015 = vector.shape_cast %swap3A_1014 : vector<1x16xi32> to vector<16xi32>
      %swap3A_1016 = vector.shape_cast %select_n3A_1010 : vector<16xi32> to vector<1x16xi32>
      tpu.vector_store %arg8[%swap3A_1012, %swap3A_1013], %swap3A_1016 {strides = array<i32>} : memref<2x128xi32, #tpu.memory_space<vmem>>, vector<1x16xi32>,
      %get3A_1017 = arith.constant 176 : index
      %get3A_1018 = tpu.vector_load %arg6[%get3A_1017] {strides = array<i32>} : memref<256xi32, #tpu.memory_space<vmem>>, vector<16xi32>,
      %get3A_1019 = vector.shape_cast %get3A_1018 : vector<16xi32> to vector<16xi32>
      %max3A_1020 = arith.maxsi %max3A_1004, %get3A_1019 : vector<16xi32>
      %ge3A_1021 = arith.constant 100000 : i32
      %ge3A_1022 = vector.broadcast %ge3A_1021 : i32 to vector<16xi32>
      %ge3A_1023 = arith.cmpi sge, %get3A_1019, %ge3A_1022 : vector<16xi32>
      %jit3A_1024 = arith.constant 0 : i32
      %broadcast_in_dim3A_1025 = vector.broadcast %jit3A_1024 : i32 to vector<16xi32>
      %select_n3A_1026 = arith.select %ge3A_1023, %broadcast_in_dim3A_1025, %get3A_1019 : vector<16xi1>, vector<16xi32>
      %swap3A_1027 = arith.constant 1 : i32
      %swap3A_1028 = arith.index_cast %swap3A_1027 : i32 to index
      %swap3A_1029 = arith.constant 48 : index
      %swap3A_1030 = tpu.vector_load %arg8[%swap3A_1028, %swap3A_1029] {strides = array<i32>} : memref<2x128xi32, #tpu.memory_space<vmem>>, vector<1x16xi32>,
      %swap3A_1031 = vector.shape_cast %swap3A_1030 : vector<1x16xi32> to vector<16xi32>
      %swap3A_1032 = vector.shape_cast %select_n3A_1026 : vector<16xi32> to vector<1x16xi32>
      tpu.vector_store %arg8[%swap3A_1028, %swap3A_1029], %swap3A_1032 {strides = array<i32>} : memref<2x128xi32, #tpu.memory_space<vmem>>, vector<1x16xi32>,
      %get3A_1033 = arith.constant 192 : index
      %get3A_1034 = tpu.vector_load %arg6[%get3A_1033] {strides = array<i32>} : memref<256xi32, #tpu.memory_space<vmem>>, vector<16xi32>,
      %get3A_1035 = vector.shape_cast %get3A_1034 : vector<16xi32> to vector<16xi32>
      %max3A_1036 = arith.maxsi %max3A_1020, %get3A_1035 : vector<16xi32>
      %ge3A_1037 = arith.constant 100000 : i32
      %ge3A_1038 = vector.broadcast %ge3A_1037 : i32 to vector<16xi32>
      %ge3A_1039 = arith.cmpi sge, %get3A_1035, %ge3A_1038 : vector<16xi32>
      %jit3A_1040 = arith.constant 0 : i32
      %broadcast_in_dim3A_1041 = vector.broadcast %jit3A_1040 : i32 to vector<16xi32>
      %select_n3A_1042 = arith.select %ge3A_1039, %broadcast_in_dim3A_1041, %get3A_1035 : vector<16xi1>, vector<16xi32>
      %swap3A_1043 = arith.constant 1 : i32
      %swap3A_1044 = arith.index_cast %swap3A_1043 : i32 to index
      %swap3A_1045 = arith.constant 64 : index
      %swap3A_1046 = tpu.vector_load %arg8[%swap3A_1044, %swap3A_1045] {strides = array<i32>} : memref<2x128xi32, #tpu.memory_space<vmem>>, vector<1x16xi32>,
      %swap3A_1047 = vector.shape_cast %swap3A_1046 : vector<1x16xi32> to vector<16xi32>
      %swap3A_1048 = vector.shape_cast %select_n3A_1042 : vector<16xi32> to vector<1x16xi32>
      tpu.vector_store %arg8[%swap3A_1044, %swap3A_1045], %swap3A_1048 {strides = array<i32>} : memref<2x128xi32, #tpu.memory_space<vmem>>, vector<1x16xi32>,
      %get3A_1049 = arith.constant 208 : index
      %get3A_1050 = tpu.vector_load %arg6[%get3A_1049] {strides = array<i32>} : memref<256xi32, #tpu.memory_space<vmem>>, vector<16xi32>,
      %get3A_1051 = vector.shape_cast %get3A_1050 : vector<16xi32> to vector<16xi32>
      %max3A_1052 = arith.maxsi %max3A_1036, %get3A_1051 : vector<16xi32>
      %ge3A_1053 = arith.constant 100000 : i32
      %ge3A_1054 = vector.broadcast %ge3A_1053 : i32 to vector<16xi32>
      %ge3A_1055 = arith.cmpi sge, %get3A_1051, %ge3A_1054 : vector<16xi32>
      %jit3A_1056 = arith.constant 0 : i32
      %broadcast_in_dim3A_1057 = vector.broadcast %jit3A_1056 : i32 to vector<16xi32>
      %select_n3A_1058 = arith.select %ge3A_1055, %broadcast_in_dim3A_1057, %get3A_1051 : vector<16xi1>, vector<16xi32>
      %swap3A_1059 = arith.constant 1 : i32
      %swap3A_1060 = arith.index_cast %swap3A_1059 : i32 to index
      %swap3A_1061 = arith.constant 80 : index
      %swap3A_1062 = tpu.vector_load %arg8[%swap3A_1060, %swap3A_1061] {strides = array<i32>} : memref<2x128xi32, #tpu.memory_space<vmem>>, vector<1x16xi32>,
      %swap3A_1063 = vector.shape_cast %swap3A_1062 : vector<1x16xi32> to vector<16xi32>
      %swap3A_1064 = vector.shape_cast %select_n3A_1058 : vector<16xi32> to vector<1x16xi32>
      tpu.vector_store %arg8[%swap3A_1060, %swap3A_1061], %swap3A_1064 {strides = array<i32>} : memref<2x128xi32, #tpu.memory_space<vmem>>, vector<1x16xi32>,
      %get3A_1065 = arith.constant 224 : index
      %get3A_1066 = tpu.vector_load %arg6[%get3A_1065] {strides = array<i32>} : memref<256xi32, #tpu.memory_space<vmem>>, vector<16xi32>,
      %get3A_1067 = vector.shape_cast %get3A_1066 : vector<16xi32> to vector<16xi32>
      %max3A_1068 = arith.maxsi %max3A_1052, %get3A_1067 : vector<16xi32>
      %ge3A_1069 = arith.constant 100000 : i32
      %ge3A_1070 = vector.broadcast %ge3A_1069 : i32 to vector<16xi32>
      %ge3A_1071 = arith.cmpi sge, %get3A_1067, %ge3A_1070 : vector<16xi32>
      %jit3A_1072 = arith.constant 0 : i32
      %broadcast_in_dim3A_1073 = vector.broadcast %jit3A_1072 : i32 to vector<16xi32>
      %select_n3A_1074 = arith.select %ge3A_1071, %broadcast_in_dim3A_1073, %get3A_1067 : vector<16xi1>, vector<16xi32>
      %swap3A_1075 = arith.constant 1 : i32
      %swap3A_1076 = arith.index_cast %swap3A_1075 : i32 to index
      %swap3A_1077 = arith.constant 96 : index
      %swap3A_1078 = tpu.vector_load %arg8[%swap3A_1076, %swap3A_1077] {strides = array<i32>} : memref<2x128xi32, #tpu.memory_space<vmem>>, vector<1x16xi32>,
      %swap3A_1079 = vector.shape_cast %swap3A_1078 : vector<1x16xi32> to vector<16xi32>
      %swap3A_1080 = vector.shape_cast %select_n3A_1074 : vector<16xi32> to vector<1x16xi32>
      tpu.vector_store %arg8[%swap3A_1076, %swap3A_1077], %swap3A_1080 {strides = array<i32>} : memref<2x128xi32, #tpu.memory_space<vmem>>, vector<1x16xi32>,
      %get3A_1081 = arith.constant 240 : index
      %get3A_1082 = tpu.vector_load %arg6[%get3A_1081] {strides = array<i32>} : memref<256xi32, #tpu.memory_space<vmem>>, vector<16xi32>,
      %get3A_1083 = vector.shape_cast %get3A_1082 : vector<16xi32> to vector<16xi32>
      %max3A_1084 = arith.maxsi %max3A_1068, %get3A_1083 : vector<16xi32>
      %ge3A_1085 = arith.constant 100000 : i32
      %ge3A_1086 = vector.broadcast %ge3A_1085 : i32 to vector<16xi32>
      %ge3A_1087 = arith.cmpi sge, %get3A_1083, %ge3A_1086 : vector<16xi32>
      %jit3A_1088 = arith.constant 0 : i32
      %broadcast_in_dim3A_1089 = vector.broadcast %jit3A_1088 : i32 to vector<16xi32>
      %select_n3A_1090 = arith.select %ge3A_1087, %broadcast_in_dim3A_1089, %get3A_1083 : vector<16xi1>, vector<16xi32>
      %swap3A_1091 = arith.constant 1 : i32
      %swap3A_1092 = arith.index_cast %swap3A_1091 : i32 to index
      %swap3A_1093 = arith.constant 112 : index
      %swap3A_1094 = tpu.vector_load %arg8[%swap3A_1092, %swap3A_1093] {strides = array<i32>} : memref<2x128xi32, #tpu.memory_space<vmem>>, vector<1x16xi32>,
      %swap3A_1095 = vector.shape_cast %swap3A_1094 : vector<1x16xi32> to vector<16xi32>
      %swap3A_1096 = vector.shape_cast %select_n3A_1090 : vector<16xi32> to vector<1x16xi32>
      tpu.vector_store %arg8[%swap3A_1092, %swap3A_1093], %swap3A_1096 {strides = array<i32>} : memref<2x128xi32, #tpu.memory_space<vmem>>, vector<1x16xi32>,
      %dma_start3A_1097 = arith.constant 0 : i32
      %dma_start3A_1098 = arith.constant 0 : i32
      %dma_start3A_1099 = arith.constant 0 : i32
      %dma_start3A_1100 = tpu.memref_slice %arg10[%dma_start3A_1098, %dma_start3A_1099] : memref<256x128xf32, #tpu.memory_space<vmem>> -> memref<128x128xf32, #tpu.memory_space<vmem>>
      %dma_start3A_1101 = arith.constant 0 : i32
      %dma_start3A_1102 = tpu.memref_slice %arg8[%dma_start3A_1097, %dma_start3A_1101] : memref<2x128xi32, #tpu.memory_space<vmem>> -> memref<1x128xi32, #tpu.memory_space<vmem>>
      %dma_start3A_1103 = tpu.memref_squeeze %dma_start3A_1102 : memref<1x128xi32, #tpu.memory_space<vmem>> -> memref<128xi32, #tpu.memory_space<vmem>>
      %dma_start3A_1104 = arith.constant 0 : i32
      %dma_start3A_1105 = arith.constant 0 : i32
      %dma_start3A_1106 = tpu.memref_slice %arg3[%dma_start3A_1104, %dma_start3A_1105] : memref<100000x128xf32, #tpu.memory_space<hbm>> -> memref<100000x128xf32, #tpu.memory_space<hbm>>
      tpu.enqueue_indirect_dma source(%dma_start3A_1106 : memref<100000x128xf32, #tpu.memory_space<hbm>>) target(%dma_start3A_1100 : memref<128x128xf32, #tpu.memory_space<vmem>>) offsets(%dma_start3A_1103 : memref<128xi32, #tpu.memory_space<vmem>>) semaphore(%arg13 : memref<!tpu.dma_semaphore, #tpu.memory_space<semaphore_mem>>)
      %dma_start3A_1107 = arith.constant 1 : i32
      %dma_start3A_1108 = arith.constant 128 : i32
      %dma_start3A_1109 = arith.constant 0 : i32
      %dma_start3A_1110 = tpu.memref_slice %arg10[%dma_start3A_1108, %dma_start3A_1109] : memref<256x128xf32, #tpu.memory_space<vmem>> -> memref<128x128xf32, #tpu.memory_space<vmem>>
      %dma_start3A_1111 = arith.constant 0 : i32
      %dma_start3A_1112 = tpu.memref_slice %arg8[%dma_start3A_1107, %dma_start3A_1111] : memref<2x128xi32, #tpu.memory_space<vmem>> -> memref<1x128xi32, #tpu.memory_space<vmem>>
      %dma_start3A_1113 = tpu.memref_squeeze %dma_start3A_1112 : memref<1x128xi32, #tpu.memory_space<vmem>> -> memref<128xi32, #tpu.memory_space<vmem>>
      %dma_start3A_1114 = arith.constant 0 : i32
      %dma_start3A_1115 = arith.constant 0 : i32
      %dma_start3A_1116 = tpu.memref_slice %arg3[%dma_start3A_1114, %dma_start3A_1115] : memref<100000x128xf32, #tpu.memory_space<hbm>> -> memref<100000x128xf32, #tpu.memory_space<hbm>>
      tpu.enqueue_indirect_dma source(%dma_start3A_1116 : memref<100000x128xf32, #tpu.memory_space<hbm>>) target(%dma_start3A_1110 : memref<128x128xf32, #tpu.memory_space<vmem>>) offsets(%dma_start3A_1113 : memref<128xi32, #tpu.memory_space<vmem>>) semaphore(%arg13 : memref<!tpu.dma_semaphore, #tpu.memory_space<semaphore_mem>>)
      %dma_wait3A_1117 = arith.constant 0 : i32
      %dma_wait3A_1118 = arith.constant 0 : i32
      %dma_wait3A_1119 = tpu.memref_slice %arg11[%dma_wait3A_1117, %dma_wait3A_1118] : memref<256x128xf32, #tpu.memory_space<vmem>> -> memref<128x128xf32, #tpu.memory_space<vmem>>
      %dma_wait3A_1120 = arith.constant 0 : i32
      %dma_wait3A_1121 = arith.constant 0 : i32
      %dma_wait3A_1122 = tpu.memref_slice %arg3[%dma_wait3A_1120, %dma_wait3A_1121] : memref<100000x128xf32, #tpu.memory_space<hbm>> -> memref<128x128xf32, #tpu.memory_space<hbm>>
      %dma_wait3A_1123 = arith.constant 0 : i32
      %dma_wait3A_1124 = arith.constant 0 : i32
      %dma_wait3A_1125 = tpu.memref_slice %arg11[%dma_wait3A_1123, %dma_wait3A_1124] : memref<256x128xf32, #tpu.memory_space<vmem>> -> memref<128x128xf32, #tpu.memory_space<vmem>>
      %dma_wait3A_1126 = arith.constant 0 : i32
      %dma_wait3A_1127 = arith.constant 0 : i32
      %dma_wait3A_1128 = tpu.memref_slice %arg3[%dma_wait3A_1126, %dma_wait3A_1127] : memref<100000x128xf32, #tpu.memory_space<hbm>> -> memref<128x128xf32, #tpu.memory_space<hbm>>
      tpu.wait_dma2 semaphore(%arg14 : memref<!tpu.dma_semaphore, #tpu.memory_space<semaphore_mem>>) src(%dma_wait3A_1128 : memref<128x128xf32, #tpu.memory_space<hbm>>) dst(%dma_wait3A_1125 : memref<128x128xf32, #tpu.memory_space<vmem>>)
      %dma_wait3A_1129 = arith.constant 128 : i32
      %dma_wait3A_1130 = arith.constant 0 : i32
      %dma_wait3A_1131 = tpu.memref_slice %arg11[%dma_wait3A_1129, %dma_wait3A_1130] : memref<256x128xf32, #tpu.memory_space<vmem>> -> memref<128x128xf32, #tpu.memory_space<vmem>>
      %dma_wait3A_1132 = arith.constant 0 : i32
      %dma_wait3A_1133 = arith.constant 0 : i32
      %dma_wait3A_1134 = tpu.memref_slice %arg3[%dma_wait3A_1132, %dma_wait3A_1133] : memref<100000x128xf32, #tpu.memory_space<hbm>> -> memref<128x128xf32, #tpu.memory_space<hbm>>
      %dma_wait3A_1135 = arith.constant 128 : i32
      %dma_wait3A_1136 = arith.constant 0 : i32
      %dma_wait3A_1137 = tpu.memref_slice %arg11[%dma_wait3A_1135, %dma_wait3A_1136] : memref<256x128xf32, #tpu.memory_space<vmem>> -> memref<128x128xf32, #tpu.memory_space<vmem>>
      %dma_wait3A_1138 = arith.constant 0 : i32
      %dma_wait3A_1139 = arith.constant 0 : i32
      %dma_wait3A_1140 = tpu.memref_slice %arg3[%dma_wait3A_1138, %dma_wait3A_1139] : memref<100000x128xf32, #tpu.memory_space<hbm>> -> memref<128x128xf32, #tpu.memory_space<hbm>>
      tpu.wait_dma2 semaphore(%arg14 : memref<!tpu.dma_semaphore, #tpu.memory_space<semaphore_mem>>) src(%dma_wait3A_1140 : memref<128x128xf32, #tpu.memory_space<hbm>>) dst(%dma_wait3A_1137 : memref<128x128xf32, #tpu.memory_space<vmem>>)
      %slice3A_1141 = vector.extract_strided_slice %max3A_665 {offsets = [0], sizes = [1], strides = [1]} : vector<16xi32> to vector<1xi32>
      %squeeze3A_1142 = vector.extract %slice3A_1141[0] : i32 from vector<1xi32>
      %ge3A_1143 = arith.constant 100000 : i32
      %ge3A_1144 = arith.cmpi sge, %squeeze3A_1142, %ge3A_1143 : i32
      %convert_element_type3A_1145 = arith.extui %ge3A_1144 : i1 to i32
      %cond3A_1146 = arith.constant 0 : i32
      %cond3A_1147 = arith.cmpi ne, %convert_element_type3A_1145, %cond3A_1146 : i32
      scf.if %cond3A_1147 {
        %scan3A_1258 = arith.constant 0 : i32
        %scan3A_1259 = arith.constant 0 : i32
        %scan3A_1260 = arith.constant 16 : i32
        %scan3A_1261 = arith.addi %scan3A_1259, %scan3A_1260 : i32
        %scan3A_1262 = arith.constant 1 : i32
        scf.for %scan3A_1264 = %scan3A_1259 to %scan3A_1261 step %scan3A_1262  : i32 {
          %mul3A_1265 = arith.constant 16 : i32
          %mul3A_1266 = arith.muli %scan3A_1264, %mul3A_1265 : i32
          %get3A_1267 = arith.index_cast %mul3A_1266 : i32 to index
          %get3A_1268 = tpu.vector_load %arg7[%get3A_1267] {strides = array<i32>} : memref<256xi32, #tpu.memory_space<vmem>>, vector<16xi32>,
          %get3A_1269 = vector.shape_cast %get3A_1268 : vector<16xi32> to vector<16xi32>
          %slice3A_1270 = vector.extract_strided_slice %get3A_1269 {offsets = [0], sizes = [1], strides = [1]} : vector<16xi32> to vector<1xi32>
          %squeeze3A_1271 = vector.extract %slice3A_1270[0] : i32 from vector<1xi32>
          %ge3A_1272 = arith.constant 100000 : i32
          %ge3A_1273 = arith.cmpi sge, %squeeze3A_1271, %ge3A_1272 : i32
          %convert_element_type3A_1274 = arith.extui %ge3A_1273 : i1 to i32
          %cond3A_1275 = arith.constant 0 : i32
          %cond3A_1276 = arith.cmpi ne, %convert_element_type3A_1274, %cond3A_1275 : i32
          scf.if %cond3A_1276 {
            %sub3A = arith.constant 100000 : i32
            %sub3A_1277 = arith.subi %squeeze3A_1271, %sub3A : i32
            %mul3A_1278 = arith.constant 16 : i32
            %mul3A_1279 = arith.muli %scan3A_1264, %mul3A_1278 : i32
            %add3A_1280 = arith.constant 0 : i32
            %add3A_1281 = arith.addi %mul3A_1279, %add3A_1280 : i32
            "tpu.region"() ({
              %run_scoped3A = tpu.sem_alloc : memref<!tpu.dma_semaphore, #tpu.memory_space<semaphore_mem>>
              %dma_start3A_1282 = arith.constant 0 : i32
              %dma_start3A_1283 = tpu.memref_slice %arg11[%add3A_1281, %dma_start3A_1282] : memref<256x128xf32, #tpu.memory_space<vmem>> -> memref<1x128xf32, #tpu.memory_space<vmem>>
              %dma_start3A_1284 = arith.constant 0 : i32
              %dma_start3A_1285 = tpu.memref_slice %arg12[%sub3A_1277, %dma_start3A_1284] : memref<100x128xf32, #tpu.memory_space<vmem_shared>> -> memref<1x128xf32, #tpu.memory_space<vmem_shared>>
              %dma_start3A_1286 = arith.constant 0 : i32
              %dma_start3A_1287 = tpu.memref_slice %arg11[%add3A_1281, %dma_start3A_1286] : memref<256x128xf32, #tpu.memory_space<vmem>> -> memref<1x128xf32, #tpu.memory_space<vmem>>
              %dma_start3A_1288 = arith.constant 0 : i32
              %dma_start3A_1289 = tpu.memref_slice %arg12[%sub3A_1277, %dma_start3A_1288] : memref<100x128xf32, #tpu.memory_space<vmem_shared>> -> memref<1x128xf32, #tpu.memory_space<vmem_shared>>
              tpu.enqueue_dma source(%dma_start3A_1289 : memref<1x128xf32, #tpu.memory_space<vmem_shared>>) target(%dma_start3A_1287 : memref<1x128xf32, #tpu.memory_space<vmem>>) target_semaphore(%run_scoped3A : memref<!tpu.dma_semaphore, #tpu.memory_space<semaphore_mem>>)
              %dma_wait3A_1290 = arith.constant 0 : i32
              %dma_wait3A_1291 = tpu.memref_slice %arg11[%add3A_1281, %dma_wait3A_1290] : memref<256x128xf32, #tpu.memory_space<vmem>> -> memref<1x128xf32, #tpu.memory_space<vmem>>
              %dma_wait3A_1292 = arith.constant 0 : i32
              %dma_wait3A_1293 = tpu.memref_slice %arg12[%sub3A_1277, %dma_wait3A_1292] : memref<100x128xf32, #tpu.memory_space<vmem_shared>> -> memref<1x128xf32, #tpu.memory_space<vmem_shared>>
              %dma_wait3A_1294 = arith.constant 0 : i32
              %dma_wait3A_1295 = tpu.memref_slice %arg11[%add3A_1281, %dma_wait3A_1294] : memref<256x128xf32, #tpu.memory_space<vmem>> -> memref<1x128xf32, #tpu.memory_space<vmem>>
              %dma_wait3A_1296 = arith.constant 0 : i32
              %dma_wait3A_1297 = tpu.memref_slice %arg12[%sub3A_1277, %dma_wait3A_1296] : memref<100x128xf32, #tpu.memory_space<vmem_shared>> -> memref<1x128xf32, #tpu.memory_space<vmem_shared>>
              tpu.wait_dma2 semaphore(%run_scoped3A : memref<!tpu.dma_semaphore, #tpu.memory_space<semaphore_mem>>) src(%dma_wait3A_1297 : memref<1x128xf32, #tpu.memory_space<vmem_shared>>) dst(%dma_wait3A_1295 : memref<1x128xf32, #tpu.memory_space<vmem>>)
              tpu.yield
            }) : () -> ()
          } else {
          }
        }
        %scan3A_1263 = arith.constant 16 : i32
      } else {
      }
      %slice3A_1148 = vector.extract_strided_slice %max3A_665 {offsets = [1], sizes = [1], strides = [1]} : vector<16xi32> to vector<1xi32>
      %squeeze3A_1149 = vector.extract %slice3A_1148[0] : i32 from vector<1xi32>
      %ge3A_1150 = arith.constant 100000 : i32
      %ge3A_1151 = arith.cmpi sge, %squeeze3A_1149, %ge3A_1150 : i32
      %convert_element_type3A_1152 = arith.extui %ge3A_1151 : i1 to i32
      %cond3A_1153 = arith.constant 0 : i32
      %cond3A_1154 = arith.cmpi ne, %convert_element_type3A_1152, %cond3A_1153 : i32
      scf.if %cond3A_1154 {
        %scan3A_1258 = arith.constant 0 : i32
        %scan3A_1259 = arith.constant 0 : i32
        %scan3A_1260 = arith.constant 16 : i32
        %scan3A_1261 = arith.addi %scan3A_1259, %scan3A_1260 : i32
        %scan3A_1262 = arith.constant 1 : i32
        scf.for %scan3A_1264 = %scan3A_1259 to %scan3A_1261 step %scan3A_1262  : i32 {
          %mul3A_1265 = arith.constant 16 : i32
          %mul3A_1266 = arith.muli %scan3A_1264, %mul3A_1265 : i32
          %get3A_1267 = arith.index_cast %mul3A_1266 : i32 to index
          %get3A_1268 = tpu.vector_load %arg7[%get3A_1267] {strides = array<i32>} : memref<256xi32, #tpu.memory_space<vmem>>, vector<16xi32>,
          %get3A_1269 = vector.shape_cast %get3A_1268 : vector<16xi32> to vector<16xi32>
          %slice3A_1270 = vector.extract_strided_slice %get3A_1269 {offsets = [1], sizes = [1], strides = [1]} : vector<16xi32> to vector<1xi32>
          %squeeze3A_1271 = vector.extract %slice3A_1270[0] : i32 from vector<1xi32>
          %ge3A_1272 = arith.constant 100000 : i32
          %ge3A_1273 = arith.cmpi sge, %squeeze3A_1271, %ge3A_1272 : i32
          %convert_element_type3A_1274 = arith.extui %ge3A_1273 : i1 to i32
          %cond3A_1275 = arith.constant 0 : i32
          %cond3A_1276 = arith.cmpi ne, %convert_element_type3A_1274, %cond3A_1275 : i32
          scf.if %cond3A_1276 {
            %sub3A = arith.constant 100000 : i32
            %sub3A_1277 = arith.subi %squeeze3A_1271, %sub3A : i32
            %mul3A_1278 = arith.constant 16 : i32
            %mul3A_1279 = arith.muli %scan3A_1264, %mul3A_1278 : i32
            %add3A_1280 = arith.constant 1 : i32
            %add3A_1281 = arith.addi %mul3A_1279, %add3A_1280 : i32
            "tpu.region"() ({
              %run_scoped3A = tpu.sem_alloc : memref<!tpu.dma_semaphore, #tpu.memory_space<semaphore_mem>>
              %dma_start3A_1282 = arith.constant 0 : i32
              %dma_start3A_1283 = tpu.memref_slice %arg11[%add3A_1281, %dma_start3A_1282] : memref<256x128xf32, #tpu.memory_space<vmem>> -> memref<1x128xf32, #tpu.memory_space<vmem>>
              %dma_start3A_1284 = arith.constant 0 : i32
              %dma_start3A_1285 = tpu.memref_slice %arg12[%sub3A_1277, %dma_start3A_1284] : memref<100x128xf32, #tpu.memory_space<vmem_shared>> -> memref<1x128xf32, #tpu.memory_space<vmem_shared>>
              %dma_start3A_1286 = arith.constant 0 : i32
              %dma_start3A_1287 = tpu.memref_slice %arg11[%add3A_1281, %dma_start3A_1286] : memref<256x128xf32, #tpu.memory_space<vmem>> -> memref<1x128xf32, #tpu.memory_space<vmem>>
              %dma_start3A_1288 = arith.constant 0 : i32
              %dma_start3A_1289 = tpu.memref_slice %arg12[%sub3A_1277, %dma_start3A_1288] : memref<100x128xf32, #tpu.memory_space<vmem_shared>> -> memref<1x128xf32, #tpu.memory_space<vmem_shared>>
              tpu.enqueue_dma source(%dma_start3A_1289 : memref<1x128xf32, #tpu.memory_space<vmem_shared>>) target(%dma_start3A_1287 : memref<1x128xf32, #tpu.memory_space<vmem>>) target_semaphore(%run_scoped3A : memref<!tpu.dma_semaphore, #tpu.memory_space<semaphore_mem>>)
              %dma_wait3A_1290 = arith.constant 0 : i32
              %dma_wait3A_1291 = tpu.memref_slice %arg11[%add3A_1281, %dma_wait3A_1290] : memref<256x128xf32, #tpu.memory_space<vmem>> -> memref<1x128xf32, #tpu.memory_space<vmem>>
              %dma_wait3A_1292 = arith.constant 0 : i32
              %dma_wait3A_1293 = tpu.memref_slice %arg12[%sub3A_1277, %dma_wait3A_1292] : memref<100x128xf32, #tpu.memory_space<vmem_shared>> -> memref<1x128xf32, #tpu.memory_space<vmem_shared>>
              %dma_wait3A_1294 = arith.constant 0 : i32
              %dma_wait3A_1295 = tpu.memref_slice %arg11[%add3A_1281, %dma_wait3A_1294] : memref<256x128xf32, #tpu.memory_space<vmem>> -> memref<1x128xf32, #tpu.memory_space<vmem>>
              %dma_wait3A_1296 = arith.constant 0 : i32
              %dma_wait3A_1297 = tpu.memref_slice %arg12[%sub3A_1277, %dma_wait3A_1296] : memref<100x128xf32, #tpu.memory_space<vmem_shared>> -> memref<1x128xf32, #tpu.memory_space<vmem_shared>>
              tpu.wait_dma2 semaphore(%run_scoped3A : memref<!tpu.dma_semaphore, #tpu.memory_space<semaphore_mem>>) src(%dma_wait3A_1297 : memref<1x128xf32, #tpu.memory_space<vmem_shared>>) dst(%dma_wait3A_1295 : memref<1x128xf32, #tpu.memory_space<vmem>>)
              tpu.yield
            }) : () -> ()
          } else {
          }
        }
        %scan3A_1263 = arith.constant 16 : i32
      } else {
      }
      %slice3A_1155 = vector.extract_strided_slice %max3A_665 {offsets = [2], sizes = [1], strides = [1]} : vector<16xi32> to vector<1xi32>
      %squeeze3A_1156 = vector.extract %slice3A_1155[0] : i32 from vector<1xi32>
      %ge3A_1157 = arith.constant 100000 : i32
      %ge3A_1158 = arith.cmpi sge, %squeeze3A_1156, %ge3A_1157 : i32
      %convert_element_type3A_1159 = arith.extui %ge3A_1158 : i1 to i32
      %cond3A_1160 = arith.constant 0 : i32
      %cond3A_1161 = arith.cmpi ne, %convert_element_type3A_1159, %cond3A_1160 : i32
      scf.if %cond3A_1161 {
        %scan3A_1258 = arith.constant 0 : i32
        %scan3A_1259 = arith.constant 0 : i32
        %scan3A_1260 = arith.constant 16 : i32
        %scan3A_1261 = arith.addi %scan3A_1259, %scan3A_1260 : i32
        %scan3A_1262 = arith.constant 1 : i32
        scf.for %scan3A_1264 = %scan3A_1259 to %scan3A_1261 step %scan3A_1262  : i32 {
          %mul3A_1265 = arith.constant 16 : i32
          %mul3A_1266 = arith.muli %scan3A_1264, %mul3A_1265 : i32
          %get3A_1267 = arith.index_cast %mul3A_1266 : i32 to index
          %get3A_1268 = tpu.vector_load %arg7[%get3A_1267] {strides = array<i32>} : memref<256xi32, #tpu.memory_space<vmem>>, vector<16xi32>,
          %get3A_1269 = vector.shape_cast %get3A_1268 : vector<16xi32> to vector<16xi32>
          %slice3A_1270 = vector.extract_strided_slice %get3A_1269 {offsets = [2], sizes = [1], strides = [1]} : vector<16xi32> to vector<1xi32>
          %squeeze3A_1271 = vector.extract %slice3A_1270[0] : i32 from vector<1xi32>
          %ge3A_1272 = arith.constant 100000 : i32
          %ge3A_1273 = arith.cmpi sge, %squeeze3A_1271, %ge3A_1272 : i32
          %convert_element_type3A_1274 = arith.extui %ge3A_1273 : i1 to i32
          %cond3A_1275 = arith.constant 0 : i32
          %cond3A_1276 = arith.cmpi ne, %convert_element_type3A_1274, %cond3A_1275 : i32
          scf.if %cond3A_1276 {
            %sub3A = arith.constant 100000 : i32
            %sub3A_1277 = arith.subi %squeeze3A_1271, %sub3A : i32
            %mul3A_1278 = arith.constant 16 : i32
            %mul3A_1279 = arith.muli %scan3A_1264, %mul3A_1278 : i32
            %add3A_1280 = arith.constant 2 : i32
            %add3A_1281 = arith.addi %mul3A_1279, %add3A_1280 : i32
            "tpu.region"() ({
              %run_scoped3A = tpu.sem_alloc : memref<!tpu.dma_semaphore, #tpu.memory_space<semaphore_mem>>
              %dma_start3A_1282 = arith.constant 0 : i32
              %dma_start3A_1283 = tpu.memref_slice %arg11[%add3A_1281, %dma_start3A_1282] : memref<256x128xf32, #tpu.memory_space<vmem>> -> memref<1x128xf32, #tpu.memory_space<vmem>>
              %dma_start3A_1284 = arith.constant 0 : i32
              %dma_start3A_1285 = tpu.memref_slice %arg12[%sub3A_1277, %dma_start3A_1284] : memref<100x128xf32, #tpu.memory_space<vmem_shared>> -> memref<1x128xf32, #tpu.memory_space<vmem_shared>>
              %dma_start3A_1286 = arith.constant 0 : i32
              %dma_start3A_1287 = tpu.memref_slice %arg11[%add3A_1281, %dma_start3A_1286] : memref<256x128xf32, #tpu.memory_space<vmem>> -> memref<1x128xf32, #tpu.memory_space<vmem>>
              %dma_start3A_1288 = arith.constant 0 : i32
              %dma_start3A_1289 = tpu.memref_slice %arg12[%sub3A_1277, %dma_start3A_1288] : memref<100x128xf32, #tpu.memory_space<vmem_shared>> -> memref<1x128xf32, #tpu.memory_space<vmem_shared>>
              tpu.enqueue_dma source(%dma_start3A_1289 : memref<1x128xf32, #tpu.memory_space<vmem_shared>>) target(%dma_start3A_1287 : memref<1x128xf32, #tpu.memory_space<vmem>>) target_semaphore(%run_scoped3A : memref<!tpu.dma_semaphore, #tpu.memory_space<semaphore_mem>>)
              %dma_wait3A_1290 = arith.constant 0 : i32
              %dma_wait3A_1291 = tpu.memref_slice %arg11[%add3A_1281, %dma_wait3A_1290] : memref<256x128xf32, #tpu.memory_space<vmem>> -> memref<1x128xf32, #tpu.memory_space<vmem>>
              %dma_wait3A_1292 = arith.constant 0 : i32
              %dma_wait3A_1293 = tpu.memref_slice %arg12[%sub3A_1277, %dma_wait3A_1292] : memref<100x128xf32, #tpu.memory_space<vmem_shared>> -> memref<1x128xf32, #tpu.memory_space<vmem_shared>>
              %dma_wait3A_1294 = arith.constant 0 : i32
              %dma_wait3A_1295 = tpu.memref_slice %arg11[%add3A_1281, %dma_wait3A_1294] : memref<256x128xf32, #tpu.memory_space<vmem>> -> memref<1x128xf32, #tpu.memory_space<vmem>>
              %dma_wait3A_1296 = arith.constant 0 : i32
              %dma_wait3A_1297 = tpu.memref_slice %arg12[%sub3A_1277, %dma_wait3A_1296] : memref<100x128xf32, #tpu.memory_space<vmem_shared>> -> memref<1x128xf32, #tpu.memory_space<vmem_shared>>
              tpu.wait_dma2 semaphore(%run_scoped3A : memref<!tpu.dma_semaphore, #tpu.memory_space<semaphore_mem>>) src(%dma_wait3A_1297 : memref<1x128xf32, #tpu.memory_space<vmem_shared>>) dst(%dma_wait3A_1295 : memref<1x128xf32, #tpu.memory_space<vmem>>)
              tpu.yield
            }) : () -> ()
          } else {
          }
        }
        %scan3A_1263 = arith.constant 16 : i32
      } else {
      }
      %slice3A_1162 = vector.extract_strided_slice %max3A_665 {offsets = [3], sizes = [1], strides = [1]} : vector<16xi32> to vector<1xi32>
      %squeeze3A_1163 = vector.extract %slice3A_1162[0] : i32 from vector<1xi32>
      %ge3A_1164 = arith.constant 100000 : i32
      %ge3A_1165 = arith.cmpi sge, %squeeze3A_1163, %ge3A_1164 : i32
      %convert_element_type3A_1166 = arith.extui %ge3A_1165 : i1 to i32
      %cond3A_1167 = arith.constant 0 : i32
      %cond3A_1168 = arith.cmpi ne, %convert_element_type3A_1166, %cond3A_1167 : i32
      scf.if %cond3A_1168 {
        %scan3A_1258 = arith.constant 0 : i32
        %scan3A_1259 = arith.constant 0 : i32
        %scan3A_1260 = arith.constant 16 : i32
        %scan3A_1261 = arith.addi %scan3A_1259, %scan3A_1260 : i32
        %scan3A_1262 = arith.constant 1 : i32
        scf.for %scan3A_1264 = %scan3A_1259 to %scan3A_1261 step %scan3A_1262  : i32 {
          %mul3A_1265 = arith.constant 16 : i32
          %mul3A_1266 = arith.muli %scan3A_1264, %mul3A_1265 : i32
          %get3A_1267 = arith.index_cast %mul3A_1266 : i32 to index
          %get3A_1268 = tpu.vector_load %arg7[%get3A_1267] {strides = array<i32>} : memref<256xi32, #tpu.memory_space<vmem>>, vector<16xi32>,
          %get3A_1269 = vector.shape_cast %get3A_1268 : vector<16xi32> to vector<16xi32>
          %slice3A_1270 = vector.extract_strided_slice %get3A_1269 {offsets = [3], sizes = [1], strides = [1]} : vector<16xi32> to vector<1xi32>
          %squeeze3A_1271 = vector.extract %slice3A_1270[0] : i32 from vector<1xi32>
          %ge3A_1272 = arith.constant 100000 : i32
          %ge3A_1273 = arith.cmpi sge, %squeeze3A_1271, %ge3A_1272 : i32
          %convert_element_type3A_1274 = arith.extui %ge3A_1273 : i1 to i32
          %cond3A_1275 = arith.constant 0 : i32
          %cond3A_1276 = arith.cmpi ne, %convert_element_type3A_1274, %cond3A_1275 : i32
          scf.if %cond3A_1276 {
            %sub3A = arith.constant 100000 : i32
            %sub3A_1277 = arith.subi %squeeze3A_1271, %sub3A : i32
            %mul3A_1278 = arith.constant 16 : i32
            %mul3A_1279 = arith.muli %scan3A_1264, %mul3A_1278 : i32
            %add3A_1280 = arith.constant 3 : i32
            %add3A_1281 = arith.addi %mul3A_1279, %add3A_1280 : i32
            "tpu.region"() ({
              %run_scoped3A = tpu.sem_alloc : memref<!tpu.dma_semaphore, #tpu.memory_space<semaphore_mem>>
              %dma_start3A_1282 = arith.constant 0 : i32
              %dma_start3A_1283 = tpu.memref_slice %arg11[%add3A_1281, %dma_start3A_1282] : memref<256x128xf32, #tpu.memory_space<vmem>> -> memref<1x128xf32, #tpu.memory_space<vmem>>
              %dma_start3A_1284 = arith.constant 0 : i32
              %dma_start3A_1285 = tpu.memref_slice %arg12[%sub3A_1277, %dma_start3A_1284] : memref<100x128xf32, #tpu.memory_space<vmem_shared>> -> memref<1x128xf32, #tpu.memory_space<vmem_shared>>
              %dma_start3A_1286 = arith.constant 0 : i32
              %dma_start3A_1287 = tpu.memref_slice %arg11[%add3A_1281, %dma_start3A_1286] : memref<256x128xf32, #tpu.memory_space<vmem>> -> memref<1x128xf32, #tpu.memory_space<vmem>>
              %dma_start3A_1288 = arith.constant 0 : i32
              %dma_start3A_1289 = tpu.memref_slice %arg12[%sub3A_1277, %dma_start3A_1288] : memref<100x128xf32, #tpu.memory_space<vmem_shared>> -> memref<1x128xf32, #tpu.memory_space<vmem_shared>>
              tpu.enqueue_dma source(%dma_start3A_1289 : memref<1x128xf32, #tpu.memory_space<vmem_shared>>) target(%dma_start3A_1287 : memref<1x128xf32, #tpu.memory_space<vmem>>) target_semaphore(%run_scoped3A : memref<!tpu.dma_semaphore, #tpu.memory_space<semaphore_mem>>)
              %dma_wait3A_1290 = arith.constant 0 : i32
              %dma_wait3A_1291 = tpu.memref_slice %arg11[%add3A_1281, %dma_wait3A_1290] : memref<256x128xf32, #tpu.memory_space<vmem>> -> memref<1x128xf32, #tpu.memory_space<vmem>>
              %dma_wait3A_1292 = arith.constant 0 : i32
              %dma_wait3A_1293 = tpu.memref_slice %arg12[%sub3A_1277, %dma_wait3A_1292] : memref<100x128xf32, #tpu.memory_space<vmem_shared>> -> memref<1x128xf32, #tpu.memory_space<vmem_shared>>
              %dma_wait3A_1294 = arith.constant 0 : i32
              %dma_wait3A_1295 = tpu.memref_slice %arg11[%add3A_1281, %dma_wait3A_1294] : memref<256x128xf32, #tpu.memory_space<vmem>> -> memref<1x128xf32, #tpu.memory_space<vmem>>
              %dma_wait3A_1296 = arith.constant 0 : i32
              %dma_wait3A_1297 = tpu.memref_slice %arg12[%sub3A_1277, %dma_wait3A_1296] : memref<100x128xf32, #tpu.memory_space<vmem_shared>> -> memref<1x128xf32, #tpu.memory_space<vmem_shared>>
              tpu.wait_dma2 semaphore(%run_scoped3A : memref<!tpu.dma_semaphore, #tpu.memory_space<semaphore_mem>>) src(%dma_wait3A_1297 : memref<1x128xf32, #tpu.memory_space<vmem_shared>>) dst(%dma_wait3A_1295 : memref<1x128xf32, #tpu.memory_space<vmem>>)
              tpu.yield
            }) : () -> ()
          } else {
          }
        }
        %scan3A_1263 = arith.constant 16 : i32
      } else {
      }
      %slice3A_1169 = vector.extract_strided_slice %max3A_665 {offsets = [4], sizes = [1], strides = [1]} : vector<16xi32> to vector<1xi32>
      %squeeze3A_1170 = vector.extract %slice3A_1169[0] : i32 from vector<1xi32>
      %ge3A_1171 = arith.constant 100000 : i32
      %ge3A_1172 = arith.cmpi sge, %squeeze3A_1170, %ge3A_1171 : i32
      %convert_element_type3A_1173 = arith.extui %ge3A_1172 : i1 to i32
      %cond3A_1174 = arith.constant 0 : i32
      %cond3A_1175 = arith.cmpi ne, %convert_element_type3A_1173, %cond3A_1174 : i32
      scf.if %cond3A_1175 {
        %scan3A_1258 = arith.constant 0 : i32
        %scan3A_1259 = arith.constant 0 : i32
        %scan3A_1260 = arith.constant 16 : i32
        %scan3A_1261 = arith.addi %scan3A_1259, %scan3A_1260 : i32
        %scan3A_1262 = arith.constant 1 : i32
        scf.for %scan3A_1264 = %scan3A_1259 to %scan3A_1261 step %scan3A_1262  : i32 {
          %mul3A_1265 = arith.constant 16 : i32
          %mul3A_1266 = arith.muli %scan3A_1264, %mul3A_1265 : i32
          %get3A_1267 = arith.index_cast %mul3A_1266 : i32 to index
          %get3A_1268 = tpu.vector_load %arg7[%get3A_1267] {strides = array<i32>} : memref<256xi32, #tpu.memory_space<vmem>>, vector<16xi32>,
          %get3A_1269 = vector.shape_cast %get3A_1268 : vector<16xi32> to vector<16xi32>
          %slice3A_1270 = vector.extract_strided_slice %get3A_1269 {offsets = [4], sizes = [1], strides = [1]} : vector<16xi32> to vector<1xi32>
          %squeeze3A_1271 = vector.extract %slice3A_1270[0] : i32 from vector<1xi32>
          %ge3A_1272 = arith.constant 100000 : i32
          %ge3A_1273 = arith.cmpi sge, %squeeze3A_1271, %ge3A_1272 : i32
          %convert_element_type3A_1274 = arith.extui %ge3A_1273 : i1 to i32
          %cond3A_1275 = arith.constant 0 : i32
          %cond3A_1276 = arith.cmpi ne, %convert_element_type3A_1274, %cond3A_1275 : i32
          scf.if %cond3A_1276 {
            %sub3A = arith.constant 100000 : i32
            %sub3A_1277 = arith.subi %squeeze3A_1271, %sub3A : i32
            %mul3A_1278 = arith.constant 16 : i32
            %mul3A_1279 = arith.muli %scan3A_1264, %mul3A_1278 : i32
            %add3A_1280 = arith.constant 4 : i32
            %add3A_1281 = arith.addi %mul3A_1279, %add3A_1280 : i32
            "tpu.region"() ({
              %run_scoped3A = tpu.sem_alloc : memref<!tpu.dma_semaphore, #tpu.memory_space<semaphore_mem>>
              %dma_start3A_1282 = arith.constant 0 : i32
              %dma_start3A_1283 = tpu.memref_slice %arg11[%add3A_1281, %dma_start3A_1282] : memref<256x128xf32, #tpu.memory_space<vmem>> -> memref<1x128xf32, #tpu.memory_space<vmem>>
              %dma_start3A_1284 = arith.constant 0 : i32
              %dma_start3A_1285 = tpu.memref_slice %arg12[%sub3A_1277, %dma_start3A_1284] : memref<100x128xf32, #tpu.memory_space<vmem_shared>> -> memref<1x128xf32, #tpu.memory_space<vmem_shared>>
              %dma_start3A_1286 = arith.constant 0 : i32
              %dma_start3A_1287 = tpu.memref_slice %arg11[%add3A_1281, %dma_start3A_1286] : memref<256x128xf32, #tpu.memory_space<vmem>> -> memref<1x128xf32, #tpu.memory_space<vmem>>
              %dma_start3A_1288 = arith.constant 0 : i32
              %dma_start3A_1289 = tpu.memref_slice %arg12[%sub3A_1277, %dma_start3A_1288] : memref<100x128xf32, #tpu.memory_space<vmem_shared>> -> memref<1x128xf32, #tpu.memory_space<vmem_shared>>
              tpu.enqueue_dma source(%dma_start3A_1289 : memref<1x128xf32, #tpu.memory_space<vmem_shared>>) target(%dma_start3A_1287 : memref<1x128xf32, #tpu.memory_space<vmem>>) target_semaphore(%run_scoped3A : memref<!tpu.dma_semaphore, #tpu.memory_space<semaphore_mem>>)
              %dma_wait3A_1290 = arith.constant 0 : i32
              %dma_wait3A_1291 = tpu.memref_slice %arg11[%add3A_1281, %dma_wait3A_1290] : memref<256x128xf32, #tpu.memory_space<vmem>> -> memref<1x128xf32, #tpu.memory_space<vmem>>
              %dma_wait3A_1292 = arith.constant 0 : i32
              %dma_wait3A_1293 = tpu.memref_slice %arg12[%sub3A_1277, %dma_wait3A_1292] : memref<100x128xf32, #tpu.memory_space<vmem_shared>> -> memref<1x128xf32, #tpu.memory_space<vmem_shared>>
              %dma_wait3A_1294 = arith.constant 0 : i32
              %dma_wait3A_1295 = tpu.memref_slice %arg11[%add3A_1281, %dma_wait3A_1294] : memref<256x128xf32, #tpu.memory_space<vmem>> -> memref<1x128xf32, #tpu.memory_space<vmem>>
              %dma_wait3A_1296 = arith.constant 0 : i32
              %dma_wait3A_1297 = tpu.memref_slice %arg12[%sub3A_1277, %dma_wait3A_1296] : memref<100x128xf32, #tpu.memory_space<vmem_shared>> -> memref<1x128xf32, #tpu.memory_space<vmem_shared>>
              tpu.wait_dma2 semaphore(%run_scoped3A : memref<!tpu.dma_semaphore, #tpu.memory_space<semaphore_mem>>) src(%dma_wait3A_1297 : memref<1x128xf32, #tpu.memory_space<vmem_shared>>) dst(%dma_wait3A_1295 : memref<1x128xf32, #tpu.memory_space<vmem>>)
              tpu.yield
            }) : () -> ()
          } else {
          }
        }
        %scan3A_1263 = arith.constant 16 : i32
      } else {
      }
      %slice3A_1176 = vector.extract_strided_slice %max3A_665 {offsets = [5], sizes = [1], strides = [1]} : vector<16xi32> to vector<1xi32>
      %squeeze3A_1177 = vector.extract %slice3A_1176[0] : i32 from vector<1xi32>
      %ge3A_1178 = arith.constant 100000 : i32
      %ge3A_1179 = arith.cmpi sge, %squeeze3A_1177, %ge3A_1178 : i32
      %convert_element_type3A_1180 = arith.extui %ge3A_1179 : i1 to i32
      %cond3A_1181 = arith.constant 0 : i32
      %cond3A_1182 = arith.cmpi ne, %convert_element_type3A_1180, %cond3A_1181 : i32
      scf.if %cond3A_1182 {
        %scan3A_1258 = arith.constant 0 : i32
        %scan3A_1259 = arith.constant 0 : i32
        %scan3A_1260 = arith.constant 16 : i32
        %scan3A_1261 = arith.addi %scan3A_1259, %scan3A_1260 : i32
        %scan3A_1262 = arith.constant 1 : i32
        scf.for %scan3A_1264 = %scan3A_1259 to %scan3A_1261 step %scan3A_1262  : i32 {
          %mul3A_1265 = arith.constant 16 : i32
          %mul3A_1266 = arith.muli %scan3A_1264, %mul3A_1265 : i32
          %get3A_1267 = arith.index_cast %mul3A_1266 : i32 to index
          %get3A_1268 = tpu.vector_load %arg7[%get3A_1267] {strides = array<i32>} : memref<256xi32, #tpu.memory_space<vmem>>, vector<16xi32>,
          %get3A_1269 = vector.shape_cast %get3A_1268 : vector<16xi32> to vector<16xi32>
          %slice3A_1270 = vector.extract_strided_slice %get3A_1269 {offsets = [5], sizes = [1], strides = [1]} : vector<16xi32> to vector<1xi32>
          %squeeze3A_1271 = vector.extract %slice3A_1270[0] : i32 from vector<1xi32>
          %ge3A_1272 = arith.constant 100000 : i32
          %ge3A_1273 = arith.cmpi sge, %squeeze3A_1271, %ge3A_1272 : i32
          %convert_element_type3A_1274 = arith.extui %ge3A_1273 : i1 to i32
          %cond3A_1275 = arith.constant 0 : i32
          %cond3A_1276 = arith.cmpi ne, %convert_element_type3A_1274, %cond3A_1275 : i32
          scf.if %cond3A_1276 {
            %sub3A = arith.constant 100000 : i32
            %sub3A_1277 = arith.subi %squeeze3A_1271, %sub3A : i32
            %mul3A_1278 = arith.constant 16 : i32
            %mul3A_1279 = arith.muli %scan3A_1264, %mul3A_1278 : i32
            %add3A_1280 = arith.constant 5 : i32
            %add3A_1281 = arith.addi %mul3A_1279, %add3A_1280 : i32
            "tpu.region"() ({
              %run_scoped3A = tpu.sem_alloc : memref<!tpu.dma_semaphore, #tpu.memory_space<semaphore_mem>>
              %dma_start3A_1282 = arith.constant 0 : i32
              %dma_start3A_1283 = tpu.memref_slice %arg11[%add3A_1281, %dma_start3A_1282] : memref<256x128xf32, #tpu.memory_space<vmem>> -> memref<1x128xf32, #tpu.memory_space<vmem>>
              %dma_start3A_1284 = arith.constant 0 : i32
              %dma_start3A_1285 = tpu.memref_slice %arg12[%sub3A_1277, %dma_start3A_1284] : memref<100x128xf32, #tpu.memory_space<vmem_shared>> -> memref<1x128xf32, #tpu.memory_space<vmem_shared>>
              %dma_start3A_1286 = arith.constant 0 : i32
              %dma_start3A_1287 = tpu.memref_slice %arg11[%add3A_1281, %dma_start3A_1286] : memref<256x128xf32, #tpu.memory_space<vmem>> -> memref<1x128xf32, #tpu.memory_space<vmem>>
              %dma_start3A_1288 = arith.constant 0 : i32
              %dma_start3A_1289 = tpu.memref_slice %arg12[%sub3A_1277, %dma_start3A_1288] : memref<100x128xf32, #tpu.memory_space<vmem_shared>> -> memref<1x128xf32, #tpu.memory_space<vmem_shared>>
              tpu.enqueue_dma source(%dma_start3A_1289 : memref<1x128xf32, #tpu.memory_space<vmem_shared>>) target(%dma_start3A_1287 : memref<1x128xf32, #tpu.memory_space<vmem>>) target_semaphore(%run_scoped3A : memref<!tpu.dma_semaphore, #tpu.memory_space<semaphore_mem>>)
              %dma_wait3A_1290 = arith.constant 0 : i32
              %dma_wait3A_1291 = tpu.memref_slice %arg11[%add3A_1281, %dma_wait3A_1290] : memref<256x128xf32, #tpu.memory_space<vmem>> -> memref<1x128xf32, #tpu.memory_space<vmem>>
              %dma_wait3A_1292 = arith.constant 0 : i32
              %dma_wait3A_1293 = tpu.memref_slice %arg12[%sub3A_1277, %dma_wait3A_1292] : memref<100x128xf32, #tpu.memory_space<vmem_shared>> -> memref<1x128xf32, #tpu.memory_space<vmem_shared>>
              %dma_wait3A_1294 = arith.constant 0 : i32
              %dma_wait3A_1295 = tpu.memref_slice %arg11[%add3A_1281, %dma_wait3A_1294] : memref<256x128xf32, #tpu.memory_space<vmem>> -> memref<1x128xf32, #tpu.memory_space<vmem>>
              %dma_wait3A_1296 = arith.constant 0 : i32
              %dma_wait3A_1297 = tpu.memref_slice %arg12[%sub3A_1277, %dma_wait3A_1296] : memref<100x128xf32, #tpu.memory_space<vmem_shared>> -> memref<1x128xf32, #tpu.memory_space<vmem_shared>>
              tpu.wait_dma2 semaphore(%run_scoped3A : memref<!tpu.dma_semaphore, #tpu.memory_space<semaphore_mem>>) src(%dma_wait3A_1297 : memref<1x128xf32, #tpu.memory_space<vmem_shared>>) dst(%dma_wait3A_1295 : memref<1x128xf32, #tpu.memory_space<vmem>>)
              tpu.yield
            }) : () -> ()
          } else {
          }
        }
        %scan3A_1263 = arith.constant 16 : i32
      } else {
      }
      %slice3A_1183 = vector.extract_strided_slice %max3A_665 {offsets = [6], sizes = [1], strides = [1]} : vector<16xi32> to vector<1xi32>
      %squeeze3A_1184 = vector.extract %slice3A_1183[0] : i32 from vector<1xi32>
      %ge3A_1185 = arith.constant 100000 : i32
      %ge3A_1186 = arith.cmpi sge, %squeeze3A_1184, %ge3A_1185 : i32
      %convert_element_type3A_1187 = arith.extui %ge3A_1186 : i1 to i32
      %cond3A_1188 = arith.constant 0 : i32
      %cond3A_1189 = arith.cmpi ne, %convert_element_type3A_1187, %cond3A_1188 : i32
      scf.if %cond3A_1189 {
        %scan3A_1258 = arith.constant 0 : i32
        %scan3A_1259 = arith.constant 0 : i32
        %scan3A_1260 = arith.constant 16 : i32
        %scan3A_1261 = arith.addi %scan3A_1259, %scan3A_1260 : i32
        %scan3A_1262 = arith.constant 1 : i32
        scf.for %scan3A_1264 = %scan3A_1259 to %scan3A_1261 step %scan3A_1262  : i32 {
          %mul3A_1265 = arith.constant 16 : i32
          %mul3A_1266 = arith.muli %scan3A_1264, %mul3A_1265 : i32
          %get3A_1267 = arith.index_cast %mul3A_1266 : i32 to index
          %get3A_1268 = tpu.vector_load %arg7[%get3A_1267] {strides = array<i32>} : memref<256xi32, #tpu.memory_space<vmem>>, vector<16xi32>,
          %get3A_1269 = vector.shape_cast %get3A_1268 : vector<16xi32> to vector<16xi32>
          %slice3A_1270 = vector.extract_strided_slice %get3A_1269 {offsets = [6], sizes = [1], strides = [1]} : vector<16xi32> to vector<1xi32>
          %squeeze3A_1271 = vector.extract %slice3A_1270[0] : i32 from vector<1xi32>
          %ge3A_1272 = arith.constant 100000 : i32
          %ge3A_1273 = arith.cmpi sge, %squeeze3A_1271, %ge3A_1272 : i32
          %convert_element_type3A_1274 = arith.extui %ge3A_1273 : i1 to i32
          %cond3A_1275 = arith.constant 0 : i32
          %cond3A_1276 = arith.cmpi ne, %convert_element_type3A_1274, %cond3A_1275 : i32
          scf.if %cond3A_1276 {
            %sub3A = arith.constant 100000 : i32
            %sub3A_1277 = arith.subi %squeeze3A_1271, %sub3A : i32
            %mul3A_1278 = arith.constant 16 : i32
            %mul3A_1279 = arith.muli %scan3A_1264, %mul3A_1278 : i32
            %add3A_1280 = arith.constant 6 : i32
            %add3A_1281 = arith.addi %mul3A_1279, %add3A_1280 : i32
            "tpu.region"() ({
              %run_scoped3A = tpu.sem_alloc : memref<!tpu.dma_semaphore, #tpu.memory_space<semaphore_mem>>
              %dma_start3A_1282 = arith.constant 0 : i32
              %dma_start3A_1283 = tpu.memref_slice %arg11[%add3A_1281, %dma_start3A_1282] : memref<256x128xf32, #tpu.memory_space<vmem>> -> memref<1x128xf32, #tpu.memory_space<vmem>>
              %dma_start3A_1284 = arith.constant 0 : i32
              %dma_start3A_1285 = tpu.memref_slice %arg12[%sub3A_1277, %dma_start3A_1284] : memref<100x128xf32, #tpu.memory_space<vmem_shared>> -> memref<1x128xf32, #tpu.memory_space<vmem_shared>>
              %dma_start3A_1286 = arith.constant 0 : i32
              %dma_start3A_1287 = tpu.memref_slice %arg11[%add3A_1281, %dma_start3A_1286] : memref<256x128xf32, #tpu.memory_space<vmem>> -> memref<1x128xf32, #tpu.memory_space<vmem>>
              %dma_start3A_1288 = arith.constant 0 : i32
              %dma_start3A_1289 = tpu.memref_slice %arg12[%sub3A_1277, %dma_start3A_1288] : memref<100x128xf32, #tpu.memory_space<vmem_shared>> -> memref<1x128xf32, #tpu.memory_space<vmem_shared>>
              tpu.enqueue_dma source(%dma_start3A_1289 : memref<1x128xf32, #tpu.memory_space<vmem_shared>>) target(%dma_start3A_1287 : memref<1x128xf32, #tpu.memory_space<vmem>>) target_semaphore(%run_scoped3A : memref<!tpu.dma_semaphore, #tpu.memory_space<semaphore_mem>>)
              %dma_wait3A_1290 = arith.constant 0 : i32
              %dma_wait3A_1291 = tpu.memref_slice %arg11[%add3A_1281, %dma_wait3A_1290] : memref<256x128xf32, #tpu.memory_space<vmem>> -> memref<1x128xf32, #tpu.memory_space<vmem>>
              %dma_wait3A_1292 = arith.constant 0 : i32
              %dma_wait3A_1293 = tpu.memref_slice %arg12[%sub3A_1277, %dma_wait3A_1292] : memref<100x128xf32, #tpu.memory_space<vmem_shared>> -> memref<1x128xf32, #tpu.memory_space<vmem_shared>>
              %dma_wait3A_1294 = arith.constant 0 : i32
              %dma_wait3A_1295 = tpu.memref_slice %arg11[%add3A_1281, %dma_wait3A_1294] : memref<256x128xf32, #tpu.memory_space<vmem>> -> memref<1x128xf32, #tpu.memory_space<vmem>>
              %dma_wait3A_1296 = arith.constant 0 : i32
              %dma_wait3A_1297 = tpu.memref_slice %arg12[%sub3A_1277, %dma_wait3A_1296] : memref<100x128xf32, #tpu.memory_space<vmem_shared>> -> memref<1x128xf32, #tpu.memory_space<vmem_shared>>
              tpu.wait_dma2 semaphore(%run_scoped3A : memref<!tpu.dma_semaphore, #tpu.memory_space<semaphore_mem>>) src(%dma_wait3A_1297 : memref<1x128xf32, #tpu.memory_space<vmem_shared>>) dst(%dma_wait3A_1295 : memref<1x128xf32, #tpu.memory_space<vmem>>)
              tpu.yield
            }) : () -> ()
          } else {
          }
        }
        %scan3A_1263 = arith.constant 16 : i32
      } else {
      }
      %slice3A_1190 = vector.extract_strided_slice %max3A_665 {offsets = [7], sizes = [1], strides = [1]} : vector<16xi32> to vector<1xi32>
      %squeeze3A_1191 = vector.extract %slice3A_1190[0] : i32 from vector<1xi32>
      %ge3A_1192 = arith.constant 100000 : i32
      %ge3A_1193 = arith.cmpi sge, %squeeze3A_1191, %ge3A_1192 : i32
      %convert_element_type3A_1194 = arith.extui %ge3A_1193 : i1 to i32
      %cond3A_1195 = arith.constant 0 : i32
      %cond3A_1196 = arith.cmpi ne, %convert_element_type3A_1194, %cond3A_1195 : i32
      scf.if %cond3A_1196 {
        %scan3A_1258 = arith.constant 0 : i32
        %scan3A_1259 = arith.constant 0 : i32
        %scan3A_1260 = arith.constant 16 : i32
        %scan3A_1261 = arith.addi %scan3A_1259, %scan3A_1260 : i32
        %scan3A_1262 = arith.constant 1 : i32
        scf.for %scan3A_1264 = %scan3A_1259 to %scan3A_1261 step %scan3A_1262  : i32 {
          %mul3A_1265 = arith.constant 16 : i32
          %mul3A_1266 = arith.muli %scan3A_1264, %mul3A_1265 : i32
          %get3A_1267 = arith.index_cast %mul3A_1266 : i32 to index
          %get3A_1268 = tpu.vector_load %arg7[%get3A_1267] {strides = array<i32>} : memref<256xi32, #tpu.memory_space<vmem>>, vector<16xi32>,
          %get3A_1269 = vector.shape_cast %get3A_1268 : vector<16xi32> to vector<16xi32>
          %slice3A_1270 = vector.extract_strided_slice %get3A_1269 {offsets = [7], sizes = [1], strides = [1]} : vector<16xi32> to vector<1xi32>
          %squeeze3A_1271 = vector.extract %slice3A_1270[0] : i32 from vector<1xi32>
          %ge3A_1272 = arith.constant 100000 : i32
          %ge3A_1273 = arith.cmpi sge, %squeeze3A_1271, %ge3A_1272 : i32
          %convert_element_type3A_1274 = arith.extui %ge3A_1273 : i1 to i32
          %cond3A_1275 = arith.constant 0 : i32
          %cond3A_1276 = arith.cmpi ne, %convert_element_type3A_1274, %cond3A_1275 : i32
          scf.if %cond3A_1276 {
            %sub3A = arith.constant 100000 : i32
            %sub3A_1277 = arith.subi %squeeze3A_1271, %sub3A : i32
            %mul3A_1278 = arith.constant 16 : i32
            %mul3A_1279 = arith.muli %scan3A_1264, %mul3A_1278 : i32
            %add3A_1280 = arith.constant 7 : i32
            %add3A_1281 = arith.addi %mul3A_1279, %add3A_1280 : i32
            "tpu.region"() ({
              %run_scoped3A = tpu.sem_alloc : memref<!tpu.dma_semaphore, #tpu.memory_space<semaphore_mem>>
              %dma_start3A_1282 = arith.constant 0 : i32
              %dma_start3A_1283 = tpu.memref_slice %arg11[%add3A_1281, %dma_start3A_1282] : memref<256x128xf32, #tpu.memory_space<vmem>> -> memref<1x128xf32, #tpu.memory_space<vmem>>
              %dma_start3A_1284 = arith.constant 0 : i32
              %dma_start3A_1285 = tpu.memref_slice %arg12[%sub3A_1277, %dma_start3A_1284] : memref<100x128xf32, #tpu.memory_space<vmem_shared>> -> memref<1x128xf32, #tpu.memory_space<vmem_shared>>
              %dma_start3A_1286 = arith.constant 0 : i32
              %dma_start3A_1287 = tpu.memref_slice %arg11[%add3A_1281, %dma_start3A_1286] : memref<256x128xf32, #tpu.memory_space<vmem>> -> memref<1x128xf32, #tpu.memory_space<vmem>>
              %dma_start3A_1288 = arith.constant 0 : i32
              %dma_start3A_1289 = tpu.memref_slice %arg12[%sub3A_1277, %dma_start3A_1288] : memref<100x128xf32, #tpu.memory_space<vmem_shared>> -> memref<1x128xf32, #tpu.memory_space<vmem_shared>>
              tpu.enqueue_dma source(%dma_start3A_1289 : memref<1x128xf32, #tpu.memory_space<vmem_shared>>) target(%dma_start3A_1287 : memref<1x128xf32, #tpu.memory_space<vmem>>) target_semaphore(%run_scoped3A : memref<!tpu.dma_semaphore, #tpu.memory_space<semaphore_mem>>)
              %dma_wait3A_1290 = arith.constant 0 : i32
              %dma_wait3A_1291 = tpu.memref_slice %arg11[%add3A_1281, %dma_wait3A_1290] : memref<256x128xf32, #tpu.memory_space<vmem>> -> memref<1x128xf32, #tpu.memory_space<vmem>>
              %dma_wait3A_1292 = arith.constant 0 : i32
              %dma_wait3A_1293 = tpu.memref_slice %arg12[%sub3A_1277, %dma_wait3A_1292] : memref<100x128xf32, #tpu.memory_space<vmem_shared>> -> memref<1x128xf32, #tpu.memory_space<vmem_shared>>
              %dma_wait3A_1294 = arith.constant 0 : i32
              %dma_wait3A_1295 = tpu.memref_slice %arg11[%add3A_1281, %dma_wait3A_1294] : memref<256x128xf32, #tpu.memory_space<vmem>> -> memref<1x128xf32, #tpu.memory_space<vmem>>
              %dma_wait3A_1296 = arith.constant 0 : i32
              %dma_wait3A_1297 = tpu.memref_slice %arg12[%sub3A_1277, %dma_wait3A_1296] : memref<100x128xf32, #tpu.memory_space<vmem_shared>> -> memref<1x128xf32, #tpu.memory_space<vmem_shared>>
              tpu.wait_dma2 semaphore(%run_scoped3A : memref<!tpu.dma_semaphore, #tpu.memory_space<semaphore_mem>>) src(%dma_wait3A_1297 : memref<1x128xf32, #tpu.memory_space<vmem_shared>>) dst(%dma_wait3A_1295 : memref<1x128xf32, #tpu.memory_space<vmem>>)
              tpu.yield
            }) : () -> ()
          } else {
          }
        }
        %scan3A_1263 = arith.constant 16 : i32
      } else {
      }
      %slice3A_1197 = vector.extract_strided_slice %max3A_665 {offsets = [8], sizes = [1], strides = [1]} : vector<16xi32> to vector<1xi32>
      %squeeze3A_1198 = vector.extract %slice3A_1197[0] : i32 from vector<1xi32>
      %ge3A_1199 = arith.constant 100000 : i32
      %ge3A_1200 = arith.cmpi sge, %squeeze3A_1198, %ge3A_1199 : i32
      %convert_element_type3A_1201 = arith.extui %ge3A_1200 : i1 to i32
      %cond3A_1202 = arith.constant 0 : i32
      %cond3A_1203 = arith.cmpi ne, %convert_element_type3A_1201, %cond3A_1202 : i32
      scf.if %cond3A_1203 {
        %scan3A_1258 = arith.constant 0 : i32
        %scan3A_1259 = arith.constant 0 : i32
        %scan3A_1260 = arith.constant 16 : i32
        %scan3A_1261 = arith.addi %scan3A_1259, %scan3A_1260 : i32
        %scan3A_1262 = arith.constant 1 : i32
        scf.for %scan3A_1264 = %scan3A_1259 to %scan3A_1261 step %scan3A_1262  : i32 {
          %mul3A_1265 = arith.constant 16 : i32
          %mul3A_1266 = arith.muli %scan3A_1264, %mul3A_1265 : i32
          %get3A_1267 = arith.index_cast %mul3A_1266 : i32 to index
          %get3A_1268 = tpu.vector_load %arg7[%get3A_1267] {strides = array<i32>} : memref<256xi32, #tpu.memory_space<vmem>>, vector<16xi32>,
          %get3A_1269 = vector.shape_cast %get3A_1268 : vector<16xi32> to vector<16xi32>
          %slice3A_1270 = vector.extract_strided_slice %get3A_1269 {offsets = [8], sizes = [1], strides = [1]} : vector<16xi32> to vector<1xi32>
          %squeeze3A_1271 = vector.extract %slice3A_1270[0] : i32 from vector<1xi32>
          %ge3A_1272 = arith.constant 100000 : i32
          %ge3A_1273 = arith.cmpi sge, %squeeze3A_1271, %ge3A_1272 : i32
          %convert_element_type3A_1274 = arith.extui %ge3A_1273 : i1 to i32
          %cond3A_1275 = arith.constant 0 : i32
          %cond3A_1276 = arith.cmpi ne, %convert_element_type3A_1274, %cond3A_1275 : i32
          scf.if %cond3A_1276 {
            %sub3A = arith.constant 100000 : i32
            %sub3A_1277 = arith.subi %squeeze3A_1271, %sub3A : i32
            %mul3A_1278 = arith.constant 16 : i32
            %mul3A_1279 = arith.muli %scan3A_1264, %mul3A_1278 : i32
            %add3A_1280 = arith.constant 8 : i32
            %add3A_1281 = arith.addi %mul3A_1279, %add3A_1280 : i32
            "tpu.region"() ({
              %run_scoped3A = tpu.sem_alloc : memref<!tpu.dma_semaphore, #tpu.memory_space<semaphore_mem>>
              %dma_start3A_1282 = arith.constant 0 : i32
              %dma_start3A_1283 = tpu.memref_slice %arg11[%add3A_1281, %dma_start3A_1282] : memref<256x128xf32, #tpu.memory_space<vmem>> -> memref<1x128xf32, #tpu.memory_space<vmem>>
              %dma_start3A_1284 = arith.constant 0 : i32
              %dma_start3A_1285 = tpu.memref_slice %arg12[%sub3A_1277, %dma_start3A_1284] : memref<100x128xf32, #tpu.memory_space<vmem_shared>> -> memref<1x128xf32, #tpu.memory_space<vmem_shared>>
              %dma_start3A_1286 = arith.constant 0 : i32
              %dma_start3A_1287 = tpu.memref_slice %arg11[%add3A_1281, %dma_start3A_1286] : memref<256x128xf32, #tpu.memory_space<vmem>> -> memref<1x128xf32, #tpu.memory_space<vmem>>
              %dma_start3A_1288 = arith.constant 0 : i32
              %dma_start3A_1289 = tpu.memref_slice %arg12[%sub3A_1277, %dma_start3A_1288] : memref<100x128xf32, #tpu.memory_space<vmem_shared>> -> memref<1x128xf32, #tpu.memory_space<vmem_shared>>
              tpu.enqueue_dma source(%dma_start3A_1289 : memref<1x128xf32, #tpu.memory_space<vmem_shared>>) target(%dma_start3A_1287 : memref<1x128xf32, #tpu.memory_space<vmem>>) target_semaphore(%run_scoped3A : memref<!tpu.dma_semaphore, #tpu.memory_space<semaphore_mem>>)
              %dma_wait3A_1290 = arith.constant 0 : i32
              %dma_wait3A_1291 = tpu.memref_slice %arg11[%add3A_1281, %dma_wait3A_1290] : memref<256x128xf32, #tpu.memory_space<vmem>> -> memref<1x128xf32, #tpu.memory_space<vmem>>
              %dma_wait3A_1292 = arith.constant 0 : i32
              %dma_wait3A_1293 = tpu.memref_slice %arg12[%sub3A_1277, %dma_wait3A_1292] : memref<100x128xf32, #tpu.memory_space<vmem_shared>> -> memref<1x128xf32, #tpu.memory_space<vmem_shared>>
              %dma_wait3A_1294 = arith.constant 0 : i32
              %dma_wait3A_1295 = tpu.memref_slice %arg11[%add3A_1281, %dma_wait3A_1294] : memref<256x128xf32, #tpu.memory_space<vmem>> -> memref<1x128xf32, #tpu.memory_space<vmem>>
              %dma_wait3A_1296 = arith.constant 0 : i32
              %dma_wait3A_1297 = tpu.memref_slice %arg12[%sub3A_1277, %dma_wait3A_1296] : memref<100x128xf32, #tpu.memory_space<vmem_shared>> -> memref<1x128xf32, #tpu.memory_space<vmem_shared>>
              tpu.wait_dma2 semaphore(%run_scoped3A : memref<!tpu.dma_semaphore, #tpu.memory_space<semaphore_mem>>) src(%dma_wait3A_1297 : memref<1x128xf32, #tpu.memory_space<vmem_shared>>) dst(%dma_wait3A_1295 : memref<1x128xf32, #tpu.memory_space<vmem>>)
              tpu.yield
            }) : () -> ()
          } else {
          }
        }
        %scan3A_1263 = arith.constant 16 : i32
      } else {
      }
      %slice3A_1204 = vector.extract_strided_slice %max3A_665 {offsets = [9], sizes = [1], strides = [1]} : vector<16xi32> to vector<1xi32>
      %squeeze3A_1205 = vector.extract %slice3A_1204[0] : i32 from vector<1xi32>
      %ge3A_1206 = arith.constant 100000 : i32
      %ge3A_1207 = arith.cmpi sge, %squeeze3A_1205, %ge3A_1206 : i32
      %convert_element_type3A_1208 = arith.extui %ge3A_1207 : i1 to i32
      %cond3A_1209 = arith.constant 0 : i32
      %cond3A_1210 = arith.cmpi ne, %convert_element_type3A_1208, %cond3A_1209 : i32
      scf.if %cond3A_1210 {
        %scan3A_1258 = arith.constant 0 : i32
        %scan3A_1259 = arith.constant 0 : i32
        %scan3A_1260 = arith.constant 16 : i32
        %scan3A_1261 = arith.addi %scan3A_1259, %scan3A_1260 : i32
        %scan3A_1262 = arith.constant 1 : i32
        scf.for %scan3A_1264 = %scan3A_1259 to %scan3A_1261 step %scan3A_1262  : i32 {
          %mul3A_1265 = arith.constant 16 : i32
          %mul3A_1266 = arith.muli %scan3A_1264, %mul3A_1265 : i32
          %get3A_1267 = arith.index_cast %mul3A_1266 : i32 to index
          %get3A_1268 = tpu.vector_load %arg7[%get3A_1267] {strides = array<i32>} : memref<256xi32, #tpu.memory_space<vmem>>, vector<16xi32>,
          %get3A_1269 = vector.shape_cast %get3A_1268 : vector<16xi32> to vector<16xi32>
          %slice3A_1270 = vector.extract_strided_slice %get3A_1269 {offsets = [9], sizes = [1], strides = [1]} : vector<16xi32> to vector<1xi32>
          %squeeze3A_1271 = vector.extract %slice3A_1270[0] : i32 from vector<1xi32>
          %ge3A_1272 = arith.constant 100000 : i32
          %ge3A_1273 = arith.cmpi sge, %squeeze3A_1271, %ge3A_1272 : i32
          %convert_element_type3A_1274 = arith.extui %ge3A_1273 : i1 to i32
          %cond3A_1275 = arith.constant 0 : i32
          %cond3A_1276 = arith.cmpi ne, %convert_element_type3A_1274, %cond3A_1275 : i32
          scf.if %cond3A_1276 {
            %sub3A = arith.constant 100000 : i32
            %sub3A_1277 = arith.subi %squeeze3A_1271, %sub3A : i32
            %mul3A_1278 = arith.constant 16 : i32
            %mul3A_1279 = arith.muli %scan3A_1264, %mul3A_1278 : i32
            %add3A_1280 = arith.constant 9 : i32
            %add3A_1281 = arith.addi %mul3A_1279, %add3A_1280 : i32
            "tpu.region"() ({
              %run_scoped3A = tpu.sem_alloc : memref<!tpu.dma_semaphore, #tpu.memory_space<semaphore_mem>>
              %dma_start3A_1282 = arith.constant 0 : i32
              %dma_start3A_1283 = tpu.memref_slice %arg11[%add3A_1281, %dma_start3A_1282] : memref<256x128xf32, #tpu.memory_space<vmem>> -> memref<1x128xf32, #tpu.memory_space<vmem>>
              %dma_start3A_1284 = arith.constant 0 : i32
              %dma_start3A_1285 = tpu.memref_slice %arg12[%sub3A_1277, %dma_start3A_1284] : memref<100x128xf32, #tpu.memory_space<vmem_shared>> -> memref<1x128xf32, #tpu.memory_space<vmem_shared>>
              %dma_start3A_1286 = arith.constant 0 : i32
              %dma_start3A_1287 = tpu.memref_slice %arg11[%add3A_1281, %dma_start3A_1286] : memref<256x128xf32, #tpu.memory_space<vmem>> -> memref<1x128xf32, #tpu.memory_space<vmem>>
              %dma_start3A_1288 = arith.constant 0 : i32
              %dma_start3A_1289 = tpu.memref_slice %arg12[%sub3A_1277, %dma_start3A_1288] : memref<100x128xf32, #tpu.memory_space<vmem_shared>> -> memref<1x128xf32, #tpu.memory_space<vmem_shared>>
              tpu.enqueue_dma source(%dma_start3A_1289 : memref<1x128xf32, #tpu.memory_space<vmem_shared>>) target(%dma_start3A_1287 : memref<1x128xf32, #tpu.memory_space<vmem>>) target_semaphore(%run_scoped3A : memref<!tpu.dma_semaphore, #tpu.memory_space<semaphore_mem>>)
              %dma_wait3A_1290 = arith.constant 0 : i32
              %dma_wait3A_1291 = tpu.memref_slice %arg11[%add3A_1281, %dma_wait3A_1290] : memref<256x128xf32, #tpu.memory_space<vmem>> -> memref<1x128xf32, #tpu.memory_space<vmem>>
              %dma_wait3A_1292 = arith.constant 0 : i32
              %dma_wait3A_1293 = tpu.memref_slice %arg12[%sub3A_1277, %dma_wait3A_1292] : memref<100x128xf32, #tpu.memory_space<vmem_shared>> -> memref<1x128xf32, #tpu.memory_space<vmem_shared>>
              %dma_wait3A_1294 = arith.constant 0 : i32
              %dma_wait3A_1295 = tpu.memref_slice %arg11[%add3A_1281, %dma_wait3A_1294] : memref<256x128xf32, #tpu.memory_space<vmem>> -> memref<1x128xf32, #tpu.memory_space<vmem>>
              %dma_wait3A_1296 = arith.constant 0 : i32
              %dma_wait3A_1297 = tpu.memref_slice %arg12[%sub3A_1277, %dma_wait3A_1296] : memref<100x128xf32, #tpu.memory_space<vmem_shared>> -> memref<1x128xf32, #tpu.memory_space<vmem_shared>>
              tpu.wait_dma2 semaphore(%run_scoped3A : memref<!tpu.dma_semaphore, #tpu.memory_space<semaphore_mem>>) src(%dma_wait3A_1297 : memref<1x128xf32, #tpu.memory_space<vmem_shared>>) dst(%dma_wait3A_1295 : memref<1x128xf32, #tpu.memory_space<vmem>>)
              tpu.yield
            }) : () -> ()
          } else {
          }
        }
        %scan3A_1263 = arith.constant 16 : i32
      } else {
      }
      %slice3A_1211 = vector.extract_strided_slice %max3A_665 {offsets = [10], sizes = [1], strides = [1]} : vector<16xi32> to vector<1xi32>
      %squeeze3A_1212 = vector.extract %slice3A_1211[0] : i32 from vector<1xi32>
      %ge3A_1213 = arith.constant 100000 : i32
      %ge3A_1214 = arith.cmpi sge, %squeeze3A_1212, %ge3A_1213 : i32
      %convert_element_type3A_1215 = arith.extui %ge3A_1214 : i1 to i32
      %cond3A_1216 = arith.constant 0 : i32
      %cond3A_1217 = arith.cmpi ne, %convert_element_type3A_1215, %cond3A_1216 : i32
      scf.if %cond3A_1217 {
        %scan3A_1258 = arith.constant 0 : i32
        %scan3A_1259 = arith.constant 0 : i32
        %scan3A_1260 = arith.constant 16 : i32
        %scan3A_1261 = arith.addi %scan3A_1259, %scan3A_1260 : i32
        %scan3A_1262 = arith.constant 1 : i32
        scf.for %scan3A_1264 = %scan3A_1259 to %scan3A_1261 step %scan3A_1262  : i32 {
          %mul3A_1265 = arith.constant 16 : i32
          %mul3A_1266 = arith.muli %scan3A_1264, %mul3A_1265 : i32
          %get3A_1267 = arith.index_cast %mul3A_1266 : i32 to index
          %get3A_1268 = tpu.vector_load %arg7[%get3A_1267] {strides = array<i32>} : memref<256xi32, #tpu.memory_space<vmem>>, vector<16xi32>,
          %get3A_1269 = vector.shape_cast %get3A_1268 : vector<16xi32> to vector<16xi32>
          %slice3A_1270 = vector.extract_strided_slice %get3A_1269 {offsets = [10], sizes = [1], strides = [1]} : vector<16xi32> to vector<1xi32>
          %squeeze3A_1271 = vector.extract %slice3A_1270[0] : i32 from vector<1xi32>
          %ge3A_1272 = arith.constant 100000 : i32
          %ge3A_1273 = arith.cmpi sge, %squeeze3A_1271, %ge3A_1272 : i32
          %convert_element_type3A_1274 = arith.extui %ge3A_1273 : i1 to i32
          %cond3A_1275 = arith.constant 0 : i32
          %cond3A_1276 = arith.cmpi ne, %convert_element_type3A_1274, %cond3A_1275 : i32
          scf.if %cond3A_1276 {
            %sub3A = arith.constant 100000 : i32
            %sub3A_1277 = arith.subi %squeeze3A_1271, %sub3A : i32
            %mul3A_1278 = arith.constant 16 : i32
            %mul3A_1279 = arith.muli %scan3A_1264, %mul3A_1278 : i32
            %add3A_1280 = arith.constant 10 : i32
            %add3A_1281 = arith.addi %mul3A_1279, %add3A_1280 : i32
            "tpu.region"() ({
              %run_scoped3A = tpu.sem_alloc : memref<!tpu.dma_semaphore, #tpu.memory_space<semaphore_mem>>
              %dma_start3A_1282 = arith.constant 0 : i32
              %dma_start3A_1283 = tpu.memref_slice %arg11[%add3A_1281, %dma_start3A_1282] : memref<256x128xf32, #tpu.memory_space<vmem>> -> memref<1x128xf32, #tpu.memory_space<vmem>>
              %dma_start3A_1284 = arith.constant 0 : i32
              %dma_start3A_1285 = tpu.memref_slice %arg12[%sub3A_1277, %dma_start3A_1284] : memref<100x128xf32, #tpu.memory_space<vmem_shared>> -> memref<1x128xf32, #tpu.memory_space<vmem_shared>>
              %dma_start3A_1286 = arith.constant 0 : i32
              %dma_start3A_1287 = tpu.memref_slice %arg11[%add3A_1281, %dma_start3A_1286] : memref<256x128xf32, #tpu.memory_space<vmem>> -> memref<1x128xf32, #tpu.memory_space<vmem>>
              %dma_start3A_1288 = arith.constant 0 : i32
              %dma_start3A_1289 = tpu.memref_slice %arg12[%sub3A_1277, %dma_start3A_1288] : memref<100x128xf32, #tpu.memory_space<vmem_shared>> -> memref<1x128xf32, #tpu.memory_space<vmem_shared>>
              tpu.enqueue_dma source(%dma_start3A_1289 : memref<1x128xf32, #tpu.memory_space<vmem_shared>>) target(%dma_start3A_1287 : memref<1x128xf32, #tpu.memory_space<vmem>>) target_semaphore(%run_scoped3A : memref<!tpu.dma_semaphore, #tpu.memory_space<semaphore_mem>>)
              %dma_wait3A_1290 = arith.constant 0 : i32
              %dma_wait3A_1291 = tpu.memref_slice %arg11[%add3A_1281, %dma_wait3A_1290] : memref<256x128xf32, #tpu.memory_space<vmem>> -> memref<1x128xf32, #tpu.memory_space<vmem>>
              %dma_wait3A_1292 = arith.constant 0 : i32
              %dma_wait3A_1293 = tpu.memref_slice %arg12[%sub3A_1277, %dma_wait3A_1292] : memref<100x128xf32, #tpu.memory_space<vmem_shared>> -> memref<1x128xf32, #tpu.memory_space<vmem_shared>>
              %dma_wait3A_1294 = arith.constant 0 : i32
              %dma_wait3A_1295 = tpu.memref_slice %arg11[%add3A_1281, %dma_wait3A_1294] : memref<256x128xf32, #tpu.memory_space<vmem>> -> memref<1x128xf32, #tpu.memory_space<vmem>>
              %dma_wait3A_1296 = arith.constant 0 : i32
              %dma_wait3A_1297 = tpu.memref_slice %arg12[%sub3A_1277, %dma_wait3A_1296] : memref<100x128xf32, #tpu.memory_space<vmem_shared>> -> memref<1x128xf32, #tpu.memory_space<vmem_shared>>
              tpu.wait_dma2 semaphore(%run_scoped3A : memref<!tpu.dma_semaphore, #tpu.memory_space<semaphore_mem>>) src(%dma_wait3A_1297 : memref<1x128xf32, #tpu.memory_space<vmem_shared>>) dst(%dma_wait3A_1295 : memref<1x128xf32, #tpu.memory_space<vmem>>)
              tpu.yield
            }) : () -> ()
          } else {
          }
        }
        %scan3A_1263 = arith.constant 16 : i32
      } else {
      }
      %slice3A_1218 = vector.extract_strided_slice %max3A_665 {offsets = [11], sizes = [1], strides = [1]} : vector<16xi32> to vector<1xi32>
      %squeeze3A_1219 = vector.extract %slice3A_1218[0] : i32 from vector<1xi32>
      %ge3A_1220 = arith.constant 100000 : i32
      %ge3A_1221 = arith.cmpi sge, %squeeze3A_1219, %ge3A_1220 : i32
      %convert_element_type3A_1222 = arith.extui %ge3A_1221 : i1 to i32
      %cond3A_1223 = arith.constant 0 : i32
      %cond3A_1224 = arith.cmpi ne, %convert_element_type3A_1222, %cond3A_1223 : i32
      scf.if %cond3A_1224 {
        %scan3A_1258 = arith.constant 0 : i32
        %scan3A_1259 = arith.constant 0 : i32
        %scan3A_1260 = arith.constant 16 : i32
        %scan3A_1261 = arith.addi %scan3A_1259, %scan3A_1260 : i32
        %scan3A_1262 = arith.constant 1 : i32
        scf.for %scan3A_1264 = %scan3A_1259 to %scan3A_1261 step %scan3A_1262  : i32 {
          %mul3A_1265 = arith.constant 16 : i32
          %mul3A_1266 = arith.muli %scan3A_1264, %mul3A_1265 : i32
          %get3A_1267 = arith.index_cast %mul3A_1266 : i32 to index
          %get3A_1268 = tpu.vector_load %arg7[%get3A_1267] {strides = array<i32>} : memref<256xi32, #tpu.memory_space<vmem>>, vector<16xi32>,
          %get3A_1269 = vector.shape_cast %get3A_1268 : vector<16xi32> to vector<16xi32>
          %slice3A_1270 = vector.extract_strided_slice %get3A_1269 {offsets = [11], sizes = [1], strides = [1]} : vector<16xi32> to vector<1xi32>
          %squeeze3A_1271 = vector.extract %slice3A_1270[0] : i32 from vector<1xi32>
          %ge3A_1272 = arith.constant 100000 : i32
          %ge3A_1273 = arith.cmpi sge, %squeeze3A_1271, %ge3A_1272 : i32
          %convert_element_type3A_1274 = arith.extui %ge3A_1273 : i1 to i32
          %cond3A_1275 = arith.constant 0 : i32
          %cond3A_1276 = arith.cmpi ne, %convert_element_type3A_1274, %cond3A_1275 : i32
          scf.if %cond3A_1276 {
            %sub3A = arith.constant 100000 : i32
            %sub3A_1277 = arith.subi %squeeze3A_1271, %sub3A : i32
            %mul3A_1278 = arith.constant 16 : i32
            %mul3A_1279 = arith.muli %scan3A_1264, %mul3A_1278 : i32
            %add3A_1280 = arith.constant 11 : i32
            %add3A_1281 = arith.addi %mul3A_1279, %add3A_1280 : i32
            "tpu.region"() ({
              %run_scoped3A = tpu.sem_alloc : memref<!tpu.dma_semaphore, #tpu.memory_space<semaphore_mem>>
              %dma_start3A_1282 = arith.constant 0 : i32
              %dma_start3A_1283 = tpu.memref_slice %arg11[%add3A_1281, %dma_start3A_1282] : memref<256x128xf32, #tpu.memory_space<vmem>> -> memref<1x128xf32, #tpu.memory_space<vmem>>
              %dma_start3A_1284 = arith.constant 0 : i32
              %dma_start3A_1285 = tpu.memref_slice %arg12[%sub3A_1277, %dma_start3A_1284] : memref<100x128xf32, #tpu.memory_space<vmem_shared>> -> memref<1x128xf32, #tpu.memory_space<vmem_shared>>
              %dma_start3A_1286 = arith.constant 0 : i32
              %dma_start3A_1287 = tpu.memref_slice %arg11[%add3A_1281, %dma_start3A_1286] : memref<256x128xf32, #tpu.memory_space<vmem>> -> memref<1x128xf32, #tpu.memory_space<vmem>>
              %dma_start3A_1288 = arith.constant 0 : i32
              %dma_start3A_1289 = tpu.memref_slice %arg12[%sub3A_1277, %dma_start3A_1288] : memref<100x128xf32, #tpu.memory_space<vmem_shared>> -> memref<1x128xf32, #tpu.memory_space<vmem_shared>>
              tpu.enqueue_dma source(%dma_start3A_1289 : memref<1x128xf32, #tpu.memory_space<vmem_shared>>) target(%dma_start3A_1287 : memref<1x128xf32, #tpu.memory_space<vmem>>) target_semaphore(%run_scoped3A : memref<!tpu.dma_semaphore, #tpu.memory_space<semaphore_mem>>)
              %dma_wait3A_1290 = arith.constant 0 : i32
              %dma_wait3A_1291 = tpu.memref_slice %arg11[%add3A_1281, %dma_wait3A_1290] : memref<256x128xf32, #tpu.memory_space<vmem>> -> memref<1x128xf32, #tpu.memory_space<vmem>>
              %dma_wait3A_1292 = arith.constant 0 : i32
              %dma_wait3A_1293 = tpu.memref_slice %arg12[%sub3A_1277, %dma_wait3A_1292] : memref<100x128xf32, #tpu.memory_space<vmem_shared>> -> memref<1x128xf32, #tpu.memory_space<vmem_shared>>
              %dma_wait3A_1294 = arith.constant 0 : i32
              %dma_wait3A_1295 = tpu.memref_slice %arg11[%add3A_1281, %dma_wait3A_1294] : memref<256x128xf32, #tpu.memory_space<vmem>> -> memref<1x128xf32, #tpu.memory_space<vmem>>
              %dma_wait3A_1296 = arith.constant 0 : i32
              %dma_wait3A_1297 = tpu.memref_slice %arg12[%sub3A_1277, %dma_wait3A_1296] : memref<100x128xf32, #tpu.memory_space<vmem_shared>> -> memref<1x128xf32, #tpu.memory_space<vmem_shared>>
              tpu.wait_dma2 semaphore(%run_scoped3A : memref<!tpu.dma_semaphore, #tpu.memory_space<semaphore_mem>>) src(%dma_wait3A_1297 : memref<1x128xf32, #tpu.memory_space<vmem_shared>>) dst(%dma_wait3A_1295 : memref<1x128xf32, #tpu.memory_space<vmem>>)
              tpu.yield
            }) : () -> ()
          } else {
          }
        }
        %scan3A_1263 = arith.constant 16 : i32
      } else {
      }
      %slice3A_1225 = vector.extract_strided_slice %max3A_665 {offsets = [12], sizes = [1], strides = [1]} : vector<16xi32> to vector<1xi32>
      %squeeze3A_1226 = vector.extract %slice3A_1225[0] : i32 from vector<1xi32>
      %ge3A_1227 = arith.constant 100000 : i32
      %ge3A_1228 = arith.cmpi sge, %squeeze3A_1226, %ge3A_1227 : i32
      %convert_element_type3A_1229 = arith.extui %ge3A_1228 : i1 to i32
      %cond3A_1230 = arith.constant 0 : i32
      %cond3A_1231 = arith.cmpi ne, %convert_element_type3A_1229, %cond3A_1230 : i32
      scf.if %cond3A_1231 {
        %scan3A_1258 = arith.constant 0 : i32
        %scan3A_1259 = arith.constant 0 : i32
        %scan3A_1260 = arith.constant 16 : i32
        %scan3A_1261 = arith.addi %scan3A_1259, %scan3A_1260 : i32
        %scan3A_1262 = arith.constant 1 : i32
        scf.for %scan3A_1264 = %scan3A_1259 to %scan3A_1261 step %scan3A_1262  : i32 {
          %mul3A_1265 = arith.constant 16 : i32
          %mul3A_1266 = arith.muli %scan3A_1264, %mul3A_1265 : i32
          %get3A_1267 = arith.index_cast %mul3A_1266 : i32 to index
          %get3A_1268 = tpu.vector_load %arg7[%get3A_1267] {strides = array<i32>} : memref<256xi32, #tpu.memory_space<vmem>>, vector<16xi32>,
          %get3A_1269 = vector.shape_cast %get3A_1268 : vector<16xi32> to vector<16xi32>
          %slice3A_1270 = vector.extract_strided_slice %get3A_1269 {offsets = [12], sizes = [1], strides = [1]} : vector<16xi32> to vector<1xi32>
          %squeeze3A_1271 = vector.extract %slice3A_1270[0] : i32 from vector<1xi32>
          %ge3A_1272 = arith.constant 100000 : i32
          %ge3A_1273 = arith.cmpi sge, %squeeze3A_1271, %ge3A_1272 : i32
          %convert_element_type3A_1274 = arith.extui %ge3A_1273 : i1 to i32
          %cond3A_1275 = arith.constant 0 : i32
          %cond3A_1276 = arith.cmpi ne, %convert_element_type3A_1274, %cond3A_1275 : i32
          scf.if %cond3A_1276 {
            %sub3A = arith.constant 100000 : i32
            %sub3A_1277 = arith.subi %squeeze3A_1271, %sub3A : i32
            %mul3A_1278 = arith.constant 16 : i32
            %mul3A_1279 = arith.muli %scan3A_1264, %mul3A_1278 : i32
            %add3A_1280 = arith.constant 12 : i32
            %add3A_1281 = arith.addi %mul3A_1279, %add3A_1280 : i32
            "tpu.region"() ({
              %run_scoped3A = tpu.sem_alloc : memref<!tpu.dma_semaphore, #tpu.memory_space<semaphore_mem>>
              %dma_start3A_1282 = arith.constant 0 : i32
              %dma_start3A_1283 = tpu.memref_slice %arg11[%add3A_1281, %dma_start3A_1282] : memref<256x128xf32, #tpu.memory_space<vmem>> -> memref<1x128xf32, #tpu.memory_space<vmem>>
              %dma_start3A_1284 = arith.constant 0 : i32
              %dma_start3A_1285 = tpu.memref_slice %arg12[%sub3A_1277, %dma_start3A_1284] : memref<100x128xf32, #tpu.memory_space<vmem_shared>> -> memref<1x128xf32, #tpu.memory_space<vmem_shared>>
              %dma_start3A_1286 = arith.constant 0 : i32
              %dma_start3A_1287 = tpu.memref_slice %arg11[%add3A_1281, %dma_start3A_1286] : memref<256x128xf32, #tpu.memory_space<vmem>> -> memref<1x128xf32, #tpu.memory_space<vmem>>
              %dma_start3A_1288 = arith.constant 0 : i32
              %dma_start3A_1289 = tpu.memref_slice %arg12[%sub3A_1277, %dma_start3A_1288] : memref<100x128xf32, #tpu.memory_space<vmem_shared>> -> memref<1x128xf32, #tpu.memory_space<vmem_shared>>
              tpu.enqueue_dma source(%dma_start3A_1289 : memref<1x128xf32, #tpu.memory_space<vmem_shared>>) target(%dma_start3A_1287 : memref<1x128xf32, #tpu.memory_space<vmem>>) target_semaphore(%run_scoped3A : memref<!tpu.dma_semaphore, #tpu.memory_space<semaphore_mem>>)
              %dma_wait3A_1290 = arith.constant 0 : i32
              %dma_wait3A_1291 = tpu.memref_slice %arg11[%add3A_1281, %dma_wait3A_1290] : memref<256x128xf32, #tpu.memory_space<vmem>> -> memref<1x128xf32, #tpu.memory_space<vmem>>
              %dma_wait3A_1292 = arith.constant 0 : i32
              %dma_wait3A_1293 = tpu.memref_slice %arg12[%sub3A_1277, %dma_wait3A_1292] : memref<100x128xf32, #tpu.memory_space<vmem_shared>> -> memref<1x128xf32, #tpu.memory_space<vmem_shared>>
              %dma_wait3A_1294 = arith.constant 0 : i32
              %dma_wait3A_1295 = tpu.memref_slice %arg11[%add3A_1281, %dma_wait3A_1294] : memref<256x128xf32, #tpu.memory_space<vmem>> -> memref<1x128xf32, #tpu.memory_space<vmem>>
              %dma_wait3A_1296 = arith.constant 0 : i32
              %dma_wait3A_1297 = tpu.memref_slice %arg12[%sub3A_1277, %dma_wait3A_1296] : memref<100x128xf32, #tpu.memory_space<vmem_shared>> -> memref<1x128xf32, #tpu.memory_space<vmem_shared>>
              tpu.wait_dma2 semaphore(%run_scoped3A : memref<!tpu.dma_semaphore, #tpu.memory_space<semaphore_mem>>) src(%dma_wait3A_1297 : memref<1x128xf32, #tpu.memory_space<vmem_shared>>) dst(%dma_wait3A_1295 : memref<1x128xf32, #tpu.memory_space<vmem>>)
              tpu.yield
            }) : () -> ()
          } else {
          }
        }
        %scan3A_1263 = arith.constant 16 : i32
      } else {
      }
      %slice3A_1232 = vector.extract_strided_slice %max3A_665 {offsets = [13], sizes = [1], strides = [1]} : vector<16xi32> to vector<1xi32>
      %squeeze3A_1233 = vector.extract %slice3A_1232[0] : i32 from vector<1xi32>
      %ge3A_1234 = arith.constant 100000 : i32
      %ge3A_1235 = arith.cmpi sge, %squeeze3A_1233, %ge3A_1234 : i32
      %convert_element_type3A_1236 = arith.extui %ge3A_1235 : i1 to i32
      %cond3A_1237 = arith.constant 0 : i32
      %cond3A_1238 = arith.cmpi ne, %convert_element_type3A_1236, %cond3A_1237 : i32
      scf.if %cond3A_1238 {
        %scan3A_1258 = arith.constant 0 : i32
        %scan3A_1259 = arith.constant 0 : i32
        %scan3A_1260 = arith.constant 16 : i32
        %scan3A_1261 = arith.addi %scan3A_1259, %scan3A_1260 : i32
        %scan3A_1262 = arith.constant 1 : i32
        scf.for %scan3A_1264 = %scan3A_1259 to %scan3A_1261 step %scan3A_1262  : i32 {
          %mul3A_1265 = arith.constant 16 : i32
          %mul3A_1266 = arith.muli %scan3A_1264, %mul3A_1265 : i32
          %get3A_1267 = arith.index_cast %mul3A_1266 : i32 to index
          %get3A_1268 = tpu.vector_load %arg7[%get3A_1267] {strides = array<i32>} : memref<256xi32, #tpu.memory_space<vmem>>, vector<16xi32>,
          %get3A_1269 = vector.shape_cast %get3A_1268 : vector<16xi32> to vector<16xi32>
          %slice3A_1270 = vector.extract_strided_slice %get3A_1269 {offsets = [13], sizes = [1], strides = [1]} : vector<16xi32> to vector<1xi32>
          %squeeze3A_1271 = vector.extract %slice3A_1270[0] : i32 from vector<1xi32>
          %ge3A_1272 = arith.constant 100000 : i32
          %ge3A_1273 = arith.cmpi sge, %squeeze3A_1271, %ge3A_1272 : i32
          %convert_element_type3A_1274 = arith.extui %ge3A_1273 : i1 to i32
          %cond3A_1275 = arith.constant 0 : i32
          %cond3A_1276 = arith.cmpi ne, %convert_element_type3A_1274, %cond3A_1275 : i32
          scf.if %cond3A_1276 {
            %sub3A = arith.constant 100000 : i32
            %sub3A_1277 = arith.subi %squeeze3A_1271, %sub3A : i32
            %mul3A_1278 = arith.constant 16 : i32
            %mul3A_1279 = arith.muli %scan3A_1264, %mul3A_1278 : i32
            %add3A_1280 = arith.constant 13 : i32
            %add3A_1281 = arith.addi %mul3A_1279, %add3A_1280 : i32
            "tpu.region"() ({
              %run_scoped3A = tpu.sem_alloc : memref<!tpu.dma_semaphore, #tpu.memory_space<semaphore_mem>>
              %dma_start3A_1282 = arith.constant 0 : i32
              %dma_start3A_1283 = tpu.memref_slice %arg11[%add3A_1281, %dma_start3A_1282] : memref<256x128xf32, #tpu.memory_space<vmem>> -> memref<1x128xf32, #tpu.memory_space<vmem>>
              %dma_start3A_1284 = arith.constant 0 : i32
              %dma_start3A_1285 = tpu.memref_slice %arg12[%sub3A_1277, %dma_start3A_1284] : memref<100x128xf32, #tpu.memory_space<vmem_shared>> -> memref<1x128xf32, #tpu.memory_space<vmem_shared>>
              %dma_start3A_1286 = arith.constant 0 : i32
              %dma_start3A_1287 = tpu.memref_slice %arg11[%add3A_1281, %dma_start3A_1286] : memref<256x128xf32, #tpu.memory_space<vmem>> -> memref<1x128xf32, #tpu.memory_space<vmem>>
              %dma_start3A_1288 = arith.constant 0 : i32
              %dma_start3A_1289 = tpu.memref_slice %arg12[%sub3A_1277, %dma_start3A_1288] : memref<100x128xf32, #tpu.memory_space<vmem_shared>> -> memref<1x128xf32, #tpu.memory_space<vmem_shared>>
              tpu.enqueue_dma source(%dma_start3A_1289 : memref<1x128xf32, #tpu.memory_space<vmem_shared>>) target(%dma_start3A_1287 : memref<1x128xf32, #tpu.memory_space<vmem>>) target_semaphore(%run_scoped3A : memref<!tpu.dma_semaphore, #tpu.memory_space<semaphore_mem>>)
              %dma_wait3A_1290 = arith.constant 0 : i32
              %dma_wait3A_1291 = tpu.memref_slice %arg11[%add3A_1281, %dma_wait3A_1290] : memref<256x128xf32, #tpu.memory_space<vmem>> -> memref<1x128xf32, #tpu.memory_space<vmem>>
              %dma_wait3A_1292 = arith.constant 0 : i32
              %dma_wait3A_1293 = tpu.memref_slice %arg12[%sub3A_1277, %dma_wait3A_1292] : memref<100x128xf32, #tpu.memory_space<vmem_shared>> -> memref<1x128xf32, #tpu.memory_space<vmem_shared>>
              %dma_wait3A_1294 = arith.constant 0 : i32
              %dma_wait3A_1295 = tpu.memref_slice %arg11[%add3A_1281, %dma_wait3A_1294] : memref<256x128xf32, #tpu.memory_space<vmem>> -> memref<1x128xf32, #tpu.memory_space<vmem>>
              %dma_wait3A_1296 = arith.constant 0 : i32
              %dma_wait3A_1297 = tpu.memref_slice %arg12[%sub3A_1277, %dma_wait3A_1296] : memref<100x128xf32, #tpu.memory_space<vmem_shared>> -> memref<1x128xf32, #tpu.memory_space<vmem_shared>>
              tpu.wait_dma2 semaphore(%run_scoped3A : memref<!tpu.dma_semaphore, #tpu.memory_space<semaphore_mem>>) src(%dma_wait3A_1297 : memref<1x128xf32, #tpu.memory_space<vmem_shared>>) dst(%dma_wait3A_1295 : memref<1x128xf32, #tpu.memory_space<vmem>>)
              tpu.yield
            }) : () -> ()
          } else {
          }
        }
        %scan3A_1263 = arith.constant 16 : i32
      } else {
      }
      %slice3A_1239 = vector.extract_strided_slice %max3A_665 {offsets = [14], sizes = [1], strides = [1]} : vector<16xi32> to vector<1xi32>
      %squeeze3A_1240 = vector.extract %slice3A_1239[0] : i32 from vector<1xi32>
      %ge3A_1241 = arith.constant 100000 : i32
      %ge3A_1242 = arith.cmpi sge, %squeeze3A_1240, %ge3A_1241 : i32
      %convert_element_type3A_1243 = arith.extui %ge3A_1242 : i1 to i32
      %cond3A_1244 = arith.constant 0 : i32
      %cond3A_1245 = arith.cmpi ne, %convert_element_type3A_1243, %cond3A_1244 : i32
      scf.if %cond3A_1245 {
        %scan3A_1258 = arith.constant 0 : i32
        %scan3A_1259 = arith.constant 0 : i32
        %scan3A_1260 = arith.constant 16 : i32
        %scan3A_1261 = arith.addi %scan3A_1259, %scan3A_1260 : i32
        %scan3A_1262 = arith.constant 1 : i32
        scf.for %scan3A_1264 = %scan3A_1259 to %scan3A_1261 step %scan3A_1262  : i32 {
          %mul3A_1265 = arith.constant 16 : i32
          %mul3A_1266 = arith.muli %scan3A_1264, %mul3A_1265 : i32
          %get3A_1267 = arith.index_cast %mul3A_1266 : i32 to index
          %get3A_1268 = tpu.vector_load %arg7[%get3A_1267] {strides = array<i32>} : memref<256xi32, #tpu.memory_space<vmem>>, vector<16xi32>,
          %get3A_1269 = vector.shape_cast %get3A_1268 : vector<16xi32> to vector<16xi32>
          %slice3A_1270 = vector.extract_strided_slice %get3A_1269 {offsets = [14], sizes = [1], strides = [1]} : vector<16xi32> to vector<1xi32>
          %squeeze3A_1271 = vector.extract %slice3A_1270[0] : i32 from vector<1xi32>
          %ge3A_1272 = arith.constant 100000 : i32
          %ge3A_1273 = arith.cmpi sge, %squeeze3A_1271, %ge3A_1272 : i32
          %convert_element_type3A_1274 = arith.extui %ge3A_1273 : i1 to i32
          %cond3A_1275 = arith.constant 0 : i32
          %cond3A_1276 = arith.cmpi ne, %convert_element_type3A_1274, %cond3A_1275 : i32
          scf.if %cond3A_1276 {
            %sub3A = arith.constant 100000 : i32
            %sub3A_1277 = arith.subi %squeeze3A_1271, %sub3A : i32
            %mul3A_1278 = arith.constant 16 : i32
            %mul3A_1279 = arith.muli %scan3A_1264, %mul3A_1278 : i32
            %add3A_1280 = arith.constant 14 : i32
            %add3A_1281 = arith.addi %mul3A_1279, %add3A_1280 : i32
            "tpu.region"() ({
              %run_scoped3A = tpu.sem_alloc : memref<!tpu.dma_semaphore, #tpu.memory_space<semaphore_mem>>
              %dma_start3A_1282 = arith.constant 0 : i32
              %dma_start3A_1283 = tpu.memref_slice %arg11[%add3A_1281, %dma_start3A_1282] : memref<256x128xf32, #tpu.memory_space<vmem>> -> memref<1x128xf32, #tpu.memory_space<vmem>>
              %dma_start3A_1284 = arith.constant 0 : i32
              %dma_start3A_1285 = tpu.memref_slice %arg12[%sub3A_1277, %dma_start3A_1284] : memref<100x128xf32, #tpu.memory_space<vmem_shared>> -> memref<1x128xf32, #tpu.memory_space<vmem_shared>>
              %dma_start3A_1286 = arith.constant 0 : i32
              %dma_start3A_1287 = tpu.memref_slice %arg11[%add3A_1281, %dma_start3A_1286] : memref<256x128xf32, #tpu.memory_space<vmem>> -> memref<1x128xf32, #tpu.memory_space<vmem>>
              %dma_start3A_1288 = arith.constant 0 : i32
              %dma_start3A_1289 = tpu.memref_slice %arg12[%sub3A_1277, %dma_start3A_1288] : memref<100x128xf32, #tpu.memory_space<vmem_shared>> -> memref<1x128xf32, #tpu.memory_space<vmem_shared>>
              tpu.enqueue_dma source(%dma_start3A_1289 : memref<1x128xf32, #tpu.memory_space<vmem_shared>>) target(%dma_start3A_1287 : memref<1x128xf32, #tpu.memory_space<vmem>>) target_semaphore(%run_scoped3A : memref<!tpu.dma_semaphore, #tpu.memory_space<semaphore_mem>>)
              %dma_wait3A_1290 = arith.constant 0 : i32
              %dma_wait3A_1291 = tpu.memref_slice %arg11[%add3A_1281, %dma_wait3A_1290] : memref<256x128xf32, #tpu.memory_space<vmem>> -> memref<1x128xf32, #tpu.memory_space<vmem>>
              %dma_wait3A_1292 = arith.constant 0 : i32
              %dma_wait3A_1293 = tpu.memref_slice %arg12[%sub3A_1277, %dma_wait3A_1292] : memref<100x128xf32, #tpu.memory_space<vmem_shared>> -> memref<1x128xf32, #tpu.memory_space<vmem_shared>>
              %dma_wait3A_1294 = arith.constant 0 : i32
              %dma_wait3A_1295 = tpu.memref_slice %arg11[%add3A_1281, %dma_wait3A_1294] : memref<256x128xf32, #tpu.memory_space<vmem>> -> memref<1x128xf32, #tpu.memory_space<vmem>>
              %dma_wait3A_1296 = arith.constant 0 : i32
              %dma_wait3A_1297 = tpu.memref_slice %arg12[%sub3A_1277, %dma_wait3A_1296] : memref<100x128xf32, #tpu.memory_space<vmem_shared>> -> memref<1x128xf32, #tpu.memory_space<vmem_shared>>
              tpu.wait_dma2 semaphore(%run_scoped3A : memref<!tpu.dma_semaphore, #tpu.memory_space<semaphore_mem>>) src(%dma_wait3A_1297 : memref<1x128xf32, #tpu.memory_space<vmem_shared>>) dst(%dma_wait3A_1295 : memref<1x128xf32, #tpu.memory_space<vmem>>)
              tpu.yield
            }) : () -> ()
          } else {
          }
        }
        %scan3A_1263 = arith.constant 16 : i32
      } else {
      }
      %slice3A_1246 = vector.extract_strided_slice %max3A_665 {offsets = [15], sizes = [1], strides = [1]} : vector<16xi32> to vector<1xi32>
      %squeeze3A_1247 = vector.extract %slice3A_1246[0] : i32 from vector<1xi32>
      %ge3A_1248 = arith.constant 100000 : i32
      %ge3A_1249 = arith.cmpi sge, %squeeze3A_1247, %ge3A_1248 : i32
      %convert_element_type3A_1250 = arith.extui %ge3A_1249 : i1 to i32
      %cond3A_1251 = arith.constant 0 : i32
      %cond3A_1252 = arith.cmpi ne, %convert_element_type3A_1250, %cond3A_1251 : i32
      scf.if %cond3A_1252 {
        %scan3A_1258 = arith.constant 0 : i32
        %scan3A_1259 = arith.constant 0 : i32
        %scan3A_1260 = arith.constant 16 : i32
        %scan3A_1261 = arith.addi %scan3A_1259, %scan3A_1260 : i32
        %scan3A_1262 = arith.constant 1 : i32
        scf.for %scan3A_1264 = %scan3A_1259 to %scan3A_1261 step %scan3A_1262  : i32 {
          %mul3A_1265 = arith.constant 16 : i32
          %mul3A_1266 = arith.muli %scan3A_1264, %mul3A_1265 : i32
          %get3A_1267 = arith.index_cast %mul3A_1266 : i32 to index
          %get3A_1268 = tpu.vector_load %arg7[%get3A_1267] {strides = array<i32>} : memref<256xi32, #tpu.memory_space<vmem>>, vector<16xi32>,
          %get3A_1269 = vector.shape_cast %get3A_1268 : vector<16xi32> to vector<16xi32>
          %slice3A_1270 = vector.extract_strided_slice %get3A_1269 {offsets = [15], sizes = [1], strides = [1]} : vector<16xi32> to vector<1xi32>
          %squeeze3A_1271 = vector.extract %slice3A_1270[0] : i32 from vector<1xi32>
          %ge3A_1272 = arith.constant 100000 : i32
          %ge3A_1273 = arith.cmpi sge, %squeeze3A_1271, %ge3A_1272 : i32
          %convert_element_type3A_1274 = arith.extui %ge3A_1273 : i1 to i32
          %cond3A_1275 = arith.constant 0 : i32
          %cond3A_1276 = arith.cmpi ne, %convert_element_type3A_1274, %cond3A_1275 : i32
          scf.if %cond3A_1276 {
            %sub3A = arith.constant 100000 : i32
            %sub3A_1277 = arith.subi %squeeze3A_1271, %sub3A : i32
            %mul3A_1278 = arith.constant 16 : i32
            %mul3A_1279 = arith.muli %scan3A_1264, %mul3A_1278 : i32
            %add3A_1280 = arith.constant 15 : i32
            %add3A_1281 = arith.addi %mul3A_1279, %add3A_1280 : i32
            "tpu.region"() ({
              %run_scoped3A = tpu.sem_alloc : memref<!tpu.dma_semaphore, #tpu.memory_space<semaphore_mem>>
              %dma_start3A_1282 = arith.constant 0 : i32
              %dma_start3A_1283 = tpu.memref_slice %arg11[%add3A_1281, %dma_start3A_1282] : memref<256x128xf32, #tpu.memory_space<vmem>> -> memref<1x128xf32, #tpu.memory_space<vmem>>
              %dma_start3A_1284 = arith.constant 0 : i32
              %dma_start3A_1285 = tpu.memref_slice %arg12[%sub3A_1277, %dma_start3A_1284] : memref<100x128xf32, #tpu.memory_space<vmem_shared>> -> memref<1x128xf32, #tpu.memory_space<vmem_shared>>
              %dma_start3A_1286 = arith.constant 0 : i32
              %dma_start3A_1287 = tpu.memref_slice %arg11[%add3A_1281, %dma_start3A_1286] : memref<256x128xf32, #tpu.memory_space<vmem>> -> memref<1x128xf32, #tpu.memory_space<vmem>>
              %dma_start3A_1288 = arith.constant 0 : i32
              %dma_start3A_1289 = tpu.memref_slice %arg12[%sub3A_1277, %dma_start3A_1288] : memref<100x128xf32, #tpu.memory_space<vmem_shared>> -> memref<1x128xf32, #tpu.memory_space<vmem_shared>>
              tpu.enqueue_dma source(%dma_start3A_1289 : memref<1x128xf32, #tpu.memory_space<vmem_shared>>) target(%dma_start3A_1287 : memref<1x128xf32, #tpu.memory_space<vmem>>) target_semaphore(%run_scoped3A : memref<!tpu.dma_semaphore, #tpu.memory_space<semaphore_mem>>)
              %dma_wait3A_1290 = arith.constant 0 : i32
              %dma_wait3A_1291 = tpu.memref_slice %arg11[%add3A_1281, %dma_wait3A_1290] : memref<256x128xf32, #tpu.memory_space<vmem>> -> memref<1x128xf32, #tpu.memory_space<vmem>>
              %dma_wait3A_1292 = arith.constant 0 : i32
              %dma_wait3A_1293 = tpu.memref_slice %arg12[%sub3A_1277, %dma_wait3A_1292] : memref<100x128xf32, #tpu.memory_space<vmem_shared>> -> memref<1x128xf32, #tpu.memory_space<vmem_shared>>
              %dma_wait3A_1294 = arith.constant 0 : i32
              %dma_wait3A_1295 = tpu.memref_slice %arg11[%add3A_1281, %dma_wait3A_1294] : memref<256x128xf32, #tpu.memory_space<vmem>> -> memref<1x128xf32, #tpu.memory_space<vmem>>
              %dma_wait3A_1296 = arith.constant 0 : i32
              %dma_wait3A_1297 = tpu.memref_slice %arg12[%sub3A_1277, %dma_wait3A_1296] : memref<100x128xf32, #tpu.memory_space<vmem_shared>> -> memref<1x128xf32, #tpu.memory_space<vmem_shared>>
              tpu.wait_dma2 semaphore(%run_scoped3A : memref<!tpu.dma_semaphore, #tpu.memory_space<semaphore_mem>>) src(%dma_wait3A_1297 : memref<1x128xf32, #tpu.memory_space<vmem_shared>>) dst(%dma_wait3A_1295 : memref<1x128xf32, #tpu.memory_space<vmem>>)
              tpu.yield
            }) : () -> ()
          } else {
          }
        }
        %scan3A_1263 = arith.constant 16 : i32
      } else {
      }
      %add3A_1253 = arith.constant 1 : i32
      %add3A_1254 = arith.addi %mul3A_417, %add3A_1253 : i32
      %mul3A_1255 = arith.constant 256 : i32
      %mul3A_1256 = arith.muli %add3A_1254, %mul3A_1255 : i32
      %add3A_1257 = arith.addi %mul3A_2, %mul3A_1256 : i32
      "tpu.region"() ({
        %run_scoped3A = tpu.sem_alloc : memref<!tpu.dma_semaphore, #tpu.memory_space<semaphore_mem>>
        %dma_start3A_1258 = arith.constant 0 : i32
        %dma_start3A_1259 = tpu.memref_slice %arg5[%add3A_1257, %dma_start3A_1258] : memref<204800x128xf32, #tpu.memory_space<hbm>> -> memref<256x128xf32, #tpu.memory_space<hbm>>
        %dma_start3A_1260 = arith.constant 0 : i32
        %dma_start3A_1261 = tpu.memref_slice %arg5[%add3A_1257, %dma_start3A_1260] : memref<204800x128xf32, #tpu.memory_space<hbm>> -> memref<256x128xf32, #tpu.memory_space<hbm>>
        tpu.enqueue_dma source(%arg11 : memref<256x128xf32, #tpu.memory_space<vmem>>) target(%dma_start3A_1261 : memref<256x128xf32, #tpu.memory_space<hbm>>) target_semaphore(%run_scoped3A : memref<!tpu.dma_semaphore, #tpu.memory_space<semaphore_mem>>)
        %dma_wait3A_1262 = arith.constant 0 : i32
        %dma_wait3A_1263 = tpu.memref_slice %arg5[%add3A_1257, %dma_wait3A_1262] : memref<204800x128xf32, #tpu.memory_space<hbm>> -> memref<256x128xf32, #tpu.memory_space<hbm>>
        %dma_wait3A_1264 = arith.constant 0 : i32
        %dma_wait3A_1265 = tpu.memref_slice %arg5[%add3A_1257, %dma_wait3A_1264] : memref<204800x128xf32, #tpu.memory_space<hbm>> -> memref<256x128xf32, #tpu.memory_space<hbm>>
        tpu.wait_dma2 semaphore(%run_scoped3A : memref<!tpu.dma_semaphore, #tpu.memory_space<semaphore_mem>>) src(%arg11 : memref<256x128xf32, #tpu.memory_space<vmem>>) dst(%dma_wait3A_1265 : memref<256x128xf32, #tpu.memory_space<hbm>>)
        tpu.yield
      }) : () -> ()
      scf.yield %max3A_1084 : vector<16xi32>
    }
    %scan3A_278 = arith.constant 12 : i32
    %dma_wait3A = arith.constant 0 : i32
    %dma_wait3A_279 = arith.constant 0 : i32
    %dma_wait3A_280 = tpu.memref_slice %arg10[%dma_wait3A, %dma_wait3A_279] : memref<256x128xf32, #tpu.memory_space<vmem>> -> memref<128x128xf32, #tpu.memory_space<vmem>>
    %dma_wait3A_281 = arith.constant 0 : i32
    %dma_wait3A_282 = arith.constant 0 : i32
    %dma_wait3A_283 = tpu.memref_slice %arg3[%dma_wait3A_281, %dma_wait3A_282] : memref<100000x128xf32, #tpu.memory_space<hbm>> -> memref<128x128xf32, #tpu.memory_space<hbm>>
    %dma_wait3A_284 = arith.constant 0 : i32
    %dma_wait3A_285 = arith.constant 0 : i32
    %dma_wait3A_286 = tpu.memref_slice %arg10[%dma_wait3A_284, %dma_wait3A_285] : memref<256x128xf32, #tpu.memory_space<vmem>> -> memref<128x128xf32, #tpu.memory_space<vmem>>
    %dma_wait3A_287 = arith.constant 0 : i32
    %dma_wait3A_288 = arith.constant 0 : i32
    %dma_wait3A_289 = tpu.memref_slice %arg3[%dma_wait3A_287, %dma_wait3A_288] : memref<100000x128xf32, #tpu.memory_space<hbm>> -> memref<128x128xf32, #tpu.memory_space<hbm>>
    tpu.wait_dma2 semaphore(%arg13 : memref<!tpu.dma_semaphore, #tpu.memory_space<semaphore_mem>>) src(%dma_wait3A_289 : memref<128x128xf32, #tpu.memory_space<hbm>>) dst(%dma_wait3A_286 : memref<128x128xf32, #tpu.memory_space<vmem>>)
    %dma_wait3A_290 = arith.constant 128 : i32
    %dma_wait3A_291 = arith.constant 0 : i32
    %dma_wait3A_292 = tpu.memref_slice %arg10[%dma_wait3A_290, %dma_wait3A_291] : memref<256x128xf32, #tpu.memory_space<vmem>> -> memref<128x128xf32, #tpu.memory_space<vmem>>
    %dma_wait3A_293 = arith.constant 0 : i32
    %dma_wait3A_294 = arith.constant 0 : i32
    %dma_wait3A_295 = tpu.memref_slice %arg3[%dma_wait3A_293, %dma_wait3A_294] : memref<100000x128xf32, #tpu.memory_space<hbm>> -> memref<128x128xf32, #tpu.memory_space<hbm>>
    %dma_wait3A_296 = arith.constant 128 : i32
    %dma_wait3A_297 = arith.constant 0 : i32
    %dma_wait3A_298 = tpu.memref_slice %arg10[%dma_wait3A_296, %dma_wait3A_297] : memref<256x128xf32, #tpu.memory_space<vmem>> -> memref<128x128xf32, #tpu.memory_space<vmem>>
    %dma_wait3A_299 = arith.constant 0 : i32
    %dma_wait3A_300 = arith.constant 0 : i32
    %dma_wait3A_301 = tpu.memref_slice %arg3[%dma_wait3A_299, %dma_wait3A_300] : memref<100000x128xf32, #tpu.memory_space<hbm>> -> memref<128x128xf32, #tpu.memory_space<hbm>>
    tpu.wait_dma2 semaphore(%arg13 : memref<!tpu.dma_semaphore, #tpu.memory_space<semaphore_mem>>) src(%dma_wait3A_301 : memref<128x128xf32, #tpu.memory_space<hbm>>) dst(%dma_wait3A_298 : memref<128x128xf32, #tpu.memory_space<vmem>>)
    %slice3A = vector.extract_strided_slice %scan3A_277 {offsets = [0], sizes = [1], strides = [1]} : vector<16xi32> to vector<1xi32>
    %squeeze3A = vector.extract %slice3A[0] : i32 from vector<1xi32>
    %ge3A_302 = arith.constant 100000 : i32
    %ge3A_303 = arith.cmpi sge, %squeeze3A, %ge3A_302 : i32
    %convert_element_type3A_304 = arith.extui %ge3A_303 : i1 to i32
    %cond3A_305 = arith.constant 0 : i32
    %cond3A_306 = arith.cmpi ne, %convert_element_type3A_304, %cond3A_305 : i32
    scf.if %cond3A_306 {
      %scan3A_414 = arith.constant 0 : i32
      %scan3A_415 = arith.constant 0 : i32
      %scan3A_416 = arith.constant 16 : i32
      %scan3A_417 = arith.addi %scan3A_415, %scan3A_416 : i32
      %scan3A_418 = arith.constant 1 : i32
      scf.for %scan3A_420 = %scan3A_415 to %scan3A_417 step %scan3A_418  : i32 {
        %mul3A_421 = arith.constant 16 : i32
        %mul3A_422 = arith.muli %scan3A_420, %mul3A_421 : i32
        %get3A_423 = arith.index_cast %mul3A_422 : i32 to index
        %get3A_424 = tpu.vector_load %arg6[%get3A_423] {strides = array<i32>} : memref<256xi32, #tpu.memory_space<vmem>>, vector<16xi32>,
        %get3A_425 = vector.shape_cast %get3A_424 : vector<16xi32> to vector<16xi32>
        %slice3A_426 = vector.extract_strided_slice %get3A_425 {offsets = [0], sizes = [1], strides = [1]} : vector<16xi32> to vector<1xi32>
        %squeeze3A_427 = vector.extract %slice3A_426[0] : i32 from vector<1xi32>
        %ge3A_428 = arith.constant 100000 : i32
        %ge3A_429 = arith.cmpi sge, %squeeze3A_427, %ge3A_428 : i32
        %convert_element_type3A_430 = arith.extui %ge3A_429 : i1 to i32
        %cond3A_431 = arith.constant 0 : i32
        %cond3A_432 = arith.cmpi ne, %convert_element_type3A_430, %cond3A_431 : i32
        scf.if %cond3A_432 {
          %sub3A = arith.constant 100000 : i32
          %sub3A_433 = arith.subi %squeeze3A_427, %sub3A : i32
          %mul3A_434 = arith.constant 16 : i32
          %mul3A_435 = arith.muli %scan3A_420, %mul3A_434 : i32
          %add3A_436 = arith.constant 0 : i32
          %add3A_437 = arith.addi %mul3A_435, %add3A_436 : i32
          "tpu.region"() ({
            %run_scoped3A = tpu.sem_alloc : memref<!tpu.dma_semaphore, #tpu.memory_space<semaphore_mem>>
            %dma_start3A_438 = arith.constant 0 : i32
            %dma_start3A_439 = tpu.memref_slice %arg10[%add3A_437, %dma_start3A_438] : memref<256x128xf32, #tpu.memory_space<vmem>> -> memref<1x128xf32, #tpu.memory_space<vmem>>
            %dma_start3A_440 = arith.constant 0 : i32
            %dma_start3A_441 = tpu.memref_slice %arg12[%sub3A_433, %dma_start3A_440] : memref<100x128xf32, #tpu.memory_space<vmem_shared>> -> memref<1x128xf32, #tpu.memory_space<vmem_shared>>
            %dma_start3A_442 = arith.constant 0 : i32
            %dma_start3A_443 = tpu.memref_slice %arg10[%add3A_437, %dma_start3A_442] : memref<256x128xf32, #tpu.memory_space<vmem>> -> memref<1x128xf32, #tpu.memory_space<vmem>>
            %dma_start3A_444 = arith.constant 0 : i32
            %dma_start3A_445 = tpu.memref_slice %arg12[%sub3A_433, %dma_start3A_444] : memref<100x128xf32, #tpu.memory_space<vmem_shared>> -> memref<1x128xf32, #tpu.memory_space<vmem_shared>>
            tpu.enqueue_dma source(%dma_start3A_445 : memref<1x128xf32, #tpu.memory_space<vmem_shared>>) target(%dma_start3A_443 : memref<1x128xf32, #tpu.memory_space<vmem>>) target_semaphore(%run_scoped3A : memref<!tpu.dma_semaphore, #tpu.memory_space<semaphore_mem>>)
            %dma_wait3A_446 = arith.constant 0 : i32
            %dma_wait3A_447 = tpu.memref_slice %arg10[%add3A_437, %dma_wait3A_446] : memref<256x128xf32, #tpu.memory_space<vmem>> -> memref<1x128xf32, #tpu.memory_space<vmem>>
            %dma_wait3A_448 = arith.constant 0 : i32
            %dma_wait3A_449 = tpu.memref_slice %arg12[%sub3A_433, %dma_wait3A_448] : memref<100x128xf32, #tpu.memory_space<vmem_shared>> -> memref<1x128xf32, #tpu.memory_space<vmem_shared>>
            %dma_wait3A_450 = arith.constant 0 : i32
            %dma_wait3A_451 = tpu.memref_slice %arg10[%add3A_437, %dma_wait3A_450] : memref<256x128xf32, #tpu.memory_space<vmem>> -> memref<1x128xf32, #tpu.memory_space<vmem>>
            %dma_wait3A_452 = arith.constant 0 : i32
            %dma_wait3A_453 = tpu.memref_slice %arg12[%sub3A_433, %dma_wait3A_452] : memref<100x128xf32, #tpu.memory_space<vmem_shared>> -> memref<1x128xf32, #tpu.memory_space<vmem_shared>>
            tpu.wait_dma2 semaphore(%run_scoped3A : memref<!tpu.dma_semaphore, #tpu.memory_space<semaphore_mem>>) src(%dma_wait3A_453 : memref<1x128xf32, #tpu.memory_space<vmem_shared>>) dst(%dma_wait3A_451 : memref<1x128xf32, #tpu.memory_space<vmem>>)
            tpu.yield
          }) : () -> ()
        } else {
        }
      }
      %scan3A_419 = arith.constant 16 : i32
    } else {
    }
    %slice3A_307 = vector.extract_strided_slice %scan3A_277 {offsets = [1], sizes = [1], strides = [1]} : vector<16xi32> to vector<1xi32>
    %squeeze3A_308 = vector.extract %slice3A_307[0] : i32 from vector<1xi32>
    %ge3A_309 = arith.constant 100000 : i32
    %ge3A_310 = arith.cmpi sge, %squeeze3A_308, %ge3A_309 : i32
    %convert_element_type3A_311 = arith.extui %ge3A_310 : i1 to i32
    %cond3A_312 = arith.constant 0 : i32
    %cond3A_313 = arith.cmpi ne, %convert_element_type3A_311, %cond3A_312 : i32
    scf.if %cond3A_313 {
      %scan3A_414 = arith.constant 0 : i32
      %scan3A_415 = arith.constant 0 : i32
      %scan3A_416 = arith.constant 16 : i32
      %scan3A_417 = arith.addi %scan3A_415, %scan3A_416 : i32
      %scan3A_418 = arith.constant 1 : i32
      scf.for %scan3A_420 = %scan3A_415 to %scan3A_417 step %scan3A_418  : i32 {
        %mul3A_421 = arith.constant 16 : i32
        %mul3A_422 = arith.muli %scan3A_420, %mul3A_421 : i32
        %get3A_423 = arith.index_cast %mul3A_422 : i32 to index
        %get3A_424 = tpu.vector_load %arg6[%get3A_423] {strides = array<i32>} : memref<256xi32, #tpu.memory_space<vmem>>, vector<16xi32>,
        %get3A_425 = vector.shape_cast %get3A_424 : vector<16xi32> to vector<16xi32>
        %slice3A_426 = vector.extract_strided_slice %get3A_425 {offsets = [1], sizes = [1], strides = [1]} : vector<16xi32> to vector<1xi32>
        %squeeze3A_427 = vector.extract %slice3A_426[0] : i32 from vector<1xi32>
        %ge3A_428 = arith.constant 100000 : i32
        %ge3A_429 = arith.cmpi sge, %squeeze3A_427, %ge3A_428 : i32
        %convert_element_type3A_430 = arith.extui %ge3A_429 : i1 to i32
        %cond3A_431 = arith.constant 0 : i32
        %cond3A_432 = arith.cmpi ne, %convert_element_type3A_430, %cond3A_431 : i32
        scf.if %cond3A_432 {
          %sub3A = arith.constant 100000 : i32
          %sub3A_433 = arith.subi %squeeze3A_427, %sub3A : i32
          %mul3A_434 = arith.constant 16 : i32
          %mul3A_435 = arith.muli %scan3A_420, %mul3A_434 : i32
          %add3A_436 = arith.constant 1 : i32
          %add3A_437 = arith.addi %mul3A_435, %add3A_436 : i32
          "tpu.region"() ({
            %run_scoped3A = tpu.sem_alloc : memref<!tpu.dma_semaphore, #tpu.memory_space<semaphore_mem>>
            %dma_start3A_438 = arith.constant 0 : i32
            %dma_start3A_439 = tpu.memref_slice %arg10[%add3A_437, %dma_start3A_438] : memref<256x128xf32, #tpu.memory_space<vmem>> -> memref<1x128xf32, #tpu.memory_space<vmem>>
            %dma_start3A_440 = arith.constant 0 : i32
            %dma_start3A_441 = tpu.memref_slice %arg12[%sub3A_433, %dma_start3A_440] : memref<100x128xf32, #tpu.memory_space<vmem_shared>> -> memref<1x128xf32, #tpu.memory_space<vmem_shared>>
            %dma_start3A_442 = arith.constant 0 : i32
            %dma_start3A_443 = tpu.memref_slice %arg10[%add3A_437, %dma_start3A_442] : memref<256x128xf32, #tpu.memory_space<vmem>> -> memref<1x128xf32, #tpu.memory_space<vmem>>
            %dma_start3A_444 = arith.constant 0 : i32
            %dma_start3A_445 = tpu.memref_slice %arg12[%sub3A_433, %dma_start3A_444] : memref<100x128xf32, #tpu.memory_space<vmem_shared>> -> memref<1x128xf32, #tpu.memory_space<vmem_shared>>
            tpu.enqueue_dma source(%dma_start3A_445 : memref<1x128xf32, #tpu.memory_space<vmem_shared>>) target(%dma_start3A_443 : memref<1x128xf32, #tpu.memory_space<vmem>>) target_semaphore(%run_scoped3A : memref<!tpu.dma_semaphore, #tpu.memory_space<semaphore_mem>>)
            %dma_wait3A_446 = arith.constant 0 : i32
            %dma_wait3A_447 = tpu.memref_slice %arg10[%add3A_437, %dma_wait3A_446] : memref<256x128xf32, #tpu.memory_space<vmem>> -> memref<1x128xf32, #tpu.memory_space<vmem>>
            %dma_wait3A_448 = arith.constant 0 : i32
            %dma_wait3A_449 = tpu.memref_slice %arg12[%sub3A_433, %dma_wait3A_448] : memref<100x128xf32, #tpu.memory_space<vmem_shared>> -> memref<1x128xf32, #tpu.memory_space<vmem_shared>>
            %dma_wait3A_450 = arith.constant 0 : i32
            %dma_wait3A_451 = tpu.memref_slice %arg10[%add3A_437, %dma_wait3A_450] : memref<256x128xf32, #tpu.memory_space<vmem>> -> memref<1x128xf32, #tpu.memory_space<vmem>>
            %dma_wait3A_452 = arith.constant 0 : i32
            %dma_wait3A_453 = tpu.memref_slice %arg12[%sub3A_433, %dma_wait3A_452] : memref<100x128xf32, #tpu.memory_space<vmem_shared>> -> memref<1x128xf32, #tpu.memory_space<vmem_shared>>
            tpu.wait_dma2 semaphore(%run_scoped3A : memref<!tpu.dma_semaphore, #tpu.memory_space<semaphore_mem>>) src(%dma_wait3A_453 : memref<1x128xf32, #tpu.memory_space<vmem_shared>>) dst(%dma_wait3A_451 : memref<1x128xf32, #tpu.memory_space<vmem>>)
            tpu.yield
          }) : () -> ()
        } else {
        }
      }
      %scan3A_419 = arith.constant 16 : i32
    } else {
    }
    %slice3A_314 = vector.extract_strided_slice %scan3A_277 {offsets = [2], sizes = [1], strides = [1]} : vector<16xi32> to vector<1xi32>
    %squeeze3A_315 = vector.extract %slice3A_314[0] : i32 from vector<1xi32>
    %ge3A_316 = arith.constant 100000 : i32
    %ge3A_317 = arith.cmpi sge, %squeeze3A_315, %ge3A_316 : i32
    %convert_element_type3A_318 = arith.extui %ge3A_317 : i1 to i32
    %cond3A_319 = arith.constant 0 : i32
    %cond3A_320 = arith.cmpi ne, %convert_element_type3A_318, %cond3A_319 : i32
    scf.if %cond3A_320 {
      %scan3A_414 = arith.constant 0 : i32
      %scan3A_415 = arith.constant 0 : i32
      %scan3A_416 = arith.constant 16 : i32
      %scan3A_417 = arith.addi %scan3A_415, %scan3A_416 : i32
      %scan3A_418 = arith.constant 1 : i32
      scf.for %scan3A_420 = %scan3A_415 to %scan3A_417 step %scan3A_418  : i32 {
        %mul3A_421 = arith.constant 16 : i32
        %mul3A_422 = arith.muli %scan3A_420, %mul3A_421 : i32
        %get3A_423 = arith.index_cast %mul3A_422 : i32 to index
        %get3A_424 = tpu.vector_load %arg6[%get3A_423] {strides = array<i32>} : memref<256xi32, #tpu.memory_space<vmem>>, vector<16xi32>,
        %get3A_425 = vector.shape_cast %get3A_424 : vector<16xi32> to vector<16xi32>
        %slice3A_426 = vector.extract_strided_slice %get3A_425 {offsets = [2], sizes = [1], strides = [1]} : vector<16xi32> to vector<1xi32>
        %squeeze3A_427 = vector.extract %slice3A_426[0] : i32 from vector<1xi32>
        %ge3A_428 = arith.constant 100000 : i32
        %ge3A_429 = arith.cmpi sge, %squeeze3A_427, %ge3A_428 : i32
        %convert_element_type3A_430 = arith.extui %ge3A_429 : i1 to i32
        %cond3A_431 = arith.constant 0 : i32
        %cond3A_432 = arith.cmpi ne, %convert_element_type3A_430, %cond3A_431 : i32
        scf.if %cond3A_432 {
          %sub3A = arith.constant 100000 : i32
          %sub3A_433 = arith.subi %squeeze3A_427, %sub3A : i32
          %mul3A_434 = arith.constant 16 : i32
          %mul3A_435 = arith.muli %scan3A_420, %mul3A_434 : i32
          %add3A_436 = arith.constant 2 : i32
          %add3A_437 = arith.addi %mul3A_435, %add3A_436 : i32
          "tpu.region"() ({
            %run_scoped3A = tpu.sem_alloc : memref<!tpu.dma_semaphore, #tpu.memory_space<semaphore_mem>>
            %dma_start3A_438 = arith.constant 0 : i32
            %dma_start3A_439 = tpu.memref_slice %arg10[%add3A_437, %dma_start3A_438] : memref<256x128xf32, #tpu.memory_space<vmem>> -> memref<1x128xf32, #tpu.memory_space<vmem>>
            %dma_start3A_440 = arith.constant 0 : i32
            %dma_start3A_441 = tpu.memref_slice %arg12[%sub3A_433, %dma_start3A_440] : memref<100x128xf32, #tpu.memory_space<vmem_shared>> -> memref<1x128xf32, #tpu.memory_space<vmem_shared>>
            %dma_start3A_442 = arith.constant 0 : i32
            %dma_start3A_443 = tpu.memref_slice %arg10[%add3A_437, %dma_start3A_442] : memref<256x128xf32, #tpu.memory_space<vmem>> -> memref<1x128xf32, #tpu.memory_space<vmem>>
            %dma_start3A_444 = arith.constant 0 : i32
            %dma_start3A_445 = tpu.memref_slice %arg12[%sub3A_433, %dma_start3A_444] : memref<100x128xf32, #tpu.memory_space<vmem_shared>> -> memref<1x128xf32, #tpu.memory_space<vmem_shared>>
            tpu.enqueue_dma source(%dma_start3A_445 : memref<1x128xf32, #tpu.memory_space<vmem_shared>>) target(%dma_start3A_443 : memref<1x128xf32, #tpu.memory_space<vmem>>) target_semaphore(%run_scoped3A : memref<!tpu.dma_semaphore, #tpu.memory_space<semaphore_mem>>)
            %dma_wait3A_446 = arith.constant 0 : i32
            %dma_wait3A_447 = tpu.memref_slice %arg10[%add3A_437, %dma_wait3A_446] : memref<256x128xf32, #tpu.memory_space<vmem>> -> memref<1x128xf32, #tpu.memory_space<vmem>>
            %dma_wait3A_448 = arith.constant 0 : i32
            %dma_wait3A_449 = tpu.memref_slice %arg12[%sub3A_433, %dma_wait3A_448] : memref<100x128xf32, #tpu.memory_space<vmem_shared>> -> memref<1x128xf32, #tpu.memory_space<vmem_shared>>
            %dma_wait3A_450 = arith.constant 0 : i32
            %dma_wait3A_451 = tpu.memref_slice %arg10[%add3A_437, %dma_wait3A_450] : memref<256x128xf32, #tpu.memory_space<vmem>> -> memref<1x128xf32, #tpu.memory_space<vmem>>
            %dma_wait3A_452 = arith.constant 0 : i32
            %dma_wait3A_453 = tpu.memref_slice %arg12[%sub3A_433, %dma_wait3A_452] : memref<100x128xf32, #tpu.memory_space<vmem_shared>> -> memref<1x128xf32, #tpu.memory_space<vmem_shared>>
            tpu.wait_dma2 semaphore(%run_scoped3A : memref<!tpu.dma_semaphore, #tpu.memory_space<semaphore_mem>>) src(%dma_wait3A_453 : memref<1x128xf32, #tpu.memory_space<vmem_shared>>) dst(%dma_wait3A_451 : memref<1x128xf32, #tpu.memory_space<vmem>>)
            tpu.yield
          }) : () -> ()
        } else {
        }
      }
      %scan3A_419 = arith.constant 16 : i32
    } else {
    }
    %slice3A_321 = vector.extract_strided_slice %scan3A_277 {offsets = [3], sizes = [1], strides = [1]} : vector<16xi32> to vector<1xi32>
    %squeeze3A_322 = vector.extract %slice3A_321[0] : i32 from vector<1xi32>
    %ge3A_323 = arith.constant 100000 : i32
    %ge3A_324 = arith.cmpi sge, %squeeze3A_322, %ge3A_323 : i32
    %convert_element_type3A_325 = arith.extui %ge3A_324 : i1 to i32
    %cond3A_326 = arith.constant 0 : i32
    %cond3A_327 = arith.cmpi ne, %convert_element_type3A_325, %cond3A_326 : i32
    scf.if %cond3A_327 {
      %scan3A_414 = arith.constant 0 : i32
      %scan3A_415 = arith.constant 0 : i32
      %scan3A_416 = arith.constant 16 : i32
      %scan3A_417 = arith.addi %scan3A_415, %scan3A_416 : i32
      %scan3A_418 = arith.constant 1 : i32
      scf.for %scan3A_420 = %scan3A_415 to %scan3A_417 step %scan3A_418  : i32 {
        %mul3A_421 = arith.constant 16 : i32
        %mul3A_422 = arith.muli %scan3A_420, %mul3A_421 : i32
        %get3A_423 = arith.index_cast %mul3A_422 : i32 to index
        %get3A_424 = tpu.vector_load %arg6[%get3A_423] {strides = array<i32>} : memref<256xi32, #tpu.memory_space<vmem>>, vector<16xi32>,
        %get3A_425 = vector.shape_cast %get3A_424 : vector<16xi32> to vector<16xi32>
        %slice3A_426 = vector.extract_strided_slice %get3A_425 {offsets = [3], sizes = [1], strides = [1]} : vector<16xi32> to vector<1xi32>
        %squeeze3A_427 = vector.extract %slice3A_426[0] : i32 from vector<1xi32>
        %ge3A_428 = arith.constant 100000 : i32
        %ge3A_429 = arith.cmpi sge, %squeeze3A_427, %ge3A_428 : i32
        %convert_element_type3A_430 = arith.extui %ge3A_429 : i1 to i32
        %cond3A_431 = arith.constant 0 : i32
        %cond3A_432 = arith.cmpi ne, %convert_element_type3A_430, %cond3A_431 : i32
        scf.if %cond3A_432 {
          %sub3A = arith.constant 100000 : i32
          %sub3A_433 = arith.subi %squeeze3A_427, %sub3A : i32
          %mul3A_434 = arith.constant 16 : i32
          %mul3A_435 = arith.muli %scan3A_420, %mul3A_434 : i32
          %add3A_436 = arith.constant 3 : i32
          %add3A_437 = arith.addi %mul3A_435, %add3A_436 : i32
          "tpu.region"() ({
            %run_scoped3A = tpu.sem_alloc : memref<!tpu.dma_semaphore, #tpu.memory_space<semaphore_mem>>
            %dma_start3A_438 = arith.constant 0 : i32
            %dma_start3A_439 = tpu.memref_slice %arg10[%add3A_437, %dma_start3A_438] : memref<256x128xf32, #tpu.memory_space<vmem>> -> memref<1x128xf32, #tpu.memory_space<vmem>>
            %dma_start3A_440 = arith.constant 0 : i32
            %dma_start3A_441 = tpu.memref_slice %arg12[%sub3A_433, %dma_start3A_440] : memref<100x128xf32, #tpu.memory_space<vmem_shared>> -> memref<1x128xf32, #tpu.memory_space<vmem_shared>>
            %dma_start3A_442 = arith.constant 0 : i32
            %dma_start3A_443 = tpu.memref_slice %arg10[%add3A_437, %dma_start3A_442] : memref<256x128xf32, #tpu.memory_space<vmem>> -> memref<1x128xf32, #tpu.memory_space<vmem>>
            %dma_start3A_444 = arith.constant 0 : i32
            %dma_start3A_445 = tpu.memref_slice %arg12[%sub3A_433, %dma_start3A_444] : memref<100x128xf32, #tpu.memory_space<vmem_shared>> -> memref<1x128xf32, #tpu.memory_space<vmem_shared>>
            tpu.enqueue_dma source(%dma_start3A_445 : memref<1x128xf32, #tpu.memory_space<vmem_shared>>) target(%dma_start3A_443 : memref<1x128xf32, #tpu.memory_space<vmem>>) target_semaphore(%run_scoped3A : memref<!tpu.dma_semaphore, #tpu.memory_space<semaphore_mem>>)
            %dma_wait3A_446 = arith.constant 0 : i32
            %dma_wait3A_447 = tpu.memref_slice %arg10[%add3A_437, %dma_wait3A_446] : memref<256x128xf32, #tpu.memory_space<vmem>> -> memref<1x128xf32, #tpu.memory_space<vmem>>
            %dma_wait3A_448 = arith.constant 0 : i32
            %dma_wait3A_449 = tpu.memref_slice %arg12[%sub3A_433, %dma_wait3A_448] : memref<100x128xf32, #tpu.memory_space<vmem_shared>> -> memref<1x128xf32, #tpu.memory_space<vmem_shared>>
            %dma_wait3A_450 = arith.constant 0 : i32
            %dma_wait3A_451 = tpu.memref_slice %arg10[%add3A_437, %dma_wait3A_450] : memref<256x128xf32, #tpu.memory_space<vmem>> -> memref<1x128xf32, #tpu.memory_space<vmem>>
            %dma_wait3A_452 = arith.constant 0 : i32
            %dma_wait3A_453 = tpu.memref_slice %arg12[%sub3A_433, %dma_wait3A_452] : memref<100x128xf32, #tpu.memory_space<vmem_shared>> -> memref<1x128xf32, #tpu.memory_space<vmem_shared>>
            tpu.wait_dma2 semaphore(%run_scoped3A : memref<!tpu.dma_semaphore, #tpu.memory_space<semaphore_mem>>) src(%dma_wait3A_453 : memref<1x128xf32, #tpu.memory_space<vmem_shared>>) dst(%dma_wait3A_451 : memref<1x128xf32, #tpu.memory_space<vmem>>)
            tpu.yield
          }) : () -> ()
        } else {
        }
      }
      %scan3A_419 = arith.constant 16 : i32
    } else {
    }
    %slice3A_328 = vector.extract_strided_slice %scan3A_277 {offsets = [4], sizes = [1], strides = [1]} : vector<16xi32> to vector<1xi32>
    %squeeze3A_329 = vector.extract %slice3A_328[0] : i32 from vector<1xi32>
    %ge3A_330 = arith.constant 100000 : i32
    %ge3A_331 = arith.cmpi sge, %squeeze3A_329, %ge3A_330 : i32
    %convert_element_type3A_332 = arith.extui %ge3A_331 : i1 to i32
    %cond3A_333 = arith.constant 0 : i32
    %cond3A_334 = arith.cmpi ne, %convert_element_type3A_332, %cond3A_333 : i32
    scf.if %cond3A_334 {
      %scan3A_414 = arith.constant 0 : i32
      %scan3A_415 = arith.constant 0 : i32
      %scan3A_416 = arith.constant 16 : i32
      %scan3A_417 = arith.addi %scan3A_415, %scan3A_416 : i32
      %scan3A_418 = arith.constant 1 : i32
      scf.for %scan3A_420 = %scan3A_415 to %scan3A_417 step %scan3A_418  : i32 {
        %mul3A_421 = arith.constant 16 : i32
        %mul3A_422 = arith.muli %scan3A_420, %mul3A_421 : i32
        %get3A_423 = arith.index_cast %mul3A_422 : i32 to index
        %get3A_424 = tpu.vector_load %arg6[%get3A_423] {strides = array<i32>} : memref<256xi32, #tpu.memory_space<vmem>>, vector<16xi32>,
        %get3A_425 = vector.shape_cast %get3A_424 : vector<16xi32> to vector<16xi32>
        %slice3A_426 = vector.extract_strided_slice %get3A_425 {offsets = [4], sizes = [1], strides = [1]} : vector<16xi32> to vector<1xi32>
        %squeeze3A_427 = vector.extract %slice3A_426[0] : i32 from vector<1xi32>
        %ge3A_428 = arith.constant 100000 : i32
        %ge3A_429 = arith.cmpi sge, %squeeze3A_427, %ge3A_428 : i32
        %convert_element_type3A_430 = arith.extui %ge3A_429 : i1 to i32
        %cond3A_431 = arith.constant 0 : i32
        %cond3A_432 = arith.cmpi ne, %convert_element_type3A_430, %cond3A_431 : i32
        scf.if %cond3A_432 {
          %sub3A = arith.constant 100000 : i32
          %sub3A_433 = arith.subi %squeeze3A_427, %sub3A : i32
          %mul3A_434 = arith.constant 16 : i32
          %mul3A_435 = arith.muli %scan3A_420, %mul3A_434 : i32
          %add3A_436 = arith.constant 4 : i32
          %add3A_437 = arith.addi %mul3A_435, %add3A_436 : i32
          "tpu.region"() ({
            %run_scoped3A = tpu.sem_alloc : memref<!tpu.dma_semaphore, #tpu.memory_space<semaphore_mem>>
            %dma_start3A_438 = arith.constant 0 : i32
            %dma_start3A_439 = tpu.memref_slice %arg10[%add3A_437, %dma_start3A_438] : memref<256x128xf32, #tpu.memory_space<vmem>> -> memref<1x128xf32, #tpu.memory_space<vmem>>
            %dma_start3A_440 = arith.constant 0 : i32
            %dma_start3A_441 = tpu.memref_slice %arg12[%sub3A_433, %dma_start3A_440] : memref<100x128xf32, #tpu.memory_space<vmem_shared>> -> memref<1x128xf32, #tpu.memory_space<vmem_shared>>
            %dma_start3A_442 = arith.constant 0 : i32
            %dma_start3A_443 = tpu.memref_slice %arg10[%add3A_437, %dma_start3A_442] : memref<256x128xf32, #tpu.memory_space<vmem>> -> memref<1x128xf32, #tpu.memory_space<vmem>>
            %dma_start3A_444 = arith.constant 0 : i32
            %dma_start3A_445 = tpu.memref_slice %arg12[%sub3A_433, %dma_start3A_444] : memref<100x128xf32, #tpu.memory_space<vmem_shared>> -> memref<1x128xf32, #tpu.memory_space<vmem_shared>>
            tpu.enqueue_dma source(%dma_start3A_445 : memref<1x128xf32, #tpu.memory_space<vmem_shared>>) target(%dma_start3A_443 : memref<1x128xf32, #tpu.memory_space<vmem>>) target_semaphore(%run_scoped3A : memref<!tpu.dma_semaphore, #tpu.memory_space<semaphore_mem>>)
            %dma_wait3A_446 = arith.constant 0 : i32
            %dma_wait3A_447 = tpu.memref_slice %arg10[%add3A_437, %dma_wait3A_446] : memref<256x128xf32, #tpu.memory_space<vmem>> -> memref<1x128xf32, #tpu.memory_space<vmem>>
            %dma_wait3A_448 = arith.constant 0 : i32
            %dma_wait3A_449 = tpu.memref_slice %arg12[%sub3A_433, %dma_wait3A_448] : memref<100x128xf32, #tpu.memory_space<vmem_shared>> -> memref<1x128xf32, #tpu.memory_space<vmem_shared>>
            %dma_wait3A_450 = arith.constant 0 : i32
            %dma_wait3A_451 = tpu.memref_slice %arg10[%add3A_437, %dma_wait3A_450] : memref<256x128xf32, #tpu.memory_space<vmem>> -> memref<1x128xf32, #tpu.memory_space<vmem>>
            %dma_wait3A_452 = arith.constant 0 : i32
            %dma_wait3A_453 = tpu.memref_slice %arg12[%sub3A_433, %dma_wait3A_452] : memref<100x128xf32, #tpu.memory_space<vmem_shared>> -> memref<1x128xf32, #tpu.memory_space<vmem_shared>>
            tpu.wait_dma2 semaphore(%run_scoped3A : memref<!tpu.dma_semaphore, #tpu.memory_space<semaphore_mem>>) src(%dma_wait3A_453 : memref<1x128xf32, #tpu.memory_space<vmem_shared>>) dst(%dma_wait3A_451 : memref<1x128xf32, #tpu.memory_space<vmem>>)
            tpu.yield
          }) : () -> ()
        } else {
        }
      }
      %scan3A_419 = arith.constant 16 : i32
    } else {
    }
    %slice3A_335 = vector.extract_strided_slice %scan3A_277 {offsets = [5], sizes = [1], strides = [1]} : vector<16xi32> to vector<1xi32>
    %squeeze3A_336 = vector.extract %slice3A_335[0] : i32 from vector<1xi32>
    %ge3A_337 = arith.constant 100000 : i32
    %ge3A_338 = arith.cmpi sge, %squeeze3A_336, %ge3A_337 : i32
    %convert_element_type3A_339 = arith.extui %ge3A_338 : i1 to i32
    %cond3A_340 = arith.constant 0 : i32
    %cond3A_341 = arith.cmpi ne, %convert_element_type3A_339, %cond3A_340 : i32
    scf.if %cond3A_341 {
      %scan3A_414 = arith.constant 0 : i32
      %scan3A_415 = arith.constant 0 : i32
      %scan3A_416 = arith.constant 16 : i32
      %scan3A_417 = arith.addi %scan3A_415, %scan3A_416 : i32
      %scan3A_418 = arith.constant 1 : i32
      scf.for %scan3A_420 = %scan3A_415 to %scan3A_417 step %scan3A_418  : i32 {
        %mul3A_421 = arith.constant 16 : i32
        %mul3A_422 = arith.muli %scan3A_420, %mul3A_421 : i32
        %get3A_423 = arith.index_cast %mul3A_422 : i32 to index
        %get3A_424 = tpu.vector_load %arg6[%get3A_423] {strides = array<i32>} : memref<256xi32, #tpu.memory_space<vmem>>, vector<16xi32>,
        %get3A_425 = vector.shape_cast %get3A_424 : vector<16xi32> to vector<16xi32>
        %slice3A_426 = vector.extract_strided_slice %get3A_425 {offsets = [5], sizes = [1], strides = [1]} : vector<16xi32> to vector<1xi32>
        %squeeze3A_427 = vector.extract %slice3A_426[0] : i32 from vector<1xi32>
        %ge3A_428 = arith.constant 100000 : i32
        %ge3A_429 = arith.cmpi sge, %squeeze3A_427, %ge3A_428 : i32
        %convert_element_type3A_430 = arith.extui %ge3A_429 : i1 to i32
        %cond3A_431 = arith.constant 0 : i32
        %cond3A_432 = arith.cmpi ne, %convert_element_type3A_430, %cond3A_431 : i32
        scf.if %cond3A_432 {
          %sub3A = arith.constant 100000 : i32
          %sub3A_433 = arith.subi %squeeze3A_427, %sub3A : i32
          %mul3A_434 = arith.constant 16 : i32
          %mul3A_435 = arith.muli %scan3A_420, %mul3A_434 : i32
          %add3A_436 = arith.constant 5 : i32
          %add3A_437 = arith.addi %mul3A_435, %add3A_436 : i32
          "tpu.region"() ({
            %run_scoped3A = tpu.sem_alloc : memref<!tpu.dma_semaphore, #tpu.memory_space<semaphore_mem>>
            %dma_start3A_438 = arith.constant 0 : i32
            %dma_start3A_439 = tpu.memref_slice %arg10[%add3A_437, %dma_start3A_438] : memref<256x128xf32, #tpu.memory_space<vmem>> -> memref<1x128xf32, #tpu.memory_space<vmem>>
            %dma_start3A_440 = arith.constant 0 : i32
            %dma_start3A_441 = tpu.memref_slice %arg12[%sub3A_433, %dma_start3A_440] : memref<100x128xf32, #tpu.memory_space<vmem_shared>> -> memref<1x128xf32, #tpu.memory_space<vmem_shared>>
            %dma_start3A_442 = arith.constant 0 : i32
            %dma_start3A_443 = tpu.memref_slice %arg10[%add3A_437, %dma_start3A_442] : memref<256x128xf32, #tpu.memory_space<vmem>> -> memref<1x128xf32, #tpu.memory_space<vmem>>
            %dma_start3A_444 = arith.constant 0 : i32
            %dma_start3A_445 = tpu.memref_slice %arg12[%sub3A_433, %dma_start3A_444] : memref<100x128xf32, #tpu.memory_space<vmem_shared>> -> memref<1x128xf32, #tpu.memory_space<vmem_shared>>
            tpu.enqueue_dma source(%dma_start3A_445 : memref<1x128xf32, #tpu.memory_space<vmem_shared>>) target(%dma_start3A_443 : memref<1x128xf32, #tpu.memory_space<vmem>>) target_semaphore(%run_scoped3A : memref<!tpu.dma_semaphore, #tpu.memory_space<semaphore_mem>>)
            %dma_wait3A_446 = arith.constant 0 : i32
            %dma_wait3A_447 = tpu.memref_slice %arg10[%add3A_437, %dma_wait3A_446] : memref<256x128xf32, #tpu.memory_space<vmem>> -> memref<1x128xf32, #tpu.memory_space<vmem>>
            %dma_wait3A_448 = arith.constant 0 : i32
            %dma_wait3A_449 = tpu.memref_slice %arg12[%sub3A_433, %dma_wait3A_448] : memref<100x128xf32, #tpu.memory_space<vmem_shared>> -> memref<1x128xf32, #tpu.memory_space<vmem_shared>>
            %dma_wait3A_450 = arith.constant 0 : i32
            %dma_wait3A_451 = tpu.memref_slice %arg10[%add3A_437, %dma_wait3A_450] : memref<256x128xf32, #tpu.memory_space<vmem>> -> memref<1x128xf32, #tpu.memory_space<vmem>>
            %dma_wait3A_452 = arith.constant 0 : i32
            %dma_wait3A_453 = tpu.memref_slice %arg12[%sub3A_433, %dma_wait3A_452] : memref<100x128xf32, #tpu.memory_space<vmem_shared>> -> memref<1x128xf32, #tpu.memory_space<vmem_shared>>
            tpu.wait_dma2 semaphore(%run_scoped3A : memref<!tpu.dma_semaphore, #tpu.memory_space<semaphore_mem>>) src(%dma_wait3A_453 : memref<1x128xf32, #tpu.memory_space<vmem_shared>>) dst(%dma_wait3A_451 : memref<1x128xf32, #tpu.memory_space<vmem>>)
            tpu.yield
          }) : () -> ()
        } else {
        }
      }
      %scan3A_419 = arith.constant 16 : i32
    } else {
    }
    %slice3A_342 = vector.extract_strided_slice %scan3A_277 {offsets = [6], sizes = [1], strides = [1]} : vector<16xi32> to vector<1xi32>
    %squeeze3A_343 = vector.extract %slice3A_342[0] : i32 from vector<1xi32>
    %ge3A_344 = arith.constant 100000 : i32
    %ge3A_345 = arith.cmpi sge, %squeeze3A_343, %ge3A_344 : i32
    %convert_element_type3A_346 = arith.extui %ge3A_345 : i1 to i32
    %cond3A_347 = arith.constant 0 : i32
    %cond3A_348 = arith.cmpi ne, %convert_element_type3A_346, %cond3A_347 : i32
    scf.if %cond3A_348 {
      %scan3A_414 = arith.constant 0 : i32
      %scan3A_415 = arith.constant 0 : i32
      %scan3A_416 = arith.constant 16 : i32
      %scan3A_417 = arith.addi %scan3A_415, %scan3A_416 : i32
      %scan3A_418 = arith.constant 1 : i32
      scf.for %scan3A_420 = %scan3A_415 to %scan3A_417 step %scan3A_418  : i32 {
        %mul3A_421 = arith.constant 16 : i32
        %mul3A_422 = arith.muli %scan3A_420, %mul3A_421 : i32
        %get3A_423 = arith.index_cast %mul3A_422 : i32 to index
        %get3A_424 = tpu.vector_load %arg6[%get3A_423] {strides = array<i32>} : memref<256xi32, #tpu.memory_space<vmem>>, vector<16xi32>,
        %get3A_425 = vector.shape_cast %get3A_424 : vector<16xi32> to vector<16xi32>
        %slice3A_426 = vector.extract_strided_slice %get3A_425 {offsets = [6], sizes = [1], strides = [1]} : vector<16xi32> to vector<1xi32>
        %squeeze3A_427 = vector.extract %slice3A_426[0] : i32 from vector<1xi32>
        %ge3A_428 = arith.constant 100000 : i32
        %ge3A_429 = arith.cmpi sge, %squeeze3A_427, %ge3A_428 : i32
        %convert_element_type3A_430 = arith.extui %ge3A_429 : i1 to i32
        %cond3A_431 = arith.constant 0 : i32
        %cond3A_432 = arith.cmpi ne, %convert_element_type3A_430, %cond3A_431 : i32
        scf.if %cond3A_432 {
          %sub3A = arith.constant 100000 : i32
          %sub3A_433 = arith.subi %squeeze3A_427, %sub3A : i32
          %mul3A_434 = arith.constant 16 : i32
          %mul3A_435 = arith.muli %scan3A_420, %mul3A_434 : i32
          %add3A_436 = arith.constant 6 : i32
          %add3A_437 = arith.addi %mul3A_435, %add3A_436 : i32
          "tpu.region"() ({
            %run_scoped3A = tpu.sem_alloc : memref<!tpu.dma_semaphore, #tpu.memory_space<semaphore_mem>>
            %dma_start3A_438 = arith.constant 0 : i32
            %dma_start3A_439 = tpu.memref_slice %arg10[%add3A_437, %dma_start3A_438] : memref<256x128xf32, #tpu.memory_space<vmem>> -> memref<1x128xf32, #tpu.memory_space<vmem>>
            %dma_start3A_440 = arith.constant 0 : i32
            %dma_start3A_441 = tpu.memref_slice %arg12[%sub3A_433, %dma_start3A_440] : memref<100x128xf32, #tpu.memory_space<vmem_shared>> -> memref<1x128xf32, #tpu.memory_space<vmem_shared>>
            %dma_start3A_442 = arith.constant 0 : i32
            %dma_start3A_443 = tpu.memref_slice %arg10[%add3A_437, %dma_start3A_442] : memref<256x128xf32, #tpu.memory_space<vmem>> -> memref<1x128xf32, #tpu.memory_space<vmem>>
            %dma_start3A_444 = arith.constant 0 : i32
            %dma_start3A_445 = tpu.memref_slice %arg12[%sub3A_433, %dma_start3A_444] : memref<100x128xf32, #tpu.memory_space<vmem_shared>> -> memref<1x128xf32, #tpu.memory_space<vmem_shared>>
            tpu.enqueue_dma source(%dma_start3A_445 : memref<1x128xf32, #tpu.memory_space<vmem_shared>>) target(%dma_start3A_443 : memref<1x128xf32, #tpu.memory_space<vmem>>) target_semaphore(%run_scoped3A : memref<!tpu.dma_semaphore, #tpu.memory_space<semaphore_mem>>)
            %dma_wait3A_446 = arith.constant 0 : i32
            %dma_wait3A_447 = tpu.memref_slice %arg10[%add3A_437, %dma_wait3A_446] : memref<256x128xf32, #tpu.memory_space<vmem>> -> memref<1x128xf32, #tpu.memory_space<vmem>>
            %dma_wait3A_448 = arith.constant 0 : i32
            %dma_wait3A_449 = tpu.memref_slice %arg12[%sub3A_433, %dma_wait3A_448] : memref<100x128xf32, #tpu.memory_space<vmem_shared>> -> memref<1x128xf32, #tpu.memory_space<vmem_shared>>
            %dma_wait3A_450 = arith.constant 0 : i32
            %dma_wait3A_451 = tpu.memref_slice %arg10[%add3A_437, %dma_wait3A_450] : memref<256x128xf32, #tpu.memory_space<vmem>> -> memref<1x128xf32, #tpu.memory_space<vmem>>
            %dma_wait3A_452 = arith.constant 0 : i32
            %dma_wait3A_453 = tpu.memref_slice %arg12[%sub3A_433, %dma_wait3A_452] : memref<100x128xf32, #tpu.memory_space<vmem_shared>> -> memref<1x128xf32, #tpu.memory_space<vmem_shared>>
            tpu.wait_dma2 semaphore(%run_scoped3A : memref<!tpu.dma_semaphore, #tpu.memory_space<semaphore_mem>>) src(%dma_wait3A_453 : memref<1x128xf32, #tpu.memory_space<vmem_shared>>) dst(%dma_wait3A_451 : memref<1x128xf32, #tpu.memory_space<vmem>>)
            tpu.yield
          }) : () -> ()
        } else {
        }
      }
      %scan3A_419 = arith.constant 16 : i32
    } else {
    }
    %slice3A_349 = vector.extract_strided_slice %scan3A_277 {offsets = [7], sizes = [1], strides = [1]} : vector<16xi32> to vector<1xi32>
    %squeeze3A_350 = vector.extract %slice3A_349[0] : i32 from vector<1xi32>
    %ge3A_351 = arith.constant 100000 : i32
    %ge3A_352 = arith.cmpi sge, %squeeze3A_350, %ge3A_351 : i32
    %convert_element_type3A_353 = arith.extui %ge3A_352 : i1 to i32
    %cond3A_354 = arith.constant 0 : i32
    %cond3A_355 = arith.cmpi ne, %convert_element_type3A_353, %cond3A_354 : i32
    scf.if %cond3A_355 {
      %scan3A_414 = arith.constant 0 : i32
      %scan3A_415 = arith.constant 0 : i32
      %scan3A_416 = arith.constant 16 : i32
      %scan3A_417 = arith.addi %scan3A_415, %scan3A_416 : i32
      %scan3A_418 = arith.constant 1 : i32
      scf.for %scan3A_420 = %scan3A_415 to %scan3A_417 step %scan3A_418  : i32 {
        %mul3A_421 = arith.constant 16 : i32
        %mul3A_422 = arith.muli %scan3A_420, %mul3A_421 : i32
        %get3A_423 = arith.index_cast %mul3A_422 : i32 to index
        %get3A_424 = tpu.vector_load %arg6[%get3A_423] {strides = array<i32>} : memref<256xi32, #tpu.memory_space<vmem>>, vector<16xi32>,
        %get3A_425 = vector.shape_cast %get3A_424 : vector<16xi32> to vector<16xi32>
        %slice3A_426 = vector.extract_strided_slice %get3A_425 {offsets = [7], sizes = [1], strides = [1]} : vector<16xi32> to vector<1xi32>
        %squeeze3A_427 = vector.extract %slice3A_426[0] : i32 from vector<1xi32>
        %ge3A_428 = arith.constant 100000 : i32
        %ge3A_429 = arith.cmpi sge, %squeeze3A_427, %ge3A_428 : i32
        %convert_element_type3A_430 = arith.extui %ge3A_429 : i1 to i32
        %cond3A_431 = arith.constant 0 : i32
        %cond3A_432 = arith.cmpi ne, %convert_element_type3A_430, %cond3A_431 : i32
        scf.if %cond3A_432 {
          %sub3A = arith.constant 100000 : i32
          %sub3A_433 = arith.subi %squeeze3A_427, %sub3A : i32
          %mul3A_434 = arith.constant 16 : i32
          %mul3A_435 = arith.muli %scan3A_420, %mul3A_434 : i32
          %add3A_436 = arith.constant 7 : i32
          %add3A_437 = arith.addi %mul3A_435, %add3A_436 : i32
          "tpu.region"() ({
            %run_scoped3A = tpu.sem_alloc : memref<!tpu.dma_semaphore, #tpu.memory_space<semaphore_mem>>
            %dma_start3A_438 = arith.constant 0 : i32
            %dma_start3A_439 = tpu.memref_slice %arg10[%add3A_437, %dma_start3A_438] : memref<256x128xf32, #tpu.memory_space<vmem>> -> memref<1x128xf32, #tpu.memory_space<vmem>>
            %dma_start3A_440 = arith.constant 0 : i32
            %dma_start3A_441 = tpu.memref_slice %arg12[%sub3A_433, %dma_start3A_440] : memref<100x128xf32, #tpu.memory_space<vmem_shared>> -> memref<1x128xf32, #tpu.memory_space<vmem_shared>>
            %dma_start3A_442 = arith.constant 0 : i32
            %dma_start3A_443 = tpu.memref_slice %arg10[%add3A_437, %dma_start3A_442] : memref<256x128xf32, #tpu.memory_space<vmem>> -> memref<1x128xf32, #tpu.memory_space<vmem>>
            %dma_start3A_444 = arith.constant 0 : i32
            %dma_start3A_445 = tpu.memref_slice %arg12[%sub3A_433, %dma_start3A_444] : memref<100x128xf32, #tpu.memory_space<vmem_shared>> -> memref<1x128xf32, #tpu.memory_space<vmem_shared>>
            tpu.enqueue_dma source(%dma_start3A_445 : memref<1x128xf32, #tpu.memory_space<vmem_shared>>) target(%dma_start3A_443 : memref<1x128xf32, #tpu.memory_space<vmem>>) target_semaphore(%run_scoped3A : memref<!tpu.dma_semaphore, #tpu.memory_space<semaphore_mem>>)
            %dma_wait3A_446 = arith.constant 0 : i32
            %dma_wait3A_447 = tpu.memref_slice %arg10[%add3A_437, %dma_wait3A_446] : memref<256x128xf32, #tpu.memory_space<vmem>> -> memref<1x128xf32, #tpu.memory_space<vmem>>
            %dma_wait3A_448 = arith.constant 0 : i32
            %dma_wait3A_449 = tpu.memref_slice %arg12[%sub3A_433, %dma_wait3A_448] : memref<100x128xf32, #tpu.memory_space<vmem_shared>> -> memref<1x128xf32, #tpu.memory_space<vmem_shared>>
            %dma_wait3A_450 = arith.constant 0 : i32
            %dma_wait3A_451 = tpu.memref_slice %arg10[%add3A_437, %dma_wait3A_450] : memref<256x128xf32, #tpu.memory_space<vmem>> -> memref<1x128xf32, #tpu.memory_space<vmem>>
            %dma_wait3A_452 = arith.constant 0 : i32
            %dma_wait3A_453 = tpu.memref_slice %arg12[%sub3A_433, %dma_wait3A_452] : memref<100x128xf32, #tpu.memory_space<vmem_shared>> -> memref<1x128xf32, #tpu.memory_space<vmem_shared>>
            tpu.wait_dma2 semaphore(%run_scoped3A : memref<!tpu.dma_semaphore, #tpu.memory_space<semaphore_mem>>) src(%dma_wait3A_453 : memref<1x128xf32, #tpu.memory_space<vmem_shared>>) dst(%dma_wait3A_451 : memref<1x128xf32, #tpu.memory_space<vmem>>)
            tpu.yield
          }) : () -> ()
        } else {
        }
      }
      %scan3A_419 = arith.constant 16 : i32
    } else {
    }
    %slice3A_356 = vector.extract_strided_slice %scan3A_277 {offsets = [8], sizes = [1], strides = [1]} : vector<16xi32> to vector<1xi32>
    %squeeze3A_357 = vector.extract %slice3A_356[0] : i32 from vector<1xi32>
    %ge3A_358 = arith.constant 100000 : i32
    %ge3A_359 = arith.cmpi sge, %squeeze3A_357, %ge3A_358 : i32
    %convert_element_type3A_360 = arith.extui %ge3A_359 : i1 to i32
    %cond3A_361 = arith.constant 0 : i32
    %cond3A_362 = arith.cmpi ne, %convert_element_type3A_360, %cond3A_361 : i32
    scf.if %cond3A_362 {
      %scan3A_414 = arith.constant 0 : i32
      %scan3A_415 = arith.constant 0 : i32
      %scan3A_416 = arith.constant 16 : i32
      %scan3A_417 = arith.addi %scan3A_415, %scan3A_416 : i32
      %scan3A_418 = arith.constant 1 : i32
      scf.for %scan3A_420 = %scan3A_415 to %scan3A_417 step %scan3A_418  : i32 {
        %mul3A_421 = arith.constant 16 : i32
        %mul3A_422 = arith.muli %scan3A_420, %mul3A_421 : i32
        %get3A_423 = arith.index_cast %mul3A_422 : i32 to index
        %get3A_424 = tpu.vector_load %arg6[%get3A_423] {strides = array<i32>} : memref<256xi32, #tpu.memory_space<vmem>>, vector<16xi32>,
        %get3A_425 = vector.shape_cast %get3A_424 : vector<16xi32> to vector<16xi32>
        %slice3A_426 = vector.extract_strided_slice %get3A_425 {offsets = [8], sizes = [1], strides = [1]} : vector<16xi32> to vector<1xi32>
        %squeeze3A_427 = vector.extract %slice3A_426[0] : i32 from vector<1xi32>
        %ge3A_428 = arith.constant 100000 : i32
        %ge3A_429 = arith.cmpi sge, %squeeze3A_427, %ge3A_428 : i32
        %convert_element_type3A_430 = arith.extui %ge3A_429 : i1 to i32
        %cond3A_431 = arith.constant 0 : i32
        %cond3A_432 = arith.cmpi ne, %convert_element_type3A_430, %cond3A_431 : i32
        scf.if %cond3A_432 {
          %sub3A = arith.constant 100000 : i32
          %sub3A_433 = arith.subi %squeeze3A_427, %sub3A : i32
          %mul3A_434 = arith.constant 16 : i32
          %mul3A_435 = arith.muli %scan3A_420, %mul3A_434 : i32
          %add3A_436 = arith.constant 8 : i32
          %add3A_437 = arith.addi %mul3A_435, %add3A_436 : i32
          "tpu.region"() ({
            %run_scoped3A = tpu.sem_alloc : memref<!tpu.dma_semaphore, #tpu.memory_space<semaphore_mem>>
            %dma_start3A_438 = arith.constant 0 : i32
            %dma_start3A_439 = tpu.memref_slice %arg10[%add3A_437, %dma_start3A_438] : memref<256x128xf32, #tpu.memory_space<vmem>> -> memref<1x128xf32, #tpu.memory_space<vmem>>
            %dma_start3A_440 = arith.constant 0 : i32
            %dma_start3A_441 = tpu.memref_slice %arg12[%sub3A_433, %dma_start3A_440] : memref<100x128xf32, #tpu.memory_space<vmem_shared>> -> memref<1x128xf32, #tpu.memory_space<vmem_shared>>
            %dma_start3A_442 = arith.constant 0 : i32
            %dma_start3A_443 = tpu.memref_slice %arg10[%add3A_437, %dma_start3A_442] : memref<256x128xf32, #tpu.memory_space<vmem>> -> memref<1x128xf32, #tpu.memory_space<vmem>>
            %dma_start3A_444 = arith.constant 0 : i32
            %dma_start3A_445 = tpu.memref_slice %arg12[%sub3A_433, %dma_start3A_444] : memref<100x128xf32, #tpu.memory_space<vmem_shared>> -> memref<1x128xf32, #tpu.memory_space<vmem_shared>>
            tpu.enqueue_dma source(%dma_start3A_445 : memref<1x128xf32, #tpu.memory_space<vmem_shared>>) target(%dma_start3A_443 : memref<1x128xf32, #tpu.memory_space<vmem>>) target_semaphore(%run_scoped3A : memref<!tpu.dma_semaphore, #tpu.memory_space<semaphore_mem>>)
            %dma_wait3A_446 = arith.constant 0 : i32
            %dma_wait3A_447 = tpu.memref_slice %arg10[%add3A_437, %dma_wait3A_446] : memref<256x128xf32, #tpu.memory_space<vmem>> -> memref<1x128xf32, #tpu.memory_space<vmem>>
            %dma_wait3A_448 = arith.constant 0 : i32
            %dma_wait3A_449 = tpu.memref_slice %arg12[%sub3A_433, %dma_wait3A_448] : memref<100x128xf32, #tpu.memory_space<vmem_shared>> -> memref<1x128xf32, #tpu.memory_space<vmem_shared>>
            %dma_wait3A_450 = arith.constant 0 : i32
            %dma_wait3A_451 = tpu.memref_slice %arg10[%add3A_437, %dma_wait3A_450] : memref<256x128xf32, #tpu.memory_space<vmem>> -> memref<1x128xf32, #tpu.memory_space<vmem>>
            %dma_wait3A_452 = arith.constant 0 : i32
            %dma_wait3A_453 = tpu.memref_slice %arg12[%sub3A_433, %dma_wait3A_452] : memref<100x128xf32, #tpu.memory_space<vmem_shared>> -> memref<1x128xf32, #tpu.memory_space<vmem_shared>>
            tpu.wait_dma2 semaphore(%run_scoped3A : memref<!tpu.dma_semaphore, #tpu.memory_space<semaphore_mem>>) src(%dma_wait3A_453 : memref<1x128xf32, #tpu.memory_space<vmem_shared>>) dst(%dma_wait3A_451 : memref<1x128xf32, #tpu.memory_space<vmem>>)
            tpu.yield
          }) : () -> ()
        } else {
        }
      }
      %scan3A_419 = arith.constant 16 : i32
    } else {
    }
    %slice3A_363 = vector.extract_strided_slice %scan3A_277 {offsets = [9], sizes = [1], strides = [1]} : vector<16xi32> to vector<1xi32>
    %squeeze3A_364 = vector.extract %slice3A_363[0] : i32 from vector<1xi32>
    %ge3A_365 = arith.constant 100000 : i32
    %ge3A_366 = arith.cmpi sge, %squeeze3A_364, %ge3A_365 : i32
    %convert_element_type3A_367 = arith.extui %ge3A_366 : i1 to i32
    %cond3A_368 = arith.constant 0 : i32
    %cond3A_369 = arith.cmpi ne, %convert_element_type3A_367, %cond3A_368 : i32
    scf.if %cond3A_369 {
      %scan3A_414 = arith.constant 0 : i32
      %scan3A_415 = arith.constant 0 : i32
      %scan3A_416 = arith.constant 16 : i32
      %scan3A_417 = arith.addi %scan3A_415, %scan3A_416 : i32
      %scan3A_418 = arith.constant 1 : i32
      scf.for %scan3A_420 = %scan3A_415 to %scan3A_417 step %scan3A_418  : i32 {
        %mul3A_421 = arith.constant 16 : i32
        %mul3A_422 = arith.muli %scan3A_420, %mul3A_421 : i32
        %get3A_423 = arith.index_cast %mul3A_422 : i32 to index
        %get3A_424 = tpu.vector_load %arg6[%get3A_423] {strides = array<i32>} : memref<256xi32, #tpu.memory_space<vmem>>, vector<16xi32>,
        %get3A_425 = vector.shape_cast %get3A_424 : vector<16xi32> to vector<16xi32>
        %slice3A_426 = vector.extract_strided_slice %get3A_425 {offsets = [9], sizes = [1], strides = [1]} : vector<16xi32> to vector<1xi32>
        %squeeze3A_427 = vector.extract %slice3A_426[0] : i32 from vector<1xi32>
        %ge3A_428 = arith.constant 100000 : i32
        %ge3A_429 = arith.cmpi sge, %squeeze3A_427, %ge3A_428 : i32
        %convert_element_type3A_430 = arith.extui %ge3A_429 : i1 to i32
        %cond3A_431 = arith.constant 0 : i32
        %cond3A_432 = arith.cmpi ne, %convert_element_type3A_430, %cond3A_431 : i32
        scf.if %cond3A_432 {
          %sub3A = arith.constant 100000 : i32
          %sub3A_433 = arith.subi %squeeze3A_427, %sub3A : i32
          %mul3A_434 = arith.constant 16 : i32
          %mul3A_435 = arith.muli %scan3A_420, %mul3A_434 : i32
          %add3A_436 = arith.constant 9 : i32
          %add3A_437 = arith.addi %mul3A_435, %add3A_436 : i32
          "tpu.region"() ({
            %run_scoped3A = tpu.sem_alloc : memref<!tpu.dma_semaphore, #tpu.memory_space<semaphore_mem>>
            %dma_start3A_438 = arith.constant 0 : i32
            %dma_start3A_439 = tpu.memref_slice %arg10[%add3A_437, %dma_start3A_438] : memref<256x128xf32, #tpu.memory_space<vmem>> -> memref<1x128xf32, #tpu.memory_space<vmem>>
            %dma_start3A_440 = arith.constant 0 : i32
            %dma_start3A_441 = tpu.memref_slice %arg12[%sub3A_433, %dma_start3A_440] : memref<100x128xf32, #tpu.memory_space<vmem_shared>> -> memref<1x128xf32, #tpu.memory_space<vmem_shared>>
            %dma_start3A_442 = arith.constant 0 : i32
            %dma_start3A_443 = tpu.memref_slice %arg10[%add3A_437, %dma_start3A_442] : memref<256x128xf32, #tpu.memory_space<vmem>> -> memref<1x128xf32, #tpu.memory_space<vmem>>
            %dma_start3A_444 = arith.constant 0 : i32
            %dma_start3A_445 = tpu.memref_slice %arg12[%sub3A_433, %dma_start3A_444] : memref<100x128xf32, #tpu.memory_space<vmem_shared>> -> memref<1x128xf32, #tpu.memory_space<vmem_shared>>
            tpu.enqueue_dma source(%dma_start3A_445 : memref<1x128xf32, #tpu.memory_space<vmem_shared>>) target(%dma_start3A_443 : memref<1x128xf32, #tpu.memory_space<vmem>>) target_semaphore(%run_scoped3A : memref<!tpu.dma_semaphore, #tpu.memory_space<semaphore_mem>>)
            %dma_wait3A_446 = arith.constant 0 : i32
            %dma_wait3A_447 = tpu.memref_slice %arg10[%add3A_437, %dma_wait3A_446] : memref<256x128xf32, #tpu.memory_space<vmem>> -> memref<1x128xf32, #tpu.memory_space<vmem>>
            %dma_wait3A_448 = arith.constant 0 : i32
            %dma_wait3A_449 = tpu.memref_slice %arg12[%sub3A_433, %dma_wait3A_448] : memref<100x128xf32, #tpu.memory_space<vmem_shared>> -> memref<1x128xf32, #tpu.memory_space<vmem_shared>>
            %dma_wait3A_450 = arith.constant 0 : i32
            %dma_wait3A_451 = tpu.memref_slice %arg10[%add3A_437, %dma_wait3A_450] : memref<256x128xf32, #tpu.memory_space<vmem>> -> memref<1x128xf32, #tpu.memory_space<vmem>>
            %dma_wait3A_452 = arith.constant 0 : i32
            %dma_wait3A_453 = tpu.memref_slice %arg12[%sub3A_433, %dma_wait3A_452] : memref<100x128xf32, #tpu.memory_space<vmem_shared>> -> memref<1x128xf32, #tpu.memory_space<vmem_shared>>
            tpu.wait_dma2 semaphore(%run_scoped3A : memref<!tpu.dma_semaphore, #tpu.memory_space<semaphore_mem>>) src(%dma_wait3A_453 : memref<1x128xf32, #tpu.memory_space<vmem_shared>>) dst(%dma_wait3A_451 : memref<1x128xf32, #tpu.memory_space<vmem>>)
            tpu.yield
          }) : () -> ()
        } else {
        }
      }
      %scan3A_419 = arith.constant 16 : i32
    } else {
    }
    %slice3A_370 = vector.extract_strided_slice %scan3A_277 {offsets = [10], sizes = [1], strides = [1]} : vector<16xi32> to vector<1xi32>
    %squeeze3A_371 = vector.extract %slice3A_370[0] : i32 from vector<1xi32>
    %ge3A_372 = arith.constant 100000 : i32
    %ge3A_373 = arith.cmpi sge, %squeeze3A_371, %ge3A_372 : i32
    %convert_element_type3A_374 = arith.extui %ge3A_373 : i1 to i32
    %cond3A_375 = arith.constant 0 : i32
    %cond3A_376 = arith.cmpi ne, %convert_element_type3A_374, %cond3A_375 : i32
    scf.if %cond3A_376 {
      %scan3A_414 = arith.constant 0 : i32
      %scan3A_415 = arith.constant 0 : i32
      %scan3A_416 = arith.constant 16 : i32
      %scan3A_417 = arith.addi %scan3A_415, %scan3A_416 : i32
      %scan3A_418 = arith.constant 1 : i32
      scf.for %scan3A_420 = %scan3A_415 to %scan3A_417 step %scan3A_418  : i32 {
        %mul3A_421 = arith.constant 16 : i32
        %mul3A_422 = arith.muli %scan3A_420, %mul3A_421 : i32
        %get3A_423 = arith.index_cast %mul3A_422 : i32 to index
        %get3A_424 = tpu.vector_load %arg6[%get3A_423] {strides = array<i32>} : memref<256xi32, #tpu.memory_space<vmem>>, vector<16xi32>,
        %get3A_425 = vector.shape_cast %get3A_424 : vector<16xi32> to vector<16xi32>
        %slice3A_426 = vector.extract_strided_slice %get3A_425 {offsets = [10], sizes = [1], strides = [1]} : vector<16xi32> to vector<1xi32>
        %squeeze3A_427 = vector.extract %slice3A_426[0] : i32 from vector<1xi32>
        %ge3A_428 = arith.constant 100000 : i32
        %ge3A_429 = arith.cmpi sge, %squeeze3A_427, %ge3A_428 : i32
        %convert_element_type3A_430 = arith.extui %ge3A_429 : i1 to i32
        %cond3A_431 = arith.constant 0 : i32
        %cond3A_432 = arith.cmpi ne, %convert_element_type3A_430, %cond3A_431 : i32
        scf.if %cond3A_432 {
          %sub3A = arith.constant 100000 : i32
          %sub3A_433 = arith.subi %squeeze3A_427, %sub3A : i32
          %mul3A_434 = arith.constant 16 : i32
          %mul3A_435 = arith.muli %scan3A_420, %mul3A_434 : i32
          %add3A_436 = arith.constant 10 : i32
          %add3A_437 = arith.addi %mul3A_435, %add3A_436 : i32
          "tpu.region"() ({
            %run_scoped3A = tpu.sem_alloc : memref<!tpu.dma_semaphore, #tpu.memory_space<semaphore_mem>>
            %dma_start3A_438 = arith.constant 0 : i32
            %dma_start3A_439 = tpu.memref_slice %arg10[%add3A_437, %dma_start3A_438] : memref<256x128xf32, #tpu.memory_space<vmem>> -> memref<1x128xf32, #tpu.memory_space<vmem>>
            %dma_start3A_440 = arith.constant 0 : i32
            %dma_start3A_441 = tpu.memref_slice %arg12[%sub3A_433, %dma_start3A_440] : memref<100x128xf32, #tpu.memory_space<vmem_shared>> -> memref<1x128xf32, #tpu.memory_space<vmem_shared>>
            %dma_start3A_442 = arith.constant 0 : i32
            %dma_start3A_443 = tpu.memref_slice %arg10[%add3A_437, %dma_start3A_442] : memref<256x128xf32, #tpu.memory_space<vmem>> -> memref<1x128xf32, #tpu.memory_space<vmem>>
            %dma_start3A_444 = arith.constant 0 : i32
            %dma_start3A_445 = tpu.memref_slice %arg12[%sub3A_433, %dma_start3A_444] : memref<100x128xf32, #tpu.memory_space<vmem_shared>> -> memref<1x128xf32, #tpu.memory_space<vmem_shared>>
            tpu.enqueue_dma source(%dma_start3A_445 : memref<1x128xf32, #tpu.memory_space<vmem_shared>>) target(%dma_start3A_443 : memref<1x128xf32, #tpu.memory_space<vmem>>) target_semaphore(%run_scoped3A : memref<!tpu.dma_semaphore, #tpu.memory_space<semaphore_mem>>)
            %dma_wait3A_446 = arith.constant 0 : i32
            %dma_wait3A_447 = tpu.memref_slice %arg10[%add3A_437, %dma_wait3A_446] : memref<256x128xf32, #tpu.memory_space<vmem>> -> memref<1x128xf32, #tpu.memory_space<vmem>>
            %dma_wait3A_448 = arith.constant 0 : i32
            %dma_wait3A_449 = tpu.memref_slice %arg12[%sub3A_433, %dma_wait3A_448] : memref<100x128xf32, #tpu.memory_space<vmem_shared>> -> memref<1x128xf32, #tpu.memory_space<vmem_shared>>
            %dma_wait3A_450 = arith.constant 0 : i32
            %dma_wait3A_451 = tpu.memref_slice %arg10[%add3A_437, %dma_wait3A_450] : memref<256x128xf32, #tpu.memory_space<vmem>> -> memref<1x128xf32, #tpu.memory_space<vmem>>
            %dma_wait3A_452 = arith.constant 0 : i32
            %dma_wait3A_453 = tpu.memref_slice %arg12[%sub3A_433, %dma_wait3A_452] : memref<100x128xf32, #tpu.memory_space<vmem_shared>> -> memref<1x128xf32, #tpu.memory_space<vmem_shared>>
            tpu.wait_dma2 semaphore(%run_scoped3A : memref<!tpu.dma_semaphore, #tpu.memory_space<semaphore_mem>>) src(%dma_wait3A_453 : memref<1x128xf32, #tpu.memory_space<vmem_shared>>) dst(%dma_wait3A_451 : memref<1x128xf32, #tpu.memory_space<vmem>>)
            tpu.yield
          }) : () -> ()
        } else {
        }
      }
      %scan3A_419 = arith.constant 16 : i32
    } else {
    }
    %slice3A_377 = vector.extract_strided_slice %scan3A_277 {offsets = [11], sizes = [1], strides = [1]} : vector<16xi32> to vector<1xi32>
    %squeeze3A_378 = vector.extract %slice3A_377[0] : i32 from vector<1xi32>
    %ge3A_379 = arith.constant 100000 : i32
    %ge3A_380 = arith.cmpi sge, %squeeze3A_378, %ge3A_379 : i32
    %convert_element_type3A_381 = arith.extui %ge3A_380 : i1 to i32
    %cond3A_382 = arith.constant 0 : i32
    %cond3A_383 = arith.cmpi ne, %convert_element_type3A_381, %cond3A_382 : i32
    scf.if %cond3A_383 {
      %scan3A_414 = arith.constant 0 : i32
      %scan3A_415 = arith.constant 0 : i32
      %scan3A_416 = arith.constant 16 : i32
      %scan3A_417 = arith.addi %scan3A_415, %scan3A_416 : i32
      %scan3A_418 = arith.constant 1 : i32
      scf.for %scan3A_420 = %scan3A_415 to %scan3A_417 step %scan3A_418  : i32 {
        %mul3A_421 = arith.constant 16 : i32
        %mul3A_422 = arith.muli %scan3A_420, %mul3A_421 : i32
        %get3A_423 = arith.index_cast %mul3A_422 : i32 to index
        %get3A_424 = tpu.vector_load %arg6[%get3A_423] {strides = array<i32>} : memref<256xi32, #tpu.memory_space<vmem>>, vector<16xi32>,
        %get3A_425 = vector.shape_cast %get3A_424 : vector<16xi32> to vector<16xi32>
        %slice3A_426 = vector.extract_strided_slice %get3A_425 {offsets = [11], sizes = [1], strides = [1]} : vector<16xi32> to vector<1xi32>
        %squeeze3A_427 = vector.extract %slice3A_426[0] : i32 from vector<1xi32>
        %ge3A_428 = arith.constant 100000 : i32
        %ge3A_429 = arith.cmpi sge, %squeeze3A_427, %ge3A_428 : i32
        %convert_element_type3A_430 = arith.extui %ge3A_429 : i1 to i32
        %cond3A_431 = arith.constant 0 : i32
        %cond3A_432 = arith.cmpi ne, %convert_element_type3A_430, %cond3A_431 : i32
        scf.if %cond3A_432 {
          %sub3A = arith.constant 100000 : i32
          %sub3A_433 = arith.subi %squeeze3A_427, %sub3A : i32
          %mul3A_434 = arith.constant 16 : i32
          %mul3A_435 = arith.muli %scan3A_420, %mul3A_434 : i32
          %add3A_436 = arith.constant 11 : i32
          %add3A_437 = arith.addi %mul3A_435, %add3A_436 : i32
          "tpu.region"() ({
            %run_scoped3A = tpu.sem_alloc : memref<!tpu.dma_semaphore, #tpu.memory_space<semaphore_mem>>
            %dma_start3A_438 = arith.constant 0 : i32
            %dma_start3A_439 = tpu.memref_slice %arg10[%add3A_437, %dma_start3A_438] : memref<256x128xf32, #tpu.memory_space<vmem>> -> memref<1x128xf32, #tpu.memory_space<vmem>>
            %dma_start3A_440 = arith.constant 0 : i32
            %dma_start3A_441 = tpu.memref_slice %arg12[%sub3A_433, %dma_start3A_440] : memref<100x128xf32, #tpu.memory_space<vmem_shared>> -> memref<1x128xf32, #tpu.memory_space<vmem_shared>>
            %dma_start3A_442 = arith.constant 0 : i32
            %dma_start3A_443 = tpu.memref_slice %arg10[%add3A_437, %dma_start3A_442] : memref<256x128xf32, #tpu.memory_space<vmem>> -> memref<1x128xf32, #tpu.memory_space<vmem>>
            %dma_start3A_444 = arith.constant 0 : i32
            %dma_start3A_445 = tpu.memref_slice %arg12[%sub3A_433, %dma_start3A_444] : memref<100x128xf32, #tpu.memory_space<vmem_shared>> -> memref<1x128xf32, #tpu.memory_space<vmem_shared>>
            tpu.enqueue_dma source(%dma_start3A_445 : memref<1x128xf32, #tpu.memory_space<vmem_shared>>) target(%dma_start3A_443 : memref<1x128xf32, #tpu.memory_space<vmem>>) target_semaphore(%run_scoped3A : memref<!tpu.dma_semaphore, #tpu.memory_space<semaphore_mem>>)
            %dma_wait3A_446 = arith.constant 0 : i32
            %dma_wait3A_447 = tpu.memref_slice %arg10[%add3A_437, %dma_wait3A_446] : memref<256x128xf32, #tpu.memory_space<vmem>> -> memref<1x128xf32, #tpu.memory_space<vmem>>
            %dma_wait3A_448 = arith.constant 0 : i32
            %dma_wait3A_449 = tpu.memref_slice %arg12[%sub3A_433, %dma_wait3A_448] : memref<100x128xf32, #tpu.memory_space<vmem_shared>> -> memref<1x128xf32, #tpu.memory_space<vmem_shared>>
            %dma_wait3A_450 = arith.constant 0 : i32
            %dma_wait3A_451 = tpu.memref_slice %arg10[%add3A_437, %dma_wait3A_450] : memref<256x128xf32, #tpu.memory_space<vmem>> -> memref<1x128xf32, #tpu.memory_space<vmem>>
            %dma_wait3A_452 = arith.constant 0 : i32
            %dma_wait3A_453 = tpu.memref_slice %arg12[%sub3A_433, %dma_wait3A_452] : memref<100x128xf32, #tpu.memory_space<vmem_shared>> -> memref<1x128xf32, #tpu.memory_space<vmem_shared>>
            tpu.wait_dma2 semaphore(%run_scoped3A : memref<!tpu.dma_semaphore, #tpu.memory_space<semaphore_mem>>) src(%dma_wait3A_453 : memref<1x128xf32, #tpu.memory_space<vmem_shared>>) dst(%dma_wait3A_451 : memref<1x128xf32, #tpu.memory_space<vmem>>)
            tpu.yield
          }) : () -> ()
        } else {
        }
      }
      %scan3A_419 = arith.constant 16 : i32
    } else {
    }
    %slice3A_384 = vector.extract_strided_slice %scan3A_277 {offsets = [12], sizes = [1], strides = [1]} : vector<16xi32> to vector<1xi32>
    %squeeze3A_385 = vector.extract %slice3A_384[0] : i32 from vector<1xi32>
    %ge3A_386 = arith.constant 100000 : i32
    %ge3A_387 = arith.cmpi sge, %squeeze3A_385, %ge3A_386 : i32
    %convert_element_type3A_388 = arith.extui %ge3A_387 : i1 to i32
    %cond3A_389 = arith.constant 0 : i32
    %cond3A_390 = arith.cmpi ne, %convert_element_type3A_388, %cond3A_389 : i32
    scf.if %cond3A_390 {
      %scan3A_414 = arith.constant 0 : i32
      %scan3A_415 = arith.constant 0 : i32
      %scan3A_416 = arith.constant 16 : i32
      %scan3A_417 = arith.addi %scan3A_415, %scan3A_416 : i32
      %scan3A_418 = arith.constant 1 : i32
      scf.for %scan3A_420 = %scan3A_415 to %scan3A_417 step %scan3A_418  : i32 {
        %mul3A_421 = arith.constant 16 : i32
        %mul3A_422 = arith.muli %scan3A_420, %mul3A_421 : i32
        %get3A_423 = arith.index_cast %mul3A_422 : i32 to index
        %get3A_424 = tpu.vector_load %arg6[%get3A_423] {strides = array<i32>} : memref<256xi32, #tpu.memory_space<vmem>>, vector<16xi32>,
        %get3A_425 = vector.shape_cast %get3A_424 : vector<16xi32> to vector<16xi32>
        %slice3A_426 = vector.extract_strided_slice %get3A_425 {offsets = [12], sizes = [1], strides = [1]} : vector<16xi32> to vector<1xi32>
        %squeeze3A_427 = vector.extract %slice3A_426[0] : i32 from vector<1xi32>
        %ge3A_428 = arith.constant 100000 : i32
        %ge3A_429 = arith.cmpi sge, %squeeze3A_427, %ge3A_428 : i32
        %convert_element_type3A_430 = arith.extui %ge3A_429 : i1 to i32
        %cond3A_431 = arith.constant 0 : i32
        %cond3A_432 = arith.cmpi ne, %convert_element_type3A_430, %cond3A_431 : i32
        scf.if %cond3A_432 {
          %sub3A = arith.constant 100000 : i32
          %sub3A_433 = arith.subi %squeeze3A_427, %sub3A : i32
          %mul3A_434 = arith.constant 16 : i32
          %mul3A_435 = arith.muli %scan3A_420, %mul3A_434 : i32
          %add3A_436 = arith.constant 12 : i32
          %add3A_437 = arith.addi %mul3A_435, %add3A_436 : i32
          "tpu.region"() ({
            %run_scoped3A = tpu.sem_alloc : memref<!tpu.dma_semaphore, #tpu.memory_space<semaphore_mem>>
            %dma_start3A_438 = arith.constant 0 : i32
            %dma_start3A_439 = tpu.memref_slice %arg10[%add3A_437, %dma_start3A_438] : memref<256x128xf32, #tpu.memory_space<vmem>> -> memref<1x128xf32, #tpu.memory_space<vmem>>
            %dma_start3A_440 = arith.constant 0 : i32
            %dma_start3A_441 = tpu.memref_slice %arg12[%sub3A_433, %dma_start3A_440] : memref<100x128xf32, #tpu.memory_space<vmem_shared>> -> memref<1x128xf32, #tpu.memory_space<vmem_shared>>
            %dma_start3A_442 = arith.constant 0 : i32
            %dma_start3A_443 = tpu.memref_slice %arg10[%add3A_437, %dma_start3A_442] : memref<256x128xf32, #tpu.memory_space<vmem>> -> memref<1x128xf32, #tpu.memory_space<vmem>>
            %dma_start3A_444 = arith.constant 0 : i32
            %dma_start3A_445 = tpu.memref_slice %arg12[%sub3A_433, %dma_start3A_444] : memref<100x128xf32, #tpu.memory_space<vmem_shared>> -> memref<1x128xf32, #tpu.memory_space<vmem_shared>>
            tpu.enqueue_dma source(%dma_start3A_445 : memref<1x128xf32, #tpu.memory_space<vmem_shared>>) target(%dma_start3A_443 : memref<1x128xf32, #tpu.memory_space<vmem>>) target_semaphore(%run_scoped3A : memref<!tpu.dma_semaphore, #tpu.memory_space<semaphore_mem>>)
            %dma_wait3A_446 = arith.constant 0 : i32
            %dma_wait3A_447 = tpu.memref_slice %arg10[%add3A_437, %dma_wait3A_446] : memref<256x128xf32, #tpu.memory_space<vmem>> -> memref<1x128xf32, #tpu.memory_space<vmem>>
            %dma_wait3A_448 = arith.constant 0 : i32
            %dma_wait3A_449 = tpu.memref_slice %arg12[%sub3A_433, %dma_wait3A_448] : memref<100x128xf32, #tpu.memory_space<vmem_shared>> -> memref<1x128xf32, #tpu.memory_space<vmem_shared>>
            %dma_wait3A_450 = arith.constant 0 : i32
            %dma_wait3A_451 = tpu.memref_slice %arg10[%add3A_437, %dma_wait3A_450] : memref<256x128xf32, #tpu.memory_space<vmem>> -> memref<1x128xf32, #tpu.memory_space<vmem>>
            %dma_wait3A_452 = arith.constant 0 : i32
            %dma_wait3A_453 = tpu.memref_slice %arg12[%sub3A_433, %dma_wait3A_452] : memref<100x128xf32, #tpu.memory_space<vmem_shared>> -> memref<1x128xf32, #tpu.memory_space<vmem_shared>>
            tpu.wait_dma2 semaphore(%run_scoped3A : memref<!tpu.dma_semaphore, #tpu.memory_space<semaphore_mem>>) src(%dma_wait3A_453 : memref<1x128xf32, #tpu.memory_space<vmem_shared>>) dst(%dma_wait3A_451 : memref<1x128xf32, #tpu.memory_space<vmem>>)
            tpu.yield
          }) : () -> ()
        } else {
        }
      }
      %scan3A_419 = arith.constant 16 : i32
    } else {
    }
    %slice3A_391 = vector.extract_strided_slice %scan3A_277 {offsets = [13], sizes = [1], strides = [1]} : vector<16xi32> to vector<1xi32>
    %squeeze3A_392 = vector.extract %slice3A_391[0] : i32 from vector<1xi32>
    %ge3A_393 = arith.constant 100000 : i32
    %ge3A_394 = arith.cmpi sge, %squeeze3A_392, %ge3A_393 : i32
    %convert_element_type3A_395 = arith.extui %ge3A_394 : i1 to i32
    %cond3A_396 = arith.constant 0 : i32
    %cond3A_397 = arith.cmpi ne, %convert_element_type3A_395, %cond3A_396 : i32
    scf.if %cond3A_397 {
      %scan3A_414 = arith.constant 0 : i32
      %scan3A_415 = arith.constant 0 : i32
      %scan3A_416 = arith.constant 16 : i32
      %scan3A_417 = arith.addi %scan3A_415, %scan3A_416 : i32
      %scan3A_418 = arith.constant 1 : i32
      scf.for %scan3A_420 = %scan3A_415 to %scan3A_417 step %scan3A_418  : i32 {
        %mul3A_421 = arith.constant 16 : i32
        %mul3A_422 = arith.muli %scan3A_420, %mul3A_421 : i32
        %get3A_423 = arith.index_cast %mul3A_422 : i32 to index
        %get3A_424 = tpu.vector_load %arg6[%get3A_423] {strides = array<i32>} : memref<256xi32, #tpu.memory_space<vmem>>, vector<16xi32>,
        %get3A_425 = vector.shape_cast %get3A_424 : vector<16xi32> to vector<16xi32>
        %slice3A_426 = vector.extract_strided_slice %get3A_425 {offsets = [13], sizes = [1], strides = [1]} : vector<16xi32> to vector<1xi32>
        %squeeze3A_427 = vector.extract %slice3A_426[0] : i32 from vector<1xi32>
        %ge3A_428 = arith.constant 100000 : i32
        %ge3A_429 = arith.cmpi sge, %squeeze3A_427, %ge3A_428 : i32
        %convert_element_type3A_430 = arith.extui %ge3A_429 : i1 to i32
        %cond3A_431 = arith.constant 0 : i32
        %cond3A_432 = arith.cmpi ne, %convert_element_type3A_430, %cond3A_431 : i32
        scf.if %cond3A_432 {
          %sub3A = arith.constant 100000 : i32
          %sub3A_433 = arith.subi %squeeze3A_427, %sub3A : i32
          %mul3A_434 = arith.constant 16 : i32
          %mul3A_435 = arith.muli %scan3A_420, %mul3A_434 : i32
          %add3A_436 = arith.constant 13 : i32
          %add3A_437 = arith.addi %mul3A_435, %add3A_436 : i32
          "tpu.region"() ({
            %run_scoped3A = tpu.sem_alloc : memref<!tpu.dma_semaphore, #tpu.memory_space<semaphore_mem>>
            %dma_start3A_438 = arith.constant 0 : i32
            %dma_start3A_439 = tpu.memref_slice %arg10[%add3A_437, %dma_start3A_438] : memref<256x128xf32, #tpu.memory_space<vmem>> -> memref<1x128xf32, #tpu.memory_space<vmem>>
            %dma_start3A_440 = arith.constant 0 : i32
            %dma_start3A_441 = tpu.memref_slice %arg12[%sub3A_433, %dma_start3A_440] : memref<100x128xf32, #tpu.memory_space<vmem_shared>> -> memref<1x128xf32, #tpu.memory_space<vmem_shared>>
            %dma_start3A_442 = arith.constant 0 : i32
            %dma_start3A_443 = tpu.memref_slice %arg10[%add3A_437, %dma_start3A_442] : memref<256x128xf32, #tpu.memory_space<vmem>> -> memref<1x128xf32, #tpu.memory_space<vmem>>
            %dma_start3A_444 = arith.constant 0 : i32
            %dma_start3A_445 = tpu.memref_slice %arg12[%sub3A_433, %dma_start3A_444] : memref<100x128xf32, #tpu.memory_space<vmem_shared>> -> memref<1x128xf32, #tpu.memory_space<vmem_shared>>
            tpu.enqueue_dma source(%dma_start3A_445 : memref<1x128xf32, #tpu.memory_space<vmem_shared>>) target(%dma_start3A_443 : memref<1x128xf32, #tpu.memory_space<vmem>>) target_semaphore(%run_scoped3A : memref<!tpu.dma_semaphore, #tpu.memory_space<semaphore_mem>>)
            %dma_wait3A_446 = arith.constant 0 : i32
            %dma_wait3A_447 = tpu.memref_slice %arg10[%add3A_437, %dma_wait3A_446] : memref<256x128xf32, #tpu.memory_space<vmem>> -> memref<1x128xf32, #tpu.memory_space<vmem>>
            %dma_wait3A_448 = arith.constant 0 : i32
            %dma_wait3A_449 = tpu.memref_slice %arg12[%sub3A_433, %dma_wait3A_448] : memref<100x128xf32, #tpu.memory_space<vmem_shared>> -> memref<1x128xf32, #tpu.memory_space<vmem_shared>>
            %dma_wait3A_450 = arith.constant 0 : i32
            %dma_wait3A_451 = tpu.memref_slice %arg10[%add3A_437, %dma_wait3A_450] : memref<256x128xf32, #tpu.memory_space<vmem>> -> memref<1x128xf32, #tpu.memory_space<vmem>>
            %dma_wait3A_452 = arith.constant 0 : i32
            %dma_wait3A_453 = tpu.memref_slice %arg12[%sub3A_433, %dma_wait3A_452] : memref<100x128xf32, #tpu.memory_space<vmem_shared>> -> memref<1x128xf32, #tpu.memory_space<vmem_shared>>
            tpu.wait_dma2 semaphore(%run_scoped3A : memref<!tpu.dma_semaphore, #tpu.memory_space<semaphore_mem>>) src(%dma_wait3A_453 : memref<1x128xf32, #tpu.memory_space<vmem_shared>>) dst(%dma_wait3A_451 : memref<1x128xf32, #tpu.memory_space<vmem>>)
            tpu.yield
          }) : () -> ()
        } else {
        }
      }
      %scan3A_419 = arith.constant 16 : i32
    } else {
    }
    %slice3A_398 = vector.extract_strided_slice %scan3A_277 {offsets = [14], sizes = [1], strides = [1]} : vector<16xi32> to vector<1xi32>
    %squeeze3A_399 = vector.extract %slice3A_398[0] : i32 from vector<1xi32>
    %ge3A_400 = arith.constant 100000 : i32
    %ge3A_401 = arith.cmpi sge, %squeeze3A_399, %ge3A_400 : i32
    %convert_element_type3A_402 = arith.extui %ge3A_401 : i1 to i32
    %cond3A_403 = arith.constant 0 : i32
    %cond3A_404 = arith.cmpi ne, %convert_element_type3A_402, %cond3A_403 : i32
    scf.if %cond3A_404 {
      %scan3A_414 = arith.constant 0 : i32
      %scan3A_415 = arith.constant 0 : i32
      %scan3A_416 = arith.constant 16 : i32
      %scan3A_417 = arith.addi %scan3A_415, %scan3A_416 : i32
      %scan3A_418 = arith.constant 1 : i32
      scf.for %scan3A_420 = %scan3A_415 to %scan3A_417 step %scan3A_418  : i32 {
        %mul3A_421 = arith.constant 16 : i32
        %mul3A_422 = arith.muli %scan3A_420, %mul3A_421 : i32
        %get3A_423 = arith.index_cast %mul3A_422 : i32 to index
        %get3A_424 = tpu.vector_load %arg6[%get3A_423] {strides = array<i32>} : memref<256xi32, #tpu.memory_space<vmem>>, vector<16xi32>,
        %get3A_425 = vector.shape_cast %get3A_424 : vector<16xi32> to vector<16xi32>
        %slice3A_426 = vector.extract_strided_slice %get3A_425 {offsets = [14], sizes = [1], strides = [1]} : vector<16xi32> to vector<1xi32>
        %squeeze3A_427 = vector.extract %slice3A_426[0] : i32 from vector<1xi32>
        %ge3A_428 = arith.constant 100000 : i32
        %ge3A_429 = arith.cmpi sge, %squeeze3A_427, %ge3A_428 : i32
        %convert_element_type3A_430 = arith.extui %ge3A_429 : i1 to i32
        %cond3A_431 = arith.constant 0 : i32
        %cond3A_432 = arith.cmpi ne, %convert_element_type3A_430, %cond3A_431 : i32
        scf.if %cond3A_432 {
          %sub3A = arith.constant 100000 : i32
          %sub3A_433 = arith.subi %squeeze3A_427, %sub3A : i32
          %mul3A_434 = arith.constant 16 : i32
          %mul3A_435 = arith.muli %scan3A_420, %mul3A_434 : i32
          %add3A_436 = arith.constant 14 : i32
          %add3A_437 = arith.addi %mul3A_435, %add3A_436 : i32
          "tpu.region"() ({
            %run_scoped3A = tpu.sem_alloc : memref<!tpu.dma_semaphore, #tpu.memory_space<semaphore_mem>>
            %dma_start3A_438 = arith.constant 0 : i32
            %dma_start3A_439 = tpu.memref_slice %arg10[%add3A_437, %dma_start3A_438] : memref<256x128xf32, #tpu.memory_space<vmem>> -> memref<1x128xf32, #tpu.memory_space<vmem>>
            %dma_start3A_440 = arith.constant 0 : i32
            %dma_start3A_441 = tpu.memref_slice %arg12[%sub3A_433, %dma_start3A_440] : memref<100x128xf32, #tpu.memory_space<vmem_shared>> -> memref<1x128xf32, #tpu.memory_space<vmem_shared>>
            %dma_start3A_442 = arith.constant 0 : i32
            %dma_start3A_443 = tpu.memref_slice %arg10[%add3A_437, %dma_start3A_442] : memref<256x128xf32, #tpu.memory_space<vmem>> -> memref<1x128xf32, #tpu.memory_space<vmem>>
            %dma_start3A_444 = arith.constant 0 : i32
            %dma_start3A_445 = tpu.memref_slice %arg12[%sub3A_433, %dma_start3A_444] : memref<100x128xf32, #tpu.memory_space<vmem_shared>> -> memref<1x128xf32, #tpu.memory_space<vmem_shared>>
            tpu.enqueue_dma source(%dma_start3A_445 : memref<1x128xf32, #tpu.memory_space<vmem_shared>>) target(%dma_start3A_443 : memref<1x128xf32, #tpu.memory_space<vmem>>) target_semaphore(%run_scoped3A : memref<!tpu.dma_semaphore, #tpu.memory_space<semaphore_mem>>)
            %dma_wait3A_446 = arith.constant 0 : i32
            %dma_wait3A_447 = tpu.memref_slice %arg10[%add3A_437, %dma_wait3A_446] : memref<256x128xf32, #tpu.memory_space<vmem>> -> memref<1x128xf32, #tpu.memory_space<vmem>>
            %dma_wait3A_448 = arith.constant 0 : i32
            %dma_wait3A_449 = tpu.memref_slice %arg12[%sub3A_433, %dma_wait3A_448] : memref<100x128xf32, #tpu.memory_space<vmem_shared>> -> memref<1x128xf32, #tpu.memory_space<vmem_shared>>
            %dma_wait3A_450 = arith.constant 0 : i32
            %dma_wait3A_451 = tpu.memref_slice %arg10[%add3A_437, %dma_wait3A_450] : memref<256x128xf32, #tpu.memory_space<vmem>> -> memref<1x128xf32, #tpu.memory_space<vmem>>
            %dma_wait3A_452 = arith.constant 0 : i32
            %dma_wait3A_453 = tpu.memref_slice %arg12[%sub3A_433, %dma_wait3A_452] : memref<100x128xf32, #tpu.memory_space<vmem_shared>> -> memref<1x128xf32, #tpu.memory_space<vmem_shared>>
            tpu.wait_dma2 semaphore(%run_scoped3A : memref<!tpu.dma_semaphore, #tpu.memory_space<semaphore_mem>>) src(%dma_wait3A_453 : memref<1x128xf32, #tpu.memory_space<vmem_shared>>) dst(%dma_wait3A_451 : memref<1x128xf32, #tpu.memory_space<vmem>>)
            tpu.yield
          }) : () -> ()
        } else {
        }
      }
      %scan3A_419 = arith.constant 16 : i32
    } else {
    }
    %slice3A_405 = vector.extract_strided_slice %scan3A_277 {offsets = [15], sizes = [1], strides = [1]} : vector<16xi32> to vector<1xi32>
    %squeeze3A_406 = vector.extract %slice3A_405[0] : i32 from vector<1xi32>
    %ge3A_407 = arith.constant 100000 : i32
    %ge3A_408 = arith.cmpi sge, %squeeze3A_406, %ge3A_407 : i32
    %convert_element_type3A_409 = arith.extui %ge3A_408 : i1 to i32
    %cond3A_410 = arith.constant 0 : i32
    %cond3A_411 = arith.cmpi ne, %convert_element_type3A_409, %cond3A_410 : i32
    scf.if %cond3A_411 {
      %scan3A_414 = arith.constant 0 : i32
      %scan3A_415 = arith.constant 0 : i32
      %scan3A_416 = arith.constant 16 : i32
      %scan3A_417 = arith.addi %scan3A_415, %scan3A_416 : i32
      %scan3A_418 = arith.constant 1 : i32
      scf.for %scan3A_420 = %scan3A_415 to %scan3A_417 step %scan3A_418  : i32 {
        %mul3A_421 = arith.constant 16 : i32
        %mul3A_422 = arith.muli %scan3A_420, %mul3A_421 : i32
        %get3A_423 = arith.index_cast %mul3A_422 : i32 to index
        %get3A_424 = tpu.vector_load %arg6[%get3A_423] {strides = array<i32>} : memref<256xi32, #tpu.memory_space<vmem>>, vector<16xi32>,
        %get3A_425 = vector.shape_cast %get3A_424 : vector<16xi32> to vector<16xi32>
        %slice3A_426 = vector.extract_strided_slice %get3A_425 {offsets = [15], sizes = [1], strides = [1]} : vector<16xi32> to vector<1xi32>
        %squeeze3A_427 = vector.extract %slice3A_426[0] : i32 from vector<1xi32>
        %ge3A_428 = arith.constant 100000 : i32
        %ge3A_429 = arith.cmpi sge, %squeeze3A_427, %ge3A_428 : i32
        %convert_element_type3A_430 = arith.extui %ge3A_429 : i1 to i32
        %cond3A_431 = arith.constant 0 : i32
        %cond3A_432 = arith.cmpi ne, %convert_element_type3A_430, %cond3A_431 : i32
        scf.if %cond3A_432 {
          %sub3A = arith.constant 100000 : i32
          %sub3A_433 = arith.subi %squeeze3A_427, %sub3A : i32
          %mul3A_434 = arith.constant 16 : i32
          %mul3A_435 = arith.muli %scan3A_420, %mul3A_434 : i32
          %add3A_436 = arith.constant 15 : i32
          %add3A_437 = arith.addi %mul3A_435, %add3A_436 : i32
          "tpu.region"() ({
            %run_scoped3A = tpu.sem_alloc : memref<!tpu.dma_semaphore, #tpu.memory_space<semaphore_mem>>
            %dma_start3A_438 = arith.constant 0 : i32
            %dma_start3A_439 = tpu.memref_slice %arg10[%add3A_437, %dma_start3A_438] : memref<256x128xf32, #tpu.memory_space<vmem>> -> memref<1x128xf32, #tpu.memory_space<vmem>>
            %dma_start3A_440 = arith.constant 0 : i32
            %dma_start3A_441 = tpu.memref_slice %arg12[%sub3A_433, %dma_start3A_440] : memref<100x128xf32, #tpu.memory_space<vmem_shared>> -> memref<1x128xf32, #tpu.memory_space<vmem_shared>>
            %dma_start3A_442 = arith.constant 0 : i32
            %dma_start3A_443 = tpu.memref_slice %arg10[%add3A_437, %dma_start3A_442] : memref<256x128xf32, #tpu.memory_space<vmem>> -> memref<1x128xf32, #tpu.memory_space<vmem>>
            %dma_start3A_444 = arith.constant 0 : i32
            %dma_start3A_445 = tpu.memref_slice %arg12[%sub3A_433, %dma_start3A_444] : memref<100x128xf32, #tpu.memory_space<vmem_shared>> -> memref<1x128xf32, #tpu.memory_space<vmem_shared>>
            tpu.enqueue_dma source(%dma_start3A_445 : memref<1x128xf32, #tpu.memory_space<vmem_shared>>) target(%dma_start3A_443 : memref<1x128xf32, #tpu.memory_space<vmem>>) target_semaphore(%run_scoped3A : memref<!tpu.dma_semaphore, #tpu.memory_space<semaphore_mem>>)
            %dma_wait3A_446 = arith.constant 0 : i32
            %dma_wait3A_447 = tpu.memref_slice %arg10[%add3A_437, %dma_wait3A_446] : memref<256x128xf32, #tpu.memory_space<vmem>> -> memref<1x128xf32, #tpu.memory_space<vmem>>
            %dma_wait3A_448 = arith.constant 0 : i32
            %dma_wait3A_449 = tpu.memref_slice %arg12[%sub3A_433, %dma_wait3A_448] : memref<100x128xf32, #tpu.memory_space<vmem_shared>> -> memref<1x128xf32, #tpu.memory_space<vmem_shared>>
            %dma_wait3A_450 = arith.constant 0 : i32
            %dma_wait3A_451 = tpu.memref_slice %arg10[%add3A_437, %dma_wait3A_450] : memref<256x128xf32, #tpu.memory_space<vmem>> -> memref<1x128xf32, #tpu.memory_space<vmem>>
            %dma_wait3A_452 = arith.constant 0 : i32
            %dma_wait3A_453 = tpu.memref_slice %arg12[%sub3A_433, %dma_wait3A_452] : memref<100x128xf32, #tpu.memory_space<vmem_shared>> -> memref<1x128xf32, #tpu.memory_space<vmem_shared>>
            tpu.wait_dma2 semaphore(%run_scoped3A : memref<!tpu.dma_semaphore, #tpu.memory_space<semaphore_mem>>) src(%dma_wait3A_453 : memref<1x128xf32, #tpu.memory_space<vmem_shared>>) dst(%dma_wait3A_451 : memref<1x128xf32, #tpu.memory_space<vmem>>)
            tpu.yield
          }) : () -> ()
        } else {
        }
      }
      %scan3A_419 = arith.constant 16 : i32
    } else {
    }
    %add3A_412 = arith.constant 6144 : i32
    %add3A_413 = arith.addi %mul3A_2, %add3A_412 : i32
    "tpu.region"() ({
      %run_scoped3A = tpu.sem_alloc : memref<!tpu.dma_semaphore, #tpu.memory_space<semaphore_mem>>
      %dma_start3A_414 = arith.constant 0 : i32
      %dma_start3A_415 = tpu.memref_slice %arg5[%add3A_413, %dma_start3A_414] : memref<204800x128xf32, #tpu.memory_space<hbm>> -> memref<256x128xf32, #tpu.memory_space<hbm>>
      %dma_start3A_416 = arith.constant 0 : i32
      %dma_start3A_417 = tpu.memref_slice %arg5[%add3A_413, %dma_start3A_416] : memref<204800x128xf32, #tpu.memory_space<hbm>> -> memref<256x128xf32, #tpu.memory_space<hbm>>
      tpu.enqueue_dma source(%arg10 : memref<256x128xf32, #tpu.memory_space<vmem>>) target(%dma_start3A_417 : memref<256x128xf32, #tpu.memory_space<hbm>>) target_semaphore(%run_scoped3A : memref<!tpu.dma_semaphore, #tpu.memory_space<semaphore_mem>>)
      %dma_wait3A_418 = arith.constant 0 : i32
      %dma_wait3A_419 = tpu.memref_slice %arg5[%add3A_413, %dma_wait3A_418] : memref<204800x128xf32, #tpu.memory_space<hbm>> -> memref<256x128xf32, #tpu.memory_space<hbm>>
      %dma_wait3A_420 = arith.constant 0 : i32
      %dma_wait3A_421 = tpu.memref_slice %arg5[%add3A_413, %dma_wait3A_420] : memref<204800x128xf32, #tpu.memory_space<hbm>> -> memref<256x128xf32, #tpu.memory_space<hbm>>
      tpu.wait_dma2 semaphore(%run_scoped3A : memref<!tpu.dma_semaphore, #tpu.memory_space<semaphore_mem>>) src(%arg10 : memref<256x128xf32, #tpu.memory_space<vmem>>) dst(%dma_wait3A_421 : memref<256x128xf32, #tpu.memory_space<hbm>>)
      tpu.yield
    }) : () -> ()
    return
  }
}

</mosaic_0001>

<sc_bundles>
// kernel: kernel.3.cloned.1.call-start
scs
__scs_entry_jumppad:
0x0: {  	(pc) =	sbr.rel $0x88, $3  }
0x1: {  	(tag) =	ssettag $0x0;
	lr =	simm.s32 $0x1  }
0x2: {  	[smem:$0x3F9E] =	sst lr;
	_ =	strace $0xD0000000  }
0x3: {  	_ = 	snop  }
0x4: {  	_ = 	snop  }
0x5: {  	_ = 	snop  }
0x6: {  	_ = 	snop  }
0x7: {  	_ = 	snop  }
__scs_overlays_trampoline_lowered:
0x8: {  	[smem:$0x3FAD] =	sst s0  }
0x9: {  	[smem:$0x3FAE] =	sst s1  }
0xa: {  	[smem:$0x3FAF] =	sst s2  }
0xb: {  	[smem:$0x3FB0] =	sst s3  }
0xc: {  	[smem:$0x3FB1] =	sst s4  }
0xd: {  	[smem:$0x3FB2] =	sst s5  }
0xe: {  	[smem:$0x3FB3] =	sst s6  }
0xf: {  	[smem:$0x3FB4] =	sst s7  }
0x10: {  	[smem:$0x3FB5] =	sst s8  }
0x11: {  	[smem:$0x3FB6] =	sst s9;
	s0 =	simm.s32 @!p0 $0x0  }
0x12: {  	s1 =	sld [smem:$0x3F9C];
	s0 =	simm.s32 @p0 $0x1  }
0x13: {  	[smem:$0x3FB7] =	sst s0;
	s0 =	simm.s32 @!p1 $0x0  }
0x14: {  	s2 =	sld [smem:$0x3F9B];
	s0 =	simm.s32 @p1 $0x1  }
0x15: {  	[smem:$0x3FB8] =	sst s0;
	s0 =	simm.s32 @!p2 $0x0  }
0x16: {  	s3 =	sld [smem:$0x3FDB];
	s0 =	simm.s32 @p2 $0x1  }
0x17: {  	s4 =	simm.s32 $0x1BF5;
	[smem:$0x3FBA] =	sst s0  }
0x18: {  	s0 =	sld [smem:$0x3F9D];
	_ =	swait.ge [sflag:s4], $0x0  }
0x19: {  	s7 =	sld [smem:$0x3F9E]  }
0x1a: {  	s8 =	sadd.s32 $0xFFFFE003, lr  }
0x1b: {  	s9 =	sadd.s32 $0xFFFFFEF7, lr;
	s5 =	simm.s32 $0xFFFFFFFF;
	p2 =	slt.u32 s8, $0xFFFFF086  }
0x1c: {  	p1 =	slt.u32 s9, $0xF7A;
	s5 =	simm.s32 @!p2 $0x0  }
0x1d: {  	s5 =	simm.s32 @p1 $0x1;
	p0 =	seq.s32 s7, s2  }
0x1e: {  	s7 =	smul.u32 @!p0 $0xF7A, s2;
	p2 =	seq.s32 @!p0 s5, $0x0  }
0x1f: {  	s9 =	smul.u32 $0xF7A, s1;
	s8 =	simm.s32 @!p0 $0x1BF5;
	p2 =	por !p2, p0  }
0x20: {  	[sflag:s8] =	ssyncset.s32 @!p0 $0xFFFFF086;
	s6 =	sadd.s32 @!p0 s3, s7;
	s7 =	simm.s32 @!p0 $0x108  }
0x21: {  	s3 =	sadd.s32 s3, s9;
	s6 =	sadd.s32 @!p0 $0x88, s6;
	s7 =	simm.s32 @p2 $0x1082  }
0x22: {  	[simem:s7], [sflag:s8] =	dma.local @!p0 [hbm:s6], $0xF7A  }
0x23: {  	s9 =	sor.u32 $0xD0000000, s2;
	s6 =	simm.s32 $0x108;
	_ =	swait.ge @!p0 [sflag:s8], $0x0  }
0x24: {  	s3 =	sadd.s32 $0x88, s3;
	s6 =	simm.s32 @!p1 $0x1082;
	[sflag:s4] =	ssyncset.s32 $0xFFFFF086  }
0x25: {  	[simem:s6], [sflag:s4] =	dma.local [hbm:s3], $0xF7A  }
0x26: {  	[smem:$0x3F9E] =	sst s1;
	(tag) =	ssettag s2;
	_ =	strace s9  }
0x27: {  	s1 =	sld [smem:$0x3FAE]  }
0x28: {  	s2 =	sld [smem:$0x3FAF]  }
0x29: {  	s4 =	sld [smem:$0x3FB1]  }
0x2a: {  	p0 =	seq.s32 s5, $0x0;
	s5 =	sld [smem:$0x3FB2]  }
0x2b: {  	s6 =	sld [smem:$0x3FB3]  }
0x2c: {  	s7 =	sld [smem:$0x3FB4]  }
0x2d: {  	s3 =	simm.s32 $0x108;
	s8 =	sld [smem:$0x3FB5]  }
0x2e: {  	s3 =	simm.s32 @!p0 $0x1082;
	s9 =	sld [smem:$0x3FB6]  }
0x2f: {  	lr =	sadd.s32 s0, s3;
	s0 =	sld [smem:$0x3FAD]  }
0x30: {  	s3 =	sld [smem:$0x3FB0]  }
0x31: {  	[smem:$0x3FB9] =	sst s10  }
0x32: {  	s10 =	sld [smem:$0x3FB7];
	_ =	sdelay $0x3  }
0x33: {  	p0 =	seq.s32 s10, $0x1;
	s10 =	sld [smem:$0x3FB9];
	_ =	sdelay $0x3  }
0x34: {  	[smem:$0x3FB9] =	sst s10  }
0x35: {  	s10 =	sld [smem:$0x3FB8];
	_ =	sdelay $0x3  }
0x36: {  	p1 =	seq.s32 s10, $0x1;
	s10 =	sld [smem:$0x3FB9];
	_ =	sdelay $0x3  }
0x37: {  	[smem:$0x3FB9] =	sst s10  }
0x38: {  	s10 =	sld [smem:$0x3FBA]  }
0x39: {  	_ = 	snop;
	(pc) =	sbr.ind lr, $3  }
0x3a: {  	_ = 	snop  }
0x3b: {  	_ = 	snop  }
0x3c: {  	p2 =	seq.s32 s10, $0x1;
	s10 =	sld [smem:$0x3FB9]  }
0x3d: {  	_ =	shalt  }
0x3e: {  	_ =	shalt  }
0x3f: {  	_ =	shalt  }
0x40: {  	_ =	shalt  }
0x41: {  	_ =	shalt  }
0x42: {  	_ =	shalt  }
0x43: {  	_ =	shalt  }
0x44: {  	_ =	shalt  }
0x45: {  	_ =	shalt  }
0x46: {  	_ =	shalt  }
0x47: {  	_ =	shalt  }
0x48: {  	_ =	shalt  }
0x49: {  	_ =	shalt  }
0x4a: {  	_ =	shalt  }
0x4b: {  	_ =	shalt  }
0x4c: {  	_ =	shalt  }
0x4d: {  	_ =	shalt  }
0x4e: {  	_ =	shalt  }
0x4f: {  	_ =	shalt  }
0x50: {  	_ =	shalt  }
0x51: {  	_ =	shalt  }
0x52: {  	_ =	shalt  }
0x53: {  	_ =	shalt  }
0x54: {  	_ =	shalt  }
0x55: {  	_ =	shalt  }
0x56: {  	_ =	shalt  }
0x57: {  	_ =	shalt  }
0x58: {  	_ =	shalt  }
0x59: {  	_ =	shalt  }
0x5a: {  	_ =	shalt  }
0x5b: {  	_ =	shalt  }
0x5c: {  	_ =	shalt  }
0x5d: {  	_ =	shalt  }
0x5e: {  	_ =	shalt  }
0x5f: {  	_ =	shalt  }
0x60: {  	_ =	shalt  }
0x61: {  	_ =	shalt  }
0x62: {  	_ =	shalt  }
0x63: {  	_ =	shalt  }
0x64: {  	_ =	shalt  }
0x65: {  	_ =	shalt  }
0x66: {  	_ =	shalt  }
0x67: {  	_ =	shalt  }
0x68: {  	_ =	shalt  }
0x69: {  	_ =	shalt  }
0x6a: {  	_ =	shalt  }
0x6b: {  	_ =	shalt  }
0x6c: {  	_ =	shalt  }
0x6d: {  	_ =	shalt  }
0x6e: {  	_ =	shalt  }
0x6f: {  	_ =	shalt  }
0x70: {  	_ =	shalt  }
0x71: {  	_ =	shalt  }
0x72: {  	_ =	shalt  }
0x73: {  	_ =	shalt  }
0x74: {  	_ =	shalt  }
0x75: {  	_ =	shalt  }
0x76: {  	_ =	shalt  }
0x77: {  	_ =	shalt  }
0x78: {  	_ =	shalt  }
0x79: {  	_ =	shalt  }
0x7a: {  	_ =	shalt  }
0x7b: {  	_ =	shalt  }
0x7c: {  	_ =	shalt  }
0x7d: {  	_ =	shalt  }
0x7e: {  	_ =	shalt  }
0x7f: {  	_ =	shalt  }
0x80: {  	_ =	shalt  }
0x81: {  	_ =	shalt  }
0x82: {  	_ =	shalt  }
0x83: {  	_ =	shalt  }
0x84: {  	_ =	shalt  }
0x85: {  	_ =	shalt  }
0x86: {  	_ =	shalt  }
0x87: {  	_ =	shalt  }
.Lfunc_end0:
.L_simem_size_0:
called_computation_lowered:
.L_overlay_start_0:
0x88: {  	s2 =	sld [smem:$0x3FD9]  }
0x89: {  	s3 =	sld [smem:$0x3FFE];
	_ =	sdelay $0x1  }
0x8a: {  	s1 =	srdreg.scid  }
0x8b: {  	s0 =	sand.u32 $0x1, s1  }
0x8c: {  	s17 =	sshll.u32 s0, $0xA;
	s2 =	sadd.s32 s3, s2  }
0x8d: {  	s2 =	sadd.s32 s2, s17  }
0x8e: {  	[smem:$0x3FC5] =	sst s2  }
0x8f: {  	_ = 	snop  }
0x90: {  	s2 =	sld [smem:$0x3FC8]  }
0x91: {  	s18 =	sld [smem:$0x3FC7]  }
0x92: {  	s4 =	sld [smem:$0x3FD0];
	(tm) =	ssettm $0x1  }
0x93: {  	s5 =	sld [smem:$0x3FFB];
	_ =	sdelay $0x3  }
0x94: {  	_ =	strace s5  }
0x95: {  	s5 =	sld [smem:$0x3FFC];
	_ =	sdelay $0x3  }
0x96: {  	_ =	strace s5  }
0x97: {  	s5 =	sld [smem:$0x3FFD];
	_ =	sdelay $0x3  }
0x98: {  	_ =	strace s5  }
0x99: {  	_ =	strace $0x8FFFFFFF  }
0x9a: {  	s19 =	sld [smem:$0x3FDB];
	_ =	sdelay $0x1  }
0x9b: {  	s6 =	simm.s32 $_scs_section_size  }
0x9c: {  	s7 =	simm.s32 $_size__tile_overlayer_lowered;
	s8 =	simm.s32 $_tile_overlayer_lowered  }
0x9d: {  	s22 =	simm.s32 $0x1BFF;
	s21 =	sshll.u32 s8, $0x1;
	s5 =	sadd.s32 s6, s19  }
0x9e: {  	s9 =	simm.s32 $0x0;
	s20 =	sshll.u32 s7, $0x1;
	s7 =	sadd.s32 s21, s5  }
0x9f: {  	[timem:s9], [sflag:s22] =	dma.local [hbm:s7], s20  }
0xa0: {  	_ =	swait.ge [sflag:s22], s20  }
0xa1: {  	s6 =	ssub.s32 $0x0, s20;
	[sflag:s22] =	ssyncset.done $0x0  }
0xa2: {  	[sflag:s22] =	ssyncadd.s32 s6;
	_ =	sdelay $0x1  }
0xa3: {  	s23 =	simm.s32 $0x1B8B  }
0xa4: {  	_ =	swait.ge [sflag:s23], $0x1  }
0xa5: {  	[sflag:s23] =	ssyncset.done $0x0  }
0xa6: {  	s25 =	simm.s32 $0x1B8E;
	s24 =	sld [smem:$0x3FFE];
	[sflag:s23] =	ssyncadd.s32 $0xFFFFFFFF  }
0xa7: {  	s26 =	simm.s32 $execute0_lowered;
	[smem:$0x3FD2] =	sst s25  }
0xa8: {  	s7 =	sshll.u32 s26, $0x1;
	_ =	strace $0x80000046;
	[dreg:$0x1] =	wrdreg $0xFFFFFFFF  }
0xa9: {  	s28 =	simm.s32 $_size_execute0_lowered;
	s5 =	sadd.s32 s5, s7;
	[dreg:$0x0] =	wrdreg $0x0  }
0xaa: {  	s7 =	sshll.u32 s28, $0x1;
	[dreg:$0x2] =	wrdreg s5  }
0xab: {  	[dreg:$0x3] =	wrdreg s7  }
0xac: {  	[dreg:$0x4] =	wrdreg $0xC0  }
0xad: {  	_ =	task [dreg:s9], $0x5FFFF  }
0xae: {  	[dreg:$0x1] =	wrdreg $0xFFFFFFFF  }
0xaf: {  	[dreg:$0x0] =	wrdreg $0x60  }
0xb0: {  	[dreg:$0x2] =	wrdreg s24  }
0xb1: {  	[dreg:$0x3] =	wrdreg s2  }
0xb2: {  	[dreg:$0x4] =	wrdreg s18  }
0xb3: {  	[dreg:$0x5] =	wrdreg s4  }
0xb4: {  	[dreg:$0x6] =	wrdreg $0x104000  }
0xb5: {  	[dreg:$0x7] =	wrdreg $0x9  }
0xb6: {  	_ =	task.clear_ibuf [dreg:s9], $0x8FFFF;
	_ =	strace $0x90000046  }
0xb7: {  	s29 =	simm.s32 $0x9;
	_ =	strace $0x80000048  }
0xb8: {  	_ =	swait.ge [sflag:s29], $0x1  }
0xb9: {  	[sflag:s29] =	ssyncadd.s32 $0xFFFFFFFF  }
0xba: {  	_ =	strace $0x90000048  }
0xbb: {  	_ =	sfence  }
0xbc: {  	s30 =	sld [smem:$0x0];
	_ =	sdelay $0x2  }
0xbd: {  	s31 =	sshll.u32 s1, $0xD;
	s1 =	sshrl.u32 s1, $0x2  }
0xbe: {  	s3 =	sand.u32 $0x4000, s31;
	s1 =	sadd.s32 s1, s30  }
0xbf: {  	s0 =	sor.u32 s3, s0;
	s1 =	sshll.u32 s1, $0x11  }
0xc0: {  	s0 =	sor.u32 s1, s0  }
0xc1: {  	s0 =	sadd.s32 $0x8F2B, s0  }
0xc2: {  	[sflag:s0] =	ssyncadd.remote.s32 $0x1  }
0xc3: {  	_ =	sfence.sel $0xFFFF  }
0xc4: {  	[dreg:$0x0] =	wrdreg $0xFFFFFFFF;
	(pc) =	sbr.abs _section_cstart, $3  }
0xc5: {  	[dreg:$0x1] =	wrdreg $0xFFFFFFFF  }
0xc6: {  	_ =	task.clear_ibuf [dreg:s9], $0x2FFFF;
	_ =	strace $0x9FFFFFFF  }
0xc7: {  	(tm) =	ssettm $0x7FFFFFFF  }
tec
execute0_lowered:
.L_overlay_start_1:
0x0: {  	(tag) =	ssettag $0x1  }
0x1: {  	s1 =	rddreg [dreg:$0x0]  }
0x2: {  	s0 =	rddreg [dreg:$0x1]  }
0x3: {  	s2 =	srdreg.scid;
	s3 =	rddreg [dreg:$0x3]  }
0x4: {  	s9 =	stileid.u32;
	s4 =	rddreg [dreg:$0x4];
	s13 =	simm.s32 $0x3  }
0x5: {  	s14 =	simm.s32 $0x80;
	s15 =	simm.s32 $0x200;
	s16 =	simm.s32 $0x400  }
0x6: {  	s17 =	simm.s32 $0x280;
	s18 =	simm.s32 $0x4400;
	s19 =	simm.s32 $0x100  }
0x7: {  	s20 =	simm.s32 $0x300;
	s21 =	simm.s32 $0x8400;
	s22 =	simm.s32 $0x380  }
0x8: {  	s23 =	simm.s32 $0xC400;
	s2 =	sand.u32 $0x1, s2;
	s5 =	sshll.u32 s9, $0x1  }
0x9: {  	s24 =	simm.s32 $0x1;
	s25 =	simm.s32 $0x2;
	s7 =	sor.u32 s2, s5  }
0xa: {  	s26 =	simm.s32 $0x0;
	s8 =	sadd.s32 $0x400, s1;
	s6 =	smul.u32 $0x1900, s7  }
0xb: {  	p0 =	sne.s32 s9, $0x0;
	s5 =	simm.s32 $0x0;
	s7 =	smul.u32 $0xC8000, s7  }
.Ltmp0:
0xc: {  	s29 =	ssub.s32 $0x2, s2;
	[smem:$0x7FF] =	sst s5;
	(pc) =	sbr.rel .LBB2_1-.Ltmp0, $4  }
0xd: {  	s2 =	sshrl.u32 s29, $0x1;
	s10 =	sshrl.u32 s6, $0x3;
	s11 =	sshrl.u32 s7, $0x3  }
0xe: {  	_ =	strace $0x80000047;
	s30 =	sadd.s32 s8, s10;
	s31 =	sadd.s32 s3, s11  }
0xf: {  	s1 =	ssub.s32 s29, s2;
	[dreg:$0x6] =	wrdreg s30;
	s2 =	sadd.s32 $0x18000, s31  }
0x10: {  	s12 =	smax.u32 s1, $0x1;
	s10 =	sadd.s32 $0x200, s6;
	[dreg:$0x7] =	wrdreg s2  }
.LBB2_195:
0x11: {  	s26 =	sadd.s32 $0x1, s26  }
0x12: {  	p1 =	sne.s32 s26, s12  }
.Ltmp1:
0x13: {  	s1 =	rddreg [dreg:$0x7];
	(pc) =	sbr.rel @!p1 .LBB2_196-.Ltmp1, $4  }
0x14: {  	[hbm4b:s1+s5] =	stream.linear.scatter [tilespmem:s16], [sflag:$0x3], $0x8000, $0x38;
	[tilespmem:$0x10720] =	vst v63  }
0x15: {  	_ =	swait.ge [sflag:s13], $0x8000  }
0x16: {  	[sflag:s13] =	ssyncset.done $0x0  }
0x17: {  	[sflag:s13] =	ssyncadd.s32 $0xFFFF8000  }
.LBB2_1:
0x18: {  	s1 =	simm.s32 @!p0 $0x0;
	s2 =	simm.s32 @!p0 $0x400;
	s9 =	rddreg [dreg:$0x2]  }
0x19: {  	[tilespmem:s2], [sflag:$0x3] =	stream.linear.gather @!p0 [hbm4b:s9+s1], $0x3200, $0x38;
	[tilespmem:$0x10720] =	vst v63  }
0x1a: {  	s1 =	simm.s32 @!p0 $0x3  }
0x1b: {  	_ =	swait.ge @!p0 [sflag:s1], $0x3200  }
0x1c: {  	[sflag:s1] =	ssyncset.done @!p0 $0x0  }
0x1d: {  	[sflag:s1] =	ssyncadd.s32 @!p0 $0xFFFFCE00  }
0x1e: {  	[spmem:s4] =	stream.linear.scatter @!p0 [tilespmem:s2], [sflag:$0x3], $0x3200, $0x38;
	[tilespmem:$0x10720] =	vst v63  }
0x1f: {  	_ =	swait.ge @!p0 [sflag:s1], $0x3200  }
0x20: {  	[sflag:s1] =	ssyncset.done @!p0 $0x0  }
0x21: {  	[sflag:s1] =	ssyncadd.s32 @!p0 $0xFFFFCE00  }
0x22: {  	[bflag:$0x0] =	sbarrier.arrive $0xFFFF  }
0x23: {  	s31 =	rddreg [dreg:$0x6]  }
0x24: {  	[tilespmem:s5], [sflag:$0x3] =	stream.linear.gather [hbm4b:s31+s5], $0x100, $0x38;
	[tilespmem:$0x10720] =	vst v63  }
0x25: {  	_ =	swait.ge [sflag:s13], $0x100  }
0x26: {  	[sflag:s13] =	ssyncset.done $0x0  }
0x27: {  	[sflag:s13] =	ssyncadd.s32 $0xFFFFFF00  }
0x28: {  	v0 =	vld [tilespmem:$0x0]  }
0x29: {  	v1 =	vld [tilespmem:$0x10];
	_ =	sdelay $0x1  }
0x2a: {  	v2 =	vld [tilespmem:$0x20];
	_ =	sdelay $0x1  }
0x2b: {  	v3 =	vld [tilespmem:$0x30]  }
0x2c: {  	vm0 =	vgt.s32 v0, v1  }
0x2d: {  	v5 =	vld [tilespmem:$0x40];
	v4 =	vsel vm0, v0, v1  }
0x2e: {  	vm0 =	vgt.s32 v4, v2  }
0x2f: {  	v6 =	vld [tilespmem:$0x50];
	v4 =	vsel vm0, v4, v2  }
0x30: {  	vm0 =	vgt.s32 v4, v3  }
0x31: {  	v7 =	vld [tilespmem:$0x60];
	v4 =	vsel vm0, v4, v3  }
0x32: {  	vm0 =	vgt.s32 v4, v5  }
0x33: {  	v8 =	vld [tilespmem:$0x70];
	vm1 =	vgt.s32 v0, $0x1869F;
	v4 =	vsel vm0, v4, v5  }
0x34: {  	vm9 =	vgt.s32 v1, $0x1869F;
	v0 =	vsel vm1, $0x0, v0;
	vm10 =	vgt.s32 v4, v6  }
0x35: {  	v59 =	vld [tilespmem:$0x80];
	vm11 =	vgt.s32 v2, $0x1869F;
	[tilespmem:$0x200] =	vst v0;
	v0 =	vsel vm9, $0x0, v1;
	v1 =	vsel vm10, v4, v6  }
0x36: {  	vm12 =	vgt.s32 v3, $0x1869F;
	[tilespmem:$0x210] =	vst v0;
	v0 =	vsel vm11, $0x0, v2;
	vm1 =	vgt.s32 v1, v7  }
0x37: {  	vm13 =	vgt.s32 v5, $0x1869F;
	v2 =	vld [tilespmem:$0x90];
	[tilespmem:$0x220] =	vst v0;
	v0 =	vsel vm12, $0x0, v3;
	v1 =	vsel vm1, v1, v7  }
0x38: {  	vm14 =	vgt.s32 v6, $0x1869F;
	[tilespmem:$0x230] =	vst v0;
	v0 =	vsel vm13, $0x0, v5;
	vm1 =	vgt.s32 v1, v8  }
0x39: {  	vm15 =	vgt.s32 v7, $0x1869F;
	v3 =	vld [tilespmem:$0xA0];
	[tilespmem:$0x240] =	vst v0;
	v0 =	vsel vm14, $0x0, v6;
	v1 =	vsel vm1, v1, v8  }
0x3a: {  	vm4 =	vgt.s32 v8, $0x1869F;
	[tilespmem:$0x250] =	vst v0;
	v0 =	vsel vm15, $0x0, v7;
	vm1 =	vgt.s32 v1, v59  }
0x3b: {  	v60 =	vld [tilespmem:$0xB0];
	vm5 =	vgt.s32 v59, $0x1869F;
	[tilespmem:$0x260] =	vst v0;
	v0 =	vsel vm4, $0x0, v8;
	v1 =	vsel vm1, v1, v59  }
0x3c: {  	v61 =	vld [tilespmem:$0xC0];
	[tilespmem:$0x270] =	vst v0;
	v0 =	vsel vm5, $0x0, v59;
	vm6 =	vgt.s32 v1, v2  }
0x3d: {  	v62 =	vld [tilespmem:$0xD0];
	[tilespmem:$0x280] =	vst v0;
	v0 =	vsel vm6, v1, v2  }
0x3e: {  	v63 =	vld [tilespmem:$0xE0];
	vm7 =	vgt.s32 v2, $0x1869F;
	vm9 =	vgt.s32 v0, v3  }
0x3f: {  	vm8 =	vgt.s32 v3, $0x1869F;
	v1 =	vsel vm7, $0x0, v2;
	v2 =	vld [tilespmem:$0xF0];
	v0 =	vsel vm9, v0, v3  }
0x40: {  	vm10 =	vgt.s32 v60, $0x1869F;
	[tilespmem:$0x290] =	vst v1;
	v1 =	vsel vm8, $0x0, v3;
	vm1 =	vgt.s32 v0, v60  }
0x41: {  	vm11 =	vgt.s32 v61, $0x1869F;
	[tilespmem:$0x2A0] =	vst v1;
	v1 =	vsel vm10, $0x0, v60;
	v0 =	vsel vm1, v0, v60  }
0x42: {  	vm12 =	vgt.s32 v62, $0x1869F;
	[tilespmem:$0x2B0] =	vst v1;
	v1 =	vsel vm11, $0x0, v61;
	vm1 =	vgt.s32 v0, v61  }
0x43: {  	vm13 =	vgt.s32 v63, $0x1869F;
	[tilespmem:$0x2C0] =	vst v1;
	v1 =	vsel vm12, $0x0, v62;
	v0 =	vsel vm1, v0, v61  }
0x44: {  	[tilespmem:$0x2D0] =	vst v1;
	v1 =	vsel vm13, $0x0, v63;
	vm14 =	vgt.s32 v2, $0x1869F;
	vm15 =	vgt.s32 v0, v62  }
.Ltmp2:
0x45: {  	[tilespmem:$0x2E0] =	vst v1;
	v1 =	vsel vm14, $0x0, v2;
	v0 =	vsel vm15, v0, v62;
	(pc) =	sbr.rel .LBB2_2-.Ltmp2, $4  }
0x46: {  	[tilespmem:$0x2F0] =	vst v1;
	vm0 =	vgt.s32 v0, v63  }
0x47: {  	[tilespmem:s16], [sflag:$0x1] =	stream.indirect.gather [hbm4b:s0+s14], $0x80, s15, s14, $0xb8;
	v0 =	vsel vm0, v0, v63;
	[tilespmem:$0x10720] =	vst v63  }
0x48: {  	s28 =	simm.s32 $0x0;
	vm0 =	vgt.s32 v0, v2  }
0x49: {  	[tilespmem:s18], [sflag:$0x1] =	stream.indirect.gather [hbm4b:s0+s14], $0x80, s17, s14, $0xb8;
	v0 =	vsel vm0, v0, v2;
	[tilespmem:$0x10720] =	vst v63  }
.LBB2_130:
0x4a: {  	vm0 =	vgt.s32 v0, v13  }
0x4b: {  	v0 =	vsel vm0, v0, v13  }
0x4c: {  	vm0 =	vgt.s32 v0, v14  }
0x4d: {  	v0 =	vsel vm0, v0, v14  }
0x4e: {  	vm0 =	vgt.s32 v0, v15  }
0x4f: {  	v0 =	vsel vm0, v0, v15  }
0x50: {  	vm0 =	vgt.s32 v0, v16  }
0x51: {  	v0 =	vsel vm0, v0, v16  }
0x52: {  	vm0 =	vgt.s32 v0, v17  }
0x53: {  	v0 =	vsel vm0, v0, v17  }
0x54: {  	vm0 =	vgt.s32 v0, v18  }
0x55: {  	v0 =	vsel vm0, v0, v18  }
0x56: {  	vm0 =	vgt.s32 v0, v12  }
0x57: {  	v0 =	vsel vm0, v0, v12  }
0x58: {  	vm0 =	vgt.s32 v0, v19  }
0x59: {  	v0 =	vsel vm0, v0, v19  }
0x5a: {  	vm0 =	vgt.s32 v0, v11  }
0x5b: {  	v0 =	vsel vm0, v0, v11  }
0x5c: {  	vm0 =	vgt.s32 v0, v20  }
0x5d: {  	v0 =	vsel vm0, v0, v20  }
0x5e: {  	vm0 =	vgt.s32 v0, v10  }
0x5f: {  	v0 =	vsel vm0, v0, v10  }
0x60: {  	vm0 =	vgt.s32 v0, v21  }
0x61: {  	s28 =	sadd.s32 $0x1, s28;
	v0 =	vsel vm0, v0, v21  }
0x62: {  	s1 =	sshll.u32 s29, $0x4;
	p1 =	sne.s32 s28, $0xC;
	vm0 =	vgt.s32 v0, v9  }
.Ltmp3:
0x63: {  	s1 =	sadd.s32 s3, s1;
	v0 =	vsel vm0, v0, v9;
	(pc) =	sbr.rel @!p1 .LBB2_131-.Ltmp3, $4  }
0x64: {  	[hbm4b:s1+s5] =	stream.linear.scatter [tilespmem:s21], [sflag:$0x3], $0x8000, $0x38;
	vm0 =	vgt.s32 v0, v22;
	[tilespmem:$0x10720] =	vst v63  }
0x65: {  	_ =	swait.ge [sflag:s13], $0x8000;
	v0 =	vsel vm0, v0, v22  }
0x66: {  	[sflag:s13] =	ssyncset.done $0x0;
	vm0 =	vgt.s32 v0, v8  }
0x67: {  	[sflag:s13] =	ssyncadd.s32 $0xFFFF8000;
	v0 =	vsel vm0, v0, v8  }
.LBB2_2:
0x68: {  	s30 =	sshll.u32 s28, $0x9  }
0x69: {  	s1 =	sadd.s32 s30, s6  }
0x6a: {  	s29 =	sadd.s32 $0x100, s1  }
0x6b: {  	s1 =	sshrl.u32 s29, $0x3  }
0x6c: {  	s2 =	simm.s32 $0x0;
	s1 =	sadd.s32 s8, s1  }
0x6d: {  	[tilespmem:s19], [sflag:$0x3] =	stream.linear.gather [hbm4b:s1+s2], $0x100, $0x38;
	[tilespmem:$0x10720] =	vst v63  }
0x6e: {  	_ =	swait.ge [sflag:s13], $0x100  }
0x6f: {  	[sflag:s13] =	ssyncset.done $0x0  }
0x70: {  	[sflag:s13] =	ssyncadd.s32 $0xFFFFFF00  }
0x71: {  	v13 =	vld [tilespmem:$0x100]  }
0x72: {  	v14 =	vld [tilespmem:$0x110]  }
0x73: {  	v15 =	vld [tilespmem:$0x120]  }
0x74: {  	v17 =	vld [tilespmem:$0x130]  }
0x75: {  	v12 =	vld [tilespmem:$0x140]  }
0x76: {  	v11 =	vld [tilespmem:$0x150];
	vm0 =	vgt.s32 v13, $0x1869F  }
0x77: {  	v10 =	vld [tilespmem:$0x160];
	vm13 =	vgt.s32 v14, $0x1869F;
	v1 =	vsel vm0, $0x0, v13  }
0x78: {  	v9 =	vld [tilespmem:$0x170];
	vm14 =	vgt.s32 v15, $0x1869F;
	[tilespmem:$0x300] =	vst v1;
	v1 =	vsel vm13, $0x0, v14  }
0x79: {  	v8 =	vld [tilespmem:$0x180];
	vm15 =	vgt.s32 v17, $0x1869F;
	[tilespmem:$0x310] =	vst v1;
	v1 =	vsel vm14, $0x0, v15  }
0x7a: {  	v7 =	vld [tilespmem:$0x190];
	vm4 =	vgt.s32 v12, $0x1869F;
	[tilespmem:$0x320] =	vst v1;
	v1 =	vsel vm15, $0x0, v17  }
0x7b: {  	v6 =	vld [tilespmem:$0x1A0];
	vm5 =	vgt.s32 v11, $0x1869F;
	[tilespmem:$0x330] =	vst v1;
	v1 =	vsel vm4, $0x0, v12  }
0x7c: {  	v2 =	vld [tilespmem:$0x1B0];
	vm6 =	vgt.s32 v10, $0x1869F;
	[tilespmem:$0x340] =	vst v1;
	v1 =	vsel vm5, $0x0, v11  }
0x7d: {  	vm7 =	vgt.s32 v9, $0x1869F;
	v3 =	vsel vm6, $0x0, v10;
	[tilespmem:$0x350] =	vst v1;
	v1 =	vld [tilespmem:$0x1C0]  }
0x7e: {  	vm8 =	vgt.s32 v8, $0x1869F;
	v4 =	vsel vm7, $0x0, v9;
	[tilespmem:$0x360] =	vst v3;
	v3 =	vld [tilespmem:$0x1D0]  }
0x7f: {  	vm9 =	vgt.s32 v7, $0x1869F;
	v5 =	vsel vm8, $0x0, v8;
	[tilespmem:$0x370] =	vst v4;
	v4 =	vld [tilespmem:$0x1E0]  }
0x80: {  	vm10 =	vgt.s32 v6, $0x1869F;
	v16 =	vsel vm9, $0x0, v7;
	[tilespmem:$0x380] =	vst v5;
	v5 =	vld [tilespmem:$0x1F0]  }
0x81: {  	vm11 =	vgt.s32 v2, $0x1869F;
	[tilespmem:$0x390] =	vst v16;
	v16 =	vsel vm10, $0x0, v6  }
0x82: {  	[tilespmem:$0x3A0] =	vst v16;
	v16 =	vsel vm11, $0x0, v2;
	vm12 =	vgt.s32 v1, $0x1869F  }
0x83: {  	[tilespmem:$0x3B0] =	vst v16;
	vm13 =	vgt.s32 v3, $0x1869F;
	v16 =	vsel vm12, $0x0, v1  }
0x84: {  	vm14 =	vgt.s32 v4, $0x1869F;
	[tilespmem:$0x3C0] =	vst v16;
	v16 =	vsel vm13, $0x0, v3  }
0x85: {  	vm15 =	vgt.s32 v5, $0x1869F;
	[tilespmem:$0x3D0] =	vst v16;
	v16 =	vsel vm14, $0x0, v4  }
0x86: {  	[tilespmem:$0x3E0] =	vst v16;
	v16 =	vsel vm15, $0x0, v5  }
0x87: {  	[tilespmem:$0x3F0] =	vst v16  }
0x88: {  	[tilespmem:s21], [sflag:$0x2] =	stream.indirect.gather [hbm4b:s0+s14], $0x80, s20, s14, $0xb8;
	[tilespmem:$0x10720] =	vst v63  }
0x89: {  	_ = 	snop  }
0x8a: {  	[tilespmem:s23], [sflag:$0x2] =	stream.indirect.gather [hbm4b:s0+s14], $0x80, s22, s14, $0xb8;
	[tilespmem:$0x10720] =	vst v63  }
0x8b: {  	_ =	swait.ge [sflag:s24], $0x4000  }
0x8c: {  	[sflag:s24] =	ssyncset.done $0x0  }
0x8d: {  	[sflag:s24] =	ssyncadd.s32 $0xFFFFC000  }
0x8e: {  	_ =	swait.ge [sflag:s24], $0x4000  }
0x8f: {  	(v2sf) =	vpush v0, $0x0;
	_ =	sdelay $0xe  }
0x90: {  	s31 =	spop (v2sf)  }
0x91: {  	p1 =	slt.s32 s31, $0x186A0  }
.Ltmp4:
0x92: {  	_ = 	snop;
	(pc) =	sbr.rel @p1 .LBB2_6-.Ltmp4, $3  }
0x93: {  	_ =	sdelay $0x1  }
0x94: {  	[sflag:s24] =	ssyncset.done $0x0  }
0x95: {  	s1 =	simm.s32 $0x400;
	[sflag:s24] =	ssyncadd.s32 $0xFFFFC000  }
0x96: {  	s2 =	simm.s32 $0x0  }
0x97: {  	v16 =	vld [tilespmem:s2+$0x0];
	_ =	sdelay $0x4  }
0x98: {  	(v2sf) =	vpush v16, $0x0;
	_ =	sdelay $0xe  }
0x99: {  	s2 =	spop (v2sf)  }
0x9a: {  	p2 =	slt.s32 s2, $0x186A0  }
0x9b: {  	s2 =	sshll.u32 @!p2 s2, $0x9  }
0x9c: {  	s2 =	sshra.s32 @!p2 s2, $0x2  }
0x9d: {  	s2 =	sadd.s32 @!p2 s2, s4  }
0x9e: {  	s9 =	simm.s32 @!p2 $0x3;
	s2 =	sadd.s32 @!p2 $0xFF3CB000, s2  }
0x9f: {  	[tilespmem:s1], [sflag:$0x3] =	stream.linear.gather @!p2 [spmem:s2], $0x80, $0x38;
	[tilespmem:$0x10720] =	vst v63  }
0xa0: {  	s31 =	simm.s32 $0xC00;
	_ =	swait.ge @!p2 [sflag:s9], $0x80  }
0xa1: {  	s2 =	simm.s32 $0x40;
	s1 =	simm.s32 $0x80;
	[sflag:s9] =	ssyncset.done @!p2 $0x0  }
.LBB2_4:
0xa2: {  	s11 =	sshra.s32 s2, $0x2  }
0xa3: {  	[sflag:s9] =	ssyncadd.s32 @!p2 $0xFFFFFF80;
	s2 =	smov.u32 s1;
	s1 =	sadd.s32 $0x40, s1  }
0xa4: {  	p1 =	sne.s32 s1, $0x400;
	v16 =	vld [tilespmem:s11+$0x0];
	_ =	sdelay $0x4  }
0xa5: {  	(v2sf) =	vpush v16, $0x0;
	_ =	sdelay $0xe  }
0xa6: {  	s9 =	spop (v2sf)  }
0xa7: {  	p2 =	slt.s32 s9, $0x186A0  }
0xa8: {  	s9 =	sshll.u32 @!p2 s9, $0x9  }
0xa9: {  	s9 =	sshra.s32 @!p2 s9, $0x2  }
.Ltmp5:
0xaa: {  	s9 =	sadd.s32 @!p2 s9, s4;
	(pc) =	sbr.rel @p1 .LBB2_4-.Ltmp5, $4  }
0xab: {  	s11 =	sadd.s32 @!p2 $0xFF3CB000, s9;
	s9 =	simm.s32 @!p2 $0x3  }
0xac: {  	[tilespmem:s31], [sflag:$0x3] =	stream.linear.gather @!p2 [spmem:s11], $0x80, $0x38;
	[tilespmem:$0x10720] =	vst v63  }
0xad: {  	_ =	swait.ge @!p2 [sflag:s9], $0x80  }
0xae: {  	s31 =	sadd.s32 $0x800, s31;
	[sflag:s9] =	ssyncset.done @!p2 $0x0  }
0xaf: {  	s1 =	sshra.s32 s2, $0x2;
	[sflag:s9] =	ssyncadd.s32 @!p2 $0xFFFFFF80  }
0xb0: {  	v16 =	vld [tilespmem:s1+$0x0];
	_ =	sdelay $0x4  }
0xb1: {  	(v2sf) =	vpush v16, $0x0;
	_ =	sdelay $0xe  }
0xb2: {  	s1 =	spop (v2sf)  }
0xb3: {  	p1 =	slt.s32 s1, $0x186A0  }
0xb4: {  	s1 =	sshll.u32 @!p1 s1, $0x9  }
0xb5: {  	s1 =	sshra.s32 @!p1 s1, $0x2  }
0xb6: {  	s1 =	sadd.s32 @!p1 s1, s4  }
0xb7: {  	s2 =	simm.s32 @!p1 $0x3;
	s1 =	sadd.s32 @!p1 $0xFF3CB000, s1  }
0xb8: {  	[tilespmem:s31], [sflag:$0x3] =	stream.linear.gather @!p1 [spmem:s1], $0x80, $0x38;
	[tilespmem:$0x10720] =	vst v63  }
0xb9: {  	_ =	swait.ge @!p1 [sflag:s2], $0x80  }
0xba: {  	[sflag:s2] =	ssyncset.done @!p1 $0x0  }
0xbb: {  	[sflag:s2] =	ssyncadd.s32 @!p1 $0xFFFFFF80  }
.LBB2_6:
0xbc: {  	(v2sf) =	vpush v0, $0x1;
	_ =	sdelay $0xe  }
0xbd: {  	s1 =	spop (v2sf)  }
0xbe: {  	p1 =	slt.s32 s1, $0x186A0  }
.Ltmp6:
0xbf: {  	_ = 	snop;
	(pc) =	sbr.rel @p1 .LBB2_10-.Ltmp6, $1  }
0xc0: {  	_ =	sdelay $0x3  }
0xc1: {  	s1 =	simm.s32 $0x0  }
0xc2: {  	v16 =	vld [tilespmem:s1+$0x0];
	_ =	sdelay $0x4  }
0xc3: {  	(v2sf) =	vpush v16, $0x1;
	_ =	sdelay $0xe  }
0xc4: {  	s1 =	spop (v2sf)  }
0xc5: {  	p2 =	slt.s32 s1, $0x186A0  }
0xc6: {  	s1 =	sshll.u32 @!p2 s1, $0x9  }
0xc7: {  	s1 =	sshra.s32 @!p2 s1, $0x2  }
0xc8: {  	s1 =	sadd.s32 @!p2 s1, s4  }
0xc9: {  	s2 =	simm.s32 $0x480;
	s9 =	simm.s32 @!p2 $0x3;
	s1 =	sadd.s32 @!p2 $0xFF3CB000, s1  }
0xca: {  	[tilespmem:s2], [sflag:$0x3] =	stream.linear.gather @!p2 [spmem:s1], $0x80, $0x38;
	[tilespmem:$0x10720] =	vst v63  }
0xcb: {  	s31 =	simm.s32 $0xC80;
	_ =	swait.ge @!p2 [sflag:s9], $0x80  }
0xcc: {  	s2 =	simm.s32 $0x40;
	s1 =	simm.s32 $0x80;
	[sflag:s9] =	ssyncset.done @!p2 $0x0  }
.LBB2_8:
0xcd: {  	s11 =	sshra.s32 s2, $0x2  }
0xce: {  	[sflag:s9] =	ssyncadd.s32 @!p2 $0xFFFFFF80;
	s2 =	smov.u32 s1;
	s1 =	sadd.s32 $0x40, s1  }
0xcf: {  	p1 =	sne.s32 s1, $0x400;
	v16 =	vld [tilespmem:s11+$0x0];
	_ =	sdelay $0x4  }
0xd0: {  	(v2sf) =	vpush v16, $0x1;
	_ =	sdelay $0xe  }
0xd1: {  	s9 =	spop (v2sf)  }
0xd2: {  	p2 =	slt.s32 s9, $0x186A0  }
0xd3: {  	s9 =	sshll.u32 @!p2 s9, $0x9  }
0xd4: {  	s9 =	sshra.s32 @!p2 s9, $0x2  }
.Ltmp7:
0xd5: {  	s9 =	sadd.s32 @!p2 s9, s4;
	(pc) =	sbr.rel @p1 .LBB2_8-.Ltmp7, $4  }
0xd6: {  	s11 =	sadd.s32 @!p2 $0xFF3CB000, s9;
	s9 =	simm.s32 @!p2 $0x3  }
0xd7: {  	[tilespmem:s31], [sflag:$0x3] =	stream.linear.gather @!p2 [spmem:s11], $0x80, $0x38;
	[tilespmem:$0x10720] =	vst v63  }
0xd8: {  	_ =	swait.ge @!p2 [sflag:s9], $0x80  }
0xd9: {  	s31 =	sadd.s32 $0x800, s31;
	[sflag:s9] =	ssyncset.done @!p2 $0x0  }
0xda: {  	s1 =	sshra.s32 s2, $0x2;
	[sflag:s9] =	ssyncadd.s32 @!p2 $0xFFFFFF80  }
0xdb: {  	v16 =	vld [tilespmem:s1+$0x0];
	_ =	sdelay $0x4  }
0xdc: {  	(v2sf) =	vpush v16, $0x1;
	_ =	sdelay $0xe  }
0xdd: {  	s1 =	spop (v2sf)  }
0xde: {  	p1 =	slt.s32 s1, $0x186A0  }
0xdf: {  	s1 =	sshll.u32 @!p1 s1, $0x9  }
0xe0: {  	s1 =	sshra.s32 @!p1 s1, $0x2  }
0xe1: {  	s1 =	sadd.s32 @!p1 s1, s4  }
0xe2: {  	s2 =	simm.s32 @!p1 $0x3;
	s1 =	sadd.s32 @!p1 $0xFF3CB000, s1  }
0xe3: {  	[tilespmem:s31], [sflag:$0x3] =	stream.linear.gather @!p1 [spmem:s1], $0x80, $0x38;
	[tilespmem:$0x10720] =	vst v63  }
0xe4: {  	_ =	swait.ge @!p1 [sflag:s2], $0x80  }
0xe5: {  	[sflag:s2] =	ssyncset.done @!p1 $0x0  }
0xe6: {  	[sflag:s2] =	ssyncadd.s32 @!p1 $0xFFFFFF80  }
.LBB2_10:
0xe7: {  	(v2sf) =	vpush v0, $0x2;
	_ =	sdelay $0xe  }
0xe8: {  	s1 =	spop (v2sf)  }
0xe9: {  	p1 =	slt.s32 s1, $0x186A0  }
.Ltmp8:
0xea: {  	_ = 	snop;
	(pc) =	sbr.rel @p1 .LBB2_14-.Ltmp8, $1  }
0xeb: {  	_ =	sdelay $0x3  }
0xec: {  	s1 =	simm.s32 $0x0  }
0xed: {  	v16 =	vld [tilespmem:s1+$0x0];
	_ =	sdelay $0x4  }
0xee: {  	(v2sf) =	vpush v16, $0x2;
	_ =	sdelay $0xe  }
0xef: {  	s1 =	spop (v2sf)  }
0xf0: {  	p2 =	slt.s32 s1, $0x186A0  }
0xf1: {  	s1 =	sshll.u32 @!p2 s1, $0x9  }
0xf2: {  	s1 =	sshra.s32 @!p2 s1, $0x2  }
0xf3: {  	s1 =	sadd.s32 @!p2 s1, s4  }
0xf4: {  	s2 =	simm.s32 $0x500;
	s9 =	simm.s32 @!p2 $0x3;
	s1 =	sadd.s32 @!p2 $0xFF3CB000, s1  }
0xf5: {  	[tilespmem:s2], [sflag:$0x3] =	stream.linear.gather @!p2 [spmem:s1], $0x80, $0x38;
	[tilespmem:$0x10720] =	vst v63  }
0xf6: {  	s31 =	simm.s32 $0xD00;
	_ =	swait.ge @!p2 [sflag:s9], $0x80  }
0xf7: {  	s2 =	simm.s32 $0x40;
	s1 =	simm.s32 $0x80;
	[sflag:s9] =	ssyncset.done @!p2 $0x0  }
.LBB2_12:
0xf8: {  	s11 =	sshra.s32 s2, $0x2  }
0xf9: {  	[sflag:s9] =	ssyncadd.s32 @!p2 $0xFFFFFF80;
	s2 =	smov.u32 s1;
	s1 =	sadd.s32 $0x40, s1  }
0xfa: {  	p1 =	sne.s32 s1, $0x400;
	v16 =	vld [tilespmem:s11+$0x0];
	_ =	sdelay $0x4  }
0xfb: {  	(v2sf) =	vpush v16, $0x2;
	_ =	sdelay $0xe  }
0xfc: {  	s9 =	spop (v2sf)  }
0xfd: {  	p2 =	slt.s32 s9, $0x186A0  }
0xfe: {  	s9 =	sshll.u32 @!p2 s9, $0x9  }
0xff: {  	s9 =	sshra.s32 @!p2 s9, $0x2  }
.Ltmp9:
0x100: {  	s9 =	sadd.s32 @!p2 s9, s4;
	(pc) =	sbr.rel @p1 .LBB2_12-.Ltmp9, $4  }
0x101: {  	s11 =	sadd.s32 @!p2 $0xFF3CB000, s9;
	s9 =	simm.s32 @!p2 $0x3  }
0x102: {  	[tilespmem:s31], [sflag:$0x3] =	stream.linear.gather @!p2 [spmem:s11], $0x80, $0x38;
	[tilespmem:$0x10720] =	vst v63  }
0x103: {  	_ =	swait.ge @!p2 [sflag:s9], $0x80  }
0x104: {  	s31 =	sadd.s32 $0x800, s31;
	[sflag:s9] =	ssyncset.done @!p2 $0x0  }
0x105: {  	s1 =	sshra.s32 s2, $0x2;
	[sflag:s9] =	ssyncadd.s32 @!p2 $0xFFFFFF80  }
0x106: {  	v16 =	vld [tilespmem:s1+$0x0];
	_ =	sdelay $0x4  }
0x107: {  	(v2sf) =	vpush v16, $0x2;
	_ =	sdelay $0xe  }
0x108: {  	s1 =	spop (v2sf)  }
0x109: {  	p1 =	slt.s32 s1, $0x186A0  }
0x10a: {  	s1 =	sshll.u32 @!p1 s1, $0x9  }
0x10b: {  	s1 =	sshra.s32 @!p1 s1, $0x2  }
0x10c: {  	s1 =	sadd.s32 @!p1 s1, s4  }
0x10d: {  	s2 =	simm.s32 @!p1 $0x3;
	s1 =	sadd.s32 @!p1 $0xFF3CB000, s1  }
0x10e: {  	[tilespmem:s31], [sflag:$0x3] =	stream.linear.gather @!p1 [spmem:s1], $0x80, $0x38;
	[tilespmem:$0x10720] =	vst v63  }
0x10f: {  	_ =	swait.ge @!p1 [sflag:s2], $0x80  }
0x110: {  	[sflag:s2] =	ssyncset.done @!p1 $0x0  }
0x111: {  	[sflag:s2] =	ssyncadd.s32 @!p1 $0xFFFFFF80  }
.LBB2_14:
0x112: {  	(v2sf) =	vpush v0, $0x3;
	_ =	sdelay $0xe  }
0x113: {  	s1 =	spop (v2sf)  }
0x114: {  	p1 =	slt.s32 s1, $0x186A0  }
.Ltmp10:
0x115: {  	_ = 	snop;
	(pc) =	sbr.rel @p1 .LBB2_18-.Ltmp10, $1  }
0x116: {  	_ =	sdelay $0x3  }
0x117: {  	s1 =	simm.s32 $0x0  }
0x118: {  	v16 =	vld [tilespmem:s1+$0x0];
	_ =	sdelay $0x4  }
0x119: {  	(v2sf) =	vpush v16, $0x3;
	_ =	sdelay $0xe  }
0x11a: {  	s1 =	spop (v2sf)  }
0x11b: {  	p2 =	slt.s32 s1, $0x186A0  }
0x11c: {  	s1 =	sshll.u32 @!p2 s1, $0x9  }
0x11d: {  	s1 =	sshra.s32 @!p2 s1, $0x2  }
0x11e: {  	s1 =	sadd.s32 @!p2 s1, s4  }
0x11f: {  	s2 =	simm.s32 $0x580;
	s9 =	simm.s32 @!p2 $0x3;
	s1 =	sadd.s32 @!p2 $0xFF3CB000, s1  }
0x120: {  	[tilespmem:s2], [sflag:$0x3] =	stream.linear.gather @!p2 [spmem:s1], $0x80, $0x38;
	[tilespmem:$0x10720] =	vst v63  }
0x121: {  	s31 =	simm.s32 $0xD80;
	_ =	swait.ge @!p2 [sflag:s9], $0x80  }
0x122: {  	s2 =	simm.s32 $0x40;
	s1 =	simm.s32 $0x80;
	[sflag:s9] =	ssyncset.done @!p2 $0x0  }
.LBB2_16:
0x123: {  	s11 =	sshra.s32 s2, $0x2  }
0x124: {  	[sflag:s9] =	ssyncadd.s32 @!p2 $0xFFFFFF80;
	s2 =	smov.u32 s1;
	s1 =	sadd.s32 $0x40, s1  }
0x125: {  	p1 =	sne.s32 s1, $0x400;
	v16 =	vld [tilespmem:s11+$0x0];
	_ =	sdelay $0x4  }
0x126: {  	(v2sf) =	vpush v16, $0x3;
	_ =	sdelay $0xe  }
0x127: {  	s9 =	spop (v2sf)  }
0x128: {  	p2 =	slt.s32 s9, $0x186A0  }
0x129: {  	s9 =	sshll.u32 @!p2 s9, $0x9  }
0x12a: {  	s9 =	sshra.s32 @!p2 s9, $0x2  }
.Ltmp11:
0x12b: {  	s9 =	sadd.s32 @!p2 s9, s4;
	(pc) =	sbr.rel @p1 .LBB2_16-.Ltmp11, $4  }
0x12c: {  	s11 =	sadd.s32 @!p2 $0xFF3CB000, s9;
	s9 =	simm.s32 @!p2 $0x3  }
0x12d: {  	[tilespmem:s31], [sflag:$0x3] =	stream.linear.gather @!p2 [spmem:s11], $0x80, $0x38;
	[tilespmem:$0x10720] =	vst v63  }
0x12e: {  	_ =	swait.ge @!p2 [sflag:s9], $0x80  }
0x12f: {  	s31 =	sadd.s32 $0x800, s31;
	[sflag:s9] =	ssyncset.done @!p2 $0x0  }
0x130: {  	s1 =	sshra.s32 s2, $0x2;
	[sflag:s9] =	ssyncadd.s32 @!p2 $0xFFFFFF80  }
0x131: {  	v16 =	vld [tilespmem:s1+$0x0];
	_ =	sdelay $0x4  }
0x132: {  	(v2sf) =	vpush v16, $0x3;
	_ =	sdelay $0xe  }
0x133: {  	s1 =	spop (v2sf)  }
0x134: {  	p1 =	slt.s32 s1, $0x186A0  }
0x135: {  	s1 =	sshll.u32 @!p1 s1, $0x9  }
0x136: {  	s1 =	sshra.s32 @!p1 s1, $0x2  }
0x137: {  	s1 =	sadd.s32 @!p1 s1, s4  }
0x138: {  	s2 =	simm.s32 @!p1 $0x3;
	s1 =	sadd.s32 @!p1 $0xFF3CB000, s1  }
0x139: {  	[tilespmem:s31], [sflag:$0x3] =	stream.linear.gather @!p1 [spmem:s1], $0x80, $0x38;
	[tilespmem:$0x10720] =	vst v63  }
0x13a: {  	_ =	swait.ge @!p1 [sflag:s2], $0x80  }
0x13b: {  	[sflag:s2] =	ssyncset.done @!p1 $0x0  }
0x13c: {  	[sflag:s2] =	ssyncadd.s32 @!p1 $0xFFFFFF80  }
.LBB2_18:
0x13d: {  	(v2sf) =	vpush v0, $0x4;
	_ =	sdelay $0xe  }
0x13e: {  	s1 =	spop (v2sf)  }
0x13f: {  	p1 =	slt.s32 s1, $0x186A0  }
.Ltmp12:
0x140: {  	_ = 	snop;
	(pc) =	sbr.rel @p1 .LBB2_22-.Ltmp12, $1  }
0x141: {  	_ =	sdelay $0x3  }
0x142: {  	s1 =	simm.s32 $0x0  }
0x143: {  	v16 =	vld [tilespmem:s1+$0x0];
	_ =	sdelay $0x4  }
0x144: {  	(v2sf) =	vpush v16, $0x4;
	_ =	sdelay $0xe  }
0x145: {  	s1 =	spop (v2sf)  }
0x146: {  	p2 =	slt.s32 s1, $0x186A0  }
0x147: {  	s1 =	sshll.u32 @!p2 s1, $0x9  }
0x148: {  	s1 =	sshra.s32 @!p2 s1, $0x2  }
0x149: {  	s1 =	sadd.s32 @!p2 s1, s4  }
0x14a: {  	s2 =	simm.s32 $0x600;
	s9 =	simm.s32 @!p2 $0x3;
	s1 =	sadd.s32 @!p2 $0xFF3CB000, s1  }
0x14b: {  	[tilespmem:s2], [sflag:$0x3] =	stream.linear.gather @!p2 [spmem:s1], $0x80, $0x38;
	[tilespmem:$0x10720] =	vst v63  }
0x14c: {  	s31 =	simm.s32 $0xE00;
	_ =	swait.ge @!p2 [sflag:s9], $0x80  }
0x14d: {  	s2 =	simm.s32 $0x40;
	s1 =	simm.s32 $0x80;
	[sflag:s9] =	ssyncset.done @!p2 $0x0  }
.LBB2_20:
0x14e: {  	s11 =	sshra.s32 s2, $0x2  }
0x14f: {  	[sflag:s9] =	ssyncadd.s32 @!p2 $0xFFFFFF80;
	s2 =	smov.u32 s1;
	s1 =	sadd.s32 $0x40, s1  }
0x150: {  	p1 =	sne.s32 s1, $0x400;
	v16 =	vld [tilespmem:s11+$0x0];
	_ =	sdelay $0x4  }
0x151: {  	(v2sf) =	vpush v16, $0x4;
	_ =	sdelay $0xe  }
0x152: {  	s9 =	spop (v2sf)  }
0x153: {  	p2 =	slt.s32 s9, $0x186A0  }
0x154: {  	s9 =	sshll.u32 @!p2 s9, $0x9  }
0x155: {  	s9 =	sshra.s32 @!p2 s9, $0x2  }
.Ltmp13:
0x156: {  	s9 =	sadd.s32 @!p2 s9, s4;
	(pc) =	sbr.rel @p1 .LBB2_20-.Ltmp13, $4  }
0x157: {  	s11 =	sadd.s32 @!p2 $0xFF3CB000, s9;
	s9 =	simm.s32 @!p2 $0x3  }
0x158: {  	[tilespmem:s31], [sflag:$0x3] =	stream.linear.gather @!p2 [spmem:s11], $0x80, $0x38;
	[tilespmem:$0x10720] =	vst v63  }
0x159: {  	_ =	swait.ge @!p2 [sflag:s9], $0x80  }
0x15a: {  	s31 =	sadd.s32 $0x800, s31;
	[sflag:s9] =	ssyncset.done @!p2 $0x0  }
0x15b: {  	s1 =	sshra.s32 s2, $0x2;
	[sflag:s9] =	ssyncadd.s32 @!p2 $0xFFFFFF80  }
0x15c: {  	v16 =	vld [tilespmem:s1+$0x0];
	_ =	sdelay $0x4  }
0x15d: {  	(v2sf) =	vpush v16, $0x4;
	_ =	sdelay $0xe  }
0x15e: {  	s1 =	spop (v2sf)  }
0x15f: {  	p1 =	slt.s32 s1, $0x186A0  }
0x160: {  	s1 =	sshll.u32 @!p1 s1, $0x9  }
0x161: {  	s1 =	sshra.s32 @!p1 s1, $0x2  }
0x162: {  	s1 =	sadd.s32 @!p1 s1, s4  }
0x163: {  	s2 =	simm.s32 @!p1 $0x3;
	s1 =	sadd.s32 @!p1 $0xFF3CB000, s1  }
0x164: {  	[tilespmem:s31], [sflag:$0x3] =	stream.linear.gather @!p1 [spmem:s1], $0x80, $0x38;
	[tilespmem:$0x10720] =	vst v63  }
0x165: {  	_ =	swait.ge @!p1 [sflag:s2], $0x80  }
0x166: {  	[sflag:s2] =	ssyncset.done @!p1 $0x0  }
0x167: {  	[sflag:s2] =	ssyncadd.s32 @!p1 $0xFFFFFF80  }
.LBB2_22:
0x168: {  	(v2sf) =	vpush v0, $0x5;
	_ =	sdelay $0xe  }
0x169: {  	s1 =	spop (v2sf)  }
0x16a: {  	p1 =	slt.s32 s1, $0x186A0  }
.Ltmp14:
0x16b: {  	_ = 	snop;
	(pc) =	sbr.rel @p1 .LBB2_26-.Ltmp14, $1  }
0x16c: {  	_ =	sdelay $0x3  }
0x16d: {  	s1 =	simm.s32 $0x0  }
0x16e: {  	v16 =	vld [tilespmem:s1+$0x0];
	_ =	sdelay $0x4  }
0x16f: {  	(v2sf) =	vpush v16, $0x5;
	_ =	sdelay $0xe  }
0x170: {  	s1 =	spop (v2sf)  }
0x171: {  	p2 =	slt.s32 s1, $0x186A0  }
0x172: {  	s1 =	sshll.u32 @!p2 s1, $0x9  }
0x173: {  	s1 =	sshra.s32 @!p2 s1, $0x2  }
0x174: {  	s1 =	sadd.s32 @!p2 s1, s4  }
0x175: {  	s2 =	simm.s32 $0x680;
	s9 =	simm.s32 @!p2 $0x3;
	s1 =	sadd.s32 @!p2 $0xFF3CB000, s1  }
0x176: {  	[tilespmem:s2], [sflag:$0x3] =	stream.linear.gather @!p2 [spmem:s1], $0x80, $0x38;
	[tilespmem:$0x10720] =	vst v63  }
0x177: {  	s31 =	simm.s32 $0xE80;
	_ =	swait.ge @!p2 [sflag:s9], $0x80  }
0x178: {  	s2 =	simm.s32 $0x40;
	s1 =	simm.s32 $0x80;
	[sflag:s9] =	ssyncset.done @!p2 $0x0  }
.LBB2_24:
0x179: {  	s11 =	sshra.s32 s2, $0x2  }
0x17a: {  	[sflag:s9] =	ssyncadd.s32 @!p2 $0xFFFFFF80;
	s2 =	smov.u32 s1;
	s1 =	sadd.s32 $0x40, s1  }
0x17b: {  	p1 =	sne.s32 s1, $0x400;
	v16 =	vld [tilespmem:s11+$0x0];
	_ =	sdelay $0x4  }
0x17c: {  	(v2sf) =	vpush v16, $0x5;
	_ =	sdelay $0xe  }
0x17d: {  	s9 =	spop (v2sf)  }
0x17e: {  	p2 =	slt.s32 s9, $0x186A0  }
0x17f: {  	s9 =	sshll.u32 @!p2 s9, $0x9  }
0x180: {  	s9 =	sshra.s32 @!p2 s9, $0x2  }
.Ltmp15:
0x181: {  	s9 =	sadd.s32 @!p2 s9, s4;
	(pc) =	sbr.rel @p1 .LBB2_24-.Ltmp15, $4  }
0x182: {  	s11 =	sadd.s32 @!p2 $0xFF3CB000, s9;
	s9 =	simm.s32 @!p2 $0x3  }
0x183: {  	[tilespmem:s31], [sflag:$0x3] =	stream.linear.gather @!p2 [spmem:s11], $0x80, $0x38;
	[tilespmem:$0x10720] =	vst v63  }
0x184: {  	_ =	swait.ge @!p2 [sflag:s9], $0x80  }
0x185: {  	s31 =	sadd.s32 $0x800, s31;
	[sflag:s9] =	ssyncset.done @!p2 $0x0  }
0x186: {  	s1 =	sshra.s32 s2, $0x2;
	[sflag:s9] =	ssyncadd.s32 @!p2 $0xFFFFFF80  }
0x187: {  	v16 =	vld [tilespmem:s1+$0x0];
	_ =	sdelay $0x4  }
0x188: {  	(v2sf) =	vpush v16, $0x5;
	_ =	sdelay $0xe  }
0x189: {  	s1 =	spop (v2sf)  }
0x18a: {  	p1 =	slt.s32 s1, $0x186A0  }
0x18b: {  	s1 =	sshll.u32 @!p1 s1, $0x9  }
0x18c: {  	s1 =	sshra.s32 @!p1 s1, $0x2  }
0x18d: {  	s1 =	sadd.s32 @!p1 s1, s4  }
0x18e: {  	s2 =	simm.s32 @!p1 $0x3;
	s1 =	sadd.s32 @!p1 $0xFF3CB000, s1  }
0x18f: {  	[tilespmem:s31], [sflag:$0x3] =	stream.linear.gather @!p1 [spmem:s1], $0x80, $0x38;
	[tilespmem:$0x10720] =	vst v63  }
0x190: {  	_ =	swait.ge @!p1 [sflag:s2], $0x80  }
0x191: {  	[sflag:s2] =	ssyncset.done @!p1 $0x0  }
0x192: {  	[sflag:s2] =	ssyncadd.s32 @!p1 $0xFFFFFF80  }
.LBB2_26:
0x193: {  	(v2sf) =	vpush v0, $0x6;
	_ =	sdelay $0xe  }
0x194: {  	s1 =	spop (v2sf)  }
0x195: {  	p1 =	slt.s32 s1, $0x186A0  }
.Ltmp16:
0x196: {  	_ = 	snop;
	(pc) =	sbr.rel @p1 .LBB2_30-.Ltmp16, $1  }
0x197: {  	_ =	sdelay $0x3  }
0x198: {  	s1 =	simm.s32 $0x0  }
0x199: {  	v16 =	vld [tilespmem:s1+$0x0];
	_ =	sdelay $0x4  }
0x19a: {  	(v2sf) =	vpush v16, $0x6;
	_ =	sdelay $0xe  }
0x19b: {  	s1 =	spop (v2sf)  }
0x19c: {  	p2 =	slt.s32 s1, $0x186A0  }
0x19d: {  	s1 =	sshll.u32 @!p2 s1, $0x9  }
0x19e: {  	s1 =	sshra.s32 @!p2 s1, $0x2  }
0x19f: {  	s1 =	sadd.s32 @!p2 s1, s4  }
0x1a0: {  	s2 =	simm.s32 $0x700;
	s9 =	simm.s32 @!p2 $0x3;
	s1 =	sadd.s32 @!p2 $0xFF3CB000, s1  }
0x1a1: {  	[tilespmem:s2], [sflag:$0x3] =	stream.linear.gather @!p2 [spmem:s1], $0x80, $0x38;
	[tilespmem:$0x10720] =	vst v63  }
0x1a2: {  	s31 =	simm.s32 $0xF00;
	_ =	swait.ge @!p2 [sflag:s9], $0x80  }
0x1a3: {  	s2 =	simm.s32 $0x40;
	s1 =	simm.s32 $0x80;
	[sflag:s9] =	ssyncset.done @!p2 $0x0  }
.LBB2_28:
0x1a4: {  	s11 =	sshra.s32 s2, $0x2  }
0x1a5: {  	[sflag:s9] =	ssyncadd.s32 @!p2 $0xFFFFFF80;
	s2 =	smov.u32 s1;
	s1 =	sadd.s32 $0x40, s1  }
0x1a6: {  	p1 =	sne.s32 s1, $0x400;
	v16 =	vld [tilespmem:s11+$0x0];
	_ =	sdelay $0x4  }
0x1a7: {  	(v2sf) =	vpush v16, $0x6;
	_ =	sdelay $0xe  }
0x1a8: {  	s9 =	spop (v2sf)  }
0x1a9: {  	p2 =	slt.s32 s9, $0x186A0  }
0x1aa: {  	s9 =	sshll.u32 @!p2 s9, $0x9  }
0x1ab: {  	s9 =	sshra.s32 @!p2 s9, $0x2  }
.Ltmp17:
0x1ac: {  	s9 =	sadd.s32 @!p2 s9, s4;
	(pc) =	sbr.rel @p1 .LBB2_28-.Ltmp17, $4  }
0x1ad: {  	s11 =	sadd.s32 @!p2 $0xFF3CB000, s9;
	s9 =	simm.s32 @!p2 $0x3  }
0x1ae: {  	[tilespmem:s31], [sflag:$0x3] =	stream.linear.gather @!p2 [spmem:s11], $0x80, $0x38;
	[tilespmem:$0x10720] =	vst v63  }
0x1af: {  	_ =	swait.ge @!p2 [sflag:s9], $0x80  }
0x1b0: {  	s31 =	sadd.s32 $0x800, s31;
	[sflag:s9] =	ssyncset.done @!p2 $0x0  }
0x1b1: {  	s1 =	sshra.s32 s2, $0x2;
	[sflag:s9] =	ssyncadd.s32 @!p2 $0xFFFFFF80  }
0x1b2: {  	v16 =	vld [tilespmem:s1+$0x0];
	_ =	sdelay $0x4  }
0x1b3: {  	(v2sf) =	vpush v16, $0x6;
	_ =	sdelay $0xe  }
0x1b4: {  	s1 =	spop (v2sf)  }
0x1b5: {  	p1 =	slt.s32 s1, $0x186A0  }
0x1b6: {  	s1 =	sshll.u32 @!p1 s1, $0x9  }
0x1b7: {  	s1 =	sshra.s32 @!p1 s1, $0x2  }
0x1b8: {  	s1 =	sadd.s32 @!p1 s1, s4  }
0x1b9: {  	s2 =	simm.s32 @!p1 $0x3;
	s1 =	sadd.s32 @!p1 $0xFF3CB000, s1  }
0x1ba: {  	[tilespmem:s31], [sflag:$0x3] =	stream.linear.gather @!p1 [spmem:s1], $0x80, $0x38;
	[tilespmem:$0x10720] =	vst v63  }
0x1bb: {  	_ =	swait.ge @!p1 [sflag:s2], $0x80  }
0x1bc: {  	[sflag:s2] =	ssyncset.done @!p1 $0x0  }
0x1bd: {  	[sflag:s2] =	ssyncadd.s32 @!p1 $0xFFFFFF80  }
.LBB2_30:
0x1be: {  	(v2sf) =	vpush v0, $0x7;
	_ =	sdelay $0xe  }
0x1bf: {  	s1 =	spop (v2sf)  }
0x1c0: {  	p1 =	slt.s32 s1, $0x186A0  }
.Ltmp18:
0x1c1: {  	_ = 	snop;
	(pc) =	sbr.rel @p1 .LBB2_34-.Ltmp18, $1  }
0x1c2: {  	_ =	sdelay $0x3  }
0x1c3: {  	s1 =	simm.s32 $0x0  }
0x1c4: {  	v16 =	vld [tilespmem:s1+$0x0];
	_ =	sdelay $0x4  }
0x1c5: {  	(v2sf) =	vpush v16, $0x7;
	_ =	sdelay $0xe  }
0x1c6: {  	s1 =	spop (v2sf)  }
0x1c7: {  	p2 =	slt.s32 s1, $0x186A0  }
0x1c8: {  	s1 =	sshll.u32 @!p2 s1, $0x9  }
0x1c9: {  	s1 =	sshra.s32 @!p2 s1, $0x2  }
0x1ca: {  	s1 =	sadd.s32 @!p2 s1, s4  }
0x1cb: {  	s2 =	simm.s32 $0x780;
	s9 =	simm.s32 @!p2 $0x3;
	s1 =	sadd.s32 @!p2 $0xFF3CB000, s1  }
0x1cc: {  	[tilespmem:s2], [sflag:$0x3] =	stream.linear.gather @!p2 [spmem:s1], $0x80, $0x38;
	[tilespmem:$0x10720] =	vst v63  }
0x1cd: {  	s31 =	simm.s32 $0xF80;
	_ =	swait.ge @!p2 [sflag:s9], $0x80  }
0x1ce: {  	s2 =	simm.s32 $0x40;
	s1 =	simm.s32 $0x80;
	[sflag:s9] =	ssyncset.done @!p2 $0x0  }
.LBB2_32:
0x1cf: {  	s11 =	sshra.s32 s2, $0x2  }
0x1d0: {  	[sflag:s9] =	ssyncadd.s32 @!p2 $0xFFFFFF80;
	s2 =	smov.u32 s1;
	s1 =	sadd.s32 $0x40, s1  }
0x1d1: {  	p1 =	sne.s32 s1, $0x400;
	v16 =	vld [tilespmem:s11+$0x0];
	_ =	sdelay $0x4  }
0x1d2: {  	(v2sf) =	vpush v16, $0x7;
	_ =	sdelay $0xe  }
0x1d3: {  	s9 =	spop (v2sf)  }
0x1d4: {  	p2 =	slt.s32 s9, $0x186A0  }
0x1d5: {  	s9 =	sshll.u32 @!p2 s9, $0x9  }
0x1d6: {  	s9 =	sshra.s32 @!p2 s9, $0x2  }
.Ltmp19:
0x1d7: {  	s9 =	sadd.s32 @!p2 s9, s4;
	(pc) =	sbr.rel @p1 .LBB2_32-.Ltmp19, $4  }
0x1d8: {  	s11 =	sadd.s32 @!p2 $0xFF3CB000, s9;
	s9 =	simm.s32 @!p2 $0x3  }
0x1d9: {  	[tilespmem:s31], [sflag:$0x3] =	stream.linear.gather @!p2 [spmem:s11], $0x80, $0x38;
	[tilespmem:$0x10720] =	vst v63  }
0x1da: {  	_ =	swait.ge @!p2 [sflag:s9], $0x80  }
0x1db: {  	s31 =	sadd.s32 $0x800, s31;
	[sflag:s9] =	ssyncset.done @!p2 $0x0  }
0x1dc: {  	s1 =	sshra.s32 s2, $0x2;
	[sflag:s9] =	ssyncadd.s32 @!p2 $0xFFFFFF80  }
0x1dd: {  	v16 =	vld [tilespmem:s1+$0x0];
	_ =	sdelay $0x4  }
0x1de: {  	(v2sf) =	vpush v16, $0x7;
	_ =	sdelay $0xe  }
0x1df: {  	s1 =	spop (v2sf)  }
0x1e0: {  	p1 =	slt.s32 s1, $0x186A0  }
0x1e1: {  	s1 =	sshll.u32 @!p1 s1, $0x9  }
0x1e2: {  	s1 =	sshra.s32 @!p1 s1, $0x2  }
0x1e3: {  	s1 =	sadd.s32 @!p1 s1, s4  }
0x1e4: {  	s2 =	simm.s32 @!p1 $0x3;
	s1 =	sadd.s32 @!p1 $0xFF3CB000, s1  }
0x1e5: {  	[tilespmem:s31], [sflag:$0x3] =	stream.linear.gather @!p1 [spmem:s1], $0x80, $0x38;
	[tilespmem:$0x10720] =	vst v63  }
0x1e6: {  	_ =	swait.ge @!p1 [sflag:s2], $0x80  }
0x1e7: {  	[sflag:s2] =	ssyncset.done @!p1 $0x0  }
0x1e8: {  	[sflag:s2] =	ssyncadd.s32 @!p1 $0xFFFFFF80  }
.LBB2_34:
0x1e9: {  	(v2sf) =	vpush v0, $0x8;
	_ =	sdelay $0xe  }
0x1ea: {  	s1 =	spop (v2sf)  }
0x1eb: {  	p1 =	slt.s32 s1, $0x186A0  }
.Ltmp20:
0x1ec: {  	_ = 	snop;
	(pc) =	sbr.rel @p1 .LBB2_38-.Ltmp20, $1  }
0x1ed: {  	_ =	sdelay $0x3  }
0x1ee: {  	s1 =	simm.s32 $0x0  }
0x1ef: {  	v16 =	vld [tilespmem:s1+$0x0];
	_ =	sdelay $0x4  }
0x1f0: {  	(v2sf) =	vpush v16, $0x8;
	_ =	sdelay $0xe  }
0x1f1: {  	s1 =	spop (v2sf)  }
0x1f2: {  	p2 =	slt.s32 s1, $0x186A0  }
0x1f3: {  	s1 =	sshll.u32 @!p2 s1, $0x9  }
0x1f4: {  	s1 =	sshra.s32 @!p2 s1, $0x2  }
0x1f5: {  	s1 =	sadd.s32 @!p2 s1, s4  }
0x1f6: {  	s2 =	simm.s32 $0x800;
	s9 =	simm.s32 @!p2 $0x3;
	s1 =	sadd.s32 @!p2 $0xFF3CB000, s1  }
0x1f7: {  	[tilespmem:s2], [sflag:$0x3] =	stream.linear.gather @!p2 [spmem:s1], $0x80, $0x38;
	[tilespmem:$0x10720] =	vst v63  }
0x1f8: {  	s31 =	simm.s32 $0x1000;
	_ =	swait.ge @!p2 [sflag:s9], $0x80  }
0x1f9: {  	s2 =	simm.s32 $0x40;
	s1 =	simm.s32 $0x80;
	[sflag:s9] =	ssyncset.done @!p2 $0x0  }
.LBB2_36:
0x1fa: {  	s11 =	sshra.s32 s2, $0x2  }
0x1fb: {  	[sflag:s9] =	ssyncadd.s32 @!p2 $0xFFFFFF80;
	s2 =	smov.u32 s1;
	s1 =	sadd.s32 $0x40, s1  }
0x1fc: {  	p1 =	sne.s32 s1, $0x400;
	v16 =	vld [tilespmem:s11+$0x0];
	_ =	sdelay $0x4  }
0x1fd: {  	(v2sf) =	vpush v16, $0x8;
	_ =	sdelay $0xe  }
0x1fe: {  	s9 =	spop (v2sf)  }
0x1ff: {  	p2 =	slt.s32 s9, $0x186A0  }
0x200: {  	s9 =	sshll.u32 @!p2 s9, $0x9  }
0x201: {  	s9 =	sshra.s32 @!p2 s9, $0x2  }
.Ltmp21:
0x202: {  	s9 =	sadd.s32 @!p2 s9, s4;
	(pc) =	sbr.rel @p1 .LBB2_36-.Ltmp21, $4  }
0x203: {  	s11 =	sadd.s32 @!p2 $0xFF3CB000, s9;
	s9 =	simm.s32 @!p2 $0x3  }
0x204: {  	[tilespmem:s31], [sflag:$0x3] =	stream.linear.gather @!p2 [spmem:s11], $0x80, $0x38;
	[tilespmem:$0x10720] =	vst v63  }
0x205: {  	_ =	swait.ge @!p2 [sflag:s9], $0x80  }
0x206: {  	s31 =	sadd.s32 $0x800, s31;
	[sflag:s9] =	ssyncset.done @!p2 $0x0  }
0x207: {  	s1 =	sshra.s32 s2, $0x2;
	[sflag:s9] =	ssyncadd.s32 @!p2 $0xFFFFFF80  }
0x208: {  	v16 =	vld [tilespmem:s1+$0x0];
	_ =	sdelay $0x4  }
0x209: {  	(v2sf) =	vpush v16, $0x8;
	_ =	sdelay $0xe  }
0x20a: {  	s1 =	spop (v2sf)  }
0x20b: {  	p1 =	slt.s32 s1, $0x186A0  }
0x20c: {  	s1 =	sshll.u32 @!p1 s1, $0x9  }
0x20d: {  	s1 =	sshra.s32 @!p1 s1, $0x2  }
0x20e: {  	s1 =	sadd.s32 @!p1 s1, s4  }
0x20f: {  	s2 =	simm.s32 @!p1 $0x3;
	s1 =	sadd.s32 @!p1 $0xFF3CB000, s1  }
0x210: {  	[tilespmem:s31], [sflag:$0x3] =	stream.linear.gather @!p1 [spmem:s1], $0x80, $0x38;
	[tilespmem:$0x10720] =	vst v63  }
0x211: {  	_ =	swait.ge @!p1 [sflag:s2], $0x80  }
0x212: {  	[sflag:s2] =	ssyncset.done @!p1 $0x0  }
0x213: {  	[sflag:s2] =	ssyncadd.s32 @!p1 $0xFFFFFF80  }
.LBB2_38:
0x214: {  	(v2sf) =	vpush v0, $0x9;
	_ =	sdelay $0xe  }
0x215: {  	s1 =	spop (v2sf)  }
0x216: {  	p1 =	slt.s32 s1, $0x186A0  }
.Ltmp22:
0x217: {  	_ = 	snop;
	(pc) =	sbr.rel @p1 .LBB2_42-.Ltmp22, $1  }
0x218: {  	_ =	sdelay $0x3  }
0x219: {  	s1 =	simm.s32 $0x0  }
0x21a: {  	v16 =	vld [tilespmem:s1+$0x0];
	_ =	sdelay $0x4  }
0x21b: {  	(v2sf) =	vpush v16, $0x9;
	_ =	sdelay $0xe  }
0x21c: {  	s1 =	spop (v2sf)  }
0x21d: {  	p2 =	slt.s32 s1, $0x186A0  }
0x21e: {  	s1 =	sshll.u32 @!p2 s1, $0x9  }
0x21f: {  	s1 =	sshra.s32 @!p2 s1, $0x2  }
0x220: {  	s1 =	sadd.s32 @!p2 s1, s4  }
0x221: {  	s2 =	simm.s32 $0x880;
	s9 =	simm.s32 @!p2 $0x3;
	s1 =	sadd.s32 @!p2 $0xFF3CB000, s1  }
0x222: {  	[tilespmem:s2], [sflag:$0x3] =	stream.linear.gather @!p2 [spmem:s1], $0x80, $0x38;
	[tilespmem:$0x10720] =	vst v63  }
0x223: {  	s31 =	simm.s32 $0x1080;
	_ =	swait.ge @!p2 [sflag:s9], $0x80  }
0x224: {  	s2 =	simm.s32 $0x40;
	s1 =	simm.s32 $0x80;
	[sflag:s9] =	ssyncset.done @!p2 $0x0  }
.LBB2_40:
0x225: {  	s11 =	sshra.s32 s2, $0x2  }
0x226: {  	[sflag:s9] =	ssyncadd.s32 @!p2 $0xFFFFFF80;
	s2 =	smov.u32 s1;
	s1 =	sadd.s32 $0x40, s1  }
0x227: {  	p1 =	sne.s32 s1, $0x400;
	v16 =	vld [tilespmem:s11+$0x0];
	_ =	sdelay $0x4  }
0x228: {  	(v2sf) =	vpush v16, $0x9;
	_ =	sdelay $0xe  }
0x229: {  	s9 =	spop (v2sf)  }
0x22a: {  	p2 =	slt.s32 s9, $0x186A0  }
0x22b: {  	s9 =	sshll.u32 @!p2 s9, $0x9  }
0x22c: {  	s9 =	sshra.s32 @!p2 s9, $0x2  }
.Ltmp23:
0x22d: {  	s9 =	sadd.s32 @!p2 s9, s4;
	(pc) =	sbr.rel @p1 .LBB2_40-.Ltmp23, $4  }
0x22e: {  	s11 =	sadd.s32 @!p2 $0xFF3CB000, s9;
	s9 =	simm.s32 @!p2 $0x3  }
0x22f: {  	[tilespmem:s31], [sflag:$0x3] =	stream.linear.gather @!p2 [spmem:s11], $0x80, $0x38;
	[tilespmem:$0x10720] =	vst v63  }
0x230: {  	_ =	swait.ge @!p2 [sflag:s9], $0x80  }
0x231: {  	s31 =	sadd.s32 $0x800, s31;
	[sflag:s9] =	ssyncset.done @!p2 $0x0  }
0x232: {  	s1 =	sshra.s32 s2, $0x2;
	[sflag:s9] =	ssyncadd.s32 @!p2 $0xFFFFFF80  }
0x233: {  	v16 =	vld [tilespmem:s1+$0x0];
	_ =	sdelay $0x4  }
0x234: {  	(v2sf) =	vpush v16, $0x9;
	_ =	sdelay $0xe  }
0x235: {  	s1 =	spop (v2sf)  }
0x236: {  	p1 =	slt.s32 s1, $0x186A0  }
0x237: {  	s1 =	sshll.u32 @!p1 s1, $0x9  }
0x238: {  	s1 =	sshra.s32 @!p1 s1, $0x2  }
0x239: {  	s1 =	sadd.s32 @!p1 s1, s4  }
0x23a: {  	s2 =	simm.s32 @!p1 $0x3;
	s1 =	sadd.s32 @!p1 $0xFF3CB000, s1  }
0x23b: {  	[tilespmem:s31], [sflag:$0x3] =	stream.linear.gather @!p1 [spmem:s1], $0x80, $0x38;
	[tilespmem:$0x10720] =	vst v63  }
0x23c: {  	_ =	swait.ge @!p1 [sflag:s2], $0x80  }
0x23d: {  	[sflag:s2] =	ssyncset.done @!p1 $0x0  }
0x23e: {  	[sflag:s2] =	ssyncadd.s32 @!p1 $0xFFFFFF80  }
.LBB2_42:
0x23f: {  	(v2sf) =	vpush v0, $0xA;
	_ =	sdelay $0xe  }
0x240: {  	s1 =	spop (v2sf)  }
0x241: {  	p1 =	slt.s32 s1, $0x186A0  }
.Ltmp24:
0x242: {  	_ = 	snop;
	(pc) =	sbr.rel @p1 .LBB2_46-.Ltmp24, $1  }
0x243: {  	_ =	sdelay $0x3  }
0x244: {  	s1 =	simm.s32 $0x0  }
0x245: {  	v16 =	vld [tilespmem:s1+$0x0];
	_ =	sdelay $0x4  }
0x246: {  	(v2sf) =	vpush v16, $0xA;
	_ =	sdelay $0xe  }
0x247: {  	s1 =	spop (v2sf)  }
0x248: {  	p2 =	slt.s32 s1, $0x186A0  }
0x249: {  	s1 =	sshll.u32 @!p2 s1, $0x9  }
0x24a: {  	s1 =	sshra.s32 @!p2 s1, $0x2  }
0x24b: {  	s1 =	sadd.s32 @!p2 s1, s4  }
0x24c: {  	s2 =	simm.s32 $0x900;
	s9 =	simm.s32 @!p2 $0x3;
	s1 =	sadd.s32 @!p2 $0xFF3CB000, s1  }
0x24d: {  	[tilespmem:s2], [sflag:$0x3] =	stream.linear.gather @!p2 [spmem:s1], $0x80, $0x38;
	[tilespmem:$0x10720] =	vst v63  }
0x24e: {  	s31 =	simm.s32 $0x1100;
	_ =	swait.ge @!p2 [sflag:s9], $0x80  }
0x24f: {  	s2 =	simm.s32 $0x40;
	s1 =	simm.s32 $0x80;
	[sflag:s9] =	ssyncset.done @!p2 $0x0  }
.LBB2_44:
0x250: {  	s11 =	sshra.s32 s2, $0x2  }
0x251: {  	[sflag:s9] =	ssyncadd.s32 @!p2 $0xFFFFFF80;
	s2 =	smov.u32 s1;
	s1 =	sadd.s32 $0x40, s1  }
0x252: {  	p1 =	sne.s32 s1, $0x400;
	v16 =	vld [tilespmem:s11+$0x0];
	_ =	sdelay $0x4  }
0x253: {  	(v2sf) =	vpush v16, $0xA;
	_ =	sdelay $0xe  }
0x254: {  	s9 =	spop (v2sf)  }
0x255: {  	p2 =	slt.s32 s9, $0x186A0  }
0x256: {  	s9 =	sshll.u32 @!p2 s9, $0x9  }
0x257: {  	s9 =	sshra.s32 @!p2 s9, $0x2  }
.Ltmp25:
0x258: {  	s9 =	sadd.s32 @!p2 s9, s4;
	(pc) =	sbr.rel @p1 .LBB2_44-.Ltmp25, $4  }
0x259: {  	s11 =	sadd.s32 @!p2 $0xFF3CB000, s9;
	s9 =	simm.s32 @!p2 $0x3  }
0x25a: {  	[tilespmem:s31], [sflag:$0x3] =	stream.linear.gather @!p2 [spmem:s11], $0x80, $0x38;
	[tilespmem:$0x10720] =	vst v63  }
0x25b: {  	_ =	swait.ge @!p2 [sflag:s9], $0x80  }
0x25c: {  	s31 =	sadd.s32 $0x800, s31;
	[sflag:s9] =	ssyncset.done @!p2 $0x0  }
0x25d: {  	s1 =	sshra.s32 s2, $0x2;
	[sflag:s9] =	ssyncadd.s32 @!p2 $0xFFFFFF80  }
0x25e: {  	v16 =	vld [tilespmem:s1+$0x0];
	_ =	sdelay $0x4  }
0x25f: {  	(v2sf) =	vpush v16, $0xA;
	_ =	sdelay $0xe  }
0x260: {  	s1 =	spop (v2sf)  }
0x261: {  	p1 =	slt.s32 s1, $0x186A0  }
0x262: {  	s1 =	sshll.u32 @!p1 s1, $0x9  }
0x263: {  	s1 =	sshra.s32 @!p1 s1, $0x2  }
0x264: {  	s1 =	sadd.s32 @!p1 s1, s4  }
0x265: {  	s2 =	simm.s32 @!p1 $0x3;
	s1 =	sadd.s32 @!p1 $0xFF3CB000, s1  }
0x266: {  	[tilespmem:s31], [sflag:$0x3] =	stream.linear.gather @!p1 [spmem:s1], $0x80, $0x38;
	[tilespmem:$0x10720] =	vst v63  }
0x267: {  	_ =	swait.ge @!p1 [sflag:s2], $0x80  }
0x268: {  	[sflag:s2] =	ssyncset.done @!p1 $0x0  }
0x269: {  	[sflag:s2] =	ssyncadd.s32 @!p1 $0xFFFFFF80  }
.LBB2_46:
0x26a: {  	(v2sf) =	vpush v0, $0xB;
	_ =	sdelay $0xe  }
0x26b: {  	s1 =	spop (v2sf)  }
0x26c: {  	p1 =	slt.s32 s1, $0x186A0  }
.Ltmp26:
0x26d: {  	_ = 	snop;
	(pc) =	sbr.rel @p1 .LBB2_50-.Ltmp26, $1  }
0x26e: {  	_ =	sdelay $0x3  }
0x26f: {  	s1 =	simm.s32 $0x0  }
0x270: {  	v16 =	vld [tilespmem:s1+$0x0];
	_ =	sdelay $0x4  }
0x271: {  	(v2sf) =	vpush v16, $0xB;
	_ =	sdelay $0xe  }
0x272: {  	s1 =	spop (v2sf)  }
0x273: {  	p2 =	slt.s32 s1, $0x186A0  }
0x274: {  	s1 =	sshll.u32 @!p2 s1, $0x9  }
0x275: {  	s1 =	sshra.s32 @!p2 s1, $0x2  }
0x276: {  	s1 =	sadd.s32 @!p2 s1, s4  }
0x277: {  	s2 =	simm.s32 $0x980;
	s9 =	simm.s32 @!p2 $0x3;
	s1 =	sadd.s32 @!p2 $0xFF3CB000, s1  }
0x278: {  	[tilespmem:s2], [sflag:$0x3] =	stream.linear.gather @!p2 [spmem:s1], $0x80, $0x38;
	[tilespmem:$0x10720] =	vst v63  }
0x279: {  	s31 =	simm.s32 $0x1180;
	_ =	swait.ge @!p2 [sflag:s9], $0x80  }
0x27a: {  	s2 =	simm.s32 $0x40;
	s1 =	simm.s32 $0x80;
	[sflag:s9] =	ssyncset.done @!p2 $0x0  }
.LBB2_48:
0x27b: {  	s11 =	sshra.s32 s2, $0x2  }
0x27c: {  	[sflag:s9] =	ssyncadd.s32 @!p2 $0xFFFFFF80;
	s2 =	smov.u32 s1;
	s1 =	sadd.s32 $0x40, s1  }
0x27d: {  	p1 =	sne.s32 s1, $0x400;
	v16 =	vld [tilespmem:s11+$0x0];
	_ =	sdelay $0x4  }
0x27e: {  	(v2sf) =	vpush v16, $0xB;
	_ =	sdelay $0xe  }
0x27f: {  	s9 =	spop (v2sf)  }
0x280: {  	p2 =	slt.s32 s9, $0x186A0  }
0x281: {  	s9 =	sshll.u32 @!p2 s9, $0x9  }
0x282: {  	s9 =	sshra.s32 @!p2 s9, $0x2  }
.Ltmp27:
0x283: {  	s9 =	sadd.s32 @!p2 s9, s4;
	(pc) =	sbr.rel @p1 .LBB2_48-.Ltmp27, $4  }
0x284: {  	s11 =	sadd.s32 @!p2 $0xFF3CB000, s9;
	s9 =	simm.s32 @!p2 $0x3  }
0x285: {  	[tilespmem:s31], [sflag:$0x3] =	stream.linear.gather @!p2 [spmem:s11], $0x80, $0x38;
	[tilespmem:$0x10720] =	vst v63  }
0x286: {  	_ =	swait.ge @!p2 [sflag:s9], $0x80  }
0x287: {  	s31 =	sadd.s32 $0x800, s31;
	[sflag:s9] =	ssyncset.done @!p2 $0x0  }
0x288: {  	s1 =	sshra.s32 s2, $0x2;
	[sflag:s9] =	ssyncadd.s32 @!p2 $0xFFFFFF80  }
0x289: {  	v16 =	vld [tilespmem:s1+$0x0];
	_ =	sdelay $0x4  }
0x28a: {  	(v2sf) =	vpush v16, $0xB;
	_ =	sdelay $0xe  }
0x28b: {  	s1 =	spop (v2sf)  }
0x28c: {  	p1 =	slt.s32 s1, $0x186A0  }
0x28d: {  	s1 =	sshll.u32 @!p1 s1, $0x9  }
0x28e: {  	s1 =	sshra.s32 @!p1 s1, $0x2  }
0x28f: {  	s1 =	sadd.s32 @!p1 s1, s4  }
0x290: {  	s2 =	simm.s32 @!p1 $0x3;
	s1 =	sadd.s32 @!p1 $0xFF3CB000, s1  }
0x291: {  	[tilespmem:s31], [sflag:$0x3] =	stream.linear.gather @!p1 [spmem:s1], $0x80, $0x38;
	[tilespmem:$0x10720] =	vst v63  }
0x292: {  	_ =	swait.ge @!p1 [sflag:s2], $0x80  }
0x293: {  	[sflag:s2] =	ssyncset.done @!p1 $0x0  }
0x294: {  	[sflag:s2] =	ssyncadd.s32 @!p1 $0xFFFFFF80  }
.LBB2_50:
0x295: {  	(v2sf) =	vpush v0, $0xC;
	_ =	sdelay $0xe  }
0x296: {  	s1 =	spop (v2sf)  }
0x297: {  	p1 =	slt.s32 s1, $0x186A0  }
.Ltmp28:
0x298: {  	_ = 	snop;
	(pc) =	sbr.rel @p1 .LBB2_54-.Ltmp28, $1  }
0x299: {  	_ =	sdelay $0x3  }
0x29a: {  	s1 =	simm.s32 $0x0  }
0x29b: {  	v16 =	vld [tilespmem:s1+$0x0];
	_ =	sdelay $0x4  }
0x29c: {  	(v2sf) =	vpush v16, $0xC;
	_ =	sdelay $0xe  }
0x29d: {  	s1 =	spop (v2sf)  }
0x29e: {  	p2 =	slt.s32 s1, $0x186A0  }
0x29f: {  	s1 =	sshll.u32 @!p2 s1, $0x9  }
0x2a0: {  	s1 =	sshra.s32 @!p2 s1, $0x2  }
0x2a1: {  	s1 =	sadd.s32 @!p2 s1, s4  }
0x2a2: {  	s2 =	simm.s32 $0xA00;
	s9 =	simm.s32 @!p2 $0x3;
	s1 =	sadd.s32 @!p2 $0xFF3CB000, s1  }
0x2a3: {  	[tilespmem:s2], [sflag:$0x3] =	stream.linear.gather @!p2 [spmem:s1], $0x80, $0x38;
	[tilespmem:$0x10720] =	vst v63  }
0x2a4: {  	s31 =	simm.s32 $0x1200;
	_ =	swait.ge @!p2 [sflag:s9], $0x80  }
0x2a5: {  	s2 =	simm.s32 $0x40;
	s1 =	simm.s32 $0x80;
	[sflag:s9] =	ssyncset.done @!p2 $0x0  }
.LBB2_52:
0x2a6: {  	s11 =	sshra.s32 s2, $0x2  }
0x2a7: {  	[sflag:s9] =	ssyncadd.s32 @!p2 $0xFFFFFF80;
	s2 =	smov.u32 s1;
	s1 =	sadd.s32 $0x40, s1  }
0x2a8: {  	p1 =	sne.s32 s1, $0x400;
	v16 =	vld [tilespmem:s11+$0x0];
	_ =	sdelay $0x4  }
0x2a9: {  	(v2sf) =	vpush v16, $0xC;
	_ =	sdelay $0xe  }
0x2aa: {  	s9 =	spop (v2sf)  }
0x2ab: {  	p2 =	slt.s32 s9, $0x186A0  }
0x2ac: {  	s9 =	sshll.u32 @!p2 s9, $0x9  }
0x2ad: {  	s9 =	sshra.s32 @!p2 s9, $0x2  }
.Ltmp29:
0x2ae: {  	s9 =	sadd.s32 @!p2 s9, s4;
	(pc) =	sbr.rel @p1 .LBB2_52-.Ltmp29, $4  }
0x2af: {  	s11 =	sadd.s32 @!p2 $0xFF3CB000, s9;
	s9 =	simm.s32 @!p2 $0x3  }
0x2b0: {  	[tilespmem:s31], [sflag:$0x3] =	stream.linear.gather @!p2 [spmem:s11], $0x80, $0x38;
	[tilespmem:$0x10720] =	vst v63  }
0x2b1: {  	_ =	swait.ge @!p2 [sflag:s9], $0x80  }
0x2b2: {  	s31 =	sadd.s32 $0x800, s31;
	[sflag:s9] =	ssyncset.done @!p2 $0x0  }
0x2b3: {  	s1 =	sshra.s32 s2, $0x2;
	[sflag:s9] =	ssyncadd.s32 @!p2 $0xFFFFFF80  }
0x2b4: {  	v16 =	vld [tilespmem:s1+$0x0];
	_ =	sdelay $0x4  }
0x2b5: {  	(v2sf) =	vpush v16, $0xC;
	_ =	sdelay $0xe  }
0x2b6: {  	s1 =	spop (v2sf)  }
0x2b7: {  	p1 =	slt.s32 s1, $0x186A0  }
0x2b8: {  	s1 =	sshll.u32 @!p1 s1, $0x9  }
0x2b9: {  	s1 =	sshra.s32 @!p1 s1, $0x2  }
0x2ba: {  	s1 =	sadd.s32 @!p1 s1, s4  }
0x2bb: {  	s2 =	simm.s32 @!p1 $0x3;
	s1 =	sadd.s32 @!p1 $0xFF3CB000, s1  }
0x2bc: {  	[tilespmem:s31], [sflag:$0x3] =	stream.linear.gather @!p1 [spmem:s1], $0x80, $0x38;
	[tilespmem:$0x10720] =	vst v63  }
0x2bd: {  	_ =	swait.ge @!p1 [sflag:s2], $0x80  }
0x2be: {  	[sflag:s2] =	ssyncset.done @!p1 $0x0  }
0x2bf: {  	[sflag:s2] =	ssyncadd.s32 @!p1 $0xFFFFFF80  }
.LBB2_54:
0x2c0: {  	(v2sf) =	vpush v0, $0xD;
	_ =	sdelay $0xe  }
0x2c1: {  	s1 =	spop (v2sf)  }
0x2c2: {  	p1 =	slt.s32 s1, $0x186A0  }
.Ltmp30:
0x2c3: {  	_ = 	snop;
	(pc) =	sbr.rel @p1 .LBB2_58-.Ltmp30, $1  }
0x2c4: {  	_ =	sdelay $0x3  }
0x2c5: {  	s1 =	simm.s32 $0x0  }
0x2c6: {  	v16 =	vld [tilespmem:s1+$0x0];
	_ =	sdelay $0x4  }
0x2c7: {  	(v2sf) =	vpush v16, $0xD;
	_ =	sdelay $0xe  }
0x2c8: {  	s1 =	spop (v2sf)  }
0x2c9: {  	p2 =	slt.s32 s1, $0x186A0  }
0x2ca: {  	s1 =	sshll.u32 @!p2 s1, $0x9  }
0x2cb: {  	s1 =	sshra.s32 @!p2 s1, $0x2  }
0x2cc: {  	s1 =	sadd.s32 @!p2 s1, s4  }
0x2cd: {  	s2 =	simm.s32 $0xA80;
	s9 =	simm.s32 @!p2 $0x3;
	s1 =	sadd.s32 @!p2 $0xFF3CB000, s1  }
0x2ce: {  	[tilespmem:s2], [sflag:$0x3] =	stream.linear.gather @!p2 [spmem:s1], $0x80, $0x38;
	[tilespmem:$0x10720] =	vst v63  }
0x2cf: {  	s31 =	simm.s32 $0x1280;
	_ =	swait.ge @!p2 [sflag:s9], $0x80  }
0x2d0: {  	s2 =	simm.s32 $0x40;
	s1 =	simm.s32 $0x80;
	[sflag:s9] =	ssyncset.done @!p2 $0x0  }
.LBB2_56:
0x2d1: {  	s11 =	sshra.s32 s2, $0x2  }
0x2d2: {  	[sflag:s9] =	ssyncadd.s32 @!p2 $0xFFFFFF80;
	s2 =	smov.u32 s1;
	s1 =	sadd.s32 $0x40, s1  }
0x2d3: {  	p1 =	sne.s32 s1, $0x400;
	v16 =	vld [tilespmem:s11+$0x0];
	_ =	sdelay $0x4  }
0x2d4: {  	(v2sf) =	vpush v16, $0xD;
	_ =	sdelay $0xe  }
0x2d5: {  	s9 =	spop (v2sf)  }
0x2d6: {  	p2 =	slt.s32 s9, $0x186A0  }
0x2d7: {  	s9 =	sshll.u32 @!p2 s9, $0x9  }
0x2d8: {  	s9 =	sshra.s32 @!p2 s9, $0x2  }
.Ltmp31:
0x2d9: {  	s9 =	sadd.s32 @!p2 s9, s4;
	(pc) =	sbr.rel @p1 .LBB2_56-.Ltmp31, $4  }
0x2da: {  	s11 =	sadd.s32 @!p2 $0xFF3CB000, s9;
	s9 =	simm.s32 @!p2 $0x3  }
0x2db: {  	[tilespmem:s31], [sflag:$0x3] =	stream.linear.gather @!p2 [spmem:s11], $0x80, $0x38;
	[tilespmem:$0x10720] =	vst v63  }
0x2dc: {  	_ =	swait.ge @!p2 [sflag:s9], $0x80  }
0x2dd: {  	s31 =	sadd.s32 $0x800, s31;
	[sflag:s9] =	ssyncset.done @!p2 $0x0  }
0x2de: {  	s1 =	sshra.s32 s2, $0x2;
	[sflag:s9] =	ssyncadd.s32 @!p2 $0xFFFFFF80  }
0x2df: {  	v16 =	vld [tilespmem:s1+$0x0];
	_ =	sdelay $0x4  }
0x2e0: {  	(v2sf) =	vpush v16, $0xD;
	_ =	sdelay $0xe  }
0x2e1: {  	s1 =	spop (v2sf)  }
0x2e2: {  	p1 =	slt.s32 s1, $0x186A0  }
0x2e3: {  	s1 =	sshll.u32 @!p1 s1, $0x9  }
0x2e4: {  	s1 =	sshra.s32 @!p1 s1, $0x2  }
0x2e5: {  	s1 =	sadd.s32 @!p1 s1, s4  }
0x2e6: {  	s2 =	simm.s32 @!p1 $0x3;
	s1 =	sadd.s32 @!p1 $0xFF3CB000, s1  }
0x2e7: {  	[tilespmem:s31], [sflag:$0x3] =	stream.linear.gather @!p1 [spmem:s1], $0x80, $0x38;
	[tilespmem:$0x10720] =	vst v63  }
0x2e8: {  	_ =	swait.ge @!p1 [sflag:s2], $0x80  }
0x2e9: {  	[sflag:s2] =	ssyncset.done @!p1 $0x0  }
0x2ea: {  	[sflag:s2] =	ssyncadd.s32 @!p1 $0xFFFFFF80  }
.LBB2_58:
0x2eb: {  	(v2sf) =	vpush v0, $0xE;
	_ =	sdelay $0xe  }
0x2ec: {  	s1 =	spop (v2sf)  }
0x2ed: {  	p1 =	slt.s32 s1, $0x186A0  }
.Ltmp32:
0x2ee: {  	_ = 	snop;
	(pc) =	sbr.rel @p1 .LBB2_62-.Ltmp32, $1  }
0x2ef: {  	_ =	sdelay $0x3  }
0x2f0: {  	s1 =	simm.s32 $0x0  }
0x2f1: {  	v16 =	vld [tilespmem:s1+$0x0];
	_ =	sdelay $0x4  }
0x2f2: {  	(v2sf) =	vpush v16, $0xE;
	_ =	sdelay $0xe  }
0x2f3: {  	s1 =	spop (v2sf)  }
0x2f4: {  	p2 =	slt.s32 s1, $0x186A0  }
0x2f5: {  	s1 =	sshll.u32 @!p2 s1, $0x9  }
0x2f6: {  	s1 =	sshra.s32 @!p2 s1, $0x2  }
0x2f7: {  	s1 =	sadd.s32 @!p2 s1, s4  }
0x2f8: {  	s2 =	simm.s32 $0xB00;
	s9 =	simm.s32 @!p2 $0x3;
	s1 =	sadd.s32 @!p2 $0xFF3CB000, s1  }
0x2f9: {  	[tilespmem:s2], [sflag:$0x3] =	stream.linear.gather @!p2 [spmem:s1], $0x80, $0x38;
	[tilespmem:$0x10720] =	vst v63  }
0x2fa: {  	s31 =	simm.s32 $0x1300;
	_ =	swait.ge @!p2 [sflag:s9], $0x80  }
0x2fb: {  	s2 =	simm.s32 $0x40;
	s1 =	simm.s32 $0x80;
	[sflag:s9] =	ssyncset.done @!p2 $0x0  }
.LBB2_60:
0x2fc: {  	s11 =	sshra.s32 s2, $0x2  }
0x2fd: {  	[sflag:s9] =	ssyncadd.s32 @!p2 $0xFFFFFF80;
	s2 =	smov.u32 s1;
	s1 =	sadd.s32 $0x40, s1  }
0x2fe: {  	p1 =	sne.s32 s1, $0x400;
	v16 =	vld [tilespmem:s11+$0x0];
	_ =	sdelay $0x4  }
0x2ff: {  	(v2sf) =	vpush v16, $0xE;
	_ =	sdelay $0xe  }
0x300: {  	s9 =	spop (v2sf)  }
0x301: {  	p2 =	slt.s32 s9, $0x186A0  }
0x302: {  	s9 =	sshll.u32 @!p2 s9, $0x9  }
0x303: {  	s9 =	sshra.s32 @!p2 s9, $0x2  }
.Ltmp33:
0x304: {  	s9 =	sadd.s32 @!p2 s9, s4;
	(pc) =	sbr.rel @p1 .LBB2_60-.Ltmp33, $4  }
0x305: {  	s11 =	sadd.s32 @!p2 $0xFF3CB000, s9;
	s9 =	simm.s32 @!p2 $0x3  }
0x306: {  	[tilespmem:s31], [sflag:$0x3] =	stream.linear.gather @!p2 [spmem:s11], $0x80, $0x38;
	[tilespmem:$0x10720] =	vst v63  }
0x307: {  	_ =	swait.ge @!p2 [sflag:s9], $0x80  }
0x308: {  	s31 =	sadd.s32 $0x800, s31;
	[sflag:s9] =	ssyncset.done @!p2 $0x0  }
0x309: {  	s1 =	sshra.s32 s2, $0x2;
	[sflag:s9] =	ssyncadd.s32 @!p2 $0xFFFFFF80  }
0x30a: {  	v16 =	vld [tilespmem:s1+$0x0];
	_ =	sdelay $0x4  }
0x30b: {  	(v2sf) =	vpush v16, $0xE;
	_ =	sdelay $0xe  }
0x30c: {  	s1 =	spop (v2sf)  }
0x30d: {  	p1 =	slt.s32 s1, $0x186A0  }
0x30e: {  	s1 =	sshll.u32 @!p1 s1, $0x9  }
0x30f: {  	s1 =	sshra.s32 @!p1 s1, $0x2  }
0x310: {  	s1 =	sadd.s32 @!p1 s1, s4  }
0x311: {  	s2 =	simm.s32 @!p1 $0x3;
	s1 =	sadd.s32 @!p1 $0xFF3CB000, s1  }
0x312: {  	[tilespmem:s31], [sflag:$0x3] =	stream.linear.gather @!p1 [spmem:s1], $0x80, $0x38;
	[tilespmem:$0x10720] =	vst v63  }
0x313: {  	_ =	swait.ge @!p1 [sflag:s2], $0x80  }
0x314: {  	[sflag:s2] =	ssyncset.done @!p1 $0x0  }
0x315: {  	[sflag:s2] =	ssyncadd.s32 @!p1 $0xFFFFFF80  }
.LBB2_62:
0x316: {  	(v2sf) =	vpush v0, $0xF;
	_ =	sdelay $0xe  }
0x317: {  	s1 =	spop (v2sf)  }
0x318: {  	p1 =	slt.s32 s1, $0x186A0  }
.Ltmp34:
0x319: {  	_ = 	snop;
	(pc) =	sbr.rel @p1 .LBB2_66-.Ltmp34, $1  }
0x31a: {  	_ =	sdelay $0x3  }
0x31b: {  	s1 =	simm.s32 $0x0  }
0x31c: {  	v0 =	vld [tilespmem:s1+$0x0];
	_ =	sdelay $0x4  }
0x31d: {  	(v2sf) =	vpush v0, $0xF;
	_ =	sdelay $0xe  }
0x31e: {  	s1 =	spop (v2sf)  }
0x31f: {  	p2 =	slt.s32 s1, $0x186A0  }
0x320: {  	s1 =	sshll.u32 @!p2 s1, $0x9  }
0x321: {  	s1 =	sshra.s32 @!p2 s1, $0x2  }
0x322: {  	s1 =	sadd.s32 @!p2 s1, s4  }
0x323: {  	s2 =	simm.s32 $0xB80;
	s9 =	simm.s32 @!p2 $0x3;
	s1 =	sadd.s32 @!p2 $0xFF3CB000, s1  }
0x324: {  	[tilespmem:s2], [sflag:$0x3] =	stream.linear.gather @!p2 [spmem:s1], $0x80, $0x38;
	[tilespmem:$0x10720] =	vst v63  }
0x325: {  	s31 =	simm.s32 $0x1380;
	_ =	swait.ge @!p2 [sflag:s9], $0x80  }
0x326: {  	s2 =	simm.s32 $0x40;
	s1 =	simm.s32 $0x80;
	[sflag:s9] =	ssyncset.done @!p2 $0x0  }
.LBB2_64:
0x327: {  	s11 =	sshra.s32 s2, $0x2  }
0x328: {  	[sflag:s9] =	ssyncadd.s32 @!p2 $0xFFFFFF80;
	s2 =	smov.u32 s1;
	s1 =	sadd.s32 $0x40, s1  }
0x329: {  	p1 =	sne.s32 s1, $0x400;
	v0 =	vld [tilespmem:s11+$0x0];
	_ =	sdelay $0x4  }
0x32a: {  	(v2sf) =	vpush v0, $0xF;
	_ =	sdelay $0xe  }
0x32b: {  	s9 =	spop (v2sf)  }
0x32c: {  	p2 =	slt.s32 s9, $0x186A0  }
0x32d: {  	s9 =	sshll.u32 @!p2 s9, $0x9  }
0x32e: {  	s9 =	sshra.s32 @!p2 s9, $0x2  }
.Ltmp35:
0x32f: {  	s9 =	sadd.s32 @!p2 s9, s4;
	(pc) =	sbr.rel @p1 .LBB2_64-.Ltmp35, $4  }
0x330: {  	s11 =	sadd.s32 @!p2 $0xFF3CB000, s9;
	s9 =	simm.s32 @!p2 $0x3  }
0x331: {  	[tilespmem:s31], [sflag:$0x3] =	stream.linear.gather @!p2 [spmem:s11], $0x80, $0x38;
	[tilespmem:$0x10720] =	vst v63  }
0x332: {  	_ =	swait.ge @!p2 [sflag:s9], $0x80  }
0x333: {  	s31 =	sadd.s32 $0x800, s31;
	[sflag:s9] =	ssyncset.done @!p2 $0x0  }
0x334: {  	s1 =	sshra.s32 s2, $0x2;
	[sflag:s9] =	ssyncadd.s32 @!p2 $0xFFFFFF80  }
0x335: {  	v0 =	vld [tilespmem:s1+$0x0];
	_ =	sdelay $0x4  }
0x336: {  	(v2sf) =	vpush v0, $0xF;
	_ =	sdelay $0xe  }
0x337: {  	s1 =	spop (v2sf)  }
0x338: {  	p1 =	slt.s32 s1, $0x186A0  }
0x339: {  	s1 =	sshll.u32 @!p1 s1, $0x9  }
0x33a: {  	s1 =	sshra.s32 @!p1 s1, $0x2  }
0x33b: {  	s1 =	sadd.s32 @!p1 s1, s4  }
0x33c: {  	s2 =	simm.s32 @!p1 $0x3;
	s1 =	sadd.s32 @!p1 $0xFF3CB000, s1  }
0x33d: {  	[tilespmem:s31], [sflag:$0x3] =	stream.linear.gather @!p1 [spmem:s1], $0x80, $0x38;
	[tilespmem:$0x10720] =	vst v63  }
0x33e: {  	_ =	swait.ge @!p1 [sflag:s2], $0x80  }
0x33f: {  	[sflag:s2] =	ssyncset.done @!p1 $0x0  }
0x340: {  	[sflag:s2] =	ssyncadd.s32 @!p1 $0xFFFFFF80  }
.LBB2_66:
0x341: {  	s1 =	sshll.u32 s28, $0x10  }
0x342: {  	s1 =	sadd.s32 s7, s1  }
0x343: {  	s1 =	sshrl.u32 s1, $0x3  }
0x344: {  	s2 =	simm.s32 $0x0;
	s1 =	sadd.s32 s3, s1  }
0x345: {  	[hbm4b:s1+s2] =	stream.linear.scatter [tilespmem:s16], [sflag:$0x3], $0x8000, $0x38;
	[tilespmem:$0x10720] =	vst v63  }
0x346: {  	s30 =	sadd.s32 s30, s10;
	_ =	swait.ge [sflag:s13], $0x8000  }
0x347: {  	s1 =	sshrl.u32 s30, $0x3;
	[sflag:s13] =	ssyncset.done $0x0  }
0x348: {  	vm0 =	vgt.s32 v13, v14;
	s1 =	sadd.s32 s8, s1;
	[sflag:s13] =	ssyncadd.s32 $0xFFFF8000  }
0x349: {  	v16 =	vsel vm0, v13, v14;
	[tilespmem:s2], [sflag:$0x3] =	stream.linear.gather [hbm4b:s1+s2], $0x100, $0x38;
	[tilespmem:$0x10720] =	vst v63  }
0x34a: {  	vm0 =	vgt.s32 v16, v15;
	_ =	swait.ge [sflag:s13], $0x100  }
0x34b: {  	v18 =	vsel vm0, v16, v15;
	[sflag:s13] =	ssyncset.done $0x0  }
0x34c: {  	vm0 =	vgt.s32 v18, v17;
	[sflag:s13] =	ssyncadd.s32 $0xFFFFFF00  }
0x34d: {  	v19 =	vsel vm0, v18, v17;
	v0 =	vld [tilespmem:$0x0]  }
0x34e: {  	vm1 =	vgt.s32 v19, v12;
	v13 =	vld [tilespmem:$0x10]  }
0x34f: {  	v21 =	vsel vm1, v19, v12;
	v16 =	vld [tilespmem:$0x40]  }
0x350: {  	vm1 =	vgt.s32 v21, v11;
	v17 =	vld [tilespmem:$0x50]  }
0x351: {  	v21 =	vsel vm1, v21, v11;
	v11 =	vld [tilespmem:$0x90]  }
0x352: {  	v14 =	vld [tilespmem:$0x20];
	vm11 =	vgt.s32 v0, $0x1869F  }
0x353: {  	vm1 =	vgt.s32 v21, v10;
	v18 =	vld [tilespmem:$0x60];
	vm12 =	vgt.s32 v13, $0x1869F;
	v20 =	vsel vm11, $0x0, v0  }
0x354: {  	v23 =	vsel vm1, v21, v10;
	v15 =	vld [tilespmem:$0x30];
	vm15 =	vgt.s32 v16, $0x1869F;
	v19 =	vsel vm12, $0x0, v13;
	[tilespmem:$0x200] =	vst v20  }
0x355: {  	v12 =	vld [tilespmem:$0x70];
	vm1 =	vgt.s32 v23, v9;
	vm4 =	vgt.s32 v17, $0x1869F;
	v22 =	vsel vm15, $0x0, v16;
	[tilespmem:$0x210] =	vst v19  }
0x356: {  	v10 =	vld [tilespmem:$0xB0];
	v23 =	vsel vm1, v23, v9;
	vm8 =	vgt.s32 v11, $0x1869F;
	v21 =	vsel vm4, $0x0, v17;
	[tilespmem:$0x240] =	vst v22  }
0x357: {  	v9 =	vld [tilespmem:$0xD0];
	vm1 =	vgt.s32 v23, v8;
	vm13 =	vgt.s32 v14, $0x1869F;
	v62 =	vsel vm8, $0x0, v11;
	[tilespmem:$0x250] =	vst v21  }
0x358: {  	v23 =	vsel vm1, v23, v8;
	v8 =	vld [tilespmem:$0xF0];
	vm5 =	vgt.s32 v18, $0x1869F;
	v20 =	vsel vm13, $0x0, v14;
	[tilespmem:$0x290] =	vst v62  }
0x359: {  	vm1 =	vgt.s32 v23, v7;
	vm14 =	vgt.s32 v15, $0x1869F;
	v19 =	vld [tilespmem:$0x80];
	v22 =	vsel vm5, $0x0, v18;
	[tilespmem:$0x220] =	vst v20  }
0x35a: {  	vm6 =	vgt.s32 v12, $0x1869F;
	v7 =	vsel vm1, v23, v7;
	v21 =	vld [tilespmem:$0xC0];
	v20 =	vsel vm14, $0x0, v15;
	[tilespmem:$0x260] =	vst v22  }
0x35b: {  	vm10 =	vgt.s32 v10, $0x1869F;
	vm1 =	vgt.s32 v7, v6;
	v22 =	vsel vm6, $0x0, v12;
	[tilespmem:$0x230] =	vst v20;
	v20 =	vld [tilespmem:$0xA0]  }
0x35c: {  	v23 =	vsel vm10, $0x0, v10;
	vm12 =	vgt.s32 v9, $0x1869F;
	v6 =	vsel vm1, v7, v6;
	[tilespmem:$0x270] =	vst v22;
	v22 =	vld [tilespmem:$0xE0]  }
0x35d: {  	[tilespmem:$0x2B0] =	vst v23;
	v7 =	vsel vm12, $0x0, v9;
	vm1 =	vgt.s32 v6, v2;
	vm14 =	vgt.s32 v8, $0x1869F  }
0x35e: {  	[tilespmem:$0x2D0] =	vst v7;
	v2 =	vsel vm1, v6, v2;
	v6 =	vsel vm14, $0x0, v8;
	vm7 =	vgt.s32 v19, $0x1869F  }
0x35f: {  	[tilespmem:$0x2F0] =	vst v6;
	vm11 =	vgt.s32 v21, $0x1869F;
	v24 =	vsel vm7, $0x0, v19  }
0x360: {  	v23 =	vsel vm11, $0x0, v21;
	[tilespmem:$0x280] =	vst v24;
	vm9 =	vgt.s32 v20, $0x1869F  }
0x361: {  	[tilespmem:$0x2C0] =	vst v23;
	vm13 =	vgt.s32 v22, $0x1869F;
	v63 =	vsel vm9, $0x0, v20  }
0x362: {  	v7 =	vsel vm13, $0x0, v22;
	[tilespmem:$0x2A0] =	vst v63  }
0x363: {  	vm15 =	vgt.s32 v2, v1;
	[tilespmem:$0x2E0] =	vst v7  }
0x364: {  	v1 =	vsel vm15, v2, v1;
	[tilespmem:s16], [sflag:$0x1] =	stream.indirect.gather [hbm4b:s0+s14], $0x80, s15, s14, $0xb8;
	[tilespmem:$0x10720] =	vst v63  }
0x365: {  	vm0 =	vgt.s32 v1, v3  }
0x366: {  	v1 =	vsel vm0, v1, v3;
	[tilespmem:s18], [sflag:$0x1] =	stream.indirect.gather [hbm4b:s0+s14], $0x80, s17, s14, $0xb8;
	[tilespmem:$0x10720] =	vst v63  }
0x367: {  	vm0 =	vgt.s32 v1, v4;
	_ =	swait.ge [sflag:s25], $0x4000  }
0x368: {  	v1 =	vsel vm0, v1, v4;
	[sflag:s25] =	ssyncset.done $0x0  }
0x369: {  	vm0 =	vgt.s32 v1, v5;
	[sflag:s25] =	ssyncadd.s32 $0xFFFFC000  }
0x36a: {  	v1 =	vsel vm0, v1, v5;
	_ =	swait.ge [sflag:s25], $0x4000  }
0x36b: {  	(v2sf) =	vpush v1, $0x0;
	_ =	sdelay $0xe  }
0x36c: {  	s31 =	spop (v2sf)  }
0x36d: {  	p1 =	slt.s32 s31, $0x186A0  }
.Ltmp36:
0x36e: {  	_ = 	snop;
	(pc) =	sbr.rel @p1 .LBB2_70-.Ltmp36, $3  }
0x36f: {  	_ =	sdelay $0x1  }
0x370: {  	[sflag:s25] =	ssyncset.done $0x0  }
0x371: {  	s1 =	simm.s32 $0x8400;
	[sflag:s25] =	ssyncadd.s32 $0xFFFFC000  }
0x372: {  	s2 =	simm.s32 $0x0  }
0x373: {  	v2 =	vld [tilespmem:s2+$0x100];
	_ =	sdelay $0x4  }
0x374: {  	(v2sf) =	vpush v2, $0x0;
	_ =	sdelay $0xe  }
0x375: {  	s2 =	spop (v2sf)  }
0x376: {  	p2 =	slt.s32 s2, $0x186A0  }
0x377: {  	s2 =	sshll.u32 @!p2 s2, $0x9  }
0x378: {  	s2 =	sshra.s32 @!p2 s2, $0x2  }
0x379: {  	s2 =	sadd.s32 @!p2 s2, s4  }
0x37a: {  	s9 =	simm.s32 @!p2 $0x3;
	s2 =	sadd.s32 @!p2 $0xFF3CB000, s2  }
0x37b: {  	[tilespmem:s1], [sflag:$0x3] =	stream.linear.gather @!p2 [spmem:s2], $0x80, $0x38;
	[tilespmem:$0x10720] =	vst v63  }
0x37c: {  	s30 =	simm.s32 $0x8C00;
	_ =	swait.ge @!p2 [sflag:s9], $0x80  }
0x37d: {  	s2 =	simm.s32 $0x40;
	s1 =	simm.s32 $0x80;
	[sflag:s9] =	ssyncset.done @!p2 $0x0  }
.LBB2_68:
0x37e: {  	s11 =	sshra.s32 s2, $0x2  }
0x37f: {  	[sflag:s9] =	ssyncadd.s32 @!p2 $0xFFFFFF80;
	s2 =	smov.u32 s1;
	s1 =	sadd.s32 $0x40, s1  }
0x380: {  	p1 =	sne.s32 s1, $0x400;
	v2 =	vld [tilespmem:s11+$0x100];
	_ =	sdelay $0x4  }
0x381: {  	(v2sf) =	vpush v2, $0x0;
	_ =	sdelay $0xe  }
0x382: {  	s9 =	spop (v2sf)  }
0x383: {  	p2 =	slt.s32 s9, $0x186A0  }
0x384: {  	s9 =	sshll.u32 @!p2 s9, $0x9  }
0x385: {  	s9 =	sshra.s32 @!p2 s9, $0x2  }
.Ltmp37:
0x386: {  	s9 =	sadd.s32 @!p2 s9, s4;
	(pc) =	sbr.rel @p1 .LBB2_68-.Ltmp37, $4  }
0x387: {  	s11 =	sadd.s32 @!p2 $0xFF3CB000, s9;
	s9 =	simm.s32 @!p2 $0x3  }
0x388: {  	[tilespmem:s30], [sflag:$0x3] =	stream.linear.gather @!p2 [spmem:s11], $0x80, $0x38;
	[tilespmem:$0x10720] =	vst v63  }
0x389: {  	_ =	swait.ge @!p2 [sflag:s9], $0x80  }
0x38a: {  	s30 =	sadd.s32 $0x800, s30;
	[sflag:s9] =	ssyncset.done @!p2 $0x0  }
0x38b: {  	s1 =	sshra.s32 s2, $0x2;
	[sflag:s9] =	ssyncadd.s32 @!p2 $0xFFFFFF80  }
0x38c: {  	v2 =	vld [tilespmem:s1+$0x100];
	_ =	sdelay $0x4  }
0x38d: {  	(v2sf) =	vpush v2, $0x0;
	_ =	sdelay $0xe  }
0x38e: {  	s1 =	spop (v2sf)  }
0x38f: {  	p1 =	slt.s32 s1, $0x186A0  }
0x390: {  	s1 =	sshll.u32 @!p1 s1, $0x9  }
0x391: {  	s1 =	sshra.s32 @!p1 s1, $0x2  }
0x392: {  	s1 =	sadd.s32 @!p1 s1, s4  }
0x393: {  	s2 =	simm.s32 @!p1 $0x3;
	s1 =	sadd.s32 @!p1 $0xFF3CB000, s1  }
0x394: {  	[tilespmem:s30], [sflag:$0x3] =	stream.linear.gather @!p1 [spmem:s1], $0x80, $0x38;
	[tilespmem:$0x10720] =	vst v63  }
0x395: {  	_ =	swait.ge @!p1 [sflag:s2], $0x80  }
0x396: {  	[sflag:s2] =	ssyncset.done @!p1 $0x0  }
0x397: {  	[sflag:s2] =	ssyncadd.s32 @!p1 $0xFFFFFF80  }
.LBB2_70:
0x398: {  	(v2sf) =	vpush v1, $0x1;
	_ =	sdelay $0xe  }
0x399: {  	s1 =	spop (v2sf)  }
0x39a: {  	p1 =	slt.s32 s1, $0x186A0  }
.Ltmp38:
0x39b: {  	_ = 	snop;
	(pc) =	sbr.rel @p1 .LBB2_74-.Ltmp38, $1  }
0x39c: {  	_ =	sdelay $0x3  }
0x39d: {  	s1 =	simm.s32 $0x0  }
0x39e: {  	v2 =	vld [tilespmem:s1+$0x100];
	_ =	sdelay $0x4  }
0x39f: {  	(v2sf) =	vpush v2, $0x1;
	_ =	sdelay $0xe  }
0x3a0: {  	s1 =	spop (v2sf)  }
0x3a1: {  	p2 =	slt.s32 s1, $0x186A0  }
0x3a2: {  	s1 =	sshll.u32 @!p2 s1, $0x9  }
0x3a3: {  	s1 =	sshra.s32 @!p2 s1, $0x2  }
0x3a4: {  	s1 =	sadd.s32 @!p2 s1, s4  }
0x3a5: {  	s2 =	simm.s32 $0x8480;
	s9 =	simm.s32 @!p2 $0x3;
	s1 =	sadd.s32 @!p2 $0xFF3CB000, s1  }
0x3a6: {  	[tilespmem:s2], [sflag:$0x3] =	stream.linear.gather @!p2 [spmem:s1], $0x80, $0x38;
	[tilespmem:$0x10720] =	vst v63  }
0x3a7: {  	s30 =	simm.s32 $0x8C80;
	_ =	swait.ge @!p2 [sflag:s9], $0x80  }
0x3a8: {  	s2 =	simm.s32 $0x40;
	s1 =	simm.s32 $0x80;
	[sflag:s9] =	ssyncset.done @!p2 $0x0  }
.LBB2_72:
0x3a9: {  	s11 =	sshra.s32 s2, $0x2  }
0x3aa: {  	[sflag:s9] =	ssyncadd.s32 @!p2 $0xFFFFFF80;
	s2 =	smov.u32 s1;
	s1 =	sadd.s32 $0x40, s1  }
0x3ab: {  	p1 =	sne.s32 s1, $0x400;
	v2 =	vld [tilespmem:s11+$0x100];
	_ =	sdelay $0x4  }
0x3ac: {  	(v2sf) =	vpush v2, $0x1;
	_ =	sdelay $0xe  }
0x3ad: {  	s9 =	spop (v2sf)  }
0x3ae: {  	p2 =	slt.s32 s9, $0x186A0  }
0x3af: {  	s9 =	sshll.u32 @!p2 s9, $0x9  }
0x3b0: {  	s9 =	sshra.s32 @!p2 s9, $0x2  }
.Ltmp39:
0x3b1: {  	s9 =	sadd.s32 @!p2 s9, s4;
	(pc) =	sbr.rel @p1 .LBB2_72-.Ltmp39, $4  }
0x3b2: {  	s11 =	sadd.s32 @!p2 $0xFF3CB000, s9;
	s9 =	simm.s32 @!p2 $0x3  }
0x3b3: {  	[tilespmem:s30], [sflag:$0x3] =	stream.linear.gather @!p2 [spmem:s11], $0x80, $0x38;
	[tilespmem:$0x10720] =	vst v63  }
0x3b4: {  	_ =	swait.ge @!p2 [sflag:s9], $0x80  }
0x3b5: {  	s30 =	sadd.s32 $0x800, s30;
	[sflag:s9] =	ssyncset.done @!p2 $0x0  }
0x3b6: {  	s1 =	sshra.s32 s2, $0x2;
	[sflag:s9] =	ssyncadd.s32 @!p2 $0xFFFFFF80  }
0x3b7: {  	v2 =	vld [tilespmem:s1+$0x100];
	_ =	sdelay $0x4  }
0x3b8: {  	(v2sf) =	vpush v2, $0x1;
	_ =	sdelay $0xe  }
0x3b9: {  	s1 =	spop (v2sf)  }
0x3ba: {  	p1 =	slt.s32 s1, $0x186A0  }
0x3bb: {  	s1 =	sshll.u32 @!p1 s1, $0x9  }
0x3bc: {  	s1 =	sshra.s32 @!p1 s1, $0x2  }
0x3bd: {  	s1 =	sadd.s32 @!p1 s1, s4  }
0x3be: {  	s2 =	simm.s32 @!p1 $0x3;
	s1 =	sadd.s32 @!p1 $0xFF3CB000, s1  }
0x3bf: {  	[tilespmem:s30], [sflag:$0x3] =	stream.linear.gather @!p1 [spmem:s1], $0x80, $0x38;
	[tilespmem:$0x10720] =	vst v63  }
0x3c0: {  	_ =	swait.ge @!p1 [sflag:s2], $0x80  }
0x3c1: {  	[sflag:s2] =	ssyncset.done @!p1 $0x0  }
0x3c2: {  	[sflag:s2] =	ssyncadd.s32 @!p1 $0xFFFFFF80  }
.LBB2_74:
0x3c3: {  	(v2sf) =	vpush v1, $0x2;
	_ =	sdelay $0xe  }
0x3c4: {  	s1 =	spop (v2sf)  }
0x3c5: {  	p1 =	slt.s32 s1, $0x186A0  }
.Ltmp40:
0x3c6: {  	_ = 	snop;
	(pc) =	sbr.rel @p1 .LBB2_78-.Ltmp40, $1  }
0x3c7: {  	_ =	sdelay $0x3  }
0x3c8: {  	s1 =	simm.s32 $0x0  }
0x3c9: {  	v2 =	vld [tilespmem:s1+$0x100];
	_ =	sdelay $0x4  }
0x3ca: {  	(v2sf) =	vpush v2, $0x2;
	_ =	sdelay $0xe  }
0x3cb: {  	s1 =	spop (v2sf)  }
0x3cc: {  	p2 =	slt.s32 s1, $0x186A0  }
0x3cd: {  	s1 =	sshll.u32 @!p2 s1, $0x9  }
0x3ce: {  	s1 =	sshra.s32 @!p2 s1, $0x2  }
0x3cf: {  	s1 =	sadd.s32 @!p2 s1, s4  }
0x3d0: {  	s2 =	simm.s32 $0x8500;
	s9 =	simm.s32 @!p2 $0x3;
	s1 =	sadd.s32 @!p2 $0xFF3CB000, s1  }
0x3d1: {  	[tilespmem:s2], [sflag:$0x3] =	stream.linear.gather @!p2 [spmem:s1], $0x80, $0x38;
	[tilespmem:$0x10720] =	vst v63  }
0x3d2: {  	s30 =	simm.s32 $0x8D00;
	_ =	swait.ge @!p2 [sflag:s9], $0x80  }
0x3d3: {  	s2 =	simm.s32 $0x40;
	s1 =	simm.s32 $0x80;
	[sflag:s9] =	ssyncset.done @!p2 $0x0  }
.LBB2_76:
0x3d4: {  	s11 =	sshra.s32 s2, $0x2  }
0x3d5: {  	[sflag:s9] =	ssyncadd.s32 @!p2 $0xFFFFFF80;
	s2 =	smov.u32 s1;
	s1 =	sadd.s32 $0x40, s1  }
0x3d6: {  	p1 =	sne.s32 s1, $0x400;
	v2 =	vld [tilespmem:s11+$0x100];
	_ =	sdelay $0x4  }
0x3d7: {  	(v2sf) =	vpush v2, $0x2;
	_ =	sdelay $0xe  }
0x3d8: {  	s9 =	spop (v2sf)  }
0x3d9: {  	p2 =	slt.s32 s9, $0x186A0  }
0x3da: {  	s9 =	sshll.u32 @!p2 s9, $0x9  }
0x3db: {  	s9 =	sshra.s32 @!p2 s9, $0x2  }
.Ltmp41:
0x3dc: {  	s9 =	sadd.s32 @!p2 s9, s4;
	(pc) =	sbr.rel @p1 .LBB2_76-.Ltmp41, $4  }
0x3dd: {  	s11 =	sadd.s32 @!p2 $0xFF3CB000, s9;
	s9 =	simm.s32 @!p2 $0x3  }
0x3de: {  	[tilespmem:s30], [sflag:$0x3] =	stream.linear.gather @!p2 [spmem:s11], $0x80, $0x38;
	[tilespmem:$0x10720] =	vst v63  }
0x3df: {  	_ =	swait.ge @!p2 [sflag:s9], $0x80  }
0x3e0: {  	s30 =	sadd.s32 $0x800, s30;
	[sflag:s9] =	ssyncset.done @!p2 $0x0  }
0x3e1: {  	s1 =	sshra.s32 s2, $0x2;
	[sflag:s9] =	ssyncadd.s32 @!p2 $0xFFFFFF80  }
0x3e2: {  	v2 =	vld [tilespmem:s1+$0x100];
	_ =	sdelay $0x4  }
0x3e3: {  	(v2sf) =	vpush v2, $0x2;
	_ =	sdelay $0xe  }
0x3e4: {  	s1 =	spop (v2sf)  }
0x3e5: {  	p1 =	slt.s32 s1, $0x186A0  }
0x3e6: {  	s1 =	sshll.u32 @!p1 s1, $0x9  }
0x3e7: {  	s1 =	sshra.s32 @!p1 s1, $0x2  }
0x3e8: {  	s1 =	sadd.s32 @!p1 s1, s4  }
0x3e9: {  	s2 =	simm.s32 @!p1 $0x3;
	s1 =	sadd.s32 @!p1 $0xFF3CB000, s1  }
0x3ea: {  	[tilespmem:s30], [sflag:$0x3] =	stream.linear.gather @!p1 [spmem:s1], $0x80, $0x38;
	[tilespmem:$0x10720] =	vst v63  }
0x3eb: {  	_ =	swait.ge @!p1 [sflag:s2], $0x80  }
0x3ec: {  	[sflag:s2] =	ssyncset.done @!p1 $0x0  }
0x3ed: {  	[sflag:s2] =	ssyncadd.s32 @!p1 $0xFFFFFF80  }
.LBB2_78:
0x3ee: {  	(v2sf) =	vpush v1, $0x3;
	_ =	sdelay $0xe  }
0x3ef: {  	s1 =	spop (v2sf)  }
0x3f0: {  	p1 =	slt.s32 s1, $0x186A0  }
.Ltmp42:
0x3f1: {  	_ = 	snop;
	(pc) =	sbr.rel @p1 .LBB2_82-.Ltmp42, $1  }
0x3f2: {  	_ =	sdelay $0x3  }
0x3f3: {  	s1 =	simm.s32 $0x0  }
0x3f4: {  	v2 =	vld [tilespmem:s1+$0x100];
	_ =	sdelay $0x4  }
0x3f5: {  	(v2sf) =	vpush v2, $0x3;
	_ =	sdelay $0xe  }
0x3f6: {  	s1 =	spop (v2sf)  }
0x3f7: {  	p2 =	slt.s32 s1, $0x186A0  }
0x3f8: {  	s1 =	sshll.u32 @!p2 s1, $0x9  }
0x3f9: {  	s1 =	sshra.s32 @!p2 s1, $0x2  }
0x3fa: {  	s1 =	sadd.s32 @!p2 s1, s4  }
0x3fb: {  	s2 =	simm.s32 $0x8580;
	s9 =	simm.s32 @!p2 $0x3;
	s1 =	sadd.s32 @!p2 $0xFF3CB000, s1  }
0x3fc: {  	[tilespmem:s2], [sflag:$0x3] =	stream.linear.gather @!p2 [spmem:s1], $0x80, $0x38;
	[tilespmem:$0x10720] =	vst v63  }
0x3fd: {  	s30 =	simm.s32 $0x8D80;
	_ =	swait.ge @!p2 [sflag:s9], $0x80  }
0x3fe: {  	s2 =	simm.s32 $0x40;
	s1 =	simm.s32 $0x80;
	[sflag:s9] =	ssyncset.done @!p2 $0x0  }
.LBB2_80:
0x3ff: {  	s11 =	sshra.s32 s2, $0x2  }
0x400: {  	[sflag:s9] =	ssyncadd.s32 @!p2 $0xFFFFFF80;
	s2 =	smov.u32 s1;
	s1 =	sadd.s32 $0x40, s1  }
0x401: {  	p1 =	sne.s32 s1, $0x400;
	v2 =	vld [tilespmem:s11+$0x100];
	_ =	sdelay $0x4  }
0x402: {  	(v2sf) =	vpush v2, $0x3;
	_ =	sdelay $0xe  }
0x403: {  	s9 =	spop (v2sf)  }
0x404: {  	p2 =	slt.s32 s9, $0x186A0  }
0x405: {  	s9 =	sshll.u32 @!p2 s9, $0x9  }
0x406: {  	s9 =	sshra.s32 @!p2 s9, $0x2  }
.Ltmp43:
0x407: {  	s9 =	sadd.s32 @!p2 s9, s4;
	(pc) =	sbr.rel @p1 .LBB2_80-.Ltmp43, $4  }
0x408: {  	s11 =	sadd.s32 @!p2 $0xFF3CB000, s9;
	s9 =	simm.s32 @!p2 $0x3  }
0x409: {  	[tilespmem:s30], [sflag:$0x3] =	stream.linear.gather @!p2 [spmem:s11], $0x80, $0x38;
	[tilespmem:$0x10720] =	vst v63  }
0x40a: {  	_ =	swait.ge @!p2 [sflag:s9], $0x80  }
0x40b: {  	s30 =	sadd.s32 $0x800, s30;
	[sflag:s9] =	ssyncset.done @!p2 $0x0  }
0x40c: {  	s1 =	sshra.s32 s2, $0x2;
	[sflag:s9] =	ssyncadd.s32 @!p2 $0xFFFFFF80  }
0x40d: {  	v2 =	vld [tilespmem:s1+$0x100];
	_ =	sdelay $0x4  }
0x40e: {  	(v2sf) =	vpush v2, $0x3;
	_ =	sdelay $0xe  }
0x40f: {  	s1 =	spop (v2sf)  }
0x410: {  	p1 =	slt.s32 s1, $0x186A0  }
0x411: {  	s1 =	sshll.u32 @!p1 s1, $0x9  }
0x412: {  	s1 =	sshra.s32 @!p1 s1, $0x2  }
0x413: {  	s1 =	sadd.s32 @!p1 s1, s4  }
0x414: {  	s2 =	simm.s32 @!p1 $0x3;
	s1 =	sadd.s32 @!p1 $0xFF3CB000, s1  }
0x415: {  	[tilespmem:s30], [sflag:$0x3] =	stream.linear.gather @!p1 [spmem:s1], $0x80, $0x38;
	[tilespmem:$0x10720] =	vst v63  }
0x416: {  	_ =	swait.ge @!p1 [sflag:s2], $0x80  }
0x417: {  	[sflag:s2] =	ssyncset.done @!p1 $0x0  }
0x418: {  	[sflag:s2] =	ssyncadd.s32 @!p1 $0xFFFFFF80  }
.LBB2_82:
0x419: {  	(v2sf) =	vpush v1, $0x4;
	_ =	sdelay $0xe  }
0x41a: {  	s1 =	spop (v2sf)  }
0x41b: {  	p1 =	slt.s32 s1, $0x186A0  }
.Ltmp44:
0x41c: {  	_ = 	snop;
	(pc) =	sbr.rel @p1 .LBB2_86-.Ltmp44, $1  }
0x41d: {  	_ =	sdelay $0x3  }
0x41e: {  	s1 =	simm.s32 $0x0  }
0x41f: {  	v2 =	vld [tilespmem:s1+$0x100];
	_ =	sdelay $0x4  }
0x420: {  	(v2sf) =	vpush v2, $0x4;
	_ =	sdelay $0xe  }
0x421: {  	s1 =	spop (v2sf)  }
0x422: {  	p2 =	slt.s32 s1, $0x186A0  }
0x423: {  	s1 =	sshll.u32 @!p2 s1, $0x9  }
0x424: {  	s1 =	sshra.s32 @!p2 s1, $0x2  }
0x425: {  	s1 =	sadd.s32 @!p2 s1, s4  }
0x426: {  	s2 =	simm.s32 $0x8600;
	s9 =	simm.s32 @!p2 $0x3;
	s1 =	sadd.s32 @!p2 $0xFF3CB000, s1  }
0x427: {  	[tilespmem:s2], [sflag:$0x3] =	stream.linear.gather @!p2 [spmem:s1], $0x80, $0x38;
	[tilespmem:$0x10720] =	vst v63  }
0x428: {  	s30 =	simm.s32 $0x8E00;
	_ =	swait.ge @!p2 [sflag:s9], $0x80  }
0x429: {  	s2 =	simm.s32 $0x40;
	s1 =	simm.s32 $0x80;
	[sflag:s9] =	ssyncset.done @!p2 $0x0  }
.LBB2_84:
0x42a: {  	s11 =	sshra.s32 s2, $0x2  }
0x42b: {  	[sflag:s9] =	ssyncadd.s32 @!p2 $0xFFFFFF80;
	s2 =	smov.u32 s1;
	s1 =	sadd.s32 $0x40, s1  }
0x42c: {  	p1 =	sne.s32 s1, $0x400;
	v2 =	vld [tilespmem:s11+$0x100];
	_ =	sdelay $0x4  }
0x42d: {  	(v2sf) =	vpush v2, $0x4;
	_ =	sdelay $0xe  }
0x42e: {  	s9 =	spop (v2sf)  }
0x42f: {  	p2 =	slt.s32 s9, $0x186A0  }
0x430: {  	s9 =	sshll.u32 @!p2 s9, $0x9  }
0x431: {  	s9 =	sshra.s32 @!p2 s9, $0x2  }
.Ltmp45:
0x432: {  	s9 =	sadd.s32 @!p2 s9, s4;
	(pc) =	sbr.rel @p1 .LBB2_84-.Ltmp45, $4  }
0x433: {  	s11 =	sadd.s32 @!p2 $0xFF3CB000, s9;
	s9 =	simm.s32 @!p2 $0x3  }
0x434: {  	[tilespmem:s30], [sflag:$0x3] =	stream.linear.gather @!p2 [spmem:s11], $0x80, $0x38;
	[tilespmem:$0x10720] =	vst v63  }
0x435: {  	_ =	swait.ge @!p2 [sflag:s9], $0x80  }
0x436: {  	s30 =	sadd.s32 $0x800, s30;
	[sflag:s9] =	ssyncset.done @!p2 $0x0  }
0x437: {  	s1 =	sshra.s32 s2, $0x2;
	[sflag:s9] =	ssyncadd.s32 @!p2 $0xFFFFFF80  }
0x438: {  	v2 =	vld [tilespmem:s1+$0x100];
	_ =	sdelay $0x4  }
0x439: {  	(v2sf) =	vpush v2, $0x4;
	_ =	sdelay $0xe  }
0x43a: {  	s1 =	spop (v2sf)  }
0x43b: {  	p1 =	slt.s32 s1, $0x186A0  }
0x43c: {  	s1 =	sshll.u32 @!p1 s1, $0x9  }
0x43d: {  	s1 =	sshra.s32 @!p1 s1, $0x2  }
0x43e: {  	s1 =	sadd.s32 @!p1 s1, s4  }
0x43f: {  	s2 =	simm.s32 @!p1 $0x3;
	s1 =	sadd.s32 @!p1 $0xFF3CB000, s1  }
0x440: {  	[tilespmem:s30], [sflag:$0x3] =	stream.linear.gather @!p1 [spmem:s1], $0x80, $0x38;
	[tilespmem:$0x10720] =	vst v63  }
0x441: {  	_ =	swait.ge @!p1 [sflag:s2], $0x80  }
0x442: {  	[sflag:s2] =	ssyncset.done @!p1 $0x0  }
0x443: {  	[sflag:s2] =	ssyncadd.s32 @!p1 $0xFFFFFF80  }
.LBB2_86:
0x444: {  	(v2sf) =	vpush v1, $0x5;
	_ =	sdelay $0xe  }
0x445: {  	s1 =	spop (v2sf)  }
0x446: {  	p1 =	slt.s32 s1, $0x186A0  }
.Ltmp46:
0x447: {  	_ = 	snop;
	(pc) =	sbr.rel @p1 .LBB2_90-.Ltmp46, $1  }
0x448: {  	_ =	sdelay $0x3  }
0x449: {  	s1 =	simm.s32 $0x0  }
0x44a: {  	v2 =	vld [tilespmem:s1+$0x100];
	_ =	sdelay $0x4  }
0x44b: {  	(v2sf) =	vpush v2, $0x5;
	_ =	sdelay $0xe  }
0x44c: {  	s1 =	spop (v2sf)  }
0x44d: {  	p2 =	slt.s32 s1, $0x186A0  }
0x44e: {  	s1 =	sshll.u32 @!p2 s1, $0x9  }
0x44f: {  	s1 =	sshra.s32 @!p2 s1, $0x2  }
0x450: {  	s1 =	sadd.s32 @!p2 s1, s4  }
0x451: {  	s2 =	simm.s32 $0x8680;
	s9 =	simm.s32 @!p2 $0x3;
	s1 =	sadd.s32 @!p2 $0xFF3CB000, s1  }
0x452: {  	[tilespmem:s2], [sflag:$0x3] =	stream.linear.gather @!p2 [spmem:s1], $0x80, $0x38;
	[tilespmem:$0x10720] =	vst v63  }
0x453: {  	s30 =	simm.s32 $0x8E80;
	_ =	swait.ge @!p2 [sflag:s9], $0x80  }
0x454: {  	s2 =	simm.s32 $0x40;
	s1 =	simm.s32 $0x80;
	[sflag:s9] =	ssyncset.done @!p2 $0x0  }
.LBB2_88:
0x455: {  	s11 =	sshra.s32 s2, $0x2  }
0x456: {  	[sflag:s9] =	ssyncadd.s32 @!p2 $0xFFFFFF80;
	s2 =	smov.u32 s1;
	s1 =	sadd.s32 $0x40, s1  }
0x457: {  	p1 =	sne.s32 s1, $0x400;
	v2 =	vld [tilespmem:s11+$0x100];
	_ =	sdelay $0x4  }
0x458: {  	(v2sf) =	vpush v2, $0x5;
	_ =	sdelay $0xe  }
0x459: {  	s9 =	spop (v2sf)  }
0x45a: {  	p2 =	slt.s32 s9, $0x186A0  }
0x45b: {  	s9 =	sshll.u32 @!p2 s9, $0x9  }
0x45c: {  	s9 =	sshra.s32 @!p2 s9, $0x2  }
.Ltmp47:
0x45d: {  	s9 =	sadd.s32 @!p2 s9, s4;
	(pc) =	sbr.rel @p1 .LBB2_88-.Ltmp47, $4  }
0x45e: {  	s11 =	sadd.s32 @!p2 $0xFF3CB000, s9;
	s9 =	simm.s32 @!p2 $0x3  }
0x45f: {  	[tilespmem:s30], [sflag:$0x3] =	stream.linear.gather @!p2 [spmem:s11], $0x80, $0x38;
	[tilespmem:$0x10720] =	vst v63  }
0x460: {  	_ =	swait.ge @!p2 [sflag:s9], $0x80  }
0x461: {  	s30 =	sadd.s32 $0x800, s30;
	[sflag:s9] =	ssyncset.done @!p2 $0x0  }
0x462: {  	s1 =	sshra.s32 s2, $0x2;
	[sflag:s9] =	ssyncadd.s32 @!p2 $0xFFFFFF80  }
0x463: {  	v2 =	vld [tilespmem:s1+$0x100];
	_ =	sdelay $0x4  }
0x464: {  	(v2sf) =	vpush v2, $0x5;
	_ =	sdelay $0xe  }
0x465: {  	s1 =	spop (v2sf)  }
0x466: {  	p1 =	slt.s32 s1, $0x186A0  }
0x467: {  	s1 =	sshll.u32 @!p1 s1, $0x9  }
0x468: {  	s1 =	sshra.s32 @!p1 s1, $0x2  }
0x469: {  	s1 =	sadd.s32 @!p1 s1, s4  }
0x46a: {  	s2 =	simm.s32 @!p1 $0x3;
	s1 =	sadd.s32 @!p1 $0xFF3CB000, s1  }
0x46b: {  	[tilespmem:s30], [sflag:$0x3] =	stream.linear.gather @!p1 [spmem:s1], $0x80, $0x38;
	[tilespmem:$0x10720] =	vst v63  }
0x46c: {  	_ =	swait.ge @!p1 [sflag:s2], $0x80  }
0x46d: {  	[sflag:s2] =	ssyncset.done @!p1 $0x0  }
0x46e: {  	[sflag:s2] =	ssyncadd.s32 @!p1 $0xFFFFFF80  }
.LBB2_90:
0x46f: {  	(v2sf) =	vpush v1, $0x6;
	_ =	sdelay $0xe  }
0x470: {  	s1 =	spop (v2sf)  }
0x471: {  	p1 =	slt.s32 s1, $0x186A0  }
.Ltmp48:
0x472: {  	_ = 	snop;
	(pc) =	sbr.rel @p1 .LBB2_94-.Ltmp48, $1  }
0x473: {  	_ =	sdelay $0x3  }
0x474: {  	s1 =	simm.s32 $0x0  }
0x475: {  	v2 =	vld [tilespmem:s1+$0x100];
	_ =	sdelay $0x4  }
0x476: {  	(v2sf) =	vpush v2, $0x6;
	_ =	sdelay $0xe  }
0x477: {  	s1 =	spop (v2sf)  }
0x478: {  	p2 =	slt.s32 s1, $0x186A0  }
0x479: {  	s1 =	sshll.u32 @!p2 s1, $0x9  }
0x47a: {  	s1 =	sshra.s32 @!p2 s1, $0x2  }
0x47b: {  	s1 =	sadd.s32 @!p2 s1, s4  }
0x47c: {  	s2 =	simm.s32 $0x8700;
	s9 =	simm.s32 @!p2 $0x3;
	s1 =	sadd.s32 @!p2 $0xFF3CB000, s1  }
0x47d: {  	[tilespmem:s2], [sflag:$0x3] =	stream.linear.gather @!p2 [spmem:s1], $0x80, $0x38;
	[tilespmem:$0x10720] =	vst v63  }
0x47e: {  	s30 =	simm.s32 $0x8F00;
	_ =	swait.ge @!p2 [sflag:s9], $0x80  }
0x47f: {  	s2 =	simm.s32 $0x40;
	s1 =	simm.s32 $0x80;
	[sflag:s9] =	ssyncset.done @!p2 $0x0  }
.LBB2_92:
0x480: {  	s11 =	sshra.s32 s2, $0x2  }
0x481: {  	[sflag:s9] =	ssyncadd.s32 @!p2 $0xFFFFFF80;
	s2 =	smov.u32 s1;
	s1 =	sadd.s32 $0x40, s1  }
0x482: {  	p1 =	sne.s32 s1, $0x400;
	v2 =	vld [tilespmem:s11+$0x100];
	_ =	sdelay $0x4  }
0x483: {  	(v2sf) =	vpush v2, $0x6;
	_ =	sdelay $0xe  }
0x484: {  	s9 =	spop (v2sf)  }
0x485: {  	p2 =	slt.s32 s9, $0x186A0  }
0x486: {  	s9 =	sshll.u32 @!p2 s9, $0x9  }
0x487: {  	s9 =	sshra.s32 @!p2 s9, $0x2  }
.Ltmp49:
0x488: {  	s9 =	sadd.s32 @!p2 s9, s4;
	(pc) =	sbr.rel @p1 .LBB2_92-.Ltmp49, $4  }
0x489: {  	s11 =	sadd.s32 @!p2 $0xFF3CB000, s9;
	s9 =	simm.s32 @!p2 $0x3  }
0x48a: {  	[tilespmem:s30], [sflag:$0x3] =	stream.linear.gather @!p2 [spmem:s11], $0x80, $0x38;
	[tilespmem:$0x10720] =	vst v63  }
0x48b: {  	_ =	swait.ge @!p2 [sflag:s9], $0x80  }
0x48c: {  	s30 =	sadd.s32 $0x800, s30;
	[sflag:s9] =	ssyncset.done @!p2 $0x0  }
0x48d: {  	s1 =	sshra.s32 s2, $0x2;
	[sflag:s9] =	ssyncadd.s32 @!p2 $0xFFFFFF80  }
0x48e: {  	v2 =	vld [tilespmem:s1+$0x100];
	_ =	sdelay $0x4  }
0x48f: {  	(v2sf) =	vpush v2, $0x6;
	_ =	sdelay $0xe  }
0x490: {  	s1 =	spop (v2sf)  }
0x491: {  	p1 =	slt.s32 s1, $0x186A0  }
0x492: {  	s1 =	sshll.u32 @!p1 s1, $0x9  }
0x493: {  	s1 =	sshra.s32 @!p1 s1, $0x2  }
0x494: {  	s1 =	sadd.s32 @!p1 s1, s4  }
0x495: {  	s2 =	simm.s32 @!p1 $0x3;
	s1 =	sadd.s32 @!p1 $0xFF3CB000, s1  }
0x496: {  	[tilespmem:s30], [sflag:$0x3] =	stream.linear.gather @!p1 [spmem:s1], $0x80, $0x38;
	[tilespmem:$0x10720] =	vst v63  }
0x497: {  	_ =	swait.ge @!p1 [sflag:s2], $0x80  }
0x498: {  	[sflag:s2] =	ssyncset.done @!p1 $0x0  }
0x499: {  	[sflag:s2] =	ssyncadd.s32 @!p1 $0xFFFFFF80  }
.LBB2_94:
0x49a: {  	(v2sf) =	vpush v1, $0x7;
	_ =	sdelay $0xe  }
0x49b: {  	s1 =	spop (v2sf)  }
0x49c: {  	p1 =	slt.s32 s1, $0x186A0  }
.Ltmp50:
0x49d: {  	_ = 	snop;
	(pc) =	sbr.rel @p1 .LBB2_98-.Ltmp50, $1  }
0x49e: {  	_ =	sdelay $0x3  }
0x49f: {  	s1 =	simm.s32 $0x0  }
0x4a0: {  	v2 =	vld [tilespmem:s1+$0x100];
	_ =	sdelay $0x4  }
0x4a1: {  	(v2sf) =	vpush v2, $0x7;
	_ =	sdelay $0xe  }
0x4a2: {  	s1 =	spop (v2sf)  }
0x4a3: {  	p2 =	slt.s32 s1, $0x186A0  }
0x4a4: {  	s1 =	sshll.u32 @!p2 s1, $0x9  }
0x4a5: {  	s1 =	sshra.s32 @!p2 s1, $0x2  }
0x4a6: {  	s1 =	sadd.s32 @!p2 s1, s4  }
0x4a7: {  	s2 =	simm.s32 $0x8780;
	s9 =	simm.s32 @!p2 $0x3;
	s1 =	sadd.s32 @!p2 $0xFF3CB000, s1  }
0x4a8: {  	[tilespmem:s2], [sflag:$0x3] =	stream.linear.gather @!p2 [spmem:s1], $0x80, $0x38;
	[tilespmem:$0x10720] =	vst v63  }
0x4a9: {  	s30 =	simm.s32 $0x8F80;
	_ =	swait.ge @!p2 [sflag:s9], $0x80  }
0x4aa: {  	s2 =	simm.s32 $0x40;
	s1 =	simm.s32 $0x80;
	[sflag:s9] =	ssyncset.done @!p2 $0x0  }
.LBB2_96:
0x4ab: {  	s11 =	sshra.s32 s2, $0x2  }
0x4ac: {  	[sflag:s9] =	ssyncadd.s32 @!p2 $0xFFFFFF80;
	s2 =	smov.u32 s1;
	s1 =	sadd.s32 $0x40, s1  }
0x4ad: {  	p1 =	sne.s32 s1, $0x400;
	v2 =	vld [tilespmem:s11+$0x100];
	_ =	sdelay $0x4  }
0x4ae: {  	(v2sf) =	vpush v2, $0x7;
	_ =	sdelay $0xe  }
0x4af: {  	s9 =	spop (v2sf)  }
0x4b0: {  	p2 =	slt.s32 s9, $0x186A0  }
0x4b1: {  	s9 =	sshll.u32 @!p2 s9, $0x9  }
0x4b2: {  	s9 =	sshra.s32 @!p2 s9, $0x2  }
.Ltmp51:
0x4b3: {  	s9 =	sadd.s32 @!p2 s9, s4;
	(pc) =	sbr.rel @p1 .LBB2_96-.Ltmp51, $4  }
0x4b4: {  	s11 =	sadd.s32 @!p2 $0xFF3CB000, s9;
	s9 =	simm.s32 @!p2 $0x3  }
0x4b5: {  	[tilespmem:s30], [sflag:$0x3] =	stream.linear.gather @!p2 [spmem:s11], $0x80, $0x38;
	[tilespmem:$0x10720] =	vst v63  }
0x4b6: {  	_ =	swait.ge @!p2 [sflag:s9], $0x80  }
0x4b7: {  	s30 =	sadd.s32 $0x800, s30;
	[sflag:s9] =	ssyncset.done @!p2 $0x0  }
0x4b8: {  	s1 =	sshra.s32 s2, $0x2;
	[sflag:s9] =	ssyncadd.s32 @!p2 $0xFFFFFF80  }
0x4b9: {  	v2 =	vld [tilespmem:s1+$0x100];
	_ =	sdelay $0x4  }
0x4ba: {  	(v2sf) =	vpush v2, $0x7;
	_ =	sdelay $0xe  }
0x4bb: {  	s1 =	spop (v2sf)  }
0x4bc: {  	p1 =	slt.s32 s1, $0x186A0  }
0x4bd: {  	s1 =	sshll.u32 @!p1 s1, $0x9  }
0x4be: {  	s1 =	sshra.s32 @!p1 s1, $0x2  }
0x4bf: {  	s1 =	sadd.s32 @!p1 s1, s4  }
0x4c0: {  	s2 =	simm.s32 @!p1 $0x3;
	s1 =	sadd.s32 @!p1 $0xFF3CB000, s1  }
0x4c1: {  	[tilespmem:s30], [sflag:$0x3] =	stream.linear.gather @!p1 [spmem:s1], $0x80, $0x38;
	[tilespmem:$0x10720] =	vst v63  }
0x4c2: {  	_ =	swait.ge @!p1 [sflag:s2], $0x80  }
0x4c3: {  	[sflag:s2] =	ssyncset.done @!p1 $0x0  }
0x4c4: {  	[sflag:s2] =	ssyncadd.s32 @!p1 $0xFFFFFF80  }
.LBB2_98:
0x4c5: {  	(v2sf) =	vpush v1, $0x8;
	_ =	sdelay $0xe  }
0x4c6: {  	s1 =	spop (v2sf)  }
0x4c7: {  	p1 =	slt.s32 s1, $0x186A0  }
.Ltmp52:
0x4c8: {  	_ = 	snop;
	(pc) =	sbr.rel @p1 .LBB2_102-.Ltmp52, $1  }
0x4c9: {  	_ =	sdelay $0x3  }
0x4ca: {  	s1 =	simm.s32 $0x0  }
0x4cb: {  	v2 =	vld [tilespmem:s1+$0x100];
	_ =	sdelay $0x4  }
0x4cc: {  	(v2sf) =	vpush v2, $0x8;
	_ =	sdelay $0xe  }
0x4cd: {  	s1 =	spop (v2sf)  }
0x4ce: {  	p2 =	slt.s32 s1, $0x186A0  }
0x4cf: {  	s1 =	sshll.u32 @!p2 s1, $0x9  }
0x4d0: {  	s1 =	sshra.s32 @!p2 s1, $0x2  }
0x4d1: {  	s1 =	sadd.s32 @!p2 s1, s4  }
0x4d2: {  	s2 =	simm.s32 $0x8800;
	s9 =	simm.s32 @!p2 $0x3;
	s1 =	sadd.s32 @!p2 $0xFF3CB000, s1  }
0x4d3: {  	[tilespmem:s2], [sflag:$0x3] =	stream.linear.gather @!p2 [spmem:s1], $0x80, $0x38;
	[tilespmem:$0x10720] =	vst v63  }
0x4d4: {  	s30 =	simm.s32 $0x9000;
	_ =	swait.ge @!p2 [sflag:s9], $0x80  }
0x4d5: {  	s2 =	simm.s32 $0x40;
	s1 =	simm.s32 $0x80;
	[sflag:s9] =	ssyncset.done @!p2 $0x0  }
.LBB2_100:
0x4d6: {  	s11 =	sshra.s32 s2, $0x2  }
0x4d7: {  	[sflag:s9] =	ssyncadd.s32 @!p2 $0xFFFFFF80;
	s2 =	smov.u32 s1;
	s1 =	sadd.s32 $0x40, s1  }
0x4d8: {  	p1 =	sne.s32 s1, $0x400;
	v2 =	vld [tilespmem:s11+$0x100];
	_ =	sdelay $0x4  }
0x4d9: {  	(v2sf) =	vpush v2, $0x8;
	_ =	sdelay $0xe  }
0x4da: {  	s9 =	spop (v2sf)  }
0x4db: {  	p2 =	slt.s32 s9, $0x186A0  }
0x4dc: {  	s9 =	sshll.u32 @!p2 s9, $0x9  }
0x4dd: {  	s9 =	sshra.s32 @!p2 s9, $0x2  }
.Ltmp53:
0x4de: {  	s9 =	sadd.s32 @!p2 s9, s4;
	(pc) =	sbr.rel @p1 .LBB2_100-.Ltmp53, $4  }
0x4df: {  	s11 =	sadd.s32 @!p2 $0xFF3CB000, s9;
	s9 =	simm.s32 @!p2 $0x3  }
0x4e0: {  	[tilespmem:s30], [sflag:$0x3] =	stream.linear.gather @!p2 [spmem:s11], $0x80, $0x38;
	[tilespmem:$0x10720] =	vst v63  }
0x4e1: {  	_ =	swait.ge @!p2 [sflag:s9], $0x80  }
0x4e2: {  	s30 =	sadd.s32 $0x800, s30;
	[sflag:s9] =	ssyncset.done @!p2 $0x0  }
0x4e3: {  	s1 =	sshra.s32 s2, $0x2;
	[sflag:s9] =	ssyncadd.s32 @!p2 $0xFFFFFF80  }
0x4e4: {  	v2 =	vld [tilespmem:s1+$0x100];
	_ =	sdelay $0x4  }
0x4e5: {  	(v2sf) =	vpush v2, $0x8;
	_ =	sdelay $0xe  }
0x4e6: {  	s1 =	spop (v2sf)  }
0x4e7: {  	p1 =	slt.s32 s1, $0x186A0  }
0x4e8: {  	s1 =	sshll.u32 @!p1 s1, $0x9  }
0x4e9: {  	s1 =	sshra.s32 @!p1 s1, $0x2  }
0x4ea: {  	s1 =	sadd.s32 @!p1 s1, s4  }
0x4eb: {  	s2 =	simm.s32 @!p1 $0x3;
	s1 =	sadd.s32 @!p1 $0xFF3CB000, s1  }
0x4ec: {  	[tilespmem:s30], [sflag:$0x3] =	stream.linear.gather @!p1 [spmem:s1], $0x80, $0x38;
	[tilespmem:$0x10720] =	vst v63  }
0x4ed: {  	_ =	swait.ge @!p1 [sflag:s2], $0x80  }
0x4ee: {  	[sflag:s2] =	ssyncset.done @!p1 $0x0  }
0x4ef: {  	[sflag:s2] =	ssyncadd.s32 @!p1 $0xFFFFFF80  }
.LBB2_102:
0x4f0: {  	(v2sf) =	vpush v1, $0x9;
	_ =	sdelay $0xe  }
0x4f1: {  	s1 =	spop (v2sf)  }
0x4f2: {  	p1 =	slt.s32 s1, $0x186A0  }
.Ltmp54:
0x4f3: {  	_ = 	snop;
	(pc) =	sbr.rel @p1 .LBB2_106-.Ltmp54, $1  }
0x4f4: {  	_ =	sdelay $0x3  }
0x4f5: {  	s1 =	simm.s32 $0x0  }
0x4f6: {  	v2 =	vld [tilespmem:s1+$0x100];
	_ =	sdelay $0x4  }
0x4f7: {  	(v2sf) =	vpush v2, $0x9;
	_ =	sdelay $0xe  }
0x4f8: {  	s1 =	spop (v2sf)  }
0x4f9: {  	p2 =	slt.s32 s1, $0x186A0  }
0x4fa: {  	s1 =	sshll.u32 @!p2 s1, $0x9  }
0x4fb: {  	s1 =	sshra.s32 @!p2 s1, $0x2  }
0x4fc: {  	s1 =	sadd.s32 @!p2 s1, s4  }
0x4fd: {  	s2 =	simm.s32 $0x8880;
	s9 =	simm.s32 @!p2 $0x3;
	s1 =	sadd.s32 @!p2 $0xFF3CB000, s1  }
0x4fe: {  	[tilespmem:s2], [sflag:$0x3] =	stream.linear.gather @!p2 [spmem:s1], $0x80, $0x38;
	[tilespmem:$0x10720] =	vst v63  }
0x4ff: {  	s30 =	simm.s32 $0x9080;
	_ =	swait.ge @!p2 [sflag:s9], $0x80  }
0x500: {  	s2 =	simm.s32 $0x40;
	s1 =	simm.s32 $0x80;
	[sflag:s9] =	ssyncset.done @!p2 $0x0  }
.LBB2_104:
0x501: {  	s11 =	sshra.s32 s2, $0x2  }
0x502: {  	[sflag:s9] =	ssyncadd.s32 @!p2 $0xFFFFFF80;
	s2 =	smov.u32 s1;
	s1 =	sadd.s32 $0x40, s1  }
0x503: {  	p1 =	sne.s32 s1, $0x400;
	v2 =	vld [tilespmem:s11+$0x100];
	_ =	sdelay $0x4  }
0x504: {  	(v2sf) =	vpush v2, $0x9;
	_ =	sdelay $0xe  }
0x505: {  	s9 =	spop (v2sf)  }
0x506: {  	p2 =	slt.s32 s9, $0x186A0  }
0x507: {  	s9 =	sshll.u32 @!p2 s9, $0x9  }
0x508: {  	s9 =	sshra.s32 @!p2 s9, $0x2  }
.Ltmp55:
0x509: {  	s9 =	sadd.s32 @!p2 s9, s4;
	(pc) =	sbr.rel @p1 .LBB2_104-.Ltmp55, $4  }
0x50a: {  	s11 =	sadd.s32 @!p2 $0xFF3CB000, s9;
	s9 =	simm.s32 @!p2 $0x3  }
0x50b: {  	[tilespmem:s30], [sflag:$0x3] =	stream.linear.gather @!p2 [spmem:s11], $0x80, $0x38;
	[tilespmem:$0x10720] =	vst v63  }
0x50c: {  	_ =	swait.ge @!p2 [sflag:s9], $0x80  }
0x50d: {  	s30 =	sadd.s32 $0x800, s30;
	[sflag:s9] =	ssyncset.done @!p2 $0x0  }
0x50e: {  	s1 =	sshra.s32 s2, $0x2;
	[sflag:s9] =	ssyncadd.s32 @!p2 $0xFFFFFF80  }
0x50f: {  	v2 =	vld [tilespmem:s1+$0x100];
	_ =	sdelay $0x4  }
0x510: {  	(v2sf) =	vpush v2, $0x9;
	_ =	sdelay $0xe  }
0x511: {  	s1 =	spop (v2sf)  }
0x512: {  	p1 =	slt.s32 s1, $0x186A0  }
0x513: {  	s1 =	sshll.u32 @!p1 s1, $0x9  }
0x514: {  	s1 =	sshra.s32 @!p1 s1, $0x2  }
0x515: {  	s1 =	sadd.s32 @!p1 s1, s4  }
0x516: {  	s2 =	simm.s32 @!p1 $0x3;
	s1 =	sadd.s32 @!p1 $0xFF3CB000, s1  }
0x517: {  	[tilespmem:s30], [sflag:$0x3] =	stream.linear.gather @!p1 [spmem:s1], $0x80, $0x38;
	[tilespmem:$0x10720] =	vst v63  }
0x518: {  	_ =	swait.ge @!p1 [sflag:s2], $0x80  }
0x519: {  	[sflag:s2] =	ssyncset.done @!p1 $0x0  }
0x51a: {  	[sflag:s2] =	ssyncadd.s32 @!p1 $0xFFFFFF80  }
.LBB2_106:
0x51b: {  	(v2sf) =	vpush v1, $0xA;
	_ =	sdelay $0xe  }
0x51c: {  	s1 =	spop (v2sf)  }
0x51d: {  	p1 =	slt.s32 s1, $0x186A0  }
.Ltmp56:
0x51e: {  	_ = 	snop;
	(pc) =	sbr.rel @p1 .LBB2_110-.Ltmp56, $1  }
0x51f: {  	_ =	sdelay $0x3  }
0x520: {  	s1 =	simm.s32 $0x0  }
0x521: {  	v2 =	vld [tilespmem:s1+$0x100];
	_ =	sdelay $0x4  }
0x522: {  	(v2sf) =	vpush v2, $0xA;
	_ =	sdelay $0xe  }
0x523: {  	s1 =	spop (v2sf)  }
0x524: {  	p2 =	slt.s32 s1, $0x186A0  }
0x525: {  	s1 =	sshll.u32 @!p2 s1, $0x9  }
0x526: {  	s1 =	sshra.s32 @!p2 s1, $0x2  }
0x527: {  	s1 =	sadd.s32 @!p2 s1, s4  }
0x528: {  	s2 =	simm.s32 $0x8900;
	s9 =	simm.s32 @!p2 $0x3;
	s1 =	sadd.s32 @!p2 $0xFF3CB000, s1  }
0x529: {  	[tilespmem:s2], [sflag:$0x3] =	stream.linear.gather @!p2 [spmem:s1], $0x80, $0x38;
	[tilespmem:$0x10720] =	vst v63  }
0x52a: {  	s30 =	simm.s32 $0x9100;
	_ =	swait.ge @!p2 [sflag:s9], $0x80  }
0x52b: {  	s2 =	simm.s32 $0x40;
	s1 =	simm.s32 $0x80;
	[sflag:s9] =	ssyncset.done @!p2 $0x0  }
.LBB2_108:
0x52c: {  	s11 =	sshra.s32 s2, $0x2  }
0x52d: {  	[sflag:s9] =	ssyncadd.s32 @!p2 $0xFFFFFF80;
	s2 =	smov.u32 s1;
	s1 =	sadd.s32 $0x40, s1  }
0x52e: {  	p1 =	sne.s32 s1, $0x400;
	v2 =	vld [tilespmem:s11+$0x100];
	_ =	sdelay $0x4  }
0x52f: {  	(v2sf) =	vpush v2, $0xA;
	_ =	sdelay $0xe  }
0x530: {  	s9 =	spop (v2sf)  }
0x531: {  	p2 =	slt.s32 s9, $0x186A0  }
0x532: {  	s9 =	sshll.u32 @!p2 s9, $0x9  }
0x533: {  	s9 =	sshra.s32 @!p2 s9, $0x2  }
.Ltmp57:
0x534: {  	s9 =	sadd.s32 @!p2 s9, s4;
	(pc) =	sbr.rel @p1 .LBB2_108-.Ltmp57, $4  }
0x535: {  	s11 =	sadd.s32 @!p2 $0xFF3CB000, s9;
	s9 =	simm.s32 @!p2 $0x3  }
0x536: {  	[tilespmem:s30], [sflag:$0x3] =	stream.linear.gather @!p2 [spmem:s11], $0x80, $0x38;
	[tilespmem:$0x10720] =	vst v63  }
0x537: {  	_ =	swait.ge @!p2 [sflag:s9], $0x80  }
0x538: {  	s30 =	sadd.s32 $0x800, s30;
	[sflag:s9] =	ssyncset.done @!p2 $0x0  }
0x539: {  	s1 =	sshra.s32 s2, $0x2;
	[sflag:s9] =	ssyncadd.s32 @!p2 $0xFFFFFF80  }
0x53a: {  	v2 =	vld [tilespmem:s1+$0x100];
	_ =	sdelay $0x4  }
0x53b: {  	(v2sf) =	vpush v2, $0xA;
	_ =	sdelay $0xe  }
0x53c: {  	s1 =	spop (v2sf)  }
0x53d: {  	p1 =	slt.s32 s1, $0x186A0  }
0x53e: {  	s1 =	sshll.u32 @!p1 s1, $0x9  }
0x53f: {  	s1 =	sshra.s32 @!p1 s1, $0x2  }
0x540: {  	s1 =	sadd.s32 @!p1 s1, s4  }
0x541: {  	s2 =	simm.s32 @!p1 $0x3;
	s1 =	sadd.s32 @!p1 $0xFF3CB000, s1  }
0x542: {  	[tilespmem:s30], [sflag:$0x3] =	stream.linear.gather @!p1 [spmem:s1], $0x80, $0x38;
	[tilespmem:$0x10720] =	vst v63  }
0x543: {  	_ =	swait.ge @!p1 [sflag:s2], $0x80  }
0x544: {  	[sflag:s2] =	ssyncset.done @!p1 $0x0  }
0x545: {  	[sflag:s2] =	ssyncadd.s32 @!p1 $0xFFFFFF80  }
.LBB2_110:
0x546: {  	(v2sf) =	vpush v1, $0xB;
	_ =	sdelay $0xe  }
0x547: {  	s1 =	spop (v2sf)  }
0x548: {  	p1 =	slt.s32 s1, $0x186A0  }
.Ltmp58:
0x549: {  	_ = 	snop;
	(pc) =	sbr.rel @p1 .LBB2_114-.Ltmp58, $1  }
0x54a: {  	_ =	sdelay $0x3  }
0x54b: {  	s1 =	simm.s32 $0x0  }
0x54c: {  	v2 =	vld [tilespmem:s1+$0x100];
	_ =	sdelay $0x4  }
0x54d: {  	(v2sf) =	vpush v2, $0xB;
	_ =	sdelay $0xe  }
0x54e: {  	s1 =	spop (v2sf)  }
0x54f: {  	p2 =	slt.s32 s1, $0x186A0  }
0x550: {  	s1 =	sshll.u32 @!p2 s1, $0x9  }
0x551: {  	s1 =	sshra.s32 @!p2 s1, $0x2  }
0x552: {  	s1 =	sadd.s32 @!p2 s1, s4  }
0x553: {  	s2 =	simm.s32 $0x8980;
	s9 =	simm.s32 @!p2 $0x3;
	s1 =	sadd.s32 @!p2 $0xFF3CB000, s1  }
0x554: {  	[tilespmem:s2], [sflag:$0x3] =	stream.linear.gather @!p2 [spmem:s1], $0x80, $0x38;
	[tilespmem:$0x10720] =	vst v63  }
0x555: {  	s30 =	simm.s32 $0x9180;
	_ =	swait.ge @!p2 [sflag:s9], $0x80  }
0x556: {  	s2 =	simm.s32 $0x40;
	s1 =	simm.s32 $0x80;
	[sflag:s9] =	ssyncset.done @!p2 $0x0  }
.LBB2_112:
0x557: {  	s11 =	sshra.s32 s2, $0x2  }
0x558: {  	[sflag:s9] =	ssyncadd.s32 @!p2 $0xFFFFFF80;
	s2 =	smov.u32 s1;
	s1 =	sadd.s32 $0x40, s1  }
0x559: {  	p1 =	sne.s32 s1, $0x400;
	v2 =	vld [tilespmem:s11+$0x100];
	_ =	sdelay $0x4  }
0x55a: {  	(v2sf) =	vpush v2, $0xB;
	_ =	sdelay $0xe  }
0x55b: {  	s9 =	spop (v2sf)  }
0x55c: {  	p2 =	slt.s32 s9, $0x186A0  }
0x55d: {  	s9 =	sshll.u32 @!p2 s9, $0x9  }
0x55e: {  	s9 =	sshra.s32 @!p2 s9, $0x2  }
.Ltmp59:
0x55f: {  	s9 =	sadd.s32 @!p2 s9, s4;
	(pc) =	sbr.rel @p1 .LBB2_112-.Ltmp59, $4  }
0x560: {  	s11 =	sadd.s32 @!p2 $0xFF3CB000, s9;
	s9 =	simm.s32 @!p2 $0x3  }
0x561: {  	[tilespmem:s30], [sflag:$0x3] =	stream.linear.gather @!p2 [spmem:s11], $0x80, $0x38;
	[tilespmem:$0x10720] =	vst v63  }
0x562: {  	_ =	swait.ge @!p2 [sflag:s9], $0x80  }
0x563: {  	s30 =	sadd.s32 $0x800, s30;
	[sflag:s9] =	ssyncset.done @!p2 $0x0  }
0x564: {  	s1 =	sshra.s32 s2, $0x2;
	[sflag:s9] =	ssyncadd.s32 @!p2 $0xFFFFFF80  }
0x565: {  	v2 =	vld [tilespmem:s1+$0x100];
	_ =	sdelay $0x4  }
0x566: {  	(v2sf) =	vpush v2, $0xB;
	_ =	sdelay $0xe  }
0x567: {  	s1 =	spop (v2sf)  }
0x568: {  	p1 =	slt.s32 s1, $0x186A0  }
0x569: {  	s1 =	sshll.u32 @!p1 s1, $0x9  }
0x56a: {  	s1 =	sshra.s32 @!p1 s1, $0x2  }
0x56b: {  	s1 =	sadd.s32 @!p1 s1, s4  }
0x56c: {  	s2 =	simm.s32 @!p1 $0x3;
	s1 =	sadd.s32 @!p1 $0xFF3CB000, s1  }
0x56d: {  	[tilespmem:s30], [sflag:$0x3] =	stream.linear.gather @!p1 [spmem:s1], $0x80, $0x38;
	[tilespmem:$0x10720] =	vst v63  }
0x56e: {  	_ =	swait.ge @!p1 [sflag:s2], $0x80  }
0x56f: {  	[sflag:s2] =	ssyncset.done @!p1 $0x0  }
0x570: {  	[sflag:s2] =	ssyncadd.s32 @!p1 $0xFFFFFF80  }
.LBB2_114:
0x571: {  	(v2sf) =	vpush v1, $0xC;
	_ =	sdelay $0xe  }
0x572: {  	s1 =	spop (v2sf)  }
0x573: {  	p1 =	slt.s32 s1, $0x186A0  }
.Ltmp60:
0x574: {  	_ = 	snop;
	(pc) =	sbr.rel @p1 .LBB2_118-.Ltmp60, $1  }
0x575: {  	_ =	sdelay $0x3  }
0x576: {  	s1 =	simm.s32 $0x0  }
0x577: {  	v2 =	vld [tilespmem:s1+$0x100];
	_ =	sdelay $0x4  }
0x578: {  	(v2sf) =	vpush v2, $0xC;
	_ =	sdelay $0xe  }
0x579: {  	s1 =	spop (v2sf)  }
0x57a: {  	p2 =	slt.s32 s1, $0x186A0  }
0x57b: {  	s1 =	sshll.u32 @!p2 s1, $0x9  }
0x57c: {  	s1 =	sshra.s32 @!p2 s1, $0x2  }
0x57d: {  	s1 =	sadd.s32 @!p2 s1, s4  }
0x57e: {  	s2 =	simm.s32 $0x8A00;
	s9 =	simm.s32 @!p2 $0x3;
	s1 =	sadd.s32 @!p2 $0xFF3CB000, s1  }
0x57f: {  	[tilespmem:s2], [sflag:$0x3] =	stream.linear.gather @!p2 [spmem:s1], $0x80, $0x38;
	[tilespmem:$0x10720] =	vst v63  }
0x580: {  	s30 =	simm.s32 $0x9200;
	_ =	swait.ge @!p2 [sflag:s9], $0x80  }
0x581: {  	s2 =	simm.s32 $0x40;
	s1 =	simm.s32 $0x80;
	[sflag:s9] =	ssyncset.done @!p2 $0x0  }
.LBB2_116:
0x582: {  	s11 =	sshra.s32 s2, $0x2  }
0x583: {  	[sflag:s9] =	ssyncadd.s32 @!p2 $0xFFFFFF80;
	s2 =	smov.u32 s1;
	s1 =	sadd.s32 $0x40, s1  }
0x584: {  	p1 =	sne.s32 s1, $0x400;
	v2 =	vld [tilespmem:s11+$0x100];
	_ =	sdelay $0x4  }
0x585: {  	(v2sf) =	vpush v2, $0xC;
	_ =	sdelay $0xe  }
0x586: {  	s9 =	spop (v2sf)  }
0x587: {  	p2 =	slt.s32 s9, $0x186A0  }
0x588: {  	s9 =	sshll.u32 @!p2 s9, $0x9  }
0x589: {  	s9 =	sshra.s32 @!p2 s9, $0x2  }
.Ltmp61:
0x58a: {  	s9 =	sadd.s32 @!p2 s9, s4;
	(pc) =	sbr.rel @p1 .LBB2_116-.Ltmp61, $4  }
0x58b: {  	s11 =	sadd.s32 @!p2 $0xFF3CB000, s9;
	s9 =	simm.s32 @!p2 $0x3  }
0x58c: {  	[tilespmem:s30], [sflag:$0x3] =	stream.linear.gather @!p2 [spmem:s11], $0x80, $0x38;
	[tilespmem:$0x10720] =	vst v63  }
0x58d: {  	_ =	swait.ge @!p2 [sflag:s9], $0x80  }
0x58e: {  	s30 =	sadd.s32 $0x800, s30;
	[sflag:s9] =	ssyncset.done @!p2 $0x0  }
0x58f: {  	s1 =	sshra.s32 s2, $0x2;
	[sflag:s9] =	ssyncadd.s32 @!p2 $0xFFFFFF80  }
0x590: {  	v2 =	vld [tilespmem:s1+$0x100];
	_ =	sdelay $0x4  }
0x591: {  	(v2sf) =	vpush v2, $0xC;
	_ =	sdelay $0xe  }
0x592: {  	s1 =	spop (v2sf)  }
0x593: {  	p1 =	slt.s32 s1, $0x186A0  }
0x594: {  	s1 =	sshll.u32 @!p1 s1, $0x9  }
0x595: {  	s1 =	sshra.s32 @!p1 s1, $0x2  }
0x596: {  	s1 =	sadd.s32 @!p1 s1, s4  }
0x597: {  	s2 =	simm.s32 @!p1 $0x3;
	s1 =	sadd.s32 @!p1 $0xFF3CB000, s1  }
0x598: {  	[tilespmem:s30], [sflag:$0x3] =	stream.linear.gather @!p1 [spmem:s1], $0x80, $0x38;
	[tilespmem:$0x10720] =	vst v63  }
0x599: {  	_ =	swait.ge @!p1 [sflag:s2], $0x80  }
0x59a: {  	[sflag:s2] =	ssyncset.done @!p1 $0x0  }
0x59b: {  	[sflag:s2] =	ssyncadd.s32 @!p1 $0xFFFFFF80  }
.LBB2_118:
0x59c: {  	(v2sf) =	vpush v1, $0xD;
	_ =	sdelay $0xe  }
0x59d: {  	s1 =	spop (v2sf)  }
0x59e: {  	p1 =	slt.s32 s1, $0x186A0  }
.Ltmp62:
0x59f: {  	_ = 	snop;
	(pc) =	sbr.rel @p1 .LBB2_122-.Ltmp62, $1  }
0x5a0: {  	_ =	sdelay $0x3  }
0x5a1: {  	s1 =	simm.s32 $0x0  }
0x5a2: {  	v2 =	vld [tilespmem:s1+$0x100];
	_ =	sdelay $0x4  }
0x5a3: {  	(v2sf) =	vpush v2, $0xD;
	_ =	sdelay $0xe  }
0x5a4: {  	s1 =	spop (v2sf)  }
0x5a5: {  	p2 =	slt.s32 s1, $0x186A0  }
0x5a6: {  	s1 =	sshll.u32 @!p2 s1, $0x9  }
0x5a7: {  	s1 =	sshra.s32 @!p2 s1, $0x2  }
0x5a8: {  	s1 =	sadd.s32 @!p2 s1, s4  }
0x5a9: {  	s2 =	simm.s32 $0x8A80;
	s9 =	simm.s32 @!p2 $0x3;
	s1 =	sadd.s32 @!p2 $0xFF3CB000, s1  }
0x5aa: {  	[tilespmem:s2], [sflag:$0x3] =	stream.linear.gather @!p2 [spmem:s1], $0x80, $0x38;
	[tilespmem:$0x10720] =	vst v63  }
0x5ab: {  	s30 =	simm.s32 $0x9280;
	_ =	swait.ge @!p2 [sflag:s9], $0x80  }
0x5ac: {  	s2 =	simm.s32 $0x40;
	s1 =	simm.s32 $0x80;
	[sflag:s9] =	ssyncset.done @!p2 $0x0  }
.LBB2_120:
0x5ad: {  	s11 =	sshra.s32 s2, $0x2  }
0x5ae: {  	[sflag:s9] =	ssyncadd.s32 @!p2 $0xFFFFFF80;
	s2 =	smov.u32 s1;
	s1 =	sadd.s32 $0x40, s1  }
0x5af: {  	p1 =	sne.s32 s1, $0x400;
	v2 =	vld [tilespmem:s11+$0x100];
	_ =	sdelay $0x4  }
0x5b0: {  	(v2sf) =	vpush v2, $0xD;
	_ =	sdelay $0xe  }
0x5b1: {  	s9 =	spop (v2sf)  }
0x5b2: {  	p2 =	slt.s32 s9, $0x186A0  }
0x5b3: {  	s9 =	sshll.u32 @!p2 s9, $0x9  }
0x5b4: {  	s9 =	sshra.s32 @!p2 s9, $0x2  }
.Ltmp63:
0x5b5: {  	s9 =	sadd.s32 @!p2 s9, s4;
	(pc) =	sbr.rel @p1 .LBB2_120-.Ltmp63, $4  }
0x5b6: {  	s11 =	sadd.s32 @!p2 $0xFF3CB000, s9;
	s9 =	simm.s32 @!p2 $0x3  }
0x5b7: {  	[tilespmem:s30], [sflag:$0x3] =	stream.linear.gather @!p2 [spmem:s11], $0x80, $0x38;
	[tilespmem:$0x10720] =	vst v63  }
0x5b8: {  	_ =	swait.ge @!p2 [sflag:s9], $0x80  }
0x5b9: {  	s30 =	sadd.s32 $0x800, s30;
	[sflag:s9] =	ssyncset.done @!p2 $0x0  }
0x5ba: {  	s1 =	sshra.s32 s2, $0x2;
	[sflag:s9] =	ssyncadd.s32 @!p2 $0xFFFFFF80  }
0x5bb: {  	v2 =	vld [tilespmem:s1+$0x100];
	_ =	sdelay $0x4  }
0x5bc: {  	(v2sf) =	vpush v2, $0xD;
	_ =	sdelay $0xe  }
0x5bd: {  	s1 =	spop (v2sf)  }
0x5be: {  	p1 =	slt.s32 s1, $0x186A0  }
0x5bf: {  	s1 =	sshll.u32 @!p1 s1, $0x9  }
0x5c0: {  	s1 =	sshra.s32 @!p1 s1, $0x2  }
0x5c1: {  	s1 =	sadd.s32 @!p1 s1, s4  }
0x5c2: {  	s2 =	simm.s32 @!p1 $0x3;
	s1 =	sadd.s32 @!p1 $0xFF3CB000, s1  }
0x5c3: {  	[tilespmem:s30], [sflag:$0x3] =	stream.linear.gather @!p1 [spmem:s1], $0x80, $0x38;
	[tilespmem:$0x10720] =	vst v63  }
0x5c4: {  	_ =	swait.ge @!p1 [sflag:s2], $0x80  }
0x5c5: {  	[sflag:s2] =	ssyncset.done @!p1 $0x0  }
0x5c6: {  	[sflag:s2] =	ssyncadd.s32 @!p1 $0xFFFFFF80  }
.LBB2_122:
0x5c7: {  	(v2sf) =	vpush v1, $0xE;
	_ =	sdelay $0xe  }
0x5c8: {  	s1 =	spop (v2sf)  }
0x5c9: {  	p1 =	slt.s32 s1, $0x186A0  }
.Ltmp64:
0x5ca: {  	_ = 	snop;
	(pc) =	sbr.rel @p1 .LBB2_126-.Ltmp64, $1  }
0x5cb: {  	_ =	sdelay $0x3  }
0x5cc: {  	s1 =	simm.s32 $0x0  }
0x5cd: {  	v2 =	vld [tilespmem:s1+$0x100];
	_ =	sdelay $0x4  }
0x5ce: {  	(v2sf) =	vpush v2, $0xE;
	_ =	sdelay $0xe  }
0x5cf: {  	s1 =	spop (v2sf)  }
0x5d0: {  	p2 =	slt.s32 s1, $0x186A0  }
0x5d1: {  	s1 =	sshll.u32 @!p2 s1, $0x9  }
0x5d2: {  	s1 =	sshra.s32 @!p2 s1, $0x2  }
0x5d3: {  	s1 =	sadd.s32 @!p2 s1, s4  }
0x5d4: {  	s2 =	simm.s32 $0x8B00;
	s9 =	simm.s32 @!p2 $0x3;
	s1 =	sadd.s32 @!p2 $0xFF3CB000, s1  }
0x5d5: {  	[tilespmem:s2], [sflag:$0x3] =	stream.linear.gather @!p2 [spmem:s1], $0x80, $0x38;
	[tilespmem:$0x10720] =	vst v63  }
0x5d6: {  	s30 =	simm.s32 $0x9300;
	_ =	swait.ge @!p2 [sflag:s9], $0x80  }
0x5d7: {  	s2 =	simm.s32 $0x40;
	s1 =	simm.s32 $0x80;
	[sflag:s9] =	ssyncset.done @!p2 $0x0  }
.LBB2_124:
0x5d8: {  	s11 =	sshra.s32 s2, $0x2  }
0x5d9: {  	[sflag:s9] =	ssyncadd.s32 @!p2 $0xFFFFFF80;
	s2 =	smov.u32 s1;
	s1 =	sadd.s32 $0x40, s1  }
0x5da: {  	p1 =	sne.s32 s1, $0x400;
	v2 =	vld [tilespmem:s11+$0x100];
	_ =	sdelay $0x4  }
0x5db: {  	(v2sf) =	vpush v2, $0xE;
	_ =	sdelay $0xe  }
0x5dc: {  	s9 =	spop (v2sf)  }
0x5dd: {  	p2 =	slt.s32 s9, $0x186A0  }
0x5de: {  	s9 =	sshll.u32 @!p2 s9, $0x9  }
0x5df: {  	s9 =	sshra.s32 @!p2 s9, $0x2  }
.Ltmp65:
0x5e0: {  	s9 =	sadd.s32 @!p2 s9, s4;
	(pc) =	sbr.rel @p1 .LBB2_124-.Ltmp65, $4  }
0x5e1: {  	s11 =	sadd.s32 @!p2 $0xFF3CB000, s9;
	s9 =	simm.s32 @!p2 $0x3  }
0x5e2: {  	[tilespmem:s30], [sflag:$0x3] =	stream.linear.gather @!p2 [spmem:s11], $0x80, $0x38;
	[tilespmem:$0x10720] =	vst v63  }
0x5e3: {  	_ =	swait.ge @!p2 [sflag:s9], $0x80  }
0x5e4: {  	s30 =	sadd.s32 $0x800, s30;
	[sflag:s9] =	ssyncset.done @!p2 $0x0  }
0x5e5: {  	s1 =	sshra.s32 s2, $0x2;
	[sflag:s9] =	ssyncadd.s32 @!p2 $0xFFFFFF80  }
0x5e6: {  	v2 =	vld [tilespmem:s1+$0x100];
	_ =	sdelay $0x4  }
0x5e7: {  	(v2sf) =	vpush v2, $0xE;
	_ =	sdelay $0xe  }
0x5e8: {  	s1 =	spop (v2sf)  }
0x5e9: {  	p1 =	slt.s32 s1, $0x186A0  }
0x5ea: {  	s1 =	sshll.u32 @!p1 s1, $0x9  }
0x5eb: {  	s1 =	sshra.s32 @!p1 s1, $0x2  }
0x5ec: {  	s1 =	sadd.s32 @!p1 s1, s4  }
0x5ed: {  	s2 =	simm.s32 @!p1 $0x3;
	s1 =	sadd.s32 @!p1 $0xFF3CB000, s1  }
0x5ee: {  	[tilespmem:s30], [sflag:$0x3] =	stream.linear.gather @!p1 [spmem:s1], $0x80, $0x38;
	[tilespmem:$0x10720] =	vst v63  }
0x5ef: {  	_ =	swait.ge @!p1 [sflag:s2], $0x80  }
0x5f0: {  	[sflag:s2] =	ssyncset.done @!p1 $0x0  }
0x5f1: {  	[sflag:s2] =	ssyncadd.s32 @!p1 $0xFFFFFF80  }
.LBB2_126:
0x5f2: {  	(v2sf) =	vpush v1, $0xF;
	_ =	sdelay $0xe  }
0x5f3: {  	s1 =	spop (v2sf)  }
0x5f4: {  	p1 =	slt.s32 s1, $0x186A0  }
.Ltmp66:
0x5f5: {  	_ = 	snop;
	(pc) =	sbr.rel @p1 .LBB2_130-.Ltmp66, $1  }
0x5f6: {  	_ =	sdelay $0x3  }
0x5f7: {  	s1 =	simm.s32 $0x0  }
0x5f8: {  	v1 =	vld [tilespmem:s1+$0x100];
	_ =	sdelay $0x4  }
0x5f9: {  	(v2sf) =	vpush v1, $0xF;
	_ =	sdelay $0xe  }
0x5fa: {  	s1 =	spop (v2sf)  }
0x5fb: {  	p2 =	slt.s32 s1, $0x186A0  }
0x5fc: {  	s1 =	sshll.u32 @!p2 s1, $0x9  }
0x5fd: {  	s1 =	sshra.s32 @!p2 s1, $0x2  }
0x5fe: {  	s1 =	sadd.s32 @!p2 s1, s4  }
0x5ff: {  	s2 =	simm.s32 $0x8B80;
	s9 =	simm.s32 @!p2 $0x3;
	s1 =	sadd.s32 @!p2 $0xFF3CB000, s1  }
0x600: {  	[tilespmem:s2], [sflag:$0x3] =	stream.linear.gather @!p2 [spmem:s1], $0x80, $0x38;
	[tilespmem:$0x10720] =	vst v63  }
0x601: {  	s30 =	simm.s32 $0x9380;
	_ =	swait.ge @!p2 [sflag:s9], $0x80  }
0x602: {  	s2 =	simm.s32 $0x40;
	s1 =	simm.s32 $0x80;
	[sflag:s9] =	ssyncset.done @!p2 $0x0  }
.LBB2_128:
0x603: {  	s11 =	sshra.s32 s2, $0x2  }
0x604: {  	[sflag:s9] =	ssyncadd.s32 @!p2 $0xFFFFFF80;
	s2 =	smov.u32 s1;
	s1 =	sadd.s32 $0x40, s1  }
0x605: {  	p1 =	sne.s32 s1, $0x400;
	v1 =	vld [tilespmem:s11+$0x100];
	_ =	sdelay $0x4  }
0x606: {  	(v2sf) =	vpush v1, $0xF;
	_ =	sdelay $0xe  }
0x607: {  	s9 =	spop (v2sf)  }
0x608: {  	p2 =	slt.s32 s9, $0x186A0  }
0x609: {  	s9 =	sshll.u32 @!p2 s9, $0x9  }
0x60a: {  	s9 =	sshra.s32 @!p2 s9, $0x2  }
.Ltmp67:
0x60b: {  	s9 =	sadd.s32 @!p2 s9, s4;
	(pc) =	sbr.rel @p1 .LBB2_128-.Ltmp67, $4  }
0x60c: {  	s11 =	sadd.s32 @!p2 $0xFF3CB000, s9;
	s9 =	simm.s32 @!p2 $0x3  }
0x60d: {  	[tilespmem:s30], [sflag:$0x3] =	stream.linear.gather @!p2 [spmem:s11], $0x80, $0x38;
	[tilespmem:$0x10720] =	vst v63  }
0x60e: {  	_ =	swait.ge @!p2 [sflag:s9], $0x80  }
0x60f: {  	s30 =	sadd.s32 $0x800, s30;
	[sflag:s9] =	ssyncset.done @!p2 $0x0  }
0x610: {  	s1 =	sshra.s32 s2, $0x2;
	[sflag:s9] =	ssyncadd.s32 @!p2 $0xFFFFFF80  }
0x611: {  	v1 =	vld [tilespmem:s1+$0x100];
	_ =	sdelay $0x4  }
0x612: {  	(v2sf) =	vpush v1, $0xF;
	_ =	sdelay $0xe  }
0x613: {  	s1 =	spop (v2sf)  }
0x614: {  	p1 =	slt.s32 s1, $0x186A0  }
0x615: {  	s1 =	sshll.u32 @!p1 s1, $0x9  }
0x616: {  	s1 =	sshra.s32 @!p1 s1, $0x2  }
0x617: {  	s1 =	sadd.s32 @!p1 s1, s4  }
.Ltmp68:
0x618: {  	s2 =	simm.s32 @!p1 $0x3;
	s1 =	sadd.s32 @!p1 $0xFF3CB000, s1;
	(pc) =	sbr.rel .LBB2_130-.Ltmp68, $4  }
0x619: {  	[tilespmem:s30], [sflag:$0x3] =	stream.linear.gather @!p1 [spmem:s1], $0x80, $0x38;
	[tilespmem:$0x10720] =	vst v63  }
0x61a: {  	_ =	swait.ge @!p1 [sflag:s2], $0x80  }
0x61b: {  	[sflag:s2] =	ssyncset.done @!p1 $0x0  }
0x61c: {  	[sflag:s2] =	ssyncadd.s32 @!p1 $0xFFFFFF80  }
.LBB2_131:
0x61d: {  	_ =	swait.ge [sflag:s24], $0x4000  }
0x61e: {  	[sflag:s24] =	ssyncset.done $0x0  }
0x61f: {  	[sflag:s24] =	ssyncadd.s32 $0xFFFFC000  }
0x620: {  	_ =	swait.ge [sflag:s24], $0x4000  }
0x621: {  	(v2sf) =	vpush v0, $0x0;
	_ =	sdelay $0xe  }
0x622: {  	s1 =	spop (v2sf)  }
0x623: {  	p1 =	slt.s32 s1, $0x186A0  }
.Ltmp69:
0x624: {  	_ = 	snop;
	(pc) =	sbr.rel @p1 .LBB2_135-.Ltmp69, $3  }
0x625: {  	_ =	sdelay $0x1  }
0x626: {  	[sflag:s24] =	ssyncset.done $0x0  }
0x627: {  	[sflag:s24] =	ssyncadd.s32 $0xFFFFC000  }
0x628: {  	s1 =	simm.s32 $0x0  }
0x629: {  	v1 =	vld [tilespmem:s1+$0x0];
	_ =	sdelay $0x4  }
0x62a: {  	(v2sf) =	vpush v1, $0x0;
	_ =	sdelay $0xe  }
0x62b: {  	s1 =	spop (v2sf)  }
0x62c: {  	p2 =	slt.s32 s1, $0x186A0  }
0x62d: {  	s1 =	sshll.u32 @!p2 s1, $0x9  }
0x62e: {  	s1 =	sshra.s32 @!p2 s1, $0x2  }
0x62f: {  	s1 =	sadd.s32 @!p2 s1, s4  }
0x630: {  	s2 =	simm.s32 $0x400;
	s9 =	simm.s32 @!p2 $0x3;
	s1 =	sadd.s32 @!p2 $0xFF3CB000, s1  }
0x631: {  	[tilespmem:s2], [sflag:$0x3] =	stream.linear.gather @!p2 [spmem:s1], $0x80, $0x38;
	[tilespmem:$0x10720] =	vst v63  }
0x632: {  	s28 =	simm.s32 $0xC00;
	_ =	swait.ge @!p2 [sflag:s9], $0x80  }
0x633: {  	s2 =	simm.s32 $0x40;
	s1 =	simm.s32 $0x80;
	[sflag:s9] =	ssyncset.done @!p2 $0x0  }
.LBB2_133:
0x634: {  	s11 =	sshra.s32 s2, $0x2  }
0x635: {  	[sflag:s9] =	ssyncadd.s32 @!p2 $0xFFFFFF80;
	s2 =	smov.u32 s1;
	s1 =	sadd.s32 $0x40, s1  }
0x636: {  	p1 =	sne.s32 s1, $0x400;
	v1 =	vld [tilespmem:s11+$0x0];
	_ =	sdelay $0x4  }
0x637: {  	(v2sf) =	vpush v1, $0x0;
	_ =	sdelay $0xe  }
0x638: {  	s9 =	spop (v2sf)  }
0x639: {  	p2 =	slt.s32 s9, $0x186A0  }
0x63a: {  	s9 =	sshll.u32 @!p2 s9, $0x9  }
0x63b: {  	s9 =	sshra.s32 @!p2 s9, $0x2  }
.Ltmp70:
0x63c: {  	s9 =	sadd.s32 @!p2 s9, s4;
	(pc) =	sbr.rel @p1 .LBB2_133-.Ltmp70, $4  }
0x63d: {  	s11 =	sadd.s32 @!p2 $0xFF3CB000, s9;
	s9 =	simm.s32 @!p2 $0x3  }
0x63e: {  	[tilespmem:s28], [sflag:$0x3] =	stream.linear.gather @!p2 [spmem:s11], $0x80, $0x38;
	[tilespmem:$0x10720] =	vst v63  }
0x63f: {  	_ =	swait.ge @!p2 [sflag:s9], $0x80  }
0x640: {  	s28 =	sadd.s32 $0x800, s28;
	[sflag:s9] =	ssyncset.done @!p2 $0x0  }
0x641: {  	s1 =	sshra.s32 s2, $0x2;
	[sflag:s9] =	ssyncadd.s32 @!p2 $0xFFFFFF80  }
0x642: {  	v1 =	vld [tilespmem:s1+$0x0];
	_ =	sdelay $0x4  }
0x643: {  	(v2sf) =	vpush v1, $0x0;
	_ =	sdelay $0xe  }
0x644: {  	s1 =	spop (v2sf)  }
0x645: {  	p1 =	slt.s32 s1, $0x186A0  }
0x646: {  	s1 =	sshll.u32 @!p1 s1, $0x9  }
0x647: {  	s1 =	sshra.s32 @!p1 s1, $0x2  }
0x648: {  	s1 =	sadd.s32 @!p1 s1, s4  }
0x649: {  	s2 =	simm.s32 @!p1 $0x3;
	s1 =	sadd.s32 @!p1 $0xFF3CB000, s1  }
0x64a: {  	[tilespmem:s28], [sflag:$0x3] =	stream.linear.gather @!p1 [spmem:s1], $0x80, $0x38;
	[tilespmem:$0x10720] =	vst v63  }
0x64b: {  	_ =	swait.ge @!p1 [sflag:s2], $0x80  }
0x64c: {  	[sflag:s2] =	ssyncset.done @!p1 $0x0  }
0x64d: {  	[sflag:s2] =	ssyncadd.s32 @!p1 $0xFFFFFF80  }
.LBB2_135:
0x64e: {  	(v2sf) =	vpush v0, $0x1;
	_ =	sdelay $0xe  }
0x64f: {  	s1 =	spop (v2sf)  }
0x650: {  	p1 =	slt.s32 s1, $0x186A0  }
.Ltmp71:
0x651: {  	_ = 	snop;
	(pc) =	sbr.rel @p1 .LBB2_139-.Ltmp71, $1  }
0x652: {  	_ =	sdelay $0x3  }
0x653: {  	s1 =	simm.s32 $0x0  }
0x654: {  	v1 =	vld [tilespmem:s1+$0x0];
	_ =	sdelay $0x4  }
0x655: {  	(v2sf) =	vpush v1, $0x1;
	_ =	sdelay $0xe  }
0x656: {  	s1 =	spop (v2sf)  }
0x657: {  	p2 =	slt.s32 s1, $0x186A0  }
0x658: {  	s1 =	sshll.u32 @!p2 s1, $0x9  }
0x659: {  	s1 =	sshra.s32 @!p2 s1, $0x2  }
0x65a: {  	s1 =	sadd.s32 @!p2 s1, s4  }
0x65b: {  	s2 =	simm.s32 $0x480;
	s9 =	simm.s32 @!p2 $0x3;
	s1 =	sadd.s32 @!p2 $0xFF3CB000, s1  }
0x65c: {  	[tilespmem:s2], [sflag:$0x3] =	stream.linear.gather @!p2 [spmem:s1], $0x80, $0x38;
	[tilespmem:$0x10720] =	vst v63  }
0x65d: {  	s28 =	simm.s32 $0xC80;
	_ =	swait.ge @!p2 [sflag:s9], $0x80  }
0x65e: {  	s2 =	simm.s32 $0x40;
	s1 =	simm.s32 $0x80;
	[sflag:s9] =	ssyncset.done @!p2 $0x0  }
.LBB2_137:
0x65f: {  	s11 =	sshra.s32 s2, $0x2  }
0x660: {  	[sflag:s9] =	ssyncadd.s32 @!p2 $0xFFFFFF80;
	s2 =	smov.u32 s1;
	s1 =	sadd.s32 $0x40, s1  }
0x661: {  	p1 =	sne.s32 s1, $0x400;
	v1 =	vld [tilespmem:s11+$0x0];
	_ =	sdelay $0x4  }
0x662: {  	(v2sf) =	vpush v1, $0x1;
	_ =	sdelay $0xe  }
0x663: {  	s9 =	spop (v2sf)  }
0x664: {  	p2 =	slt.s32 s9, $0x186A0  }
0x665: {  	s9 =	sshll.u32 @!p2 s9, $0x9  }
0x666: {  	s9 =	sshra.s32 @!p2 s9, $0x2  }
.Ltmp72:
0x667: {  	s9 =	sadd.s32 @!p2 s9, s4;
	(pc) =	sbr.rel @p1 .LBB2_137-.Ltmp72, $4  }
0x668: {  	s11 =	sadd.s32 @!p2 $0xFF3CB000, s9;
	s9 =	simm.s32 @!p2 $0x3  }
0x669: {  	[tilespmem:s28], [sflag:$0x3] =	stream.linear.gather @!p2 [spmem:s11], $0x80, $0x38;
	[tilespmem:$0x10720] =	vst v63  }
0x66a: {  	_ =	swait.ge @!p2 [sflag:s9], $0x80  }
0x66b: {  	s28 =	sadd.s32 $0x800, s28;
	[sflag:s9] =	ssyncset.done @!p2 $0x0  }
0x66c: {  	s1 =	sshra.s32 s2, $0x2;
	[sflag:s9] =	ssyncadd.s32 @!p2 $0xFFFFFF80  }
0x66d: {  	v1 =	vld [tilespmem:s1+$0x0];
	_ =	sdelay $0x4  }
0x66e: {  	(v2sf) =	vpush v1, $0x1;
	_ =	sdelay $0xe  }
0x66f: {  	s1 =	spop (v2sf)  }
0x670: {  	p1 =	slt.s32 s1, $0x186A0  }
0x671: {  	s1 =	sshll.u32 @!p1 s1, $0x9  }
0x672: {  	s1 =	sshra.s32 @!p1 s1, $0x2  }
0x673: {  	s1 =	sadd.s32 @!p1 s1, s4  }
0x674: {  	s2 =	simm.s32 @!p1 $0x3;
	s1 =	sadd.s32 @!p1 $0xFF3CB000, s1  }
0x675: {  	[tilespmem:s28], [sflag:$0x3] =	stream.linear.gather @!p1 [spmem:s1], $0x80, $0x38;
	[tilespmem:$0x10720] =	vst v63  }
0x676: {  	_ =	swait.ge @!p1 [sflag:s2], $0x80  }
0x677: {  	[sflag:s2] =	ssyncset.done @!p1 $0x0  }
0x678: {  	[sflag:s2] =	ssyncadd.s32 @!p1 $0xFFFFFF80  }
.LBB2_139:
0x679: {  	(v2sf) =	vpush v0, $0x2;
	_ =	sdelay $0xe  }
0x67a: {  	s1 =	spop (v2sf)  }
0x67b: {  	p1 =	slt.s32 s1, $0x186A0  }
.Ltmp73:
0x67c: {  	_ = 	snop;
	(pc) =	sbr.rel @p1 .LBB2_143-.Ltmp73, $1  }
0x67d: {  	_ =	sdelay $0x3  }
0x67e: {  	s1 =	simm.s32 $0x0  }
0x67f: {  	v1 =	vld [tilespmem:s1+$0x0];
	_ =	sdelay $0x4  }
0x680: {  	(v2sf) =	vpush v1, $0x2;
	_ =	sdelay $0xe  }
0x681: {  	s1 =	spop (v2sf)  }
0x682: {  	p2 =	slt.s32 s1, $0x186A0  }
0x683: {  	s1 =	sshll.u32 @!p2 s1, $0x9  }
0x684: {  	s1 =	sshra.s32 @!p2 s1, $0x2  }
0x685: {  	s1 =	sadd.s32 @!p2 s1, s4  }
0x686: {  	s2 =	simm.s32 $0x500;
	s9 =	simm.s32 @!p2 $0x3;
	s1 =	sadd.s32 @!p2 $0xFF3CB000, s1  }
0x687: {  	[tilespmem:s2], [sflag:$0x3] =	stream.linear.gather @!p2 [spmem:s1], $0x80, $0x38;
	[tilespmem:$0x10720] =	vst v63  }
0x688: {  	s28 =	simm.s32 $0xD00;
	_ =	swait.ge @!p2 [sflag:s9], $0x80  }
0x689: {  	s2 =	simm.s32 $0x40;
	s1 =	simm.s32 $0x80;
	[sflag:s9] =	ssyncset.done @!p2 $0x0  }
.LBB2_141:
0x68a: {  	s11 =	sshra.s32 s2, $0x2  }
0x68b: {  	[sflag:s9] =	ssyncadd.s32 @!p2 $0xFFFFFF80;
	s2 =	smov.u32 s1;
	s1 =	sadd.s32 $0x40, s1  }
0x68c: {  	p1 =	sne.s32 s1, $0x400;
	v1 =	vld [tilespmem:s11+$0x0];
	_ =	sdelay $0x4  }
0x68d: {  	(v2sf) =	vpush v1, $0x2;
	_ =	sdelay $0xe  }
0x68e: {  	s9 =	spop (v2sf)  }
0x68f: {  	p2 =	slt.s32 s9, $0x186A0  }
0x690: {  	s9 =	sshll.u32 @!p2 s9, $0x9  }
0x691: {  	s9 =	sshra.s32 @!p2 s9, $0x2  }
.Ltmp74:
0x692: {  	s9 =	sadd.s32 @!p2 s9, s4;
	(pc) =	sbr.rel @p1 .LBB2_141-.Ltmp74, $4  }
0x693: {  	s11 =	sadd.s32 @!p2 $0xFF3CB000, s9;
	s9 =	simm.s32 @!p2 $0x3  }
0x694: {  	[tilespmem:s28], [sflag:$0x3] =	stream.linear.gather @!p2 [spmem:s11], $0x80, $0x38;
	[tilespmem:$0x10720] =	vst v63  }
0x695: {  	_ =	swait.ge @!p2 [sflag:s9], $0x80  }
0x696: {  	s28 =	sadd.s32 $0x800, s28;
	[sflag:s9] =	ssyncset.done @!p2 $0x0  }
0x697: {  	s1 =	sshra.s32 s2, $0x2;
	[sflag:s9] =	ssyncadd.s32 @!p2 $0xFFFFFF80  }
0x698: {  	v1 =	vld [tilespmem:s1+$0x0];
	_ =	sdelay $0x4  }
0x699: {  	(v2sf) =	vpush v1, $0x2;
	_ =	sdelay $0xe  }
0x69a: {  	s1 =	spop (v2sf)  }
0x69b: {  	p1 =	slt.s32 s1, $0x186A0  }
0x69c: {  	s1 =	sshll.u32 @!p1 s1, $0x9  }
0x69d: {  	s1 =	sshra.s32 @!p1 s1, $0x2  }
0x69e: {  	s1 =	sadd.s32 @!p1 s1, s4  }
0x69f: {  	s2 =	simm.s32 @!p1 $0x3;
	s1 =	sadd.s32 @!p1 $0xFF3CB000, s1  }
0x6a0: {  	[tilespmem:s28], [sflag:$0x3] =	stream.linear.gather @!p1 [spmem:s1], $0x80, $0x38;
	[tilespmem:$0x10720] =	vst v63  }
0x6a1: {  	_ =	swait.ge @!p1 [sflag:s2], $0x80  }
0x6a2: {  	[sflag:s2] =	ssyncset.done @!p1 $0x0  }
0x6a3: {  	[sflag:s2] =	ssyncadd.s32 @!p1 $0xFFFFFF80  }
.LBB2_143:
0x6a4: {  	(v2sf) =	vpush v0, $0x3;
	_ =	sdelay $0xe  }
0x6a5: {  	s1 =	spop (v2sf)  }
0x6a6: {  	p1 =	slt.s32 s1, $0x186A0  }
.Ltmp75:
0x6a7: {  	_ = 	snop;
	(pc) =	sbr.rel @p1 .LBB2_147-.Ltmp75, $1  }
0x6a8: {  	_ =	sdelay $0x3  }
0x6a9: {  	s1 =	simm.s32 $0x0  }
0x6aa: {  	v1 =	vld [tilespmem:s1+$0x0];
	_ =	sdelay $0x4  }
0x6ab: {  	(v2sf) =	vpush v1, $0x3;
	_ =	sdelay $0xe  }
0x6ac: {  	s1 =	spop (v2sf)  }
0x6ad: {  	p2 =	slt.s32 s1, $0x186A0  }
0x6ae: {  	s1 =	sshll.u32 @!p2 s1, $0x9  }
0x6af: {  	s1 =	sshra.s32 @!p2 s1, $0x2  }
0x6b0: {  	s1 =	sadd.s32 @!p2 s1, s4  }
0x6b1: {  	s2 =	simm.s32 $0x580;
	s9 =	simm.s32 @!p2 $0x3;
	s1 =	sadd.s32 @!p2 $0xFF3CB000, s1  }
0x6b2: {  	[tilespmem:s2], [sflag:$0x3] =	stream.linear.gather @!p2 [spmem:s1], $0x80, $0x38;
	[tilespmem:$0x10720] =	vst v63  }
0x6b3: {  	s28 =	simm.s32 $0xD80;
	_ =	swait.ge @!p2 [sflag:s9], $0x80  }
0x6b4: {  	s2 =	simm.s32 $0x40;
	s1 =	simm.s32 $0x80;
	[sflag:s9] =	ssyncset.done @!p2 $0x0  }
.LBB2_145:
0x6b5: {  	s11 =	sshra.s32 s2, $0x2  }
0x6b6: {  	[sflag:s9] =	ssyncadd.s32 @!p2 $0xFFFFFF80;
	s2 =	smov.u32 s1;
	s1 =	sadd.s32 $0x40, s1  }
0x6b7: {  	p1 =	sne.s32 s1, $0x400;
	v1 =	vld [tilespmem:s11+$0x0];
	_ =	sdelay $0x4  }
0x6b8: {  	(v2sf) =	vpush v1, $0x3;
	_ =	sdelay $0xe  }
0x6b9: {  	s9 =	spop (v2sf)  }
0x6ba: {  	p2 =	slt.s32 s9, $0x186A0  }
0x6bb: {  	s9 =	sshll.u32 @!p2 s9, $0x9  }
0x6bc: {  	s9 =	sshra.s32 @!p2 s9, $0x2  }
.Ltmp76:
0x6bd: {  	s9 =	sadd.s32 @!p2 s9, s4;
	(pc) =	sbr.rel @p1 .LBB2_145-.Ltmp76, $4  }
0x6be: {  	s11 =	sadd.s32 @!p2 $0xFF3CB000, s9;
	s9 =	simm.s32 @!p2 $0x3  }
0x6bf: {  	[tilespmem:s28], [sflag:$0x3] =	stream.linear.gather @!p2 [spmem:s11], $0x80, $0x38;
	[tilespmem:$0x10720] =	vst v63  }
0x6c0: {  	_ =	swait.ge @!p2 [sflag:s9], $0x80  }
0x6c1: {  	s28 =	sadd.s32 $0x800, s28;
	[sflag:s9] =	ssyncset.done @!p2 $0x0  }
0x6c2: {  	s1 =	sshra.s32 s2, $0x2;
	[sflag:s9] =	ssyncadd.s32 @!p2 $0xFFFFFF80  }
0x6c3: {  	v1 =	vld [tilespmem:s1+$0x0];
	_ =	sdelay $0x4  }
0x6c4: {  	(v2sf) =	vpush v1, $0x3;
	_ =	sdelay $0xe  }
0x6c5: {  	s1 =	spop (v2sf)  }
0x6c6: {  	p1 =	slt.s32 s1, $0x186A0  }
0x6c7: {  	s1 =	sshll.u32 @!p1 s1, $0x9  }
0x6c8: {  	s1 =	sshra.s32 @!p1 s1, $0x2  }
0x6c9: {  	s1 =	sadd.s32 @!p1 s1, s4  }
0x6ca: {  	s2 =	simm.s32 @!p1 $0x3;
	s1 =	sadd.s32 @!p1 $0xFF3CB000, s1  }
0x6cb: {  	[tilespmem:s28], [sflag:$0x3] =	stream.linear.gather @!p1 [spmem:s1], $0x80, $0x38;
	[tilespmem:$0x10720] =	vst v63  }
0x6cc: {  	_ =	swait.ge @!p1 [sflag:s2], $0x80  }
0x6cd: {  	[sflag:s2] =	ssyncset.done @!p1 $0x0  }
0x6ce: {  	[sflag:s2] =	ssyncadd.s32 @!p1 $0xFFFFFF80  }
.LBB2_147:
0x6cf: {  	(v2sf) =	vpush v0, $0x4;
	_ =	sdelay $0xe  }
0x6d0: {  	s1 =	spop (v2sf)  }
0x6d1: {  	p1 =	slt.s32 s1, $0x186A0  }
.Ltmp77:
0x6d2: {  	_ = 	snop;
	(pc) =	sbr.rel @p1 .LBB2_151-.Ltmp77, $1  }
0x6d3: {  	_ =	sdelay $0x3  }
0x6d4: {  	s1 =	simm.s32 $0x0  }
0x6d5: {  	v1 =	vld [tilespmem:s1+$0x0];
	_ =	sdelay $0x4  }
0x6d6: {  	(v2sf) =	vpush v1, $0x4;
	_ =	sdelay $0xe  }
0x6d7: {  	s1 =	spop (v2sf)  }
0x6d8: {  	p2 =	slt.s32 s1, $0x186A0  }
0x6d9: {  	s1 =	sshll.u32 @!p2 s1, $0x9  }
0x6da: {  	s1 =	sshra.s32 @!p2 s1, $0x2  }
0x6db: {  	s1 =	sadd.s32 @!p2 s1, s4  }
0x6dc: {  	s2 =	simm.s32 $0x600;
	s9 =	simm.s32 @!p2 $0x3;
	s1 =	sadd.s32 @!p2 $0xFF3CB000, s1  }
0x6dd: {  	[tilespmem:s2], [sflag:$0x3] =	stream.linear.gather @!p2 [spmem:s1], $0x80, $0x38;
	[tilespmem:$0x10720] =	vst v63  }
0x6de: {  	s28 =	simm.s32 $0xE00;
	_ =	swait.ge @!p2 [sflag:s9], $0x80  }
0x6df: {  	s2 =	simm.s32 $0x40;
	s1 =	simm.s32 $0x80;
	[sflag:s9] =	ssyncset.done @!p2 $0x0  }
.LBB2_149:
0x6e0: {  	s11 =	sshra.s32 s2, $0x2  }
0x6e1: {  	[sflag:s9] =	ssyncadd.s32 @!p2 $0xFFFFFF80;
	s2 =	smov.u32 s1;
	s1 =	sadd.s32 $0x40, s1  }
0x6e2: {  	p1 =	sne.s32 s1, $0x400;
	v1 =	vld [tilespmem:s11+$0x0];
	_ =	sdelay $0x4  }
0x6e3: {  	(v2sf) =	vpush v1, $0x4;
	_ =	sdelay $0xe  }
0x6e4: {  	s9 =	spop (v2sf)  }
0x6e5: {  	p2 =	slt.s32 s9, $0x186A0  }
0x6e6: {  	s9 =	sshll.u32 @!p2 s9, $0x9  }
0x6e7: {  	s9 =	sshra.s32 @!p2 s9, $0x2  }
.Ltmp78:
0x6e8: {  	s9 =	sadd.s32 @!p2 s9, s4;
	(pc) =	sbr.rel @p1 .LBB2_149-.Ltmp78, $4  }
0x6e9: {  	s11 =	sadd.s32 @!p2 $0xFF3CB000, s9;
	s9 =	simm.s32 @!p2 $0x3  }
0x6ea: {  	[tilespmem:s28], [sflag:$0x3] =	stream.linear.gather @!p2 [spmem:s11], $0x80, $0x38;
	[tilespmem:$0x10720] =	vst v63  }
0x6eb: {  	_ =	swait.ge @!p2 [sflag:s9], $0x80  }
0x6ec: {  	s28 =	sadd.s32 $0x800, s28;
	[sflag:s9] =	ssyncset.done @!p2 $0x0  }
0x6ed: {  	s1 =	sshra.s32 s2, $0x2;
	[sflag:s9] =	ssyncadd.s32 @!p2 $0xFFFFFF80  }
0x6ee: {  	v1 =	vld [tilespmem:s1+$0x0];
	_ =	sdelay $0x4  }
0x6ef: {  	(v2sf) =	vpush v1, $0x4;
	_ =	sdelay $0xe  }
0x6f0: {  	s1 =	spop (v2sf)  }
0x6f1: {  	p1 =	slt.s32 s1, $0x186A0  }
0x6f2: {  	s1 =	sshll.u32 @!p1 s1, $0x9  }
0x6f3: {  	s1 =	sshra.s32 @!p1 s1, $0x2  }
0x6f4: {  	s1 =	sadd.s32 @!p1 s1, s4  }
0x6f5: {  	s2 =	simm.s32 @!p1 $0x3;
	s1 =	sadd.s32 @!p1 $0xFF3CB000, s1  }
0x6f6: {  	[tilespmem:s28], [sflag:$0x3] =	stream.linear.gather @!p1 [spmem:s1], $0x80, $0x38;
	[tilespmem:$0x10720] =	vst v63  }
0x6f7: {  	_ =	swait.ge @!p1 [sflag:s2], $0x80  }
0x6f8: {  	[sflag:s2] =	ssyncset.done @!p1 $0x0  }
0x6f9: {  	[sflag:s2] =	ssyncadd.s32 @!p1 $0xFFFFFF80  }
.LBB2_151:
0x6fa: {  	(v2sf) =	vpush v0, $0x5;
	_ =	sdelay $0xe  }
0x6fb: {  	s1 =	spop (v2sf)  }
0x6fc: {  	p1 =	slt.s32 s1, $0x186A0  }
.Ltmp79:
0x6fd: {  	_ = 	snop;
	(pc) =	sbr.rel @p1 .LBB2_155-.Ltmp79, $1  }
0x6fe: {  	_ =	sdelay $0x3  }
0x6ff: {  	s1 =	simm.s32 $0x0  }
0x700: {  	v1 =	vld [tilespmem:s1+$0x0];
	_ =	sdelay $0x4  }
0x701: {  	(v2sf) =	vpush v1, $0x5;
	_ =	sdelay $0xe  }
0x702: {  	s1 =	spop (v2sf)  }
0x703: {  	p2 =	slt.s32 s1, $0x186A0  }
0x704: {  	s1 =	sshll.u32 @!p2 s1, $0x9  }
0x705: {  	s1 =	sshra.s32 @!p2 s1, $0x2  }
0x706: {  	s1 =	sadd.s32 @!p2 s1, s4  }
0x707: {  	s2 =	simm.s32 $0x680;
	s9 =	simm.s32 @!p2 $0x3;
	s1 =	sadd.s32 @!p2 $0xFF3CB000, s1  }
0x708: {  	[tilespmem:s2], [sflag:$0x3] =	stream.linear.gather @!p2 [spmem:s1], $0x80, $0x38;
	[tilespmem:$0x10720] =	vst v63  }
0x709: {  	s28 =	simm.s32 $0xE80;
	_ =	swait.ge @!p2 [sflag:s9], $0x80  }
0x70a: {  	s2 =	simm.s32 $0x40;
	s1 =	simm.s32 $0x80;
	[sflag:s9] =	ssyncset.done @!p2 $0x0  }
.LBB2_153:
0x70b: {  	s11 =	sshra.s32 s2, $0x2  }
0x70c: {  	[sflag:s9] =	ssyncadd.s32 @!p2 $0xFFFFFF80;
	s2 =	smov.u32 s1;
	s1 =	sadd.s32 $0x40, s1  }
0x70d: {  	p1 =	sne.s32 s1, $0x400;
	v1 =	vld [tilespmem:s11+$0x0];
	_ =	sdelay $0x4  }
0x70e: {  	(v2sf) =	vpush v1, $0x5;
	_ =	sdelay $0xe  }
0x70f: {  	s9 =	spop (v2sf)  }
0x710: {  	p2 =	slt.s32 s9, $0x186A0  }
0x711: {  	s9 =	sshll.u32 @!p2 s9, $0x9  }
0x712: {  	s9 =	sshra.s32 @!p2 s9, $0x2  }
.Ltmp80:
0x713: {  	s9 =	sadd.s32 @!p2 s9, s4;
	(pc) =	sbr.rel @p1 .LBB2_153-.Ltmp80, $4  }
0x714: {  	s11 =	sadd.s32 @!p2 $0xFF3CB000, s9;
	s9 =	simm.s32 @!p2 $0x3  }
0x715: {  	[tilespmem:s28], [sflag:$0x3] =	stream.linear.gather @!p2 [spmem:s11], $0x80, $0x38;
	[tilespmem:$0x10720] =	vst v63  }
0x716: {  	_ =	swait.ge @!p2 [sflag:s9], $0x80  }
0x717: {  	s28 =	sadd.s32 $0x800, s28;
	[sflag:s9] =	ssyncset.done @!p2 $0x0  }
0x718: {  	s1 =	sshra.s32 s2, $0x2;
	[sflag:s9] =	ssyncadd.s32 @!p2 $0xFFFFFF80  }
0x719: {  	v1 =	vld [tilespmem:s1+$0x0];
	_ =	sdelay $0x4  }
0x71a: {  	(v2sf) =	vpush v1, $0x5;
	_ =	sdelay $0xe  }
0x71b: {  	s1 =	spop (v2sf)  }
0x71c: {  	p1 =	slt.s32 s1, $0x186A0  }
0x71d: {  	s1 =	sshll.u32 @!p1 s1, $0x9  }
0x71e: {  	s1 =	sshra.s32 @!p1 s1, $0x2  }
0x71f: {  	s1 =	sadd.s32 @!p1 s1, s4  }
0x720: {  	s2 =	simm.s32 @!p1 $0x3;
	s1 =	sadd.s32 @!p1 $0xFF3CB000, s1  }
0x721: {  	[tilespmem:s28], [sflag:$0x3] =	stream.linear.gather @!p1 [spmem:s1], $0x80, $0x38;
	[tilespmem:$0x10720] =	vst v63  }
0x722: {  	_ =	swait.ge @!p1 [sflag:s2], $0x80  }
0x723: {  	[sflag:s2] =	ssyncset.done @!p1 $0x0  }
0x724: {  	[sflag:s2] =	ssyncadd.s32 @!p1 $0xFFFFFF80  }
.LBB2_155:
0x725: {  	(v2sf) =	vpush v0, $0x6;
	_ =	sdelay $0xe  }
0x726: {  	s1 =	spop (v2sf)  }
0x727: {  	p1 =	slt.s32 s1, $0x186A0  }
.Ltmp81:
0x728: {  	_ = 	snop;
	(pc) =	sbr.rel @p1 .LBB2_159-.Ltmp81, $1  }
0x729: {  	_ =	sdelay $0x3  }
0x72a: {  	s1 =	simm.s32 $0x0  }
0x72b: {  	v1 =	vld [tilespmem:s1+$0x0];
	_ =	sdelay $0x4  }
0x72c: {  	(v2sf) =	vpush v1, $0x6;
	_ =	sdelay $0xe  }
0x72d: {  	s1 =	spop (v2sf)  }
0x72e: {  	p2 =	slt.s32 s1, $0x186A0  }
0x72f: {  	s1 =	sshll.u32 @!p2 s1, $0x9  }
0x730: {  	s1 =	sshra.s32 @!p2 s1, $0x2  }
0x731: {  	s1 =	sadd.s32 @!p2 s1, s4  }
0x732: {  	s2 =	simm.s32 $0x700;
	s9 =	simm.s32 @!p2 $0x3;
	s1 =	sadd.s32 @!p2 $0xFF3CB000, s1  }
0x733: {  	[tilespmem:s2], [sflag:$0x3] =	stream.linear.gather @!p2 [spmem:s1], $0x80, $0x38;
	[tilespmem:$0x10720] =	vst v63  }
0x734: {  	s28 =	simm.s32 $0xF00;
	_ =	swait.ge @!p2 [sflag:s9], $0x80  }
0x735: {  	s2 =	simm.s32 $0x40;
	s1 =	simm.s32 $0x80;
	[sflag:s9] =	ssyncset.done @!p2 $0x0  }
.LBB2_157:
0x736: {  	s11 =	sshra.s32 s2, $0x2  }
0x737: {  	[sflag:s9] =	ssyncadd.s32 @!p2 $0xFFFFFF80;
	s2 =	smov.u32 s1;
	s1 =	sadd.s32 $0x40, s1  }
0x738: {  	p1 =	sne.s32 s1, $0x400;
	v1 =	vld [tilespmem:s11+$0x0];
	_ =	sdelay $0x4  }
0x739: {  	(v2sf) =	vpush v1, $0x6;
	_ =	sdelay $0xe  }
0x73a: {  	s9 =	spop (v2sf)  }
0x73b: {  	p2 =	slt.s32 s9, $0x186A0  }
0x73c: {  	s9 =	sshll.u32 @!p2 s9, $0x9  }
0x73d: {  	s9 =	sshra.s32 @!p2 s9, $0x2  }
.Ltmp82:
0x73e: {  	s9 =	sadd.s32 @!p2 s9, s4;
	(pc) =	sbr.rel @p1 .LBB2_157-.Ltmp82, $4  }
0x73f: {  	s11 =	sadd.s32 @!p2 $0xFF3CB000, s9;
	s9 =	simm.s32 @!p2 $0x3  }
0x740: {  	[tilespmem:s28], [sflag:$0x3] =	stream.linear.gather @!p2 [spmem:s11], $0x80, $0x38;
	[tilespmem:$0x10720] =	vst v63  }
0x741: {  	_ =	swait.ge @!p2 [sflag:s9], $0x80  }
0x742: {  	s28 =	sadd.s32 $0x800, s28;
	[sflag:s9] =	ssyncset.done @!p2 $0x0  }
0x743: {  	s1 =	sshra.s32 s2, $0x2;
	[sflag:s9] =	ssyncadd.s32 @!p2 $0xFFFFFF80  }
0x744: {  	v1 =	vld [tilespmem:s1+$0x0];
	_ =	sdelay $0x4  }
0x745: {  	(v2sf) =	vpush v1, $0x6;
	_ =	sdelay $0xe  }
0x746: {  	s1 =	spop (v2sf)  }
0x747: {  	p1 =	slt.s32 s1, $0x186A0  }
0x748: {  	s1 =	sshll.u32 @!p1 s1, $0x9  }
0x749: {  	s1 =	sshra.s32 @!p1 s1, $0x2  }
0x74a: {  	s1 =	sadd.s32 @!p1 s1, s4  }
0x74b: {  	s2 =	simm.s32 @!p1 $0x3;
	s1 =	sadd.s32 @!p1 $0xFF3CB000, s1  }
0x74c: {  	[tilespmem:s28], [sflag:$0x3] =	stream.linear.gather @!p1 [spmem:s1], $0x80, $0x38;
	[tilespmem:$0x10720] =	vst v63  }
0x74d: {  	_ =	swait.ge @!p1 [sflag:s2], $0x80  }
0x74e: {  	[sflag:s2] =	ssyncset.done @!p1 $0x0  }
0x74f: {  	[sflag:s2] =	ssyncadd.s32 @!p1 $0xFFFFFF80  }
.LBB2_159:
0x750: {  	(v2sf) =	vpush v0, $0x7;
	_ =	sdelay $0xe  }
0x751: {  	s1 =	spop (v2sf)  }
0x752: {  	p1 =	slt.s32 s1, $0x186A0  }
.Ltmp83:
0x753: {  	_ = 	snop;
	(pc) =	sbr.rel @p1 .LBB2_163-.Ltmp83, $1  }
0x754: {  	_ =	sdelay $0x3  }
0x755: {  	s1 =	simm.s32 $0x0  }
0x756: {  	v1 =	vld [tilespmem:s1+$0x0];
	_ =	sdelay $0x4  }
0x757: {  	(v2sf) =	vpush v1, $0x7;
	_ =	sdelay $0xe  }
0x758: {  	s1 =	spop (v2sf)  }
0x759: {  	p2 =	slt.s32 s1, $0x186A0  }
0x75a: {  	s1 =	sshll.u32 @!p2 s1, $0x9  }
0x75b: {  	s1 =	sshra.s32 @!p2 s1, $0x2  }
0x75c: {  	s1 =	sadd.s32 @!p2 s1, s4  }
0x75d: {  	s2 =	simm.s32 $0x780;
	s9 =	simm.s32 @!p2 $0x3;
	s1 =	sadd.s32 @!p2 $0xFF3CB000, s1  }
0x75e: {  	[tilespmem:s2], [sflag:$0x3] =	stream.linear.gather @!p2 [spmem:s1], $0x80, $0x38;
	[tilespmem:$0x10720] =	vst v63  }
0x75f: {  	s28 =	simm.s32 $0xF80;
	_ =	swait.ge @!p2 [sflag:s9], $0x80  }
0x760: {  	s2 =	simm.s32 $0x40;
	s1 =	simm.s32 $0x80;
	[sflag:s9] =	ssyncset.done @!p2 $0x0  }
.LBB2_161:
0x761: {  	s11 =	sshra.s32 s2, $0x2  }
0x762: {  	[sflag:s9] =	ssyncadd.s32 @!p2 $0xFFFFFF80;
	s2 =	smov.u32 s1;
	s1 =	sadd.s32 $0x40, s1  }
0x763: {  	p1 =	sne.s32 s1, $0x400;
	v1 =	vld [tilespmem:s11+$0x0];
	_ =	sdelay $0x4  }
0x764: {  	(v2sf) =	vpush v1, $0x7;
	_ =	sdelay $0xe  }
0x765: {  	s9 =	spop (v2sf)  }
0x766: {  	p2 =	slt.s32 s9, $0x186A0  }
0x767: {  	s9 =	sshll.u32 @!p2 s9, $0x9  }
0x768: {  	s9 =	sshra.s32 @!p2 s9, $0x2  }
.Ltmp84:
0x769: {  	s9 =	sadd.s32 @!p2 s9, s4;
	(pc) =	sbr.rel @p1 .LBB2_161-.Ltmp84, $4  }
0x76a: {  	s11 =	sadd.s32 @!p2 $0xFF3CB000, s9;
	s9 =	simm.s32 @!p2 $0x3  }
0x76b: {  	[tilespmem:s28], [sflag:$0x3] =	stream.linear.gather @!p2 [spmem:s11], $0x80, $0x38;
	[tilespmem:$0x10720] =	vst v63  }
0x76c: {  	_ =	swait.ge @!p2 [sflag:s9], $0x80  }
0x76d: {  	s28 =	sadd.s32 $0x800, s28;
	[sflag:s9] =	ssyncset.done @!p2 $0x0  }
0x76e: {  	s1 =	sshra.s32 s2, $0x2;
	[sflag:s9] =	ssyncadd.s32 @!p2 $0xFFFFFF80  }
0x76f: {  	v1 =	vld [tilespmem:s1+$0x0];
	_ =	sdelay $0x4  }
0x770: {  	(v2sf) =	vpush v1, $0x7;
	_ =	sdelay $0xe  }
0x771: {  	s1 =	spop (v2sf)  }
0x772: {  	p1 =	slt.s32 s1, $0x186A0  }
0x773: {  	s1 =	sshll.u32 @!p1 s1, $0x9  }
0x774: {  	s1 =	sshra.s32 @!p1 s1, $0x2  }
0x775: {  	s1 =	sadd.s32 @!p1 s1, s4  }
0x776: {  	s2 =	simm.s32 @!p1 $0x3;
	s1 =	sadd.s32 @!p1 $0xFF3CB000, s1  }
0x777: {  	[tilespmem:s28], [sflag:$0x3] =	stream.linear.gather @!p1 [spmem:s1], $0x80, $0x38;
	[tilespmem:$0x10720] =	vst v63  }
0x778: {  	_ =	swait.ge @!p1 [sflag:s2], $0x80  }
0x779: {  	[sflag:s2] =	ssyncset.done @!p1 $0x0  }
0x77a: {  	[sflag:s2] =	ssyncadd.s32 @!p1 $0xFFFFFF80  }
.LBB2_163:
0x77b: {  	(v2sf) =	vpush v0, $0x8;
	_ =	sdelay $0xe  }
0x77c: {  	s1 =	spop (v2sf)  }
0x77d: {  	p1 =	slt.s32 s1, $0x186A0  }
.Ltmp85:
0x77e: {  	_ = 	snop;
	(pc) =	sbr.rel @p1 .LBB2_167-.Ltmp85, $1  }
0x77f: {  	_ =	sdelay $0x3  }
0x780: {  	s1 =	simm.s32 $0x0  }
0x781: {  	v1 =	vld [tilespmem:s1+$0x0];
	_ =	sdelay $0x4  }
0x782: {  	(v2sf) =	vpush v1, $0x8;
	_ =	sdelay $0xe  }
0x783: {  	s1 =	spop (v2sf)  }
0x784: {  	p2 =	slt.s32 s1, $0x186A0  }
0x785: {  	s1 =	sshll.u32 @!p2 s1, $0x9  }
0x786: {  	s1 =	sshra.s32 @!p2 s1, $0x2  }
0x787: {  	s1 =	sadd.s32 @!p2 s1, s4  }
0x788: {  	s2 =	simm.s32 $0x800;
	s9 =	simm.s32 @!p2 $0x3;
	s1 =	sadd.s32 @!p2 $0xFF3CB000, s1  }
0x789: {  	[tilespmem:s2], [sflag:$0x3] =	stream.linear.gather @!p2 [spmem:s1], $0x80, $0x38;
	[tilespmem:$0x10720] =	vst v63  }
0x78a: {  	s28 =	simm.s32 $0x1000;
	_ =	swait.ge @!p2 [sflag:s9], $0x80  }
0x78b: {  	s2 =	simm.s32 $0x40;
	s1 =	simm.s32 $0x80;
	[sflag:s9] =	ssyncset.done @!p2 $0x0  }
.LBB2_165:
0x78c: {  	s11 =	sshra.s32 s2, $0x2  }
0x78d: {  	[sflag:s9] =	ssyncadd.s32 @!p2 $0xFFFFFF80;
	s2 =	smov.u32 s1;
	s1 =	sadd.s32 $0x40, s1  }
0x78e: {  	p1 =	sne.s32 s1, $0x400;
	v1 =	vld [tilespmem:s11+$0x0];
	_ =	sdelay $0x4  }
0x78f: {  	(v2sf) =	vpush v1, $0x8;
	_ =	sdelay $0xe  }
0x790: {  	s9 =	spop (v2sf)  }
0x791: {  	p2 =	slt.s32 s9, $0x186A0  }
0x792: {  	s9 =	sshll.u32 @!p2 s9, $0x9  }
0x793: {  	s9 =	sshra.s32 @!p2 s9, $0x2  }
.Ltmp86:
0x794: {  	s9 =	sadd.s32 @!p2 s9, s4;
	(pc) =	sbr.rel @p1 .LBB2_165-.Ltmp86, $4  }
0x795: {  	s11 =	sadd.s32 @!p2 $0xFF3CB000, s9;
	s9 =	simm.s32 @!p2 $0x3  }
0x796: {  	[tilespmem:s28], [sflag:$0x3] =	stream.linear.gather @!p2 [spmem:s11], $0x80, $0x38;
	[tilespmem:$0x10720] =	vst v63  }
0x797: {  	_ =	swait.ge @!p2 [sflag:s9], $0x80  }
0x798: {  	s28 =	sadd.s32 $0x800, s28;
	[sflag:s9] =	ssyncset.done @!p2 $0x0  }
0x799: {  	s1 =	sshra.s32 s2, $0x2;
	[sflag:s9] =	ssyncadd.s32 @!p2 $0xFFFFFF80  }
0x79a: {  	v1 =	vld [tilespmem:s1+$0x0];
	_ =	sdelay $0x4  }
0x79b: {  	(v2sf) =	vpush v1, $0x8;
	_ =	sdelay $0xe  }
0x79c: {  	s1 =	spop (v2sf)  }
0x79d: {  	p1 =	slt.s32 s1, $0x186A0  }
0x79e: {  	s1 =	sshll.u32 @!p1 s1, $0x9  }
0x79f: {  	s1 =	sshra.s32 @!p1 s1, $0x2  }
0x7a0: {  	s1 =	sadd.s32 @!p1 s1, s4  }
0x7a1: {  	s2 =	simm.s32 @!p1 $0x3;
	s1 =	sadd.s32 @!p1 $0xFF3CB000, s1  }
0x7a2: {  	[tilespmem:s28], [sflag:$0x3] =	stream.linear.gather @!p1 [spmem:s1], $0x80, $0x38;
	[tilespmem:$0x10720] =	vst v63  }
0x7a3: {  	_ =	swait.ge @!p1 [sflag:s2], $0x80  }
0x7a4: {  	[sflag:s2] =	ssyncset.done @!p1 $0x0  }
0x7a5: {  	[sflag:s2] =	ssyncadd.s32 @!p1 $0xFFFFFF80  }
.LBB2_167:
0x7a6: {  	(v2sf) =	vpush v0, $0x9;
	_ =	sdelay $0xe  }
0x7a7: {  	s1 =	spop (v2sf)  }
0x7a8: {  	p1 =	slt.s32 s1, $0x186A0  }
.Ltmp87:
0x7a9: {  	_ = 	snop;
	(pc) =	sbr.rel @p1 .LBB2_171-.Ltmp87, $1  }
0x7aa: {  	_ =	sdelay $0x3  }
0x7ab: {  	s1 =	simm.s32 $0x0  }
0x7ac: {  	v1 =	vld [tilespmem:s1+$0x0];
	_ =	sdelay $0x4  }
0x7ad: {  	(v2sf) =	vpush v1, $0x9;
	_ =	sdelay $0xe  }
0x7ae: {  	s1 =	spop (v2sf)  }
0x7af: {  	p2 =	slt.s32 s1, $0x186A0  }
0x7b0: {  	s1 =	sshll.u32 @!p2 s1, $0x9  }
0x7b1: {  	s1 =	sshra.s32 @!p2 s1, $0x2  }
0x7b2: {  	s1 =	sadd.s32 @!p2 s1, s4  }
0x7b3: {  	s2 =	simm.s32 $0x880;
	s9 =	simm.s32 @!p2 $0x3;
	s1 =	sadd.s32 @!p2 $0xFF3CB000, s1  }
0x7b4: {  	[tilespmem:s2], [sflag:$0x3] =	stream.linear.gather @!p2 [spmem:s1], $0x80, $0x38;
	[tilespmem:$0x10720] =	vst v63  }
0x7b5: {  	s28 =	simm.s32 $0x1080;
	_ =	swait.ge @!p2 [sflag:s9], $0x80  }
0x7b6: {  	s2 =	simm.s32 $0x40;
	s1 =	simm.s32 $0x80;
	[sflag:s9] =	ssyncset.done @!p2 $0x0  }
.LBB2_169:
0x7b7: {  	s11 =	sshra.s32 s2, $0x2  }
0x7b8: {  	[sflag:s9] =	ssyncadd.s32 @!p2 $0xFFFFFF80;
	s2 =	smov.u32 s1;
	s1 =	sadd.s32 $0x40, s1  }
0x7b9: {  	p1 =	sne.s32 s1, $0x400;
	v1 =	vld [tilespmem:s11+$0x0];
	_ =	sdelay $0x4  }
0x7ba: {  	(v2sf) =	vpush v1, $0x9;
	_ =	sdelay $0xe  }
0x7bb: {  	s9 =	spop (v2sf)  }
0x7bc: {  	p2 =	slt.s32 s9, $0x186A0  }
0x7bd: {  	s9 =	sshll.u32 @!p2 s9, $0x9  }
0x7be: {  	s9 =	sshra.s32 @!p2 s9, $0x2  }
.Ltmp88:
0x7bf: {  	s9 =	sadd.s32 @!p2 s9, s4;
	(pc) =	sbr.rel @p1 .LBB2_169-.Ltmp88, $4  }
0x7c0: {  	s11 =	sadd.s32 @!p2 $0xFF3CB000, s9;
	s9 =	simm.s32 @!p2 $0x3  }
0x7c1: {  	[tilespmem:s28], [sflag:$0x3] =	stream.linear.gather @!p2 [spmem:s11], $0x80, $0x38;
	[tilespmem:$0x10720] =	vst v63  }
0x7c2: {  	_ =	swait.ge @!p2 [sflag:s9], $0x80  }
0x7c3: {  	s28 =	sadd.s32 $0x800, s28;
	[sflag:s9] =	ssyncset.done @!p2 $0x0  }
0x7c4: {  	s1 =	sshra.s32 s2, $0x2;
	[sflag:s9] =	ssyncadd.s32 @!p2 $0xFFFFFF80  }
0x7c5: {  	v1 =	vld [tilespmem:s1+$0x0];
	_ =	sdelay $0x4  }
0x7c6: {  	(v2sf) =	vpush v1, $0x9;
	_ =	sdelay $0xe  }
0x7c7: {  	s1 =	spop (v2sf)  }
0x7c8: {  	p1 =	slt.s32 s1, $0x186A0  }
0x7c9: {  	s1 =	sshll.u32 @!p1 s1, $0x9  }
0x7ca: {  	s1 =	sshra.s32 @!p1 s1, $0x2  }
0x7cb: {  	s1 =	sadd.s32 @!p1 s1, s4  }
0x7cc: {  	s2 =	simm.s32 @!p1 $0x3;
	s1 =	sadd.s32 @!p1 $0xFF3CB000, s1  }
0x7cd: {  	[tilespmem:s28], [sflag:$0x3] =	stream.linear.gather @!p1 [spmem:s1], $0x80, $0x38;
	[tilespmem:$0x10720] =	vst v63  }
0x7ce: {  	_ =	swait.ge @!p1 [sflag:s2], $0x80  }
0x7cf: {  	[sflag:s2] =	ssyncset.done @!p1 $0x0  }
0x7d0: {  	[sflag:s2] =	ssyncadd.s32 @!p1 $0xFFFFFF80  }
.LBB2_171:
0x7d1: {  	(v2sf) =	vpush v0, $0xA;
	_ =	sdelay $0xe  }
0x7d2: {  	s1 =	spop (v2sf)  }
0x7d3: {  	p1 =	slt.s32 s1, $0x186A0  }
.Ltmp89:
0x7d4: {  	_ = 	snop;
	(pc) =	sbr.rel @p1 .LBB2_175-.Ltmp89, $1  }
0x7d5: {  	_ =	sdelay $0x3  }
0x7d6: {  	s1 =	simm.s32 $0x0  }
0x7d7: {  	v1 =	vld [tilespmem:s1+$0x0];
	_ =	sdelay $0x4  }
0x7d8: {  	(v2sf) =	vpush v1, $0xA;
	_ =	sdelay $0xe  }
0x7d9: {  	s1 =	spop (v2sf)  }
0x7da: {  	p2 =	slt.s32 s1, $0x186A0  }
0x7db: {  	s1 =	sshll.u32 @!p2 s1, $0x9  }
0x7dc: {  	s1 =	sshra.s32 @!p2 s1, $0x2  }
0x7dd: {  	s1 =	sadd.s32 @!p2 s1, s4  }
0x7de: {  	s2 =	simm.s32 $0x900;
	s9 =	simm.s32 @!p2 $0x3;
	s1 =	sadd.s32 @!p2 $0xFF3CB000, s1  }
0x7df: {  	[tilespmem:s2], [sflag:$0x3] =	stream.linear.gather @!p2 [spmem:s1], $0x80, $0x38;
	[tilespmem:$0x10720] =	vst v63  }
0x7e0: {  	s28 =	simm.s32 $0x1100;
	_ =	swait.ge @!p2 [sflag:s9], $0x80  }
0x7e1: {  	s2 =	simm.s32 $0x40;
	s1 =	simm.s32 $0x80;
	[sflag:s9] =	ssyncset.done @!p2 $0x0  }
.LBB2_173:
0x7e2: {  	s11 =	sshra.s32 s2, $0x2  }
0x7e3: {  	[sflag:s9] =	ssyncadd.s32 @!p2 $0xFFFFFF80;
	s2 =	smov.u32 s1;
	s1 =	sadd.s32 $0x40, s1  }
0x7e4: {  	p1 =	sne.s32 s1, $0x400;
	v1 =	vld [tilespmem:s11+$0x0];
	_ =	sdelay $0x4  }
0x7e5: {  	(v2sf) =	vpush v1, $0xA;
	_ =	sdelay $0xe  }
0x7e6: {  	s9 =	spop (v2sf)  }
0x7e7: {  	p2 =	slt.s32 s9, $0x186A0  }
0x7e8: {  	s9 =	sshll.u32 @!p2 s9, $0x9  }
0x7e9: {  	s9 =	sshra.s32 @!p2 s9, $0x2  }
.Ltmp90:
0x7ea: {  	s9 =	sadd.s32 @!p2 s9, s4;
	(pc) =	sbr.rel @p1 .LBB2_173-.Ltmp90, $4  }
0x7eb: {  	s11 =	sadd.s32 @!p2 $0xFF3CB000, s9;
	s9 =	simm.s32 @!p2 $0x3  }
0x7ec: {  	[tilespmem:s28], [sflag:$0x3] =	stream.linear.gather @!p2 [spmem:s11], $0x80, $0x38;
	[tilespmem:$0x10720] =	vst v63  }
0x7ed: {  	_ =	swait.ge @!p2 [sflag:s9], $0x80  }
0x7ee: {  	s28 =	sadd.s32 $0x800, s28;
	[sflag:s9] =	ssyncset.done @!p2 $0x0  }
0x7ef: {  	s1 =	sshra.s32 s2, $0x2;
	[sflag:s9] =	ssyncadd.s32 @!p2 $0xFFFFFF80  }
0x7f0: {  	v1 =	vld [tilespmem:s1+$0x0];
	_ =	sdelay $0x4  }
0x7f1: {  	(v2sf) =	vpush v1, $0xA;
	_ =	sdelay $0xe  }
0x7f2: {  	s1 =	spop (v2sf)  }
0x7f3: {  	p1 =	slt.s32 s1, $0x186A0  }
0x7f4: {  	s1 =	sshll.u32 @!p1 s1, $0x9  }
0x7f5: {  	s1 =	sshra.s32 @!p1 s1, $0x2  }
0x7f6: {  	s1 =	sadd.s32 @!p1 s1, s4  }
0x7f7: {  	s2 =	simm.s32 @!p1 $0x3;
	s1 =	sadd.s32 @!p1 $0xFF3CB000, s1  }
0x7f8: {  	[tilespmem:s28], [sflag:$0x3] =	stream.linear.gather @!p1 [spmem:s1], $0x80, $0x38;
	[tilespmem:$0x10720] =	vst v63  }
0x7f9: {  	_ =	swait.ge @!p1 [sflag:s2], $0x80  }
0x7fa: {  	[sflag:s2] =	ssyncset.done @!p1 $0x0  }
0x7fb: {  	[sflag:s2] =	ssyncadd.s32 @!p1 $0xFFFFFF80  }
.LBB2_175:
0x7fc: {  	(v2sf) =	vpush v0, $0xB;
	_ =	sdelay $0xe  }
0x7fd: {  	s1 =	spop (v2sf)  }
0x7fe: {  	p1 =	slt.s32 s1, $0x186A0  }
.Ltmp91:
0x7ff: {  	_ = 	snop;
	(pc) =	sbr.rel @p1 .LBB2_179-.Ltmp91, $1  }
0x800: {  	_ =	sdelay $0x3  }
0x801: {  	s1 =	simm.s32 $0x0  }
0x802: {  	v1 =	vld [tilespmem:s1+$0x0];
	_ =	sdelay $0x4  }
0x803: {  	(v2sf) =	vpush v1, $0xB;
	_ =	sdelay $0xe  }
0x804: {  	s1 =	spop (v2sf)  }
0x805: {  	p2 =	slt.s32 s1, $0x186A0  }
0x806: {  	s1 =	sshll.u32 @!p2 s1, $0x9  }
0x807: {  	s1 =	sshra.s32 @!p2 s1, $0x2  }
0x808: {  	s1 =	sadd.s32 @!p2 s1, s4  }
0x809: {  	s2 =	simm.s32 $0x980;
	s9 =	simm.s32 @!p2 $0x3;
	s1 =	sadd.s32 @!p2 $0xFF3CB000, s1  }
0x80a: {  	[tilespmem:s2], [sflag:$0x3] =	stream.linear.gather @!p2 [spmem:s1], $0x80, $0x38;
	[tilespmem:$0x10720] =	vst v63  }
0x80b: {  	s28 =	simm.s32 $0x1180;
	_ =	swait.ge @!p2 [sflag:s9], $0x80  }
0x80c: {  	s2 =	simm.s32 $0x40;
	s1 =	simm.s32 $0x80;
	[sflag:s9] =	ssyncset.done @!p2 $0x0  }
.LBB2_177:
0x80d: {  	s11 =	sshra.s32 s2, $0x2  }
0x80e: {  	[sflag:s9] =	ssyncadd.s32 @!p2 $0xFFFFFF80;
	s2 =	smov.u32 s1;
	s1 =	sadd.s32 $0x40, s1  }
0x80f: {  	p1 =	sne.s32 s1, $0x400;
	v1 =	vld [tilespmem:s11+$0x0];
	_ =	sdelay $0x4  }
0x810: {  	(v2sf) =	vpush v1, $0xB;
	_ =	sdelay $0xe  }
0x811: {  	s9 =	spop (v2sf)  }
0x812: {  	p2 =	slt.s32 s9, $0x186A0  }
0x813: {  	s9 =	sshll.u32 @!p2 s9, $0x9  }
0x814: {  	s9 =	sshra.s32 @!p2 s9, $0x2  }
.Ltmp92:
0x815: {  	s9 =	sadd.s32 @!p2 s9, s4;
	(pc) =	sbr.rel @p1 .LBB2_177-.Ltmp92, $4  }
0x816: {  	s11 =	sadd.s32 @!p2 $0xFF3CB000, s9;
	s9 =	simm.s32 @!p2 $0x3  }
0x817: {  	[tilespmem:s28], [sflag:$0x3] =	stream.linear.gather @!p2 [spmem:s11], $0x80, $0x38;
	[tilespmem:$0x10720] =	vst v63  }
0x818: {  	_ =	swait.ge @!p2 [sflag:s9], $0x80  }
0x819: {  	s28 =	sadd.s32 $0x800, s28;
	[sflag:s9] =	ssyncset.done @!p2 $0x0  }
0x81a: {  	s1 =	sshra.s32 s2, $0x2;
	[sflag:s9] =	ssyncadd.s32 @!p2 $0xFFFFFF80  }
0x81b: {  	v1 =	vld [tilespmem:s1+$0x0];
	_ =	sdelay $0x4  }
0x81c: {  	(v2sf) =	vpush v1, $0xB;
	_ =	sdelay $0xe  }
0x81d: {  	s1 =	spop (v2sf)  }
0x81e: {  	p1 =	slt.s32 s1, $0x186A0  }
0x81f: {  	s1 =	sshll.u32 @!p1 s1, $0x9  }
0x820: {  	s1 =	sshra.s32 @!p1 s1, $0x2  }
0x821: {  	s1 =	sadd.s32 @!p1 s1, s4  }
0x822: {  	s2 =	simm.s32 @!p1 $0x3;
	s1 =	sadd.s32 @!p1 $0xFF3CB000, s1  }
0x823: {  	[tilespmem:s28], [sflag:$0x3] =	stream.linear.gather @!p1 [spmem:s1], $0x80, $0x38;
	[tilespmem:$0x10720] =	vst v63  }
0x824: {  	_ =	swait.ge @!p1 [sflag:s2], $0x80  }
0x825: {  	[sflag:s2] =	ssyncset.done @!p1 $0x0  }
0x826: {  	[sflag:s2] =	ssyncadd.s32 @!p1 $0xFFFFFF80  }
.LBB2_179:
0x827: {  	(v2sf) =	vpush v0, $0xC;
	_ =	sdelay $0xe  }
0x828: {  	s1 =	spop (v2sf)  }
0x829: {  	p1 =	slt.s32 s1, $0x186A0  }
.Ltmp93:
0x82a: {  	_ = 	snop;
	(pc) =	sbr.rel @p1 .LBB2_183-.Ltmp93, $1  }
0x82b: {  	_ =	sdelay $0x3  }
0x82c: {  	s1 =	simm.s32 $0x0  }
0x82d: {  	v1 =	vld [tilespmem:s1+$0x0];
	_ =	sdelay $0x4  }
0x82e: {  	(v2sf) =	vpush v1, $0xC;
	_ =	sdelay $0xe  }
0x82f: {  	s1 =	spop (v2sf)  }
0x830: {  	p2 =	slt.s32 s1, $0x186A0  }
0x831: {  	s1 =	sshll.u32 @!p2 s1, $0x9  }
0x832: {  	s1 =	sshra.s32 @!p2 s1, $0x2  }
0x833: {  	s1 =	sadd.s32 @!p2 s1, s4  }
0x834: {  	s2 =	simm.s32 $0xA00;
	s9 =	simm.s32 @!p2 $0x3;
	s1 =	sadd.s32 @!p2 $0xFF3CB000, s1  }
0x835: {  	[tilespmem:s2], [sflag:$0x3] =	stream.linear.gather @!p2 [spmem:s1], $0x80, $0x38;
	[tilespmem:$0x10720] =	vst v63  }
0x836: {  	s28 =	simm.s32 $0x1200;
	_ =	swait.ge @!p2 [sflag:s9], $0x80  }
0x837: {  	s2 =	simm.s32 $0x40;
	s1 =	simm.s32 $0x80;
	[sflag:s9] =	ssyncset.done @!p2 $0x0  }
.LBB2_181:
0x838: {  	s11 =	sshra.s32 s2, $0x2  }
0x839: {  	[sflag:s9] =	ssyncadd.s32 @!p2 $0xFFFFFF80;
	s2 =	smov.u32 s1;
	s1 =	sadd.s32 $0x40, s1  }
0x83a: {  	p1 =	sne.s32 s1, $0x400;
	v1 =	vld [tilespmem:s11+$0x0];
	_ =	sdelay $0x4  }
0x83b: {  	(v2sf) =	vpush v1, $0xC;
	_ =	sdelay $0xe  }
0x83c: {  	s9 =	spop (v2sf)  }
0x83d: {  	p2 =	slt.s32 s9, $0x186A0  }
0x83e: {  	s9 =	sshll.u32 @!p2 s9, $0x9  }
0x83f: {  	s9 =	sshra.s32 @!p2 s9, $0x2  }
.Ltmp94:
0x840: {  	s9 =	sadd.s32 @!p2 s9, s4;
	(pc) =	sbr.rel @p1 .LBB2_181-.Ltmp94, $4  }
0x841: {  	s11 =	sadd.s32 @!p2 $0xFF3CB000, s9;
	s9 =	simm.s32 @!p2 $0x3  }
0x842: {  	[tilespmem:s28], [sflag:$0x3] =	stream.linear.gather @!p2 [spmem:s11], $0x80, $0x38;
	[tilespmem:$0x10720] =	vst v63  }
0x843: {  	_ =	swait.ge @!p2 [sflag:s9], $0x80  }
0x844: {  	s28 =	sadd.s32 $0x800, s28;
	[sflag:s9] =	ssyncset.done @!p2 $0x0  }
0x845: {  	s1 =	sshra.s32 s2, $0x2;
	[sflag:s9] =	ssyncadd.s32 @!p2 $0xFFFFFF80  }
0x846: {  	v1 =	vld [tilespmem:s1+$0x0];
	_ =	sdelay $0x4  }
0x847: {  	(v2sf) =	vpush v1, $0xC;
	_ =	sdelay $0xe  }
0x848: {  	s1 =	spop (v2sf)  }
0x849: {  	p1 =	slt.s32 s1, $0x186A0  }
0x84a: {  	s1 =	sshll.u32 @!p1 s1, $0x9  }
0x84b: {  	s1 =	sshra.s32 @!p1 s1, $0x2  }
0x84c: {  	s1 =	sadd.s32 @!p1 s1, s4  }
0x84d: {  	s2 =	simm.s32 @!p1 $0x3;
	s1 =	sadd.s32 @!p1 $0xFF3CB000, s1  }
0x84e: {  	[tilespmem:s28], [sflag:$0x3] =	stream.linear.gather @!p1 [spmem:s1], $0x80, $0x38;
	[tilespmem:$0x10720] =	vst v63  }
0x84f: {  	_ =	swait.ge @!p1 [sflag:s2], $0x80  }
0x850: {  	[sflag:s2] =	ssyncset.done @!p1 $0x0  }
0x851: {  	[sflag:s2] =	ssyncadd.s32 @!p1 $0xFFFFFF80  }
.LBB2_183:
0x852: {  	(v2sf) =	vpush v0, $0xD;
	_ =	sdelay $0xe  }
0x853: {  	s1 =	spop (v2sf)  }
0x854: {  	p1 =	slt.s32 s1, $0x186A0  }
.Ltmp95:
0x855: {  	_ = 	snop;
	(pc) =	sbr.rel @p1 .LBB2_187-.Ltmp95, $1  }
0x856: {  	_ =	sdelay $0x3  }
0x857: {  	s1 =	simm.s32 $0x0  }
0x858: {  	v1 =	vld [tilespmem:s1+$0x0];
	_ =	sdelay $0x4  }
0x859: {  	(v2sf) =	vpush v1, $0xD;
	_ =	sdelay $0xe  }
0x85a: {  	s1 =	spop (v2sf)  }
0x85b: {  	p2 =	slt.s32 s1, $0x186A0  }
0x85c: {  	s1 =	sshll.u32 @!p2 s1, $0x9  }
0x85d: {  	s1 =	sshra.s32 @!p2 s1, $0x2  }
0x85e: {  	s1 =	sadd.s32 @!p2 s1, s4  }
0x85f: {  	s2 =	simm.s32 $0xA80;
	s9 =	simm.s32 @!p2 $0x3;
	s1 =	sadd.s32 @!p2 $0xFF3CB000, s1  }
0x860: {  	[tilespmem:s2], [sflag:$0x3] =	stream.linear.gather @!p2 [spmem:s1], $0x80, $0x38;
	[tilespmem:$0x10720] =	vst v63  }
0x861: {  	s28 =	simm.s32 $0x1280;
	_ =	swait.ge @!p2 [sflag:s9], $0x80  }
0x862: {  	s2 =	simm.s32 $0x40;
	s1 =	simm.s32 $0x80;
	[sflag:s9] =	ssyncset.done @!p2 $0x0  }
.LBB2_185:
0x863: {  	s11 =	sshra.s32 s2, $0x2  }
0x864: {  	[sflag:s9] =	ssyncadd.s32 @!p2 $0xFFFFFF80;
	s2 =	smov.u32 s1;
	s1 =	sadd.s32 $0x40, s1  }
0x865: {  	p1 =	sne.s32 s1, $0x400;
	v1 =	vld [tilespmem:s11+$0x0];
	_ =	sdelay $0x4  }
0x866: {  	(v2sf) =	vpush v1, $0xD;
	_ =	sdelay $0xe  }
0x867: {  	s9 =	spop (v2sf)  }
0x868: {  	p2 =	slt.s32 s9, $0x186A0  }
0x869: {  	s9 =	sshll.u32 @!p2 s9, $0x9  }
0x86a: {  	s9 =	sshra.s32 @!p2 s9, $0x2  }
.Ltmp96:
0x86b: {  	s9 =	sadd.s32 @!p2 s9, s4;
	(pc) =	sbr.rel @p1 .LBB2_185-.Ltmp96, $4  }
0x86c: {  	s11 =	sadd.s32 @!p2 $0xFF3CB000, s9;
	s9 =	simm.s32 @!p2 $0x3  }
0x86d: {  	[tilespmem:s28], [sflag:$0x3] =	stream.linear.gather @!p2 [spmem:s11], $0x80, $0x38;
	[tilespmem:$0x10720] =	vst v63  }
0x86e: {  	_ =	swait.ge @!p2 [sflag:s9], $0x80  }
0x86f: {  	s28 =	sadd.s32 $0x800, s28;
	[sflag:s9] =	ssyncset.done @!p2 $0x0  }
0x870: {  	s1 =	sshra.s32 s2, $0x2;
	[sflag:s9] =	ssyncadd.s32 @!p2 $0xFFFFFF80  }
0x871: {  	v1 =	vld [tilespmem:s1+$0x0];
	_ =	sdelay $0x4  }
0x872: {  	(v2sf) =	vpush v1, $0xD;
	_ =	sdelay $0xe  }
0x873: {  	s1 =	spop (v2sf)  }
0x874: {  	p1 =	slt.s32 s1, $0x186A0  }
0x875: {  	s1 =	sshll.u32 @!p1 s1, $0x9  }
0x876: {  	s1 =	sshra.s32 @!p1 s1, $0x2  }
0x877: {  	s1 =	sadd.s32 @!p1 s1, s4  }
0x878: {  	s2 =	simm.s32 @!p1 $0x3;
	s1 =	sadd.s32 @!p1 $0xFF3CB000, s1  }
0x879: {  	[tilespmem:s28], [sflag:$0x3] =	stream.linear.gather @!p1 [spmem:s1], $0x80, $0x38;
	[tilespmem:$0x10720] =	vst v63  }
0x87a: {  	_ =	swait.ge @!p1 [sflag:s2], $0x80  }
0x87b: {  	[sflag:s2] =	ssyncset.done @!p1 $0x0  }
0x87c: {  	[sflag:s2] =	ssyncadd.s32 @!p1 $0xFFFFFF80  }
.LBB2_187:
0x87d: {  	(v2sf) =	vpush v0, $0xE;
	_ =	sdelay $0xe  }
0x87e: {  	s1 =	spop (v2sf)  }
0x87f: {  	p1 =	slt.s32 s1, $0x186A0  }
.Ltmp97:
0x880: {  	_ = 	snop;
	(pc) =	sbr.rel @p1 .LBB2_191-.Ltmp97, $1  }
0x881: {  	_ =	sdelay $0x3  }
0x882: {  	s1 =	simm.s32 $0x0  }
0x883: {  	v1 =	vld [tilespmem:s1+$0x0];
	_ =	sdelay $0x4  }
0x884: {  	(v2sf) =	vpush v1, $0xE;
	_ =	sdelay $0xe  }
0x885: {  	s1 =	spop (v2sf)  }
0x886: {  	p2 =	slt.s32 s1, $0x186A0  }
0x887: {  	s1 =	sshll.u32 @!p2 s1, $0x9  }
0x888: {  	s1 =	sshra.s32 @!p2 s1, $0x2  }
0x889: {  	s1 =	sadd.s32 @!p2 s1, s4  }
0x88a: {  	s2 =	simm.s32 $0xB00;
	s9 =	simm.s32 @!p2 $0x3;
	s1 =	sadd.s32 @!p2 $0xFF3CB000, s1  }
0x88b: {  	[tilespmem:s2], [sflag:$0x3] =	stream.linear.gather @!p2 [spmem:s1], $0x80, $0x38;
	[tilespmem:$0x10720] =	vst v63  }
0x88c: {  	s28 =	simm.s32 $0x1300;
	_ =	swait.ge @!p2 [sflag:s9], $0x80  }
0x88d: {  	s2 =	simm.s32 $0x40;
	s1 =	simm.s32 $0x80;
	[sflag:s9] =	ssyncset.done @!p2 $0x0  }
.LBB2_189:
0x88e: {  	s11 =	sshra.s32 s2, $0x2  }
0x88f: {  	[sflag:s9] =	ssyncadd.s32 @!p2 $0xFFFFFF80;
	s2 =	smov.u32 s1;
	s1 =	sadd.s32 $0x40, s1  }
0x890: {  	p1 =	sne.s32 s1, $0x400;
	v1 =	vld [tilespmem:s11+$0x0];
	_ =	sdelay $0x4  }
0x891: {  	(v2sf) =	vpush v1, $0xE;
	_ =	sdelay $0xe  }
0x892: {  	s9 =	spop (v2sf)  }
0x893: {  	p2 =	slt.s32 s9, $0x186A0  }
0x894: {  	s9 =	sshll.u32 @!p2 s9, $0x9  }
0x895: {  	s9 =	sshra.s32 @!p2 s9, $0x2  }
.Ltmp98:
0x896: {  	s9 =	sadd.s32 @!p2 s9, s4;
	(pc) =	sbr.rel @p1 .LBB2_189-.Ltmp98, $4  }
0x897: {  	s11 =	sadd.s32 @!p2 $0xFF3CB000, s9;
	s9 =	simm.s32 @!p2 $0x3  }
0x898: {  	[tilespmem:s28], [sflag:$0x3] =	stream.linear.gather @!p2 [spmem:s11], $0x80, $0x38;
	[tilespmem:$0x10720] =	vst v63  }
0x899: {  	_ =	swait.ge @!p2 [sflag:s9], $0x80  }
0x89a: {  	s28 =	sadd.s32 $0x800, s28;
	[sflag:s9] =	ssyncset.done @!p2 $0x0  }
0x89b: {  	s1 =	sshra.s32 s2, $0x2;
	[sflag:s9] =	ssyncadd.s32 @!p2 $0xFFFFFF80  }
0x89c: {  	v1 =	vld [tilespmem:s1+$0x0];
	_ =	sdelay $0x4  }
0x89d: {  	(v2sf) =	vpush v1, $0xE;
	_ =	sdelay $0xe  }
0x89e: {  	s1 =	spop (v2sf)  }
0x89f: {  	p1 =	slt.s32 s1, $0x186A0  }
0x8a0: {  	s1 =	sshll.u32 @!p1 s1, $0x9  }
0x8a1: {  	s1 =	sshra.s32 @!p1 s1, $0x2  }
0x8a2: {  	s1 =	sadd.s32 @!p1 s1, s4  }
0x8a3: {  	s2 =	simm.s32 @!p1 $0x3;
	s1 =	sadd.s32 @!p1 $0xFF3CB000, s1  }
0x8a4: {  	[tilespmem:s28], [sflag:$0x3] =	stream.linear.gather @!p1 [spmem:s1], $0x80, $0x38;
	[tilespmem:$0x10720] =	vst v63  }
0x8a5: {  	_ =	swait.ge @!p1 [sflag:s2], $0x80  }
0x8a6: {  	[sflag:s2] =	ssyncset.done @!p1 $0x0  }
0x8a7: {  	[sflag:s2] =	ssyncadd.s32 @!p1 $0xFFFFFF80  }
.LBB2_191:
0x8a8: {  	(v2sf) =	vpush v0, $0xF;
	_ =	sdelay $0xe  }
0x8a9: {  	s1 =	spop (v2sf)  }
0x8aa: {  	p1 =	slt.s32 s1, $0x186A0  }
.Ltmp99:
0x8ab: {  	_ = 	snop;
	(pc) =	sbr.rel @p1 .LBB2_195-.Ltmp99, $1  }
0x8ac: {  	_ =	sdelay $0x3  }
0x8ad: {  	s1 =	simm.s32 $0x0  }
0x8ae: {  	v0 =	vld [tilespmem:s1+$0x0];
	_ =	sdelay $0x4  }
0x8af: {  	(v2sf) =	vpush v0, $0xF;
	_ =	sdelay $0xe  }
0x8b0: {  	s1 =	spop (v2sf)  }
0x8b1: {  	p2 =	slt.s32 s1, $0x186A0  }
0x8b2: {  	s1 =	sshll.u32 @!p2 s1, $0x9  }
0x8b3: {  	s1 =	sshra.s32 @!p2 s1, $0x2  }
0x8b4: {  	s1 =	sadd.s32 @!p2 s1, s4  }
0x8b5: {  	s2 =	simm.s32 $0xB80;
	s9 =	simm.s32 @!p2 $0x3;
	s1 =	sadd.s32 @!p2 $0xFF3CB000, s1  }
0x8b6: {  	[tilespmem:s2], [sflag:$0x3] =	stream.linear.gather @!p2 [spmem:s1], $0x80, $0x38;
	[tilespmem:$0x10720] =	vst v63  }
0x8b7: {  	s28 =	simm.s32 $0x1380;
	_ =	swait.ge @!p2 [sflag:s9], $0x80  }
0x8b8: {  	s2 =	simm.s32 $0x40;
	s1 =	simm.s32 $0x80;
	[sflag:s9] =	ssyncset.done @!p2 $0x0  }
.LBB2_193:
0x8b9: {  	s11 =	sshra.s32 s2, $0x2  }
0x8ba: {  	[sflag:s9] =	ssyncadd.s32 @!p2 $0xFFFFFF80;
	s2 =	smov.u32 s1;
	s1 =	sadd.s32 $0x40, s1  }
0x8bb: {  	p1 =	sne.s32 s1, $0x400;
	v0 =	vld [tilespmem:s11+$0x0];
	_ =	sdelay $0x4  }
0x8bc: {  	(v2sf) =	vpush v0, $0xF;
	_ =	sdelay $0xe  }
0x8bd: {  	s9 =	spop (v2sf)  }
0x8be: {  	p2 =	slt.s32 s9, $0x186A0  }
0x8bf: {  	s9 =	sshll.u32 @!p2 s9, $0x9  }
0x8c0: {  	s9 =	sshra.s32 @!p2 s9, $0x2  }
.Ltmp100:
0x8c1: {  	s9 =	sadd.s32 @!p2 s9, s4;
	(pc) =	sbr.rel @p1 .LBB2_193-.Ltmp100, $4  }
0x8c2: {  	s11 =	sadd.s32 @!p2 $0xFF3CB000, s9;
	s9 =	simm.s32 @!p2 $0x3  }
0x8c3: {  	[tilespmem:s28], [sflag:$0x3] =	stream.linear.gather @!p2 [spmem:s11], $0x80, $0x38;
	[tilespmem:$0x10720] =	vst v63  }
0x8c4: {  	_ =	swait.ge @!p2 [sflag:s9], $0x80  }
0x8c5: {  	s28 =	sadd.s32 $0x800, s28;
	[sflag:s9] =	ssyncset.done @!p2 $0x0  }
0x8c6: {  	s1 =	sshra.s32 s2, $0x2;
	[sflag:s9] =	ssyncadd.s32 @!p2 $0xFFFFFF80  }
0x8c7: {  	v0 =	vld [tilespmem:s1+$0x0];
	_ =	sdelay $0x4  }
0x8c8: {  	(v2sf) =	vpush v0, $0xF;
	_ =	sdelay $0xe  }
0x8c9: {  	s1 =	spop (v2sf)  }
0x8ca: {  	p1 =	slt.s32 s1, $0x186A0  }
0x8cb: {  	s1 =	sshll.u32 @!p1 s1, $0x9  }
0x8cc: {  	s1 =	sshra.s32 @!p1 s1, $0x2  }
0x8cd: {  	s1 =	sadd.s32 @!p1 s1, s4  }
.Ltmp101:
0x8ce: {  	s2 =	simm.s32 @!p1 $0x3;
	s1 =	sadd.s32 @!p1 $0xFF3CB000, s1;
	(pc) =	sbr.rel .LBB2_195-.Ltmp101, $4  }
0x8cf: {  	[tilespmem:s28], [sflag:$0x3] =	stream.linear.gather @!p1 [spmem:s1], $0x80, $0x38;
	[tilespmem:$0x10720] =	vst v63  }
0x8d0: {  	_ =	swait.ge @!p1 [sflag:s2], $0x80  }
0x8d1: {  	[sflag:s2] =	ssyncset.done @!p1 $0x0  }
0x8d2: {  	[sflag:s2] =	ssyncadd.s32 @!p1 $0xFFFFFF80  }
.LBB2_196:
0x8d3: {  	_ =	sfence.sel $0x180000  }
0x8d4: {  	[bflag:$0x0] =	sbarrier.arrive $0xFFFF  }
0x8d5: {  	_ =	strace $0x90000047  }
0x8d6: {  	[bflag:$0x2] =	sbarrier.arrive $0xFFFF  }
0x8d7: {  	s0 =	rddreg [dreg:$0x5]  }
0x8d8: {  	s0 =	sadd.s32 @!p0 $0x100000, s0  }
0x8d9: {  	[sflag:s0] =	ssyncadd.tile.s32 @!p0 $0x1;
	_ =	shalt  }
.Lfunc_end2:
_tile_overlayer_lowered:
.L_overlay_start_2:
0x8da: {  	(tag) =	ssettag $0x2  }
0x8db: {  	s0 =	rddreg [dreg:$0x0];
	s2 =	stileid.u32  }
0x8dc: {  	s1 =	rddreg [dreg:$0x1];
	p0 =	sne.s32 s2, $0x0  }
0x8dd: {  	s3 =	rddreg [dreg:$0x2];
	[bflag:$0x3] =	sbarrier.arrive $0xFFFF;
	s2 =	simm.s32 @!p0 $0x1C03  }
0x8de: {  	[timem:s3], [sflag:s2] =	dma.local @!p0 [hbm:s0], s1  }
0x8df: {  	s0 =	simm.s32 @!p0 $0x3  }
0x8e0: {  	_ =	swait.ge @!p0 [sflag:s0], s1  }
0x8e1: {  	s1 =	ssub.s32 @!p0 $0x0, s1;
	[sflag:s0] =	ssyncset.done @!p0 $0x0  }
0x8e2: {  	[sflag:s0] =	ssyncadd.s32 @!p0 s1  }
0x8e3: {  	[bflag:$0x3] =	sbarrier.arrive $0xFFFF  }
0x8e4: {  	_ =	shalt  }

</sc_bundles>
